<compile_context>
chip_gen: v7x
topology: tpu7x:2x2x1
jax: 0.10.2.dev20260603
libtpu: 0.0.44.dev20260713+nightly
codegen_flags: <defaults>
</compile_context>

<pallas_src>
import functools

import jax
import jax.numpy as jnp
from jax import lax
from jax.experimental import pallas as pl
from jax.experimental.pallas import tpu as pltpu
from jax.experimental.pallas import tpu_sc as plsc

N, E, D, H, O = 10000, 640000, 128, 64, 128
NC, NS = 2, 16
NW = NC * NS
EDGES_PER_W = E // NW
CHUNK = 80
NCHUNK = EDGES_PER_W // CHUNK
NPAD = 10240
ROWS_PER_TILE = NPAD // NS

_mesh = plsc.VectorSubcoreMesh(core_axis_name="c", subcore_axis_name="s")


def _make_sc_segsum(width, K):
    R = NCHUNK // K
    @functools.partial(
        pl.kernel,
        out_type=jax.ShapeDtypeStruct((2 * NPAD, width), jnp.float32),
        mesh=_mesh,
        scratch_types=[
            pltpu.VMEM((2, K, CHUNK), jnp.int32),
            pltpu.VMEM((4, K, CHUNK), jnp.int32),
            pltpu.VMEM((2, K, CHUNK, width), jnp.float32),
            pltpu.VMEM_SHARED((NPAD, width), jnp.float32),
        ] + [pltpu.SemaphoreType.DMA] * 12,
        compiler_params=pltpu.CompilerParams(use_tc_tiling_on_sc=False),
    )
    def sc_segsum(x_hbm, edge_hbm, zero_hbm, out_hbm,
                  src_v, dst_v, rows_v, acc_sh, *sems):
        sem_i = sems[0:2]
        sem_d = sems[2:6]
        sem_g = sems[6:8]
        sem_s = sems[8:12]
        core = lax.axis_index("c")
        sub = lax.axis_index("s")
        row0 = sub * ROWS_PER_TILE
        base0r = (core * NS + sub) * NCHUNK

        def issue_idx(j, p, q):
            rowb = base0r + j * K
            pltpu.async_copy(edge_hbm.at[0, pl.ds(rowb, K)], src_v.at[p],
                             sem_i[p])
            pltpu.async_copy(edge_hbm.at[1, pl.ds(rowb, K)], dst_v.at[q],
                             sem_d[q])

        def drain_idx(p, q):
            pltpu.make_async_copy(edge_hbm.at[0, pl.ds(base0r, K)],
                                  src_v.at[p], sem_i[p]).wait()
            pltpu.make_async_copy(edge_hbm.at[1, pl.ds(base0r, K)],
                                  dst_v.at[q], sem_d[q]).wait()

        def issue_gather(p):
            for b in range(K):
                pltpu.async_copy(x_hbm.at[src_v.at[p, b]], rows_v.at[p, b],
                                 sem_g[p])

        def drain_gather(p):
            for b in range(K):
                pltpu.make_async_copy(x_hbm.at[src_v.at[p, b]],
                                      rows_v.at[p, b], sem_g[p]).wait()

        def issue_scatter(p, q):
            for b in range(K):
                pltpu.async_copy(rows_v.at[p, b], acc_sh.at[dst_v.at[q, b]],
                                 sem_s[q], add=True)

        def drain_scatter(p, q):
            for b in range(K):
                pltpu.make_async_copy(rows_v.at[p, b],
                                      acc_sh.at[dst_v.at[q, b]],
                                      sem_s[q]).wait()

        pltpu.sync_copy(zero_hbm.at[pl.ds(row0, ROWS_PER_TILE)],
                        acc_sh.at[pl.ds(row0, ROWS_PER_TILE)])
        plsc.subcore_barrier()

        issue_idx(0, 0, 0)
        issue_idx(1, 1, 1)

        def round_body(j, p, q):
            @pl.when(j >= 2)
            def _():
                drain_scatter(p, (q + 2) % 4)

            drain_idx(p, q)
            issue_gather(p)
            drain_gather(p)

            @pl.when(j + 2 < R)
            def _():
                issue_idx(j + 2, p, (q + 2) % 4)

            issue_scatter(p, q)

        def loop_body(j, carry):
            for q in range(4):
                @pl.when(j % 4 == q)
                def _(q=q):
                    round_body(j, q % 2, q)
            return carry

        lax.fori_loop(0, R, loop_body, 0)
        drain_scatter((R - 2) % 2, (R - 2) % 4)
        drain_scatter((R - 1) % 2, (R - 1) % 4)
        plsc.subcore_barrier()
        pltpu.sync_copy(acc_sh.at[pl.ds(row0, ROWS_PER_TILE)],
                        out_hbm.at[pl.ds(core * NPAD + row0, ROWS_PER_TILE)])

    return sc_segsum


_sc_segsum_d = _make_sc_segsum(D, 2)
_sc_segsum_h = _make_sc_segsum(H, 5)


def _bn(z, g, b):
    m = jnp.mean(z, axis=0, keepdims=True)
    v = jnp.mean((z - m) ** 2, axis=0, keepdims=True)
    return (z - m) / jnp.sqrt(v + 1e-5) * g + b


def _gin_mlp(x, agg, eps, w1, b1, g1, be1, w2, b2, g2, be2, g3, be3):
    z = (1.0 + eps) * x + agg
    z = jnp.dot(z, w1, preferred_element_type=jnp.float32) + b1
    z = jax.nn.relu(_bn(z, g1, be1))
    z = jnp.dot(z, w2, preferred_element_type=jnp.float32) + b2
    z = jax.nn.relu(_bn(z, g2, be2))
    return jax.nn.relu(_bn(z, g3, be3))


def _tc_l0_body(h_ref, agg_ref, eps_ref, w1_ref, b1_ref, g1_ref, be1_ref,
                w2_ref, b2_ref, g2_ref, be2_ref, g3_ref, be3_ref,
                x1_ref, hmax_ref, x1max_ref):
    agg = agg_ref[pl.ds(0, N), :] + agg_ref[pl.ds(NPAD, N), :]
    hh = h_ref[...]
    x1 = _gin_mlp(hh, agg, eps_ref[0, 0], w1_ref[...], b1_ref[...],
                  g1_ref[...], be1_ref[...], w2_ref[...], b2_ref[...],
                  g2_ref[...], be2_ref[...], g3_ref[...], be3_ref[...])
    x1_ref[...] = x1
    hmax_ref[...] = jnp.max(hh, axis=0, keepdims=True)
    x1max_ref[...] = jnp.max(x1, axis=0, keepdims=True)


def _tc_l1_body(x1_ref, agg_ref, eps_ref, w1_ref, b1_ref, g1_ref, be1_ref,
                w2_ref, b2_ref, g2_ref, be2_ref, g3_ref, be3_ref,
                hmax_ref, x1max_ref, lp0w_ref, lp0b_ref, lp1w_ref,
                lp1b_ref, lp2w_ref, lp2b_ref, x2_ref, score_ref):
    agg = agg_ref[pl.ds(0, N), :] + agg_ref[pl.ds(NPAD, N), :]
    x2 = _gin_mlp(x1_ref[...], agg, eps_ref[0, 0], w1_ref[...], b1_ref[...],
                  g1_ref[...], be1_ref[...], w2_ref[...], b2_ref[...],
                  g2_ref[...], be2_ref[...], g3_ref[...], be3_ref[...])
    x2_ref[...] = x2
    x2max = jnp.max(x2, axis=0, keepdims=True)
    score_ref[...] = (
        jnp.dot(hmax_ref[...], lp0w_ref[...],
                preferred_element_type=jnp.float32) + lp0b_ref[...]
        + jnp.dot(x1max_ref[...], lp1w_ref[...],
                  preferred_element_type=jnp.float32) + lp1b_ref[...]
        + jnp.dot(x2max, lp2w_ref[...],
                  preferred_element_type=jnp.float32) + lp2b_ref[...])


_f32 = jnp.float32

_tc_l0 = pl.pallas_call(
    _tc_l0_body,
    out_shape=(jax.ShapeDtypeStruct((N, H), _f32),
               jax.ShapeDtypeStruct((1, D), _f32),
               jax.ShapeDtypeStruct((1, H), _f32)),
)

_tc_l1 = pl.pallas_call(
    _tc_l1_body,
    out_shape=(jax.ShapeDtypeStruct((N, H), _f32),
               jax.ShapeDtypeStruct((1, O), _f32)),
)


def kernel(h, params, edge_index):
    p0, p1 = params['gin']
    lp0, lp1, lp2 = params['lp']
    edges = edge_index.astype(jnp.int32).reshape(2, E // CHUNK, CHUNK)
    zero_d = jnp.zeros((NPAD, D), _f32)
    zero_h = jnp.zeros((NPAD, H), _f32)
    r = lambda v: v.reshape(1, -1)

    agg0 = _sc_segsum_d(h, edges, zero_d)
    x1, hmax, x1max = _tc_l0(
        h, agg0, p0['eps'].reshape(1, 1), p0['W1'], r(p0['b1']),
        r(p0['bn1_g']), r(p0['bn1_b']), p0['W2'], r(p0['b2']),
        r(p0['bn2_g']), r(p0['bn2_b']), r(p0['bn3_g']), r(p0['bn3_b']))
    agg1 = _sc_segsum_h(x1, edges, zero_h)
    x2, score = _tc_l1(
        x1, agg1, p1['eps'].reshape(1, 1), p1['W1'], r(p1['b1']),
        r(p1['bn1_g']), r(p1['bn1_b']), p1['W2'], r(p1['b2']),
        r(p1['bn2_g']), r(p1['bn2_b']), r(p1['bn3_g']), r(p1['bn3_b']),
        hmax, x1max,
        lp0['W'], r(lp0['b']), lp1['W'], r(lp1['b']), lp2['W'], r(lp2['b']))
    return x2, score

# --- scband reference (transcript-rebuilt; emitter-appended) ---
"""Pipeline reference for scband-uvnet-graph-encoder-9732395893098 (READ-ONLY COPY).

The authoritative reference and input builder live on the scoring server;
editing this copy changes nothing except your own understanding.
"""

import jax, jax.numpy as jnp
import numpy as np

N, E, D, H, O = 10000, 640000, 128, 64, 128
NUM_GIN = 2


def _bn(x, g, b):
    m = jnp.mean(x, axis=0)
    v = jnp.var(x, axis=0)
    return (x - m) / jnp.sqrt(v + 1e-5) * g + b


def setup_inputs(seed: int = 0) -> dict:
    key = jax.random.key(seed)
    k_h, k_e = jax.random.split(key)
    h = jax.random.normal(k_h, (N, D), dtype=jnp.float32)
    edge_index = jax.random.randint(k_e, (2, E), 0, N, dtype=jnp.int64)
    rng = np.random.RandomState(0)

    def lin(i, o):
        return jnp.asarray(rng.randn(i, o).astype(np.float32) * 0.05)

    gin = []
    for layer in range(NUM_GIN):
        in_dim = D if layer == 0 else H
        gin.append({
            'eps': jnp.asarray(0.0, dtype=jnp.float32),
            'W1': lin(in_dim, H), 'b1': jnp.zeros((H,), jnp.float32),
            'bn1_g': jnp.ones((H,), jnp.float32), 'bn1_b': jnp.zeros((H,), jnp.float32),
            'W2': lin(H, H), 'b2': jnp.zeros((H,), jnp.float32),
            'bn2_g': jnp.ones((H,), jnp.float32), 'bn2_b': jnp.zeros((H,), jnp.float32),
            'bn3_g': jnp.ones((H,), jnp.float32), 'bn3_b': jnp.zeros((H,), jnp.float32),
        })
    lp = []
    for layer in range(NUM_GIN + 1):
        in_dim = D if layer == 0 else H
        lp.append({'W': lin(in_dim, O), 'b': jnp.zeros((O,), jnp.float32)})
    params = {'gin': gin, 'lp': lp}
    return {'h': h, 'params': params, 'edge_index': edge_index}


def _gin_block(x, edge_index, p):
    src = edge_index[0]
    dst = edge_index[1]
    agg = jax.ops.segment_sum(x[src], dst, num_segments=x.shape[0])
    z = (1.0 + p['eps']) * x + agg
    # _MLP (2 layers): linear -> BN -> relu -> linear
    z = z @ p['W1'] + p['b1']
    z = jax.nn.relu(_bn(z, p['bn1_g'], p['bn1_b']))
    z = z @ p['W2'] + p['b2']
    # _ApplyNodeFunc: BN -> relu
    z = jax.nn.relu(_bn(z, p['bn2_g'], p['bn2_b']))
    return z


def reference(h, params, edge_index):
    hidden_rep = [h]
    x = h
    for i in range(NUM_GIN):
        p = params['gin'][i]
        x = _gin_block(x, edge_index, p)
        # encoder-level BN -> relu
        x = jax.nn.relu(_bn(x, p['bn3_g'], p['bn3_b']))
        hidden_rep.append(x)
    out = hidden_rep[-1]
    score_over_layer = jnp.zeros((1, O), dtype=jnp.float32)
    for i, hh in enumerate(hidden_rep):
        pooled = jnp.max(hh, axis=0, keepdims=True)  # MaxPooling over single graph
        lp = params['lp'][i]
        score_over_layer = score_over_layer + (pooled @ lp['W'] + lp['b'])
    return (out, score_over_layer)

if __name__ == "__main__":
    import jax
    _d = setup_inputs()
    print(jax.jit(kernel)(*tuple(_d.values())))

</pallas_src>

<mosaic_0001>
#map = affine_map<(d0, d1) -> (0, 0)>
#map1 = affine_map<(d0, d1) -> (0, 0, 0)>
module attributes {stable_mosaic.version = 14 : i64} {
  func.func @sc_segsum(%arg0: i32, %arg1: i32, %arg2: memref<10000x128xf32, #tpu.memory_space<hbm>>, %arg3: memref<2x8000x80xi32, #tpu.memory_space<hbm>>, %arg4: memref<10240x128xf32, #tpu.memory_space<hbm>>, %arg5: memref<20480x128xf32, #tpu.memory_space<hbm>>, %arg6: memref<2x2x80xi32, #tpu.memory_space<vmem>>, %arg7: memref<4x2x80xi32, #tpu.memory_space<vmem>>, %arg8: memref<2x2x80x128xf32, #tpu.memory_space<vmem>>, %arg9: memref<10240x128xf32, #tpu.memory_space<vmem_shared>>, %arg10: memref<!tpu.dma_semaphore, #tpu.memory_space<semaphore_mem>>, %arg11: memref<!tpu.dma_semaphore, #tpu.memory_space<semaphore_mem>>, %arg12: memref<!tpu.dma_semaphore, #tpu.memory_space<semaphore_mem>>, %arg13: memref<!tpu.dma_semaphore, #tpu.memory_space<semaphore_mem>>, %arg14: memref<!tpu.dma_semaphore, #tpu.memory_space<semaphore_mem>>, %arg15: memref<!tpu.dma_semaphore, #tpu.memory_space<semaphore_mem>>, %arg16: memref<!tpu.dma_semaphore, #tpu.memory_space<semaphore_mem>>, %arg17: memref<!tpu.dma_semaphore, #tpu.memory_space<semaphore_mem>>, %arg18: memref<!tpu.dma_semaphore, #tpu.memory_space<semaphore_mem>>, %arg19: memref<!tpu.dma_semaphore, #tpu.memory_space<semaphore_mem>>, %arg20: memref<!tpu.dma_semaphore, #tpu.memory_space<semaphore_mem>>, %arg21: memref<!tpu.dma_semaphore, #tpu.memory_space<semaphore_mem>>) attributes {dimension_semantics = [#tpu.dimension_semantics<core_parallel>, #tpu.dimension_semantics<subcore_parallel>], iteration_bounds = array<i64: 2, 16>, scalar_prefetch = 0 : i64, scratch_operands = 16 : i64, tpu.core_type = #tpu.core_type<sc_vector_subcore>, window_params = [{transform_indices = #map}, {transform_indices = #map1}, {transform_indices = #map}, {transform_indices = #map}]} {
    %mul3A = arith.constant 640 : i32
    %mul3A_0 = arith.muli %arg1, %mul3A : i32
    %mul3A_1 = arith.constant 16 : i32
    %mul3A_2 = arith.muli %arg0, %mul3A_1 : i32
    %add3A = arith.addi %mul3A_2, %arg1 : i32
    %mul3A_3 = arith.constant 250 : i32
    %mul3A_4 = arith.muli %add3A, %mul3A_3 : i32
    "tpu.region"() ({
      %run_scoped3A = tpu.sem_alloc : memref<!tpu.dma_semaphore, #tpu.memory_space<semaphore_mem>>
      %dma_start3A_136 = arith.constant 0 : i32
      %dma_start3A_137 = tpu.memref_slice %arg9[%mul3A_0, %dma_start3A_136] : memref<10240x128xf32, #tpu.memory_space<vmem_shared>> -> memref<640x128xf32, #tpu.memory_space<vmem_shared>>
      %dma_start3A_138 = arith.constant 0 : i32
      %dma_start3A_139 = tpu.memref_slice %arg4[%mul3A_0, %dma_start3A_138] : memref<10240x128xf32, #tpu.memory_space<hbm>> -> memref<640x128xf32, #tpu.memory_space<hbm>>
      tpu.enqueue_dma source(%dma_start3A_139 : memref<640x128xf32, #tpu.memory_space<hbm>>) target(%dma_start3A_137 : memref<640x128xf32, #tpu.memory_space<vmem_shared>>) target_semaphore(%run_scoped3A : memref<!tpu.dma_semaphore, #tpu.memory_space<semaphore_mem>>)
      %dma_wait3A_140 = arith.constant 0 : i32
      %dma_wait3A_141 = tpu.memref_slice %arg9[%mul3A_0, %dma_wait3A_140] : memref<10240x128xf32, #tpu.memory_space<vmem_shared>> -> memref<640x128xf32, #tpu.memory_space<vmem_shared>>
      %dma_wait3A_142 = arith.constant 0 : i32
      %dma_wait3A_143 = tpu.memref_slice %arg4[%mul3A_0, %dma_wait3A_142] : memref<10240x128xf32, #tpu.memory_space<hbm>> -> memref<640x128xf32, #tpu.memory_space<hbm>>
      tpu.wait_dma2 semaphore(%run_scoped3A : memref<!tpu.dma_semaphore, #tpu.memory_space<semaphore_mem>>) src(%dma_wait3A_143 : memref<640x128xf32, #tpu.memory_space<hbm>>) dst(%dma_wait3A_141 : memref<640x128xf32, #tpu.memory_space<vmem_shared>>)
      tpu.yield
    }) : () -> ()
    %barrier3A = arith.constant 0 : index
    tpu.barrier barrier_id(%barrier3A)
    %add3A_5 = arith.constant 0 : i32
    %add3A_6 = arith.addi %mul3A_4, %add3A_5 : i32
    %dma_start3A = arith.constant 0 : i32
    %dma_start3A_7 = arith.constant 0 : i32
    %dma_start3A_8 = arith.constant 0 : i32
    %dma_start3A_9 = arith.constant 0 : i32
    %dma_start3A_10 = tpu.memref_slice %arg6[%dma_start3A_7, %dma_start3A_8, %dma_start3A_9] : memref<2x2x80xi32, #tpu.memory_space<vmem>> -> memref<1x2x80xi32, #tpu.memory_space<vmem>>
    %dma_start3A_11 = tpu.memref_squeeze %dma_start3A_10 : memref<1x2x80xi32, #tpu.memory_space<vmem>> -> memref<2x80xi32, #tpu.memory_space<vmem>>
    %dma_start3A_12 = arith.constant 0 : i32
    %dma_start3A_13 = tpu.memref_slice %arg3[%dma_start3A, %add3A_6, %dma_start3A_12] : memref<2x8000x80xi32, #tpu.memory_space<hbm>> -> memref<1x2x80xi32, #tpu.memory_space<hbm>>
    %dma_start3A_14 = tpu.memref_squeeze %dma_start3A_13 : memref<1x2x80xi32, #tpu.memory_space<hbm>> -> memref<2x80xi32, #tpu.memory_space<hbm>>
    %dma_start3A_15 = arith.constant 0 : i32
    %dma_start3A_16 = arith.constant 0 : i32
    %dma_start3A_17 = tpu.memref_slice %arg6[%dma_start3A_7, %dma_start3A_15, %dma_start3A_16] : memref<2x2x80xi32, #tpu.memory_space<vmem>> -> memref<1x2x80xi32, #tpu.memory_space<vmem>>
    %dma_start3A_18 = tpu.memref_squeeze %dma_start3A_17 : memref<1x2x80xi32, #tpu.memory_space<vmem>> -> memref<2x80xi32, #tpu.memory_space<vmem>>
    %dma_start3A_19 = arith.constant 0 : i32
    %dma_start3A_20 = tpu.memref_slice %arg3[%dma_start3A, %add3A_6, %dma_start3A_19] : memref<2x8000x80xi32, #tpu.memory_space<hbm>> -> memref<1x2x80xi32, #tpu.memory_space<hbm>>
    %dma_start3A_21 = tpu.memref_squeeze %dma_start3A_20 : memref<1x2x80xi32, #tpu.memory_space<hbm>> -> memref<2x80xi32, #tpu.memory_space<hbm>>
    tpu.enqueue_dma source(%dma_start3A_21 : memref<2x80xi32, #tpu.memory_space<hbm>>) target(%dma_start3A_18 : memref<2x80xi32, #tpu.memory_space<vmem>>) target_semaphore(%arg10 : memref<!tpu.dma_semaphore, #tpu.memory_space<semaphore_mem>>)
    %dma_start3A_22 = arith.constant 1 : i32
    %dma_start3A_23 = arith.constant 0 : i32
    %dma_start3A_24 = arith.constant 0 : i32
    %dma_start3A_25 = arith.constant 0 : i32
    %dma_start3A_26 = tpu.memref_slice %arg7[%dma_start3A_23, %dma_start3A_24, %dma_start3A_25] : memref<4x2x80xi32, #tpu.memory_space<vmem>> -> memref<1x2x80xi32, #tpu.memory_space<vmem>>
    %dma_start3A_27 = tpu.memref_squeeze %dma_start3A_26 : memref<1x2x80xi32, #tpu.memory_space<vmem>> -> memref<2x80xi32, #tpu.memory_space<vmem>>
    %dma_start3A_28 = arith.constant 0 : i32
    %dma_start3A_29 = tpu.memref_slice %arg3[%dma_start3A_22, %add3A_6, %dma_start3A_28] : memref<2x8000x80xi32, #tpu.memory_space<hbm>> -> memref<1x2x80xi32, #tpu.memory_space<hbm>>
    %dma_start3A_30 = tpu.memref_squeeze %dma_start3A_29 : memref<1x2x80xi32, #tpu.memory_space<hbm>> -> memref<2x80xi32, #tpu.memory_space<hbm>>
    %dma_start3A_31 = arith.constant 0 : i32
    %dma_start3A_32 = arith.constant 0 : i32
    %dma_start3A_33 = tpu.memref_slice %arg7[%dma_start3A_23, %dma_start3A_31, %dma_start3A_32] : memref<4x2x80xi32, #tpu.memory_space<vmem>> -> memref<1x2x80xi32, #tpu.memory_space<vmem>>
    %dma_start3A_34 = tpu.memref_squeeze %dma_start3A_33 : memref<1x2x80xi32, #tpu.memory_space<vmem>> -> memref<2x80xi32, #tpu.memory_space<vmem>>
    %dma_start3A_35 = arith.constant 0 : i32
    %dma_start3A_36 = tpu.memref_slice %arg3[%dma_start3A_22, %add3A_6, %dma_start3A_35] : memref<2x8000x80xi32, #tpu.memory_space<hbm>> -> memref<1x2x80xi32, #tpu.memory_space<hbm>>
    %dma_start3A_37 = tpu.memref_squeeze %dma_start3A_36 : memref<1x2x80xi32, #tpu.memory_space<hbm>> -> memref<2x80xi32, #tpu.memory_space<hbm>>
    tpu.enqueue_dma source(%dma_start3A_37 : memref<2x80xi32, #tpu.memory_space<hbm>>) target(%dma_start3A_34 : memref<2x80xi32, #tpu.memory_space<vmem>>) target_semaphore(%arg12 : memref<!tpu.dma_semaphore, #tpu.memory_space<semaphore_mem>>)
    %add3A_38 = arith.constant 2 : i32
    %add3A_39 = arith.addi %mul3A_4, %add3A_38 : i32
    %dma_start3A_40 = arith.constant 0 : i32
    %dma_start3A_41 = arith.constant 1 : i32
    %dma_start3A_42 = arith.constant 0 : i32
    %dma_start3A_43 = arith.constant 0 : i32
    %dma_start3A_44 = tpu.memref_slice %arg6[%dma_start3A_41, %dma_start3A_42, %dma_start3A_43] : memref<2x2x80xi32, #tpu.memory_space<vmem>> -> memref<1x2x80xi32, #tpu.memory_space<vmem>>
    %dma_start3A_45 = tpu.memref_squeeze %dma_start3A_44 : memref<1x2x80xi32, #tpu.memory_space<vmem>> -> memref<2x80xi32, #tpu.memory_space<vmem>>
    %dma_start3A_46 = arith.constant 0 : i32
    %dma_start3A_47 = tpu.memref_slice %arg3[%dma_start3A_40, %add3A_39, %dma_start3A_46] : memref<2x8000x80xi32, #tpu.memory_space<hbm>> -> memref<1x2x80xi32, #tpu.memory_space<hbm>>
    %dma_start3A_48 = tpu.memref_squeeze %dma_start3A_47 : memref<1x2x80xi32, #tpu.memory_space<hbm>> -> memref<2x80xi32, #tpu.memory_space<hbm>>
    %dma_start3A_49 = arith.constant 0 : i32
    %dma_start3A_50 = arith.constant 0 : i32
    %dma_start3A_51 = tpu.memref_slice %arg6[%dma_start3A_41, %dma_start3A_49, %dma_start3A_50] : memref<2x2x80xi32, #tpu.memory_space<vmem>> -> memref<1x2x80xi32, #tpu.memory_space<vmem>>
    %dma_start3A_52 = tpu.memref_squeeze %dma_start3A_51 : memref<1x2x80xi32, #tpu.memory_space<vmem>> -> memref<2x80xi32, #tpu.memory_space<vmem>>
    %dma_start3A_53 = arith.constant 0 : i32
    %dma_start3A_54 = tpu.memref_slice %arg3[%dma_start3A_40, %add3A_39, %dma_start3A_53] : memref<2x8000x80xi32, #tpu.memory_space<hbm>> -> memref<1x2x80xi32, #tpu.memory_space<hbm>>
    %dma_start3A_55 = tpu.memref_squeeze %dma_start3A_54 : memref<1x2x80xi32, #tpu.memory_space<hbm>> -> memref<2x80xi32, #tpu.memory_space<hbm>>
    tpu.enqueue_dma source(%dma_start3A_55 : memref<2x80xi32, #tpu.memory_space<hbm>>) target(%dma_start3A_52 : memref<2x80xi32, #tpu.memory_space<vmem>>) target_semaphore(%arg11 : memref<!tpu.dma_semaphore, #tpu.memory_space<semaphore_mem>>)
    %dma_start3A_56 = arith.constant 1 : i32
    %dma_start3A_57 = arith.constant 1 : i32
    %dma_start3A_58 = arith.constant 0 : i32
    %dma_start3A_59 = arith.constant 0 : i32
    %dma_start3A_60 = tpu.memref_slice %arg7[%dma_start3A_57, %dma_start3A_58, %dma_start3A_59] : memref<4x2x80xi32, #tpu.memory_space<vmem>> -> memref<1x2x80xi32, #tpu.memory_space<vmem>>
    %dma_start3A_61 = tpu.memref_squeeze %dma_start3A_60 : memref<1x2x80xi32, #tpu.memory_space<vmem>> -> memref<2x80xi32, #tpu.memory_space<vmem>>
    %dma_start3A_62 = arith.constant 0 : i32
    %dma_start3A_63 = tpu.memref_slice %arg3[%dma_start3A_56, %add3A_39, %dma_start3A_62] : memref<2x8000x80xi32, #tpu.memory_space<hbm>> -> memref<1x2x80xi32, #tpu.memory_space<hbm>>
    %dma_start3A_64 = tpu.memref_squeeze %dma_start3A_63 : memref<1x2x80xi32, #tpu.memory_space<hbm>> -> memref<2x80xi32, #tpu.memory_space<hbm>>
    %dma_start3A_65 = arith.constant 0 : i32
    %dma_start3A_66 = arith.constant 0 : i32
    %dma_start3A_67 = tpu.memref_slice %arg7[%dma_start3A_57, %dma_start3A_65, %dma_start3A_66] : memref<4x2x80xi32, #tpu.memory_space<vmem>> -> memref<1x2x80xi32, #tpu.memory_space<vmem>>
    %dma_start3A_68 = tpu.memref_squeeze %dma_start3A_67 : memref<1x2x80xi32, #tpu.memory_space<vmem>> -> memref<2x80xi32, #tpu.memory_space<vmem>>
    %dma_start3A_69 = arith.constant 0 : i32
    %dma_start3A_70 = tpu.memref_slice %arg3[%dma_start3A_56, %add3A_39, %dma_start3A_69] : memref<2x8000x80xi32, #tpu.memory_space<hbm>> -> memref<1x2x80xi32, #tpu.memory_space<hbm>>
    %dma_start3A_71 = tpu.memref_squeeze %dma_start3A_70 : memref<1x2x80xi32, #tpu.memory_space<hbm>> -> memref<2x80xi32, #tpu.memory_space<hbm>>
    tpu.enqueue_dma source(%dma_start3A_71 : memref<2x80xi32, #tpu.memory_space<hbm>>) target(%dma_start3A_68 : memref<2x80xi32, #tpu.memory_space<vmem>>) target_semaphore(%arg13 : memref<!tpu.dma_semaphore, #tpu.memory_space<semaphore_mem>>)
    %scan3A = arith.constant 0 : i32
    %scan3A_72 = arith.constant 0 : i32
    %scan3A_73 = arith.constant 125 : i32
    %scan3A_74 = arith.addi %scan3A_72, %scan3A_73 : i32
    %scan3A_75 = arith.constant 1 : i32
    scf.for %scan3A_136 = %scan3A_72 to %scan3A_74 step %scan3A_75  : i32 {
      %jit3A = arith.constant 4 : i32
      %eq3A = arith.constant 0 : i32
      %eq3A_137 = arith.cmpi eq, %jit3A, %eq3A : i32
      %jit3A_138 = arith.constant 1 : i32
      %select_n3A = arith.select %eq3A_137, %jit3A_138, %jit3A : i32
      %rem3A = arith.remsi %scan3A_136, %select_n3A : i32
      %ne3A = arith.constant 0 : i32
      %ne3A_139 = arith.cmpi ne, %rem3A, %ne3A : i32
      %lt3A = arith.constant 0 : i32
      %lt3A_140 = arith.cmpi slt, %rem3A, %lt3A : i32
      %lt3A_141 = arith.constant 0 : i32
      %lt3A_142 = arith.cmpi slt, %select_n3A, %lt3A_141 : i32
      %ne3A_143 = arith.xori %lt3A_140, %lt3A_142 : i1
      %and3A = arith.andi %ne3A_143, %ne3A_139 : i1
      %add3A_144 = arith.addi %rem3A, %select_n3A : i32
      %select_n3A_145 = arith.select %and3A, %add3A_144, %rem3A : i32
      %eq3A_146 = arith.constant 0 : i32
      %eq3A_147 = arith.cmpi eq, %select_n3A_145, %eq3A_146 : i32
      %convert_element_type3A = arith.extui %eq3A_147 : i1 to i32
      %cond3A = arith.constant 0 : i32
      %cond3A_148 = arith.cmpi ne, %convert_element_type3A, %cond3A : i32
      scf.if %cond3A_148 {
        %ge3A = arith.constant 2 : i32
        %ge3A_212 = arith.cmpi sge, %scan3A_136, %ge3A : i32
        %convert_element_type3A_213 = arith.extui %ge3A_212 : i1 to i32
        %cond3A_214 = arith.constant 0 : i32
        %cond3A_215 = arith.cmpi ne, %convert_element_type3A_213, %cond3A_214 : i32
        scf.if %cond3A_215 {
          %dma_wait3A_339 = arith.constant 0 : i32
          %dma_wait3A_340 = arith.constant 0 : i32
          %dma_wait3A_341 = arith.constant 2 : i32
          %dma_wait3A_342 = arith.constant 0 : i32
          %dma_wait3A_343 = arith.constant 0 : i32
          %dma_wait3A_344 = arith.constant 0 : i32
          %dma_wait3A_345 = tpu.memref_slice %arg8[%dma_wait3A_339, %dma_wait3A_340, %dma_wait3A_343, %dma_wait3A_344] : memref<2x2x80x128xf32, #tpu.memory_space<vmem>> -> memref<1x1x80x128xf32, #tpu.memory_space<vmem>>
          %dma_wait3A_346 = tpu.memref_squeeze %dma_wait3A_345 : memref<1x1x80x128xf32, #tpu.memory_space<vmem>> -> memref<80x128xf32, #tpu.memory_space<vmem>>
          %dma_wait3A_347 = arith.constant 0 : i32
          %dma_wait3A_348 = tpu.memref_slice %arg7[%dma_wait3A_341, %dma_wait3A_342, %dma_wait3A_347] : memref<4x2x80xi32, #tpu.memory_space<vmem>> -> memref<1x1x80xi32, #tpu.memory_space<vmem>>
          %dma_wait3A_349 = tpu.memref_squeeze %dma_wait3A_348 : memref<1x1x80xi32, #tpu.memory_space<vmem>> -> memref<80xi32, #tpu.memory_space<vmem>>
          %dma_wait3A_350 = arith.constant 0 : i32
          %dma_wait3A_351 = arith.constant 0 : i32
          %dma_wait3A_352 = tpu.memref_slice %arg9[%dma_wait3A_350, %dma_wait3A_351] : memref<10240x128xf32, #tpu.memory_space<vmem_shared>> -> memref<10240x128xf32, #tpu.memory_space<vmem_shared>>
          tpu.wait_indirect_dma semaphore(%arg20 : memref<!tpu.dma_semaphore, #tpu.memory_space<semaphore_mem>>) src(%dma_wait3A_346 : memref<80x128xf32, #tpu.memory_space<vmem>>) dst(%dma_wait3A_352 : memref<10240x128xf32, #tpu.memory_space<vmem_shared>>)
          %dma_wait3A_353 = arith.constant 0 : i32
          %dma_wait3A_354 = arith.constant 1 : i32
          %dma_wait3A_355 = arith.constant 2 : i32
          %dma_wait3A_356 = arith.constant 1 : i32
          %dma_wait3A_357 = arith.constant 0 : i32
          %dma_wait3A_358 = arith.constant 0 : i32
          %dma_wait3A_359 = tpu.memref_slice %arg8[%dma_wait3A_353, %dma_wait3A_354, %dma_wait3A_357, %dma_wait3A_358] : memref<2x2x80x128xf32, #tpu.memory_space<vmem>> -> memref<1x1x80x128xf32, #tpu.memory_space<vmem>>
          %dma_wait3A_360 = tpu.memref_squeeze %dma_wait3A_359 : memref<1x1x80x128xf32, #tpu.memory_space<vmem>> -> memref<80x128xf32, #tpu.memory_space<vmem>>
          %dma_wait3A_361 = arith.constant 0 : i32
          %dma_wait3A_362 = tpu.memref_slice %arg7[%dma_wait3A_355, %dma_wait3A_356, %dma_wait3A_361] : memref<4x2x80xi32, #tpu.memory_space<vmem>> -> memref<1x1x80xi32, #tpu.memory_space<vmem>>
          %dma_wait3A_363 = tpu.memref_squeeze %dma_wait3A_362 : memref<1x1x80xi32, #tpu.memory_space<vmem>> -> memref<80xi32, #tpu.memory_space<vmem>>
          %dma_wait3A_364 = arith.constant 0 : i32
          %dma_wait3A_365 = arith.constant 0 : i32
          %dma_wait3A_366 = tpu.memref_slice %arg9[%dma_wait3A_364, %dma_wait3A_365] : memref<10240x128xf32, #tpu.memory_space<vmem_shared>> -> memref<10240x128xf32, #tpu.memory_space<vmem_shared>>
          tpu.wait_indirect_dma semaphore(%arg20 : memref<!tpu.dma_semaphore, #tpu.memory_space<semaphore_mem>>) src(%dma_wait3A_360 : memref<80x128xf32, #tpu.memory_space<vmem>>) dst(%dma_wait3A_366 : memref<10240x128xf32, #tpu.memory_space<vmem_shared>>)
        } else {
        }
        %dma_wait3A_216 = arith.constant 0 : i32
        %dma_wait3A_217 = arith.constant 0 : i32
        %dma_wait3A_218 = arith.constant 0 : i32
        %dma_wait3A_219 = arith.constant 0 : i32
        %dma_wait3A_220 = tpu.memref_slice %arg6[%dma_wait3A_217, %dma_wait3A_218, %dma_wait3A_219] : memref<2x2x80xi32, #tpu.memory_space<vmem>> -> memref<1x2x80xi32, #tpu.memory_space<vmem>>
        %dma_wait3A_221 = tpu.memref_squeeze %dma_wait3A_220 : memref<1x2x80xi32, #tpu.memory_space<vmem>> -> memref<2x80xi32, #tpu.memory_space<vmem>>
        %dma_wait3A_222 = arith.constant 0 : i32
        %dma_wait3A_223 = tpu.memref_slice %arg3[%dma_wait3A_216, %mul3A_4, %dma_wait3A_222] : memref<2x8000x80xi32, #tpu.memory_space<hbm>> -> memref<1x2x80xi32, #tpu.memory_space<hbm>>
        %dma_wait3A_224 = tpu.memref_squeeze %dma_wait3A_223 : memref<1x2x80xi32, #tpu.memory_space<hbm>> -> memref<2x80xi32, #tpu.memory_space<hbm>>
        %dma_wait3A_225 = arith.constant 0 : i32
        %dma_wait3A_226 = arith.constant 0 : i32
        %dma_wait3A_227 = tpu.memref_slice %arg6[%dma_wait3A_217, %dma_wait3A_225, %dma_wait3A_226] : memref<2x2x80xi32, #tpu.memory_space<vmem>> -> memref<1x2x80xi32, #tpu.memory_space<vmem>>
        %dma_wait3A_228 = tpu.memref_squeeze %dma_wait3A_227 : memref<1x2x80xi32, #tpu.memory_space<vmem>> -> memref<2x80xi32, #tpu.memory_space<vmem>>
        %dma_wait3A_229 = arith.constant 0 : i32
        %dma_wait3A_230 = tpu.memref_slice %arg3[%dma_wait3A_216, %mul3A_4, %dma_wait3A_229] : memref<2x8000x80xi32, #tpu.memory_space<hbm>> -> memref<1x2x80xi32, #tpu.memory_space<hbm>>
        %dma_wait3A_231 = tpu.memref_squeeze %dma_wait3A_230 : memref<1x2x80xi32, #tpu.memory_space<hbm>> -> memref<2x80xi32, #tpu.memory_space<hbm>>
        tpu.wait_dma2 semaphore(%arg10 : memref<!tpu.dma_semaphore, #tpu.memory_space<semaphore_mem>>) src(%dma_wait3A_231 : memref<2x80xi32, #tpu.memory_space<hbm>>) dst(%dma_wait3A_228 : memref<2x80xi32, #tpu.memory_space<vmem>>)
        %dma_wait3A_232 = arith.constant 1 : i32
        %dma_wait3A_233 = arith.constant 0 : i32
        %dma_wait3A_234 = arith.constant 0 : i32
        %dma_wait3A_235 = arith.constant 0 : i32
        %dma_wait3A_236 = tpu.memref_slice %arg7[%dma_wait3A_233, %dma_wait3A_234, %dma_wait3A_235] : memref<4x2x80xi32, #tpu.memory_space<vmem>> -> memref<1x2x80xi32, #tpu.memory_space<vmem>>
        %dma_wait3A_237 = tpu.memref_squeeze %dma_wait3A_236 : memref<1x2x80xi32, #tpu.memory_space<vmem>> -> memref<2x80xi32, #tpu.memory_space<vmem>>
        %dma_wait3A_238 = arith.constant 0 : i32
        %dma_wait3A_239 = tpu.memref_slice %arg3[%dma_wait3A_232, %mul3A_4, %dma_wait3A_238] : memref<2x8000x80xi32, #tpu.memory_space<hbm>> -> memref<1x2x80xi32, #tpu.memory_space<hbm>>
        %dma_wait3A_240 = tpu.memref_squeeze %dma_wait3A_239 : memref<1x2x80xi32, #tpu.memory_space<hbm>> -> memref<2x80xi32, #tpu.memory_space<hbm>>
        %dma_wait3A_241 = arith.constant 0 : i32
        %dma_wait3A_242 = arith.constant 0 : i32
        %dma_wait3A_243 = tpu.memref_slice %arg7[%dma_wait3A_233, %dma_wait3A_241, %dma_wait3A_242] : memref<4x2x80xi32, #tpu.memory_space<vmem>> -> memref<1x2x80xi32, #tpu.memory_space<vmem>>
        %dma_wait3A_244 = tpu.memref_squeeze %dma_wait3A_243 : memref<1x2x80xi32, #tpu.memory_space<vmem>> -> memref<2x80xi32, #tpu.memory_space<vmem>>
        %dma_wait3A_245 = arith.constant 0 : i32
        %dma_wait3A_246 = tpu.memref_slice %arg3[%dma_wait3A_232, %mul3A_4, %dma_wait3A_245] : memref<2x8000x80xi32, #tpu.memory_space<hbm>> -> memref<1x2x80xi32, #tpu.memory_space<hbm>>
        %dma_wait3A_247 = tpu.memref_squeeze %dma_wait3A_246 : memref<1x2x80xi32, #tpu.memory_space<hbm>> -> memref<2x80xi32, #tpu.memory_space<hbm>>
        tpu.wait_dma2 semaphore(%arg12 : memref<!tpu.dma_semaphore, #tpu.memory_space<semaphore_mem>>) src(%dma_wait3A_247 : memref<2x80xi32, #tpu.memory_space<hbm>>) dst(%dma_wait3A_244 : memref<2x80xi32, #tpu.memory_space<vmem>>)
        %dma_start3A_248 = arith.constant 0 : i32
        %dma_start3A_249 = arith.constant 0 : i32
        %dma_start3A_250 = arith.constant 0 : i32
        %dma_start3A_251 = arith.constant 0 : i32
        %dma_start3A_252 = arith.constant 0 : i32
        %dma_start3A_253 = arith.constant 0 : i32
        %dma_start3A_254 = tpu.memref_slice %arg8[%dma_start3A_250, %dma_start3A_251, %dma_start3A_252, %dma_start3A_253] : memref<2x2x80x128xf32, #tpu.memory_space<vmem>> -> memref<1x1x80x128xf32, #tpu.memory_space<vmem>>
        %dma_start3A_255 = tpu.memref_squeeze %dma_start3A_254 : memref<1x1x80x128xf32, #tpu.memory_space<vmem>> -> memref<80x128xf32, #tpu.memory_space<vmem>>
        %dma_start3A_256 = arith.constant 0 : i32
        %dma_start3A_257 = tpu.memref_slice %arg6[%dma_start3A_248, %dma_start3A_249, %dma_start3A_256] : memref<2x2x80xi32, #tpu.memory_space<vmem>> -> memref<1x1x80xi32, #tpu.memory_space<vmem>>
        %dma_start3A_258 = tpu.memref_squeeze %dma_start3A_257 : memref<1x1x80xi32, #tpu.memory_space<vmem>> -> memref<80xi32, #tpu.memory_space<vmem>>
        %dma_start3A_259 = arith.constant 0 : i32
        %dma_start3A_260 = arith.constant 0 : i32
        %dma_start3A_261 = tpu.memref_slice %arg2[%dma_start3A_259, %dma_start3A_260] : memref<10000x128xf32, #tpu.memory_space<hbm>> -> memref<10000x128xf32, #tpu.memory_space<hbm>>
        tpu.enqueue_indirect_dma source(%dma_start3A_261 : memref<10000x128xf32, #tpu.memory_space<hbm>>) target(%dma_start3A_255 : memref<80x128xf32, #tpu.memory_space<vmem>>) offsets(%dma_start3A_258 : memref<80xi32, #tpu.memory_space<vmem>>) semaphore(%arg16 : memref<!tpu.dma_semaphore, #tpu.memory_space<semaphore_mem>>)
        %dma_start3A_262 = arith.constant 0 : i32
        %dma_start3A_263 = arith.constant 1 : i32
        %dma_start3A_264 = arith.constant 0 : i32
        %dma_start3A_265 = arith.constant 1 : i32
        %dma_start3A_266 = arith.constant 0 : i32
        %dma_start3A_267 = arith.constant 0 : i32
        %dma_start3A_268 = tpu.memref_slice %arg8[%dma_start3A_264, %dma_start3A_265, %dma_start3A_266, %dma_start3A_267] : memref<2x2x80x128xf32, #tpu.memory_space<vmem>> -> memref<1x1x80x128xf32, #tpu.memory_space<vmem>>
        %dma_start3A_269 = tpu.memref_squeeze %dma_start3A_268 : memref<1x1x80x128xf32, #tpu.memory_space<vmem>> -> memref<80x128xf32, #tpu.memory_space<vmem>>
        %dma_start3A_270 = arith.constant 0 : i32
        %dma_start3A_271 = tpu.memref_slice %arg6[%dma_start3A_262, %dma_start3A_263, %dma_start3A_270] : memref<2x2x80xi32, #tpu.memory_space<vmem>> -> memref<1x1x80xi32, #tpu.memory_space<vmem>>
        %dma_start3A_272 = tpu.memref_squeeze %dma_start3A_271 : memref<1x1x80xi32, #tpu.memory_space<vmem>> -> memref<80xi32, #tpu.memory_space<vmem>>
        %dma_start3A_273 = arith.constant 0 : i32
        %dma_start3A_274 = arith.constant 0 : i32
        %dma_start3A_275 = tpu.memref_slice %arg2[%dma_start3A_273, %dma_start3A_274] : memref<10000x128xf32, #tpu.memory_space<hbm>> -> memref<10000x128xf32, #tpu.memory_space<hbm>>
        tpu.enqueue_indirect_dma source(%dma_start3A_275 : memref<10000x128xf32, #tpu.memory_space<hbm>>) target(%dma_start3A_269 : memref<80x128xf32, #tpu.memory_space<vmem>>) offsets(%dma_start3A_272 : memref<80xi32, #tpu.memory_space<vmem>>) semaphore(%arg16 : memref<!tpu.dma_semaphore, #tpu.memory_space<semaphore_mem>>)
        %dma_wait3A_276 = arith.constant 0 : i32
        %dma_wait3A_277 = arith.constant 0 : i32
        %dma_wait3A_278 = arith.constant 0 : i32
        %dma_wait3A_279 = arith.constant 0 : i32
        %dma_wait3A_280 = arith.constant 0 : i32
        %dma_wait3A_281 = arith.constant 0 : i32
        %dma_wait3A_282 = tpu.memref_slice %arg8[%dma_wait3A_278, %dma_wait3A_279, %dma_wait3A_280, %dma_wait3A_281] : memref<2x2x80x128xf32, #tpu.memory_space<vmem>> -> memref<1x1x80x128xf32, #tpu.memory_space<vmem>>
        %dma_wait3A_283 = tpu.memref_squeeze %dma_wait3A_282 : memref<1x1x80x128xf32, #tpu.memory_space<vmem>> -> memref<80x128xf32, #tpu.memory_space<vmem>>
        %dma_wait3A_284 = arith.constant 0 : i32
        %dma_wait3A_285 = tpu.memref_slice %arg6[%dma_wait3A_276, %dma_wait3A_277, %dma_wait3A_284] : memref<2x2x80xi32, #tpu.memory_space<vmem>> -> memref<1x1x80xi32, #tpu.memory_space<vmem>>
        %dma_wait3A_286 = tpu.memref_squeeze %dma_wait3A_285 : memref<1x1x80xi32, #tpu.memory_space<vmem>> -> memref<80xi32, #tpu.memory_space<vmem>>
        %dma_wait3A_287 = arith.constant 0 : i32
        %dma_wait3A_288 = arith.constant 0 : i32
        %dma_wait3A_289 = tpu.memref_slice %arg2[%dma_wait3A_287, %dma_wait3A_288] : memref<10000x128xf32, #tpu.memory_space<hbm>> -> memref<10000x128xf32, #tpu.memory_space<hbm>>
        tpu.wait_indirect_dma semaphore(%arg16 : memref<!tpu.dma_semaphore, #tpu.memory_space<semaphore_mem>>) src(%dma_wait3A_289 : memref<10000x128xf32, #tpu.memory_space<hbm>>) dst(%dma_wait3A_283 : memref<80x128xf32, #tpu.memory_space<vmem>>)
        %dma_wait3A_290 = arith.constant 0 : i32
        %dma_wait3A_291 = arith.constant 1 : i32
        %dma_wait3A_292 = arith.constant 0 : i32
        %dma_wait3A_293 = arith.constant 1 : i32
        %dma_wait3A_294 = arith.constant 0 : i32
        %dma_wait3A_295 = arith.constant 0 : i32
        %dma_wait3A_296 = tpu.memref_slice %arg8[%dma_wait3A_292, %dma_wait3A_293, %dma_wait3A_294, %dma_wait3A_295] : memref<2x2x80x128xf32, #tpu.memory_space<vmem>> -> memref<1x1x80x128xf32, #tpu.memory_space<vmem>>
        %dma_wait3A_297 = tpu.memref_squeeze %dma_wait3A_296 : memref<1x1x80x128xf32, #tpu.memory_space<vmem>> -> memref<80x128xf32, #tpu.memory_space<vmem>>
        %dma_wait3A_298 = arith.constant 0 : i32
        %dma_wait3A_299 = tpu.memref_slice %arg6[%dma_wait3A_290, %dma_wait3A_291, %dma_wait3A_298] : memref<2x2x80xi32, #tpu.memory_space<vmem>> -> memref<1x1x80xi32, #tpu.memory_space<vmem>>
        %dma_wait3A_300 = tpu.memref_squeeze %dma_wait3A_299 : memref<1x1x80xi32, #tpu.memory_space<vmem>> -> memref<80xi32, #tpu.memory_space<vmem>>
        %dma_wait3A_301 = arith.constant 0 : i32
        %dma_wait3A_302 = arith.constant 0 : i32
        %dma_wait3A_303 = tpu.memref_slice %arg2[%dma_wait3A_301, %dma_wait3A_302] : memref<10000x128xf32, #tpu.memory_space<hbm>> -> memref<10000x128xf32, #tpu.memory_space<hbm>>
        tpu.wait_indirect_dma semaphore(%arg16 : memref<!tpu.dma_semaphore, #tpu.memory_space<semaphore_mem>>) src(%dma_wait3A_303 : memref<10000x128xf32, #tpu.memory_space<hbm>>) dst(%dma_wait3A_297 : memref<80x128xf32, #tpu.memory_space<vmem>>)
        %add3A_304 = arith.constant 2 : i32
        %add3A_305 = arith.addi %scan3A_136, %add3A_304 : i32
        %lt3A_306 = arith.constant 125 : i32
        %lt3A_307 = arith.cmpi slt, %add3A_305, %lt3A_306 : i32
        %convert_element_type3A_308 = arith.extui %lt3A_307 : i1 to i32
        %cond3A_309 = arith.constant 0 : i32
        %cond3A_310 = arith.cmpi ne, %convert_element_type3A_308, %cond3A_309 : i32
        scf.if %cond3A_310 {
          %add3A_339 = arith.constant 2 : i32
          %add3A_340 = arith.addi %scan3A_136, %add3A_339 : i32
          %mul3A_341 = arith.constant 2 : i32
          %mul3A_342 = arith.muli %add3A_340, %mul3A_341 : i32
          %add3A_343 = arith.addi %mul3A_4, %mul3A_342 : i32
          %dma_start3A_344 = arith.constant 0 : i32
          %dma_start3A_345 = arith.constant 0 : i32
          %dma_start3A_346 = arith.constant 0 : i32
          %dma_start3A_347 = arith.constant 0 : i32
          %dma_start3A_348 = tpu.memref_slice %arg6[%dma_start3A_345, %dma_start3A_346, %dma_start3A_347] : memref<2x2x80xi32, #tpu.memory_space<vmem>> -> memref<1x2x80xi32, #tpu.memory_space<vmem>>
          %dma_start3A_349 = tpu.memref_squeeze %dma_start3A_348 : memref<1x2x80xi32, #tpu.memory_space<vmem>> -> memref<2x80xi32, #tpu.memory_space<vmem>>
          %dma_start3A_350 = arith.constant 0 : i32
          %dma_start3A_351 = tpu.memref_slice %arg3[%dma_start3A_344, %add3A_343, %dma_start3A_350] : memref<2x8000x80xi32, #tpu.memory_space<hbm>> -> memref<1x2x80xi32, #tpu.memory_space<hbm>>
          %dma_start3A_352 = tpu.memref_squeeze %dma_start3A_351 : memref<1x2x80xi32, #tpu.memory_space<hbm>> -> memref<2x80xi32, #tpu.memory_space<hbm>>
          %dma_start3A_353 = arith.constant 0 : i32
          %dma_start3A_354 = arith.constant 0 : i32
          %dma_start3A_355 = tpu.memref_slice %arg6[%dma_start3A_345, %dma_start3A_353, %dma_start3A_354] : memref<2x2x80xi32, #tpu.memory_space<vmem>> -> memref<1x2x80xi32, #tpu.memory_space<vmem>>
          %dma_start3A_356 = tpu.memref_squeeze %dma_start3A_355 : memref<1x2x80xi32, #tpu.memory_space<vmem>> -> memref<2x80xi32, #tpu.memory_space<vmem>>
          %dma_start3A_357 = arith.constant 0 : i32
          %dma_start3A_358 = tpu.memref_slice %arg3[%dma_start3A_344, %add3A_343, %dma_start3A_357] : memref<2x8000x80xi32, #tpu.memory_space<hbm>> -> memref<1x2x80xi32, #tpu.memory_space<hbm>>
          %dma_start3A_359 = tpu.memref_squeeze %dma_start3A_358 : memref<1x2x80xi32, #tpu.memory_space<hbm>> -> memref<2x80xi32, #tpu.memory_space<hbm>>
          tpu.enqueue_dma source(%dma_start3A_359 : memref<2x80xi32, #tpu.memory_space<hbm>>) target(%dma_start3A_356 : memref<2x80xi32, #tpu.memory_space<vmem>>) target_semaphore(%arg10 : memref<!tpu.dma_semaphore, #tpu.memory_space<semaphore_mem>>)
          %dma_start3A_360 = arith.constant 1 : i32
          %dma_start3A_361 = arith.constant 2 : i32
          %dma_start3A_362 = arith.constant 0 : i32
          %dma_start3A_363 = arith.constant 0 : i32
          %dma_start3A_364 = tpu.memref_slice %arg7[%dma_start3A_361, %dma_start3A_362, %dma_start3A_363] : memref<4x2x80xi32, #tpu.memory_space<vmem>> -> memref<1x2x80xi32, #tpu.memory_space<vmem>>
          %dma_start3A_365 = tpu.memref_squeeze %dma_start3A_364 : memref<1x2x80xi32, #tpu.memory_space<vmem>> -> memref<2x80xi32, #tpu.memory_space<vmem>>
          %dma_start3A_366 = arith.constant 0 : i32
          %dma_start3A_367 = tpu.memref_slice %arg3[%dma_start3A_360, %add3A_343, %dma_start3A_366] : memref<2x8000x80xi32, #tpu.memory_space<hbm>> -> memref<1x2x80xi32, #tpu.memory_space<hbm>>
          %dma_start3A_368 = tpu.memref_squeeze %dma_start3A_367 : memref<1x2x80xi32, #tpu.memory_space<hbm>> -> memref<2x80xi32, #tpu.memory_space<hbm>>
          %dma_start3A_369 = arith.constant 0 : i32
          %dma_start3A_370 = arith.constant 0 : i32
          %dma_start3A_371 = tpu.memref_slice %arg7[%dma_start3A_361, %dma_start3A_369, %dma_start3A_370] : memref<4x2x80xi32, #tpu.memory_space<vmem>> -> memref<1x2x80xi32, #tpu.memory_space<vmem>>
          %dma_start3A_372 = tpu.memref_squeeze %dma_start3A_371 : memref<1x2x80xi32, #tpu.memory_space<vmem>> -> memref<2x80xi32, #tpu.memory_space<vmem>>
          %dma_start3A_373 = arith.constant 0 : i32
          %dma_start3A_374 = tpu.memref_slice %arg3[%dma_start3A_360, %add3A_343, %dma_start3A_373] : memref<2x8000x80xi32, #tpu.memory_space<hbm>> -> memref<1x2x80xi32, #tpu.memory_space<hbm>>
          %dma_start3A_375 = tpu.memref_squeeze %dma_start3A_374 : memref<1x2x80xi32, #tpu.memory_space<hbm>> -> memref<2x80xi32, #tpu.memory_space<hbm>>
          tpu.enqueue_dma source(%dma_start3A_375 : memref<2x80xi32, #tpu.memory_space<hbm>>) target(%dma_start3A_372 : memref<2x80xi32, #tpu.memory_space<vmem>>) target_semaphore(%arg14 : memref<!tpu.dma_semaphore, #tpu.memory_space<semaphore_mem>>)
        } else {
        }
        %dma_start3A_311 = arith.constant 0 : i32
        %dma_start3A_312 = arith.constant 0 : i32
        %dma_start3A_313 = arith.constant 0 : i32
        %dma_start3A_314 = arith.constant 0 : i32
        %dma_start3A_315 = arith.constant 0 : i32
        %dma_start3A_316 = arith.constant 0 : i32
        %dma_start3A_317 = tpu.memref_slice %arg8[%dma_start3A_311, %dma_start3A_312, %dma_start3A_315, %dma_start3A_316] : memref<2x2x80x128xf32, #tpu.memory_space<vmem>> -> memref<1x1x80x128xf32, #tpu.memory_space<vmem>>
        %dma_start3A_318 = tpu.memref_squeeze %dma_start3A_317 : memref<1x1x80x128xf32, #tpu.memory_space<vmem>> -> memref<80x128xf32, #tpu.memory_space<vmem>>
        %dma_start3A_319 = arith.constant 0 : i32
        %dma_start3A_320 = tpu.memref_slice %arg7[%dma_start3A_313, %dma_start3A_314, %dma_start3A_319] : memref<4x2x80xi32, #tpu.memory_space<vmem>> -> memref<1x1x80xi32, #tpu.memory_space<vmem>>
        %dma_start3A_321 = tpu.memref_squeeze %dma_start3A_320 : memref<1x1x80xi32, #tpu.memory_space<vmem>> -> memref<80xi32, #tpu.memory_space<vmem>>
        %dma_start3A_322 = arith.constant 0 : i32
        %dma_start3A_323 = arith.constant 0 : i32
        %dma_start3A_324 = tpu.memref_slice %arg9[%dma_start3A_322, %dma_start3A_323] : memref<10240x128xf32, #tpu.memory_space<vmem_shared>> -> memref<10240x128xf32, #tpu.memory_space<vmem_shared>>
        tpu.enqueue_indirect_dma source(%dma_start3A_318 : memref<80x128xf32, #tpu.memory_space<vmem>>) target(%dma_start3A_324 : memref<10240x128xf32, #tpu.memory_space<vmem_shared>>) offsets(%dma_start3A_321 : memref<80xi32, #tpu.memory_space<vmem>>) semaphore(%arg18 : memref<!tpu.dma_semaphore, #tpu.memory_space<semaphore_mem>>) {add = true}
        %dma_start3A_325 = arith.constant 0 : i32
        %dma_start3A_326 = arith.constant 1 : i32
        %dma_start3A_327 = arith.constant 0 : i32
        %dma_start3A_328 = arith.constant 1 : i32
        %dma_start3A_329 = arith.constant 0 : i32
        %dma_start3A_330 = arith.constant 0 : i32
        %dma_start3A_331 = tpu.memref_slice %arg8[%dma_start3A_325, %dma_start3A_326, %dma_start3A_329, %dma_start3A_330] : memref<2x2x80x128xf32, #tpu.memory_space<vmem>> -> memref<1x1x80x128xf32, #tpu.memory_space<vmem>>
        %dma_start3A_332 = tpu.memref_squeeze %dma_start3A_331 : memref<1x1x80x128xf32, #tpu.memory_space<vmem>> -> memref<80x128xf32, #tpu.memory_space<vmem>>
        %dma_start3A_333 = arith.constant 0 : i32
        %dma_start3A_334 = tpu.memref_slice %arg7[%dma_start3A_327, %dma_start3A_328, %dma_start3A_333] : memref<4x2x80xi32, #tpu.memory_space<vmem>> -> memref<1x1x80xi32, #tpu.memory_space<vmem>>
        %dma_start3A_335 = tpu.memref_squeeze %dma_start3A_334 : memref<1x1x80xi32, #tpu.memory_space<vmem>> -> memref<80xi32, #tpu.memory_space<vmem>>
        %dma_start3A_336 = arith.constant 0 : i32
        %dma_start3A_337 = arith.constant 0 : i32
        %dma_start3A_338 = tpu.memref_slice %arg9[%dma_start3A_336, %dma_start3A_337] : memref<10240x128xf32, #tpu.memory_space<vmem_shared>> -> memref<10240x128xf32, #tpu.memory_space<vmem_shared>>
        tpu.enqueue_indirect_dma source(%dma_start3A_332 : memref<80x128xf32, #tpu.memory_space<vmem>>) target(%dma_start3A_338 : memref<10240x128xf32, #tpu.memory_space<vmem_shared>>) offsets(%dma_start3A_335 : memref<80xi32, #tpu.memory_space<vmem>>) semaphore(%arg18 : memref<!tpu.dma_semaphore, #tpu.memory_space<semaphore_mem>>) {add = true}
      } else {
      }
      %jit3A_149 = arith.constant 4 : i32
      %eq3A_150 = arith.constant 0 : i32
      %eq3A_151 = arith.cmpi eq, %jit3A_149, %eq3A_150 : i32
      %jit3A_152 = arith.constant 1 : i32
      %select_n3A_153 = arith.select %eq3A_151, %jit3A_152, %jit3A_149 : i32
      %rem3A_154 = arith.remsi %scan3A_136, %select_n3A_153 : i32
      %ne3A_155 = arith.constant 0 : i32
      %ne3A_156 = arith.cmpi ne, %rem3A_154, %ne3A_155 : i32
      %lt3A_157 = arith.constant 0 : i32
      %lt3A_158 = arith.cmpi slt, %rem3A_154, %lt3A_157 : i32
      %lt3A_159 = arith.constant 0 : i32
      %lt3A_160 = arith.cmpi slt, %select_n3A_153, %lt3A_159 : i32
      %ne3A_161 = arith.xori %lt3A_158, %lt3A_160 : i1
      %and3A_162 = arith.andi %ne3A_161, %ne3A_156 : i1
      %add3A_163 = arith.addi %rem3A_154, %select_n3A_153 : i32
      %select_n3A_164 = arith.select %and3A_162, %add3A_163, %rem3A_154 : i32
      %eq3A_165 = arith.constant 1 : i32
      %eq3A_166 = arith.cmpi eq, %select_n3A_164, %eq3A_165 : i32
      %convert_element_type3A_167 = arith.extui %eq3A_166 : i1 to i32
      %cond3A_168 = arith.constant 0 : i32
      %cond3A_169 = arith.cmpi ne, %convert_element_type3A_167, %cond3A_168 : i32
      scf.if %cond3A_169 {
        %ge3A = arith.constant 2 : i32
        %ge3A_212 = arith.cmpi sge, %scan3A_136, %ge3A : i32
        %convert_element_type3A_213 = arith.extui %ge3A_212 : i1 to i32
        %cond3A_214 = arith.constant 0 : i32
        %cond3A_215 = arith.cmpi ne, %convert_element_type3A_213, %cond3A_214 : i32
        scf.if %cond3A_215 {
          %dma_wait3A_339 = arith.constant 1 : i32
          %dma_wait3A_340 = arith.constant 0 : i32
          %dma_wait3A_341 = arith.constant 3 : i32
          %dma_wait3A_342 = arith.constant 0 : i32
          %dma_wait3A_343 = arith.constant 0 : i32
          %dma_wait3A_344 = arith.constant 0 : i32
          %dma_wait3A_345 = tpu.memref_slice %arg8[%dma_wait3A_339, %dma_wait3A_340, %dma_wait3A_343, %dma_wait3A_344] : memref<2x2x80x128xf32, #tpu.memory_space<vmem>> -> memref<1x1x80x128xf32, #tpu.memory_space<vmem>>
          %dma_wait3A_346 = tpu.memref_squeeze %dma_wait3A_345 : memref<1x1x80x128xf32, #tpu.memory_space<vmem>> -> memref<80x128xf32, #tpu.memory_space<vmem>>
          %dma_wait3A_347 = arith.constant 0 : i32
          %dma_wait3A_348 = tpu.memref_slice %arg7[%dma_wait3A_341, %dma_wait3A_342, %dma_wait3A_347] : memref<4x2x80xi32, #tpu.memory_space<vmem>> -> memref<1x1x80xi32, #tpu.memory_space<vmem>>
          %dma_wait3A_349 = tpu.memref_squeeze %dma_wait3A_348 : memref<1x1x80xi32, #tpu.memory_space<vmem>> -> memref<80xi32, #tpu.memory_space<vmem>>
          %dma_wait3A_350 = arith.constant 0 : i32
          %dma_wait3A_351 = arith.constant 0 : i32
          %dma_wait3A_352 = tpu.memref_slice %arg9[%dma_wait3A_350, %dma_wait3A_351] : memref<10240x128xf32, #tpu.memory_space<vmem_shared>> -> memref<10240x128xf32, #tpu.memory_space<vmem_shared>>
          tpu.wait_indirect_dma semaphore(%arg21 : memref<!tpu.dma_semaphore, #tpu.memory_space<semaphore_mem>>) src(%dma_wait3A_346 : memref<80x128xf32, #tpu.memory_space<vmem>>) dst(%dma_wait3A_352 : memref<10240x128xf32, #tpu.memory_space<vmem_shared>>)
          %dma_wait3A_353 = arith.constant 1 : i32
          %dma_wait3A_354 = arith.constant 1 : i32
          %dma_wait3A_355 = arith.constant 3 : i32
          %dma_wait3A_356 = arith.constant 1 : i32
          %dma_wait3A_357 = arith.constant 0 : i32
          %dma_wait3A_358 = arith.constant 0 : i32
          %dma_wait3A_359 = tpu.memref_slice %arg8[%dma_wait3A_353, %dma_wait3A_354, %dma_wait3A_357, %dma_wait3A_358] : memref<2x2x80x128xf32, #tpu.memory_space<vmem>> -> memref<1x1x80x128xf32, #tpu.memory_space<vmem>>
          %dma_wait3A_360 = tpu.memref_squeeze %dma_wait3A_359 : memref<1x1x80x128xf32, #tpu.memory_space<vmem>> -> memref<80x128xf32, #tpu.memory_space<vmem>>
          %dma_wait3A_361 = arith.constant 0 : i32
          %dma_wait3A_362 = tpu.memref_slice %arg7[%dma_wait3A_355, %dma_wait3A_356, %dma_wait3A_361] : memref<4x2x80xi32, #tpu.memory_space<vmem>> -> memref<1x1x80xi32, #tpu.memory_space<vmem>>
          %dma_wait3A_363 = tpu.memref_squeeze %dma_wait3A_362 : memref<1x1x80xi32, #tpu.memory_space<vmem>> -> memref<80xi32, #tpu.memory_space<vmem>>
          %dma_wait3A_364 = arith.constant 0 : i32
          %dma_wait3A_365 = arith.constant 0 : i32
          %dma_wait3A_366 = tpu.memref_slice %arg9[%dma_wait3A_364, %dma_wait3A_365] : memref<10240x128xf32, #tpu.memory_space<vmem_shared>> -> memref<10240x128xf32, #tpu.memory_space<vmem_shared>>
          tpu.wait_indirect_dma semaphore(%arg21 : memref<!tpu.dma_semaphore, #tpu.memory_space<semaphore_mem>>) src(%dma_wait3A_360 : memref<80x128xf32, #tpu.memory_space<vmem>>) dst(%dma_wait3A_366 : memref<10240x128xf32, #tpu.memory_space<vmem_shared>>)
        } else {
        }
        %dma_wait3A_216 = arith.constant 0 : i32
        %dma_wait3A_217 = arith.constant 1 : i32
        %dma_wait3A_218 = arith.constant 0 : i32
        %dma_wait3A_219 = arith.constant 0 : i32
        %dma_wait3A_220 = tpu.memref_slice %arg6[%dma_wait3A_217, %dma_wait3A_218, %dma_wait3A_219] : memref<2x2x80xi32, #tpu.memory_space<vmem>> -> memref<1x2x80xi32, #tpu.memory_space<vmem>>
        %dma_wait3A_221 = tpu.memref_squeeze %dma_wait3A_220 : memref<1x2x80xi32, #tpu.memory_space<vmem>> -> memref<2x80xi32, #tpu.memory_space<vmem>>
        %dma_wait3A_222 = arith.constant 0 : i32
        %dma_wait3A_223 = tpu.memref_slice %arg3[%dma_wait3A_216, %mul3A_4, %dma_wait3A_222] : memref<2x8000x80xi32, #tpu.memory_space<hbm>> -> memref<1x2x80xi32, #tpu.memory_space<hbm>>
        %dma_wait3A_224 = tpu.memref_squeeze %dma_wait3A_223 : memref<1x2x80xi32, #tpu.memory_space<hbm>> -> memref<2x80xi32, #tpu.memory_space<hbm>>
        %dma_wait3A_225 = arith.constant 0 : i32
        %dma_wait3A_226 = arith.constant 0 : i32
        %dma_wait3A_227 = tpu.memref_slice %arg6[%dma_wait3A_217, %dma_wait3A_225, %dma_wait3A_226] : memref<2x2x80xi32, #tpu.memory_space<vmem>> -> memref<1x2x80xi32, #tpu.memory_space<vmem>>
        %dma_wait3A_228 = tpu.memref_squeeze %dma_wait3A_227 : memref<1x2x80xi32, #tpu.memory_space<vmem>> -> memref<2x80xi32, #tpu.memory_space<vmem>>
        %dma_wait3A_229 = arith.constant 0 : i32
        %dma_wait3A_230 = tpu.memref_slice %arg3[%dma_wait3A_216, %mul3A_4, %dma_wait3A_229] : memref<2x8000x80xi32, #tpu.memory_space<hbm>> -> memref<1x2x80xi32, #tpu.memory_space<hbm>>
        %dma_wait3A_231 = tpu.memref_squeeze %dma_wait3A_230 : memref<1x2x80xi32, #tpu.memory_space<hbm>> -> memref<2x80xi32, #tpu.memory_space<hbm>>
        tpu.wait_dma2 semaphore(%arg11 : memref<!tpu.dma_semaphore, #tpu.memory_space<semaphore_mem>>) src(%dma_wait3A_231 : memref<2x80xi32, #tpu.memory_space<hbm>>) dst(%dma_wait3A_228 : memref<2x80xi32, #tpu.memory_space<vmem>>)
        %dma_wait3A_232 = arith.constant 1 : i32
        %dma_wait3A_233 = arith.constant 1 : i32
        %dma_wait3A_234 = arith.constant 0 : i32
        %dma_wait3A_235 = arith.constant 0 : i32
        %dma_wait3A_236 = tpu.memref_slice %arg7[%dma_wait3A_233, %dma_wait3A_234, %dma_wait3A_235] : memref<4x2x80xi32, #tpu.memory_space<vmem>> -> memref<1x2x80xi32, #tpu.memory_space<vmem>>
        %dma_wait3A_237 = tpu.memref_squeeze %dma_wait3A_236 : memref<1x2x80xi32, #tpu.memory_space<vmem>> -> memref<2x80xi32, #tpu.memory_space<vmem>>
        %dma_wait3A_238 = arith.constant 0 : i32
        %dma_wait3A_239 = tpu.memref_slice %arg3[%dma_wait3A_232, %mul3A_4, %dma_wait3A_238] : memref<2x8000x80xi32, #tpu.memory_space<hbm>> -> memref<1x2x80xi32, #tpu.memory_space<hbm>>
        %dma_wait3A_240 = tpu.memref_squeeze %dma_wait3A_239 : memref<1x2x80xi32, #tpu.memory_space<hbm>> -> memref<2x80xi32, #tpu.memory_space<hbm>>
        %dma_wait3A_241 = arith.constant 0 : i32
        %dma_wait3A_242 = arith.constant 0 : i32
        %dma_wait3A_243 = tpu.memref_slice %arg7[%dma_wait3A_233, %dma_wait3A_241, %dma_wait3A_242] : memref<4x2x80xi32, #tpu.memory_space<vmem>> -> memref<1x2x80xi32, #tpu.memory_space<vmem>>
        %dma_wait3A_244 = tpu.memref_squeeze %dma_wait3A_243 : memref<1x2x80xi32, #tpu.memory_space<vmem>> -> memref<2x80xi32, #tpu.memory_space<vmem>>
        %dma_wait3A_245 = arith.constant 0 : i32
        %dma_wait3A_246 = tpu.memref_slice %arg3[%dma_wait3A_232, %mul3A_4, %dma_wait3A_245] : memref<2x8000x80xi32, #tpu.memory_space<hbm>> -> memref<1x2x80xi32, #tpu.memory_space<hbm>>
        %dma_wait3A_247 = tpu.memref_squeeze %dma_wait3A_246 : memref<1x2x80xi32, #tpu.memory_space<hbm>> -> memref<2x80xi32, #tpu.memory_space<hbm>>
        tpu.wait_dma2 semaphore(%arg13 : memref<!tpu.dma_semaphore, #tpu.memory_space<semaphore_mem>>) src(%dma_wait3A_247 : memref<2x80xi32, #tpu.memory_space<hbm>>) dst(%dma_wait3A_244 : memref<2x80xi32, #tpu.memory_space<vmem>>)
        %dma_start3A_248 = arith.constant 1 : i32
        %dma_start3A_249 = arith.constant 0 : i32
        %dma_start3A_250 = arith.constant 1 : i32
        %dma_start3A_251 = arith.constant 0 : i32
        %dma_start3A_252 = arith.constant 0 : i32
        %dma_start3A_253 = arith.constant 0 : i32
        %dma_start3A_254 = tpu.memref_slice %arg8[%dma_start3A_250, %dma_start3A_251, %dma_start3A_252, %dma_start3A_253] : memref<2x2x80x128xf32, #tpu.memory_space<vmem>> -> memref<1x1x80x128xf32, #tpu.memory_space<vmem>>
        %dma_start3A_255 = tpu.memref_squeeze %dma_start3A_254 : memref<1x1x80x128xf32, #tpu.memory_space<vmem>> -> memref<80x128xf32, #tpu.memory_space<vmem>>
        %dma_start3A_256 = arith.constant 0 : i32
        %dma_start3A_257 = tpu.memref_slice %arg6[%dma_start3A_248, %dma_start3A_249, %dma_start3A_256] : memref<2x2x80xi32, #tpu.memory_space<vmem>> -> memref<1x1x80xi32, #tpu.memory_space<vmem>>
        %dma_start3A_258 = tpu.memref_squeeze %dma_start3A_257 : memref<1x1x80xi32, #tpu.memory_space<vmem>> -> memref<80xi32, #tpu.memory_space<vmem>>
        %dma_start3A_259 = arith.constant 0 : i32
        %dma_start3A_260 = arith.constant 0 : i32
        %dma_start3A_261 = tpu.memref_slice %arg2[%dma_start3A_259, %dma_start3A_260] : memref<10000x128xf32, #tpu.memory_space<hbm>> -> memref<10000x128xf32, #tpu.memory_space<hbm>>
        tpu.enqueue_indirect_dma source(%dma_start3A_261 : memref<10000x128xf32, #tpu.memory_space<hbm>>) target(%dma_start3A_255 : memref<80x128xf32, #tpu.memory_space<vmem>>) offsets(%dma_start3A_258 : memref<80xi32, #tpu.memory_space<vmem>>) semaphore(%arg17 : memref<!tpu.dma_semaphore, #tpu.memory_space<semaphore_mem>>)
        %dma_start3A_262 = arith.constant 1 : i32
        %dma_start3A_263 = arith.constant 1 : i32
        %dma_start3A_264 = arith.constant 1 : i32
        %dma_start3A_265 = arith.constant 1 : i32
        %dma_start3A_266 = arith.constant 0 : i32
        %dma_start3A_267 = arith.constant 0 : i32
        %dma_start3A_268 = tpu.memref_slice %arg8[%dma_start3A_264, %dma_start3A_265, %dma_start3A_266, %dma_start3A_267] : memref<2x2x80x128xf32, #tpu.memory_space<vmem>> -> memref<1x1x80x128xf32, #tpu.memory_space<vmem>>
        %dma_start3A_269 = tpu.memref_squeeze %dma_start3A_268 : memref<1x1x80x128xf32, #tpu.memory_space<vmem>> -> memref<80x128xf32, #tpu.memory_space<vmem>>
        %dma_start3A_270 = arith.constant 0 : i32
        %dma_start3A_271 = tpu.memref_slice %arg6[%dma_start3A_262, %dma_start3A_263, %dma_start3A_270] : memref<2x2x80xi32, #tpu.memory_space<vmem>> -> memref<1x1x80xi32, #tpu.memory_space<vmem>>
        %dma_start3A_272 = tpu.memref_squeeze %dma_start3A_271 : memref<1x1x80xi32, #tpu.memory_space<vmem>> -> memref<80xi32, #tpu.memory_space<vmem>>
        %dma_start3A_273 = arith.constant 0 : i32
        %dma_start3A_274 = arith.constant 0 : i32
        %dma_start3A_275 = tpu.memref_slice %arg2[%dma_start3A_273, %dma_start3A_274] : memref<10000x128xf32, #tpu.memory_space<hbm>> -> memref<10000x128xf32, #tpu.memory_space<hbm>>
        tpu.enqueue_indirect_dma source(%dma_start3A_275 : memref<10000x128xf32, #tpu.memory_space<hbm>>) target(%dma_start3A_269 : memref<80x128xf32, #tpu.memory_space<vmem>>) offsets(%dma_start3A_272 : memref<80xi32, #tpu.memory_space<vmem>>) semaphore(%arg17 : memref<!tpu.dma_semaphore, #tpu.memory_space<semaphore_mem>>)
        %dma_wait3A_276 = arith.constant 1 : i32
        %dma_wait3A_277 = arith.constant 0 : i32
        %dma_wait3A_278 = arith.constant 1 : i32
        %dma_wait3A_279 = arith.constant 0 : i32
        %dma_wait3A_280 = arith.constant 0 : i32
        %dma_wait3A_281 = arith.constant 0 : i32
        %dma_wait3A_282 = tpu.memref_slice %arg8[%dma_wait3A_278, %dma_wait3A_279, %dma_wait3A_280, %dma_wait3A_281] : memref<2x2x80x128xf32, #tpu.memory_space<vmem>> -> memref<1x1x80x128xf32, #tpu.memory_space<vmem>>
        %dma_wait3A_283 = tpu.memref_squeeze %dma_wait3A_282 : memref<1x1x80x128xf32, #tpu.memory_space<vmem>> -> memref<80x128xf32, #tpu.memory_space<vmem>>
        %dma_wait3A_284 = arith.constant 0 : i32
        %dma_wait3A_285 = tpu.memref_slice %arg6[%dma_wait3A_276, %dma_wait3A_277, %dma_wait3A_284] : memref<2x2x80xi32, #tpu.memory_space<vmem>> -> memref<1x1x80xi32, #tpu.memory_space<vmem>>
        %dma_wait3A_286 = tpu.memref_squeeze %dma_wait3A_285 : memref<1x1x80xi32, #tpu.memory_space<vmem>> -> memref<80xi32, #tpu.memory_space<vmem>>
        %dma_wait3A_287 = arith.constant 0 : i32
        %dma_wait3A_288 = arith.constant 0 : i32
        %dma_wait3A_289 = tpu.memref_slice %arg2[%dma_wait3A_287, %dma_wait3A_288] : memref<10000x128xf32, #tpu.memory_space<hbm>> -> memref<10000x128xf32, #tpu.memory_space<hbm>>
        tpu.wait_indirect_dma semaphore(%arg17 : memref<!tpu.dma_semaphore, #tpu.memory_space<semaphore_mem>>) src(%dma_wait3A_289 : memref<10000x128xf32, #tpu.memory_space<hbm>>) dst(%dma_wait3A_283 : memref<80x128xf32, #tpu.memory_space<vmem>>)
        %dma_wait3A_290 = arith.constant 1 : i32
        %dma_wait3A_291 = arith.constant 1 : i32
        %dma_wait3A_292 = arith.constant 1 : i32
        %dma_wait3A_293 = arith.constant 1 : i32
        %dma_wait3A_294 = arith.constant 0 : i32
        %dma_wait3A_295 = arith.constant 0 : i32
        %dma_wait3A_296 = tpu.memref_slice %arg8[%dma_wait3A_292, %dma_wait3A_293, %dma_wait3A_294, %dma_wait3A_295] : memref<2x2x80x128xf32, #tpu.memory_space<vmem>> -> memref<1x1x80x128xf32, #tpu.memory_space<vmem>>
        %dma_wait3A_297 = tpu.memref_squeeze %dma_wait3A_296 : memref<1x1x80x128xf32, #tpu.memory_space<vmem>> -> memref<80x128xf32, #tpu.memory_space<vmem>>
        %dma_wait3A_298 = arith.constant 0 : i32
        %dma_wait3A_299 = tpu.memref_slice %arg6[%dma_wait3A_290, %dma_wait3A_291, %dma_wait3A_298] : memref<2x2x80xi32, #tpu.memory_space<vmem>> -> memref<1x1x80xi32, #tpu.memory_space<vmem>>
        %dma_wait3A_300 = tpu.memref_squeeze %dma_wait3A_299 : memref<1x1x80xi32, #tpu.memory_space<vmem>> -> memref<80xi32, #tpu.memory_space<vmem>>
        %dma_wait3A_301 = arith.constant 0 : i32
        %dma_wait3A_302 = arith.constant 0 : i32
        %dma_wait3A_303 = tpu.memref_slice %arg2[%dma_wait3A_301, %dma_wait3A_302] : memref<10000x128xf32, #tpu.memory_space<hbm>> -> memref<10000x128xf32, #tpu.memory_space<hbm>>
        tpu.wait_indirect_dma semaphore(%arg17 : memref<!tpu.dma_semaphore, #tpu.memory_space<semaphore_mem>>) src(%dma_wait3A_303 : memref<10000x128xf32, #tpu.memory_space<hbm>>) dst(%dma_wait3A_297 : memref<80x128xf32, #tpu.memory_space<vmem>>)
        %add3A_304 = arith.constant 2 : i32
        %add3A_305 = arith.addi %scan3A_136, %add3A_304 : i32
        %lt3A_306 = arith.constant 125 : i32
        %lt3A_307 = arith.cmpi slt, %add3A_305, %lt3A_306 : i32
        %convert_element_type3A_308 = arith.extui %lt3A_307 : i1 to i32
        %cond3A_309 = arith.constant 0 : i32
        %cond3A_310 = arith.cmpi ne, %convert_element_type3A_308, %cond3A_309 : i32
        scf.if %cond3A_310 {
          %add3A_339 = arith.constant 2 : i32
          %add3A_340 = arith.addi %scan3A_136, %add3A_339 : i32
          %mul3A_341 = arith.constant 2 : i32
          %mul3A_342 = arith.muli %add3A_340, %mul3A_341 : i32
          %add3A_343 = arith.addi %mul3A_4, %mul3A_342 : i32
          %dma_start3A_344 = arith.constant 0 : i32
          %dma_start3A_345 = arith.constant 1 : i32
          %dma_start3A_346 = arith.constant 0 : i32
          %dma_start3A_347 = arith.constant 0 : i32
          %dma_start3A_348 = tpu.memref_slice %arg6[%dma_start3A_345, %dma_start3A_346, %dma_start3A_347] : memref<2x2x80xi32, #tpu.memory_space<vmem>> -> memref<1x2x80xi32, #tpu.memory_space<vmem>>
          %dma_start3A_349 = tpu.memref_squeeze %dma_start3A_348 : memref<1x2x80xi32, #tpu.memory_space<vmem>> -> memref<2x80xi32, #tpu.memory_space<vmem>>
          %dma_start3A_350 = arith.constant 0 : i32
          %dma_start3A_351 = tpu.memref_slice %arg3[%dma_start3A_344, %add3A_343, %dma_start3A_350] : memref<2x8000x80xi32, #tpu.memory_space<hbm>> -> memref<1x2x80xi32, #tpu.memory_space<hbm>>
          %dma_start3A_352 = tpu.memref_squeeze %dma_start3A_351 : memref<1x2x80xi32, #tpu.memory_space<hbm>> -> memref<2x80xi32, #tpu.memory_space<hbm>>
          %dma_start3A_353 = arith.constant 0 : i32
          %dma_start3A_354 = arith.constant 0 : i32
          %dma_start3A_355 = tpu.memref_slice %arg6[%dma_start3A_345, %dma_start3A_353, %dma_start3A_354] : memref<2x2x80xi32, #tpu.memory_space<vmem>> -> memref<1x2x80xi32, #tpu.memory_space<vmem>>
          %dma_start3A_356 = tpu.memref_squeeze %dma_start3A_355 : memref<1x2x80xi32, #tpu.memory_space<vmem>> -> memref<2x80xi32, #tpu.memory_space<vmem>>
          %dma_start3A_357 = arith.constant 0 : i32
          %dma_start3A_358 = tpu.memref_slice %arg3[%dma_start3A_344, %add3A_343, %dma_start3A_357] : memref<2x8000x80xi32, #tpu.memory_space<hbm>> -> memref<1x2x80xi32, #tpu.memory_space<hbm>>
          %dma_start3A_359 = tpu.memref_squeeze %dma_start3A_358 : memref<1x2x80xi32, #tpu.memory_space<hbm>> -> memref<2x80xi32, #tpu.memory_space<hbm>>
          tpu.enqueue_dma source(%dma_start3A_359 : memref<2x80xi32, #tpu.memory_space<hbm>>) target(%dma_start3A_356 : memref<2x80xi32, #tpu.memory_space<vmem>>) target_semaphore(%arg11 : memref<!tpu.dma_semaphore, #tpu.memory_space<semaphore_mem>>)
          %dma_start3A_360 = arith.constant 1 : i32
          %dma_start3A_361 = arith.constant 3 : i32
          %dma_start3A_362 = arith.constant 0 : i32
          %dma_start3A_363 = arith.constant 0 : i32
          %dma_start3A_364 = tpu.memref_slice %arg7[%dma_start3A_361, %dma_start3A_362, %dma_start3A_363] : memref<4x2x80xi32, #tpu.memory_space<vmem>> -> memref<1x2x80xi32, #tpu.memory_space<vmem>>
          %dma_start3A_365 = tpu.memref_squeeze %dma_start3A_364 : memref<1x2x80xi32, #tpu.memory_space<vmem>> -> memref<2x80xi32, #tpu.memory_space<vmem>>
          %dma_start3A_366 = arith.constant 0 : i32
          %dma_start3A_367 = tpu.memref_slice %arg3[%dma_start3A_360, %add3A_343, %dma_start3A_366] : memref<2x8000x80xi32, #tpu.memory_space<hbm>> -> memref<1x2x80xi32, #tpu.memory_space<hbm>>
          %dma_start3A_368 = tpu.memref_squeeze %dma_start3A_367 : memref<1x2x80xi32, #tpu.memory_space<hbm>> -> memref<2x80xi32, #tpu.memory_space<hbm>>
          %dma_start3A_369 = arith.constant 0 : i32
          %dma_start3A_370 = arith.constant 0 : i32
          %dma_start3A_371 = tpu.memref_slice %arg7[%dma_start3A_361, %dma_start3A_369, %dma_start3A_370] : memref<4x2x80xi32, #tpu.memory_space<vmem>> -> memref<1x2x80xi32, #tpu.memory_space<vmem>>
          %dma_start3A_372 = tpu.memref_squeeze %dma_start3A_371 : memref<1x2x80xi32, #tpu.memory_space<vmem>> -> memref<2x80xi32, #tpu.memory_space<vmem>>
          %dma_start3A_373 = arith.constant 0 : i32
          %dma_start3A_374 = tpu.memref_slice %arg3[%dma_start3A_360, %add3A_343, %dma_start3A_373] : memref<2x8000x80xi32, #tpu.memory_space<hbm>> -> memref<1x2x80xi32, #tpu.memory_space<hbm>>
          %dma_start3A_375 = tpu.memref_squeeze %dma_start3A_374 : memref<1x2x80xi32, #tpu.memory_space<hbm>> -> memref<2x80xi32, #tpu.memory_space<hbm>>
          tpu.enqueue_dma source(%dma_start3A_375 : memref<2x80xi32, #tpu.memory_space<hbm>>) target(%dma_start3A_372 : memref<2x80xi32, #tpu.memory_space<vmem>>) target_semaphore(%arg15 : memref<!tpu.dma_semaphore, #tpu.memory_space<semaphore_mem>>)
        } else {
        }
        %dma_start3A_311 = arith.constant 1 : i32
        %dma_start3A_312 = arith.constant 0 : i32
        %dma_start3A_313 = arith.constant 1 : i32
        %dma_start3A_314 = arith.constant 0 : i32
        %dma_start3A_315 = arith.constant 0 : i32
        %dma_start3A_316 = arith.constant 0 : i32
        %dma_start3A_317 = tpu.memref_slice %arg8[%dma_start3A_311, %dma_start3A_312, %dma_start3A_315, %dma_start3A_316] : memref<2x2x80x128xf32, #tpu.memory_space<vmem>> -> memref<1x1x80x128xf32, #tpu.memory_space<vmem>>
        %dma_start3A_318 = tpu.memref_squeeze %dma_start3A_317 : memref<1x1x80x128xf32, #tpu.memory_space<vmem>> -> memref<80x128xf32, #tpu.memory_space<vmem>>
        %dma_start3A_319 = arith.constant 0 : i32
        %dma_start3A_320 = tpu.memref_slice %arg7[%dma_start3A_313, %dma_start3A_314, %dma_start3A_319] : memref<4x2x80xi32, #tpu.memory_space<vmem>> -> memref<1x1x80xi32, #tpu.memory_space<vmem>>
        %dma_start3A_321 = tpu.memref_squeeze %dma_start3A_320 : memref<1x1x80xi32, #tpu.memory_space<vmem>> -> memref<80xi32, #tpu.memory_space<vmem>>
        %dma_start3A_322 = arith.constant 0 : i32
        %dma_start3A_323 = arith.constant 0 : i32
        %dma_start3A_324 = tpu.memref_slice %arg9[%dma_start3A_322, %dma_start3A_323] : memref<10240x128xf32, #tpu.memory_space<vmem_shared>> -> memref<10240x128xf32, #tpu.memory_space<vmem_shared>>
        tpu.enqueue_indirect_dma source(%dma_start3A_318 : memref<80x128xf32, #tpu.memory_space<vmem>>) target(%dma_start3A_324 : memref<10240x128xf32, #tpu.memory_space<vmem_shared>>) offsets(%dma_start3A_321 : memref<80xi32, #tpu.memory_space<vmem>>) semaphore(%arg19 : memref<!tpu.dma_semaphore, #tpu.memory_space<semaphore_mem>>) {add = true}
        %dma_start3A_325 = arith.constant 1 : i32
        %dma_start3A_326 = arith.constant 1 : i32
        %dma_start3A_327 = arith.constant 1 : i32
        %dma_start3A_328 = arith.constant 1 : i32
        %dma_start3A_329 = arith.constant 0 : i32
        %dma_start3A_330 = arith.constant 0 : i32
        %dma_start3A_331 = tpu.memref_slice %arg8[%dma_start3A_325, %dma_start3A_326, %dma_start3A_329, %dma_start3A_330] : memref<2x2x80x128xf32, #tpu.memory_space<vmem>> -> memref<1x1x80x128xf32, #tpu.memory_space<vmem>>
        %dma_start3A_332 = tpu.memref_squeeze %dma_start3A_331 : memref<1x1x80x128xf32, #tpu.memory_space<vmem>> -> memref<80x128xf32, #tpu.memory_space<vmem>>
        %dma_start3A_333 = arith.constant 0 : i32
        %dma_start3A_334 = tpu.memref_slice %arg7[%dma_start3A_327, %dma_start3A_328, %dma_start3A_333] : memref<4x2x80xi32, #tpu.memory_space<vmem>> -> memref<1x1x80xi32, #tpu.memory_space<vmem>>
        %dma_start3A_335 = tpu.memref_squeeze %dma_start3A_334 : memref<1x1x80xi32, #tpu.memory_space<vmem>> -> memref<80xi32, #tpu.memory_space<vmem>>
        %dma_start3A_336 = arith.constant 0 : i32
        %dma_start3A_337 = arith.constant 0 : i32
        %dma_start3A_338 = tpu.memref_slice %arg9[%dma_start3A_336, %dma_start3A_337] : memref<10240x128xf32, #tpu.memory_space<vmem_shared>> -> memref<10240x128xf32, #tpu.memory_space<vmem_shared>>
        tpu.enqueue_indirect_dma source(%dma_start3A_332 : memref<80x128xf32, #tpu.memory_space<vmem>>) target(%dma_start3A_338 : memref<10240x128xf32, #tpu.memory_space<vmem_shared>>) offsets(%dma_start3A_335 : memref<80xi32, #tpu.memory_space<vmem>>) semaphore(%arg19 : memref<!tpu.dma_semaphore, #tpu.memory_space<semaphore_mem>>) {add = true}
      } else {
      }
      %jit3A_170 = arith.constant 4 : i32
      %eq3A_171 = arith.constant 0 : i32
      %eq3A_172 = arith.cmpi eq, %jit3A_170, %eq3A_171 : i32
      %jit3A_173 = arith.constant 1 : i32
      %select_n3A_174 = arith.select %eq3A_172, %jit3A_173, %jit3A_170 : i32
      %rem3A_175 = arith.remsi %scan3A_136, %select_n3A_174 : i32
      %ne3A_176 = arith.constant 0 : i32
      %ne3A_177 = arith.cmpi ne, %rem3A_175, %ne3A_176 : i32
      %lt3A_178 = arith.constant 0 : i32
      %lt3A_179 = arith.cmpi slt, %rem3A_175, %lt3A_178 : i32
      %lt3A_180 = arith.constant 0 : i32
      %lt3A_181 = arith.cmpi slt, %select_n3A_174, %lt3A_180 : i32
      %ne3A_182 = arith.xori %lt3A_179, %lt3A_181 : i1
      %and3A_183 = arith.andi %ne3A_182, %ne3A_177 : i1
      %add3A_184 = arith.addi %rem3A_175, %select_n3A_174 : i32
      %select_n3A_185 = arith.select %and3A_183, %add3A_184, %rem3A_175 : i32
      %eq3A_186 = arith.constant 2 : i32
      %eq3A_187 = arith.cmpi eq, %select_n3A_185, %eq3A_186 : i32
      %convert_element_type3A_188 = arith.extui %eq3A_187 : i1 to i32
      %cond3A_189 = arith.constant 0 : i32
      %cond3A_190 = arith.cmpi ne, %convert_element_type3A_188, %cond3A_189 : i32
      scf.if %cond3A_190 {
        %ge3A = arith.constant 2 : i32
        %ge3A_212 = arith.cmpi sge, %scan3A_136, %ge3A : i32
        %convert_element_type3A_213 = arith.extui %ge3A_212 : i1 to i32
        %cond3A_214 = arith.constant 0 : i32
        %cond3A_215 = arith.cmpi ne, %convert_element_type3A_213, %cond3A_214 : i32
        scf.if %cond3A_215 {
          %dma_wait3A_339 = arith.constant 0 : i32
          %dma_wait3A_340 = arith.constant 0 : i32
          %dma_wait3A_341 = arith.constant 0 : i32
          %dma_wait3A_342 = arith.constant 0 : i32
          %dma_wait3A_343 = arith.constant 0 : i32
          %dma_wait3A_344 = arith.constant 0 : i32
          %dma_wait3A_345 = tpu.memref_slice %arg8[%dma_wait3A_339, %dma_wait3A_340, %dma_wait3A_343, %dma_wait3A_344] : memref<2x2x80x128xf32, #tpu.memory_space<vmem>> -> memref<1x1x80x128xf32, #tpu.memory_space<vmem>>
          %dma_wait3A_346 = tpu.memref_squeeze %dma_wait3A_345 : memref<1x1x80x128xf32, #tpu.memory_space<vmem>> -> memref<80x128xf32, #tpu.memory_space<vmem>>
          %dma_wait3A_347 = arith.constant 0 : i32
          %dma_wait3A_348 = tpu.memref_slice %arg7[%dma_wait3A_341, %dma_wait3A_342, %dma_wait3A_347] : memref<4x2x80xi32, #tpu.memory_space<vmem>> -> memref<1x1x80xi32, #tpu.memory_space<vmem>>
          %dma_wait3A_349 = tpu.memref_squeeze %dma_wait3A_348 : memref<1x1x80xi32, #tpu.memory_space<vmem>> -> memref<80xi32, #tpu.memory_space<vmem>>
          %dma_wait3A_350 = arith.constant 0 : i32
          %dma_wait3A_351 = arith.constant 0 : i32
          %dma_wait3A_352 = tpu.memref_slice %arg9[%dma_wait3A_350, %dma_wait3A_351] : memref<10240x128xf32, #tpu.memory_space<vmem_shared>> -> memref<10240x128xf32, #tpu.memory_space<vmem_shared>>
          tpu.wait_indirect_dma semaphore(%arg18 : memref<!tpu.dma_semaphore, #tpu.memory_space<semaphore_mem>>) src(%dma_wait3A_346 : memref<80x128xf32, #tpu.memory_space<vmem>>) dst(%dma_wait3A_352 : memref<10240x128xf32, #tpu.memory_space<vmem_shared>>)
          %dma_wait3A_353 = arith.constant 0 : i32
          %dma_wait3A_354 = arith.constant 1 : i32
          %dma_wait3A_355 = arith.constant 0 : i32
          %dma_wait3A_356 = arith.constant 1 : i32
          %dma_wait3A_357 = arith.constant 0 : i32
          %dma_wait3A_358 = arith.constant 0 : i32
          %dma_wait3A_359 = tpu.memref_slice %arg8[%dma_wait3A_353, %dma_wait3A_354, %dma_wait3A_357, %dma_wait3A_358] : memref<2x2x80x128xf32, #tpu.memory_space<vmem>> -> memref<1x1x80x128xf32, #tpu.memory_space<vmem>>
          %dma_wait3A_360 = tpu.memref_squeeze %dma_wait3A_359 : memref<1x1x80x128xf32, #tpu.memory_space<vmem>> -> memref<80x128xf32, #tpu.memory_space<vmem>>
          %dma_wait3A_361 = arith.constant 0 : i32
          %dma_wait3A_362 = tpu.memref_slice %arg7[%dma_wait3A_355, %dma_wait3A_356, %dma_wait3A_361] : memref<4x2x80xi32, #tpu.memory_space<vmem>> -> memref<1x1x80xi32, #tpu.memory_space<vmem>>
          %dma_wait3A_363 = tpu.memref_squeeze %dma_wait3A_362 : memref<1x1x80xi32, #tpu.memory_space<vmem>> -> memref<80xi32, #tpu.memory_space<vmem>>
          %dma_wait3A_364 = arith.constant 0 : i32
          %dma_wait3A_365 = arith.constant 0 : i32
          %dma_wait3A_366 = tpu.memref_slice %arg9[%dma_wait3A_364, %dma_wait3A_365] : memref<10240x128xf32, #tpu.memory_space<vmem_shared>> -> memref<10240x128xf32, #tpu.memory_space<vmem_shared>>
          tpu.wait_indirect_dma semaphore(%arg18 : memref<!tpu.dma_semaphore, #tpu.memory_space<semaphore_mem>>) src(%dma_wait3A_360 : memref<80x128xf32, #tpu.memory_space<vmem>>) dst(%dma_wait3A_366 : memref<10240x128xf32, #tpu.memory_space<vmem_shared>>)
        } else {
        }
        %dma_wait3A_216 = arith.constant 0 : i32
        %dma_wait3A_217 = arith.constant 0 : i32
        %dma_wait3A_218 = arith.constant 0 : i32
        %dma_wait3A_219 = arith.constant 0 : i32
        %dma_wait3A_220 = tpu.memref_slice %arg6[%dma_wait3A_217, %dma_wait3A_218, %dma_wait3A_219] : memref<2x2x80xi32, #tpu.memory_space<vmem>> -> memref<1x2x80xi32, #tpu.memory_space<vmem>>
        %dma_wait3A_221 = tpu.memref_squeeze %dma_wait3A_220 : memref<1x2x80xi32, #tpu.memory_space<vmem>> -> memref<2x80xi32, #tpu.memory_space<vmem>>
        %dma_wait3A_222 = arith.constant 0 : i32
        %dma_wait3A_223 = tpu.memref_slice %arg3[%dma_wait3A_216, %mul3A_4, %dma_wait3A_222] : memref<2x8000x80xi32, #tpu.memory_space<hbm>> -> memref<1x2x80xi32, #tpu.memory_space<hbm>>
        %dma_wait3A_224 = tpu.memref_squeeze %dma_wait3A_223 : memref<1x2x80xi32, #tpu.memory_space<hbm>> -> memref<2x80xi32, #tpu.memory_space<hbm>>
        %dma_wait3A_225 = arith.constant 0 : i32
        %dma_wait3A_226 = arith.constant 0 : i32
        %dma_wait3A_227 = tpu.memref_slice %arg6[%dma_wait3A_217, %dma_wait3A_225, %dma_wait3A_226] : memref<2x2x80xi32, #tpu.memory_space<vmem>> -> memref<1x2x80xi32, #tpu.memory_space<vmem>>
        %dma_wait3A_228 = tpu.memref_squeeze %dma_wait3A_227 : memref<1x2x80xi32, #tpu.memory_space<vmem>> -> memref<2x80xi32, #tpu.memory_space<vmem>>
        %dma_wait3A_229 = arith.constant 0 : i32
        %dma_wait3A_230 = tpu.memref_slice %arg3[%dma_wait3A_216, %mul3A_4, %dma_wait3A_229] : memref<2x8000x80xi32, #tpu.memory_space<hbm>> -> memref<1x2x80xi32, #tpu.memory_space<hbm>>
        %dma_wait3A_231 = tpu.memref_squeeze %dma_wait3A_230 : memref<1x2x80xi32, #tpu.memory_space<hbm>> -> memref<2x80xi32, #tpu.memory_space<hbm>>
        tpu.wait_dma2 semaphore(%arg10 : memref<!tpu.dma_semaphore, #tpu.memory_space<semaphore_mem>>) src(%dma_wait3A_231 : memref<2x80xi32, #tpu.memory_space<hbm>>) dst(%dma_wait3A_228 : memref<2x80xi32, #tpu.memory_space<vmem>>)
        %dma_wait3A_232 = arith.constant 1 : i32
        %dma_wait3A_233 = arith.constant 2 : i32
        %dma_wait3A_234 = arith.constant 0 : i32
        %dma_wait3A_235 = arith.constant 0 : i32
        %dma_wait3A_236 = tpu.memref_slice %arg7[%dma_wait3A_233, %dma_wait3A_234, %dma_wait3A_235] : memref<4x2x80xi32, #tpu.memory_space<vmem>> -> memref<1x2x80xi32, #tpu.memory_space<vmem>>
        %dma_wait3A_237 = tpu.memref_squeeze %dma_wait3A_236 : memref<1x2x80xi32, #tpu.memory_space<vmem>> -> memref<2x80xi32, #tpu.memory_space<vmem>>
        %dma_wait3A_238 = arith.constant 0 : i32
        %dma_wait3A_239 = tpu.memref_slice %arg3[%dma_wait3A_232, %mul3A_4, %dma_wait3A_238] : memref<2x8000x80xi32, #tpu.memory_space<hbm>> -> memref<1x2x80xi32, #tpu.memory_space<hbm>>
        %dma_wait3A_240 = tpu.memref_squeeze %dma_wait3A_239 : memref<1x2x80xi32, #tpu.memory_space<hbm>> -> memref<2x80xi32, #tpu.memory_space<hbm>>
        %dma_wait3A_241 = arith.constant 0 : i32
        %dma_wait3A_242 = arith.constant 0 : i32
        %dma_wait3A_243 = tpu.memref_slice %arg7[%dma_wait3A_233, %dma_wait3A_241, %dma_wait3A_242] : memref<4x2x80xi32, #tpu.memory_space<vmem>> -> memref<1x2x80xi32, #tpu.memory_space<vmem>>
        %dma_wait3A_244 = tpu.memref_squeeze %dma_wait3A_243 : memref<1x2x80xi32, #tpu.memory_space<vmem>> -> memref<2x80xi32, #tpu.memory_space<vmem>>
        %dma_wait3A_245 = arith.constant 0 : i32
        %dma_wait3A_246 = tpu.memref_slice %arg3[%dma_wait3A_232, %mul3A_4, %dma_wait3A_245] : memref<2x8000x80xi32, #tpu.memory_space<hbm>> -> memref<1x2x80xi32, #tpu.memory_space<hbm>>
        %dma_wait3A_247 = tpu.memref_squeeze %dma_wait3A_246 : memref<1x2x80xi32, #tpu.memory_space<hbm>> -> memref<2x80xi32, #tpu.memory_space<hbm>>
        tpu.wait_dma2 semaphore(%arg14 : memref<!tpu.dma_semaphore, #tpu.memory_space<semaphore_mem>>) src(%dma_wait3A_247 : memref<2x80xi32, #tpu.memory_space<hbm>>) dst(%dma_wait3A_244 : memref<2x80xi32, #tpu.memory_space<vmem>>)
        %dma_start3A_248 = arith.constant 0 : i32
        %dma_start3A_249 = arith.constant 0 : i32
        %dma_start3A_250 = arith.constant 0 : i32
        %dma_start3A_251 = arith.constant 0 : i32
        %dma_start3A_252 = arith.constant 0 : i32
        %dma_start3A_253 = arith.constant 0 : i32
        %dma_start3A_254 = tpu.memref_slice %arg8[%dma_start3A_250, %dma_start3A_251, %dma_start3A_252, %dma_start3A_253] : memref<2x2x80x128xf32, #tpu.memory_space<vmem>> -> memref<1x1x80x128xf32, #tpu.memory_space<vmem>>
        %dma_start3A_255 = tpu.memref_squeeze %dma_start3A_254 : memref<1x1x80x128xf32, #tpu.memory_space<vmem>> -> memref<80x128xf32, #tpu.memory_space<vmem>>
        %dma_start3A_256 = arith.constant 0 : i32
        %dma_start3A_257 = tpu.memref_slice %arg6[%dma_start3A_248, %dma_start3A_249, %dma_start3A_256] : memref<2x2x80xi32, #tpu.memory_space<vmem>> -> memref<1x1x80xi32, #tpu.memory_space<vmem>>
        %dma_start3A_258 = tpu.memref_squeeze %dma_start3A_257 : memref<1x1x80xi32, #tpu.memory_space<vmem>> -> memref<80xi32, #tpu.memory_space<vmem>>
        %dma_start3A_259 = arith.constant 0 : i32
        %dma_start3A_260 = arith.constant 0 : i32
        %dma_start3A_261 = tpu.memref_slice %arg2[%dma_start3A_259, %dma_start3A_260] : memref<10000x128xf32, #tpu.memory_space<hbm>> -> memref<10000x128xf32, #tpu.memory_space<hbm>>
        tpu.enqueue_indirect_dma source(%dma_start3A_261 : memref<10000x128xf32, #tpu.memory_space<hbm>>) target(%dma_start3A_255 : memref<80x128xf32, #tpu.memory_space<vmem>>) offsets(%dma_start3A_258 : memref<80xi32, #tpu.memory_space<vmem>>) semaphore(%arg16 : memref<!tpu.dma_semaphore, #tpu.memory_space<semaphore_mem>>)
        %dma_start3A_262 = arith.constant 0 : i32
        %dma_start3A_263 = arith.constant 1 : i32
        %dma_start3A_264 = arith.constant 0 : i32
        %dma_start3A_265 = arith.constant 1 : i32
        %dma_start3A_266 = arith.constant 0 : i32
        %dma_start3A_267 = arith.constant 0 : i32
        %dma_start3A_268 = tpu.memref_slice %arg8[%dma_start3A_264, %dma_start3A_265, %dma_start3A_266, %dma_start3A_267] : memref<2x2x80x128xf32, #tpu.memory_space<vmem>> -> memref<1x1x80x128xf32, #tpu.memory_space<vmem>>
        %dma_start3A_269 = tpu.memref_squeeze %dma_start3A_268 : memref<1x1x80x128xf32, #tpu.memory_space<vmem>> -> memref<80x128xf32, #tpu.memory_space<vmem>>
        %dma_start3A_270 = arith.constant 0 : i32
        %dma_start3A_271 = tpu.memref_slice %arg6[%dma_start3A_262, %dma_start3A_263, %dma_start3A_270] : memref<2x2x80xi32, #tpu.memory_space<vmem>> -> memref<1x1x80xi32, #tpu.memory_space<vmem>>
        %dma_start3A_272 = tpu.memref_squeeze %dma_start3A_271 : memref<1x1x80xi32, #tpu.memory_space<vmem>> -> memref<80xi32, #tpu.memory_space<vmem>>
        %dma_start3A_273 = arith.constant 0 : i32
        %dma_start3A_274 = arith.constant 0 : i32
        %dma_start3A_275 = tpu.memref_slice %arg2[%dma_start3A_273, %dma_start3A_274] : memref<10000x128xf32, #tpu.memory_space<hbm>> -> memref<10000x128xf32, #tpu.memory_space<hbm>>
        tpu.enqueue_indirect_dma source(%dma_start3A_275 : memref<10000x128xf32, #tpu.memory_space<hbm>>) target(%dma_start3A_269 : memref<80x128xf32, #tpu.memory_space<vmem>>) offsets(%dma_start3A_272 : memref<80xi32, #tpu.memory_space<vmem>>) semaphore(%arg16 : memref<!tpu.dma_semaphore, #tpu.memory_space<semaphore_mem>>)
        %dma_wait3A_276 = arith.constant 0 : i32
        %dma_wait3A_277 = arith.constant 0 : i32
        %dma_wait3A_278 = arith.constant 0 : i32
        %dma_wait3A_279 = arith.constant 0 : i32
        %dma_wait3A_280 = arith.constant 0 : i32
        %dma_wait3A_281 = arith.constant 0 : i32
        %dma_wait3A_282 = tpu.memref_slice %arg8[%dma_wait3A_278, %dma_wait3A_279, %dma_wait3A_280, %dma_wait3A_281] : memref<2x2x80x128xf32, #tpu.memory_space<vmem>> -> memref<1x1x80x128xf32, #tpu.memory_space<vmem>>
        %dma_wait3A_283 = tpu.memref_squeeze %dma_wait3A_282 : memref<1x1x80x128xf32, #tpu.memory_space<vmem>> -> memref<80x128xf32, #tpu.memory_space<vmem>>
        %dma_wait3A_284 = arith.constant 0 : i32
        %dma_wait3A_285 = tpu.memref_slice %arg6[%dma_wait3A_276, %dma_wait3A_277, %dma_wait3A_284] : memref<2x2x80xi32, #tpu.memory_space<vmem>> -> memref<1x1x80xi32, #tpu.memory_space<vmem>>
        %dma_wait3A_286 = tpu.memref_squeeze %dma_wait3A_285 : memref<1x1x80xi32, #tpu.memory_space<vmem>> -> memref<80xi32, #tpu.memory_space<vmem>>
        %dma_wait3A_287 = arith.constant 0 : i32
        %dma_wait3A_288 = arith.constant 0 : i32
        %dma_wait3A_289 = tpu.memref_slice %arg2[%dma_wait3A_287, %dma_wait3A_288] : memref<10000x128xf32, #tpu.memory_space<hbm>> -> memref<10000x128xf32, #tpu.memory_space<hbm>>
        tpu.wait_indirect_dma semaphore(%arg16 : memref<!tpu.dma_semaphore, #tpu.memory_space<semaphore_mem>>) src(%dma_wait3A_289 : memref<10000x128xf32, #tpu.memory_space<hbm>>) dst(%dma_wait3A_283 : memref<80x128xf32, #tpu.memory_space<vmem>>)
        %dma_wait3A_290 = arith.constant 0 : i32
        %dma_wait3A_291 = arith.constant 1 : i32
        %dma_wait3A_292 = arith.constant 0 : i32
        %dma_wait3A_293 = arith.constant 1 : i32
        %dma_wait3A_294 = arith.constant 0 : i32
        %dma_wait3A_295 = arith.constant 0 : i32
        %dma_wait3A_296 = tpu.memref_slice %arg8[%dma_wait3A_292, %dma_wait3A_293, %dma_wait3A_294, %dma_wait3A_295] : memref<2x2x80x128xf32, #tpu.memory_space<vmem>> -> memref<1x1x80x128xf32, #tpu.memory_space<vmem>>
        %dma_wait3A_297 = tpu.memref_squeeze %dma_wait3A_296 : memref<1x1x80x128xf32, #tpu.memory_space<vmem>> -> memref<80x128xf32, #tpu.memory_space<vmem>>
        %dma_wait3A_298 = arith.constant 0 : i32
        %dma_wait3A_299 = tpu.memref_slice %arg6[%dma_wait3A_290, %dma_wait3A_291, %dma_wait3A_298] : memref<2x2x80xi32, #tpu.memory_space<vmem>> -> memref<1x1x80xi32, #tpu.memory_space<vmem>>
        %dma_wait3A_300 = tpu.memref_squeeze %dma_wait3A_299 : memref<1x1x80xi32, #tpu.memory_space<vmem>> -> memref<80xi32, #tpu.memory_space<vmem>>
        %dma_wait3A_301 = arith.constant 0 : i32
        %dma_wait3A_302 = arith.constant 0 : i32
        %dma_wait3A_303 = tpu.memref_slice %arg2[%dma_wait3A_301, %dma_wait3A_302] : memref<10000x128xf32, #tpu.memory_space<hbm>> -> memref<10000x128xf32, #tpu.memory_space<hbm>>
        tpu.wait_indirect_dma semaphore(%arg16 : memref<!tpu.dma_semaphore, #tpu.memory_space<semaphore_mem>>) src(%dma_wait3A_303 : memref<10000x128xf32, #tpu.memory_space<hbm>>) dst(%dma_wait3A_297 : memref<80x128xf32, #tpu.memory_space<vmem>>)
        %add3A_304 = arith.constant 2 : i32
        %add3A_305 = arith.addi %scan3A_136, %add3A_304 : i32
        %lt3A_306 = arith.constant 125 : i32
        %lt3A_307 = arith.cmpi slt, %add3A_305, %lt3A_306 : i32
        %convert_element_type3A_308 = arith.extui %lt3A_307 : i1 to i32
        %cond3A_309 = arith.constant 0 : i32
        %cond3A_310 = arith.cmpi ne, %convert_element_type3A_308, %cond3A_309 : i32
        scf.if %cond3A_310 {
          %add3A_339 = arith.constant 2 : i32
          %add3A_340 = arith.addi %scan3A_136, %add3A_339 : i32
          %mul3A_341 = arith.constant 2 : i32
          %mul3A_342 = arith.muli %add3A_340, %mul3A_341 : i32
          %add3A_343 = arith.addi %mul3A_4, %mul3A_342 : i32
          %dma_start3A_344 = arith.constant 0 : i32
          %dma_start3A_345 = arith.constant 0 : i32
          %dma_start3A_346 = arith.constant 0 : i32
          %dma_start3A_347 = arith.constant 0 : i32
          %dma_start3A_348 = tpu.memref_slice %arg6[%dma_start3A_345, %dma_start3A_346, %dma_start3A_347] : memref<2x2x80xi32, #tpu.memory_space<vmem>> -> memref<1x2x80xi32, #tpu.memory_space<vmem>>
          %dma_start3A_349 = tpu.memref_squeeze %dma_start3A_348 : memref<1x2x80xi32, #tpu.memory_space<vmem>> -> memref<2x80xi32, #tpu.memory_space<vmem>>
          %dma_start3A_350 = arith.constant 0 : i32
          %dma_start3A_351 = tpu.memref_slice %arg3[%dma_start3A_344, %add3A_343, %dma_start3A_350] : memref<2x8000x80xi32, #tpu.memory_space<hbm>> -> memref<1x2x80xi32, #tpu.memory_space<hbm>>
          %dma_start3A_352 = tpu.memref_squeeze %dma_start3A_351 : memref<1x2x80xi32, #tpu.memory_space<hbm>> -> memref<2x80xi32, #tpu.memory_space<hbm>>
          %dma_start3A_353 = arith.constant 0 : i32
          %dma_start3A_354 = arith.constant 0 : i32
          %dma_start3A_355 = tpu.memref_slice %arg6[%dma_start3A_345, %dma_start3A_353, %dma_start3A_354] : memref<2x2x80xi32, #tpu.memory_space<vmem>> -> memref<1x2x80xi32, #tpu.memory_space<vmem>>
          %dma_start3A_356 = tpu.memref_squeeze %dma_start3A_355 : memref<1x2x80xi32, #tpu.memory_space<vmem>> -> memref<2x80xi32, #tpu.memory_space<vmem>>
          %dma_start3A_357 = arith.constant 0 : i32
          %dma_start3A_358 = tpu.memref_slice %arg3[%dma_start3A_344, %add3A_343, %dma_start3A_357] : memref<2x8000x80xi32, #tpu.memory_space<hbm>> -> memref<1x2x80xi32, #tpu.memory_space<hbm>>
          %dma_start3A_359 = tpu.memref_squeeze %dma_start3A_358 : memref<1x2x80xi32, #tpu.memory_space<hbm>> -> memref<2x80xi32, #tpu.memory_space<hbm>>
          tpu.enqueue_dma source(%dma_start3A_359 : memref<2x80xi32, #tpu.memory_space<hbm>>) target(%dma_start3A_356 : memref<2x80xi32, #tpu.memory_space<vmem>>) target_semaphore(%arg10 : memref<!tpu.dma_semaphore, #tpu.memory_space<semaphore_mem>>)
          %dma_start3A_360 = arith.constant 1 : i32
          %dma_start3A_361 = arith.constant 0 : i32
          %dma_start3A_362 = arith.constant 0 : i32
          %dma_start3A_363 = arith.constant 0 : i32
          %dma_start3A_364 = tpu.memref_slice %arg7[%dma_start3A_361, %dma_start3A_362, %dma_start3A_363] : memref<4x2x80xi32, #tpu.memory_space<vmem>> -> memref<1x2x80xi32, #tpu.memory_space<vmem>>
          %dma_start3A_365 = tpu.memref_squeeze %dma_start3A_364 : memref<1x2x80xi32, #tpu.memory_space<vmem>> -> memref<2x80xi32, #tpu.memory_space<vmem>>
          %dma_start3A_366 = arith.constant 0 : i32
          %dma_start3A_367 = tpu.memref_slice %arg3[%dma_start3A_360, %add3A_343, %dma_start3A_366] : memref<2x8000x80xi32, #tpu.memory_space<hbm>> -> memref<1x2x80xi32, #tpu.memory_space<hbm>>
          %dma_start3A_368 = tpu.memref_squeeze %dma_start3A_367 : memref<1x2x80xi32, #tpu.memory_space<hbm>> -> memref<2x80xi32, #tpu.memory_space<hbm>>
          %dma_start3A_369 = arith.constant 0 : i32
          %dma_start3A_370 = arith.constant 0 : i32
          %dma_start3A_371 = tpu.memref_slice %arg7[%dma_start3A_361, %dma_start3A_369, %dma_start3A_370] : memref<4x2x80xi32, #tpu.memory_space<vmem>> -> memref<1x2x80xi32, #tpu.memory_space<vmem>>
          %dma_start3A_372 = tpu.memref_squeeze %dma_start3A_371 : memref<1x2x80xi32, #tpu.memory_space<vmem>> -> memref<2x80xi32, #tpu.memory_space<vmem>>
          %dma_start3A_373 = arith.constant 0 : i32
          %dma_start3A_374 = tpu.memref_slice %arg3[%dma_start3A_360, %add3A_343, %dma_start3A_373] : memref<2x8000x80xi32, #tpu.memory_space<hbm>> -> memref<1x2x80xi32, #tpu.memory_space<hbm>>
          %dma_start3A_375 = tpu.memref_squeeze %dma_start3A_374 : memref<1x2x80xi32, #tpu.memory_space<hbm>> -> memref<2x80xi32, #tpu.memory_space<hbm>>
          tpu.enqueue_dma source(%dma_start3A_375 : memref<2x80xi32, #tpu.memory_space<hbm>>) target(%dma_start3A_372 : memref<2x80xi32, #tpu.memory_space<vmem>>) target_semaphore(%arg12 : memref<!tpu.dma_semaphore, #tpu.memory_space<semaphore_mem>>)
        } else {
        }
        %dma_start3A_311 = arith.constant 0 : i32
        %dma_start3A_312 = arith.constant 0 : i32
        %dma_start3A_313 = arith.constant 2 : i32
        %dma_start3A_314 = arith.constant 0 : i32
        %dma_start3A_315 = arith.constant 0 : i32
        %dma_start3A_316 = arith.constant 0 : i32
        %dma_start3A_317 = tpu.memref_slice %arg8[%dma_start3A_311, %dma_start3A_312, %dma_start3A_315, %dma_start3A_316] : memref<2x2x80x128xf32, #tpu.memory_space<vmem>> -> memref<1x1x80x128xf32, #tpu.memory_space<vmem>>
        %dma_start3A_318 = tpu.memref_squeeze %dma_start3A_317 : memref<1x1x80x128xf32, #tpu.memory_space<vmem>> -> memref<80x128xf32, #tpu.memory_space<vmem>>
        %dma_start3A_319 = arith.constant 0 : i32
        %dma_start3A_320 = tpu.memref_slice %arg7[%dma_start3A_313, %dma_start3A_314, %dma_start3A_319] : memref<4x2x80xi32, #tpu.memory_space<vmem>> -> memref<1x1x80xi32, #tpu.memory_space<vmem>>
        %dma_start3A_321 = tpu.memref_squeeze %dma_start3A_320 : memref<1x1x80xi32, #tpu.memory_space<vmem>> -> memref<80xi32, #tpu.memory_space<vmem>>
        %dma_start3A_322 = arith.constant 0 : i32
        %dma_start3A_323 = arith.constant 0 : i32
        %dma_start3A_324 = tpu.memref_slice %arg9[%dma_start3A_322, %dma_start3A_323] : memref<10240x128xf32, #tpu.memory_space<vmem_shared>> -> memref<10240x128xf32, #tpu.memory_space<vmem_shared>>
        tpu.enqueue_indirect_dma source(%dma_start3A_318 : memref<80x128xf32, #tpu.memory_space<vmem>>) target(%dma_start3A_324 : memref<10240x128xf32, #tpu.memory_space<vmem_shared>>) offsets(%dma_start3A_321 : memref<80xi32, #tpu.memory_space<vmem>>) semaphore(%arg20 : memref<!tpu.dma_semaphore, #tpu.memory_space<semaphore_mem>>) {add = true}
        %dma_start3A_325 = arith.constant 0 : i32
        %dma_start3A_326 = arith.constant 1 : i32
        %dma_start3A_327 = arith.constant 2 : i32
        %dma_start3A_328 = arith.constant 1 : i32
        %dma_start3A_329 = arith.constant 0 : i32
        %dma_start3A_330 = arith.constant 0 : i32
        %dma_start3A_331 = tpu.memref_slice %arg8[%dma_start3A_325, %dma_start3A_326, %dma_start3A_329, %dma_start3A_330] : memref<2x2x80x128xf32, #tpu.memory_space<vmem>> -> memref<1x1x80x128xf32, #tpu.memory_space<vmem>>
        %dma_start3A_332 = tpu.memref_squeeze %dma_start3A_331 : memref<1x1x80x128xf32, #tpu.memory_space<vmem>> -> memref<80x128xf32, #tpu.memory_space<vmem>>
        %dma_start3A_333 = arith.constant 0 : i32
        %dma_start3A_334 = tpu.memref_slice %arg7[%dma_start3A_327, %dma_start3A_328, %dma_start3A_333] : memref<4x2x80xi32, #tpu.memory_space<vmem>> -> memref<1x1x80xi32, #tpu.memory_space<vmem>>
        %dma_start3A_335 = tpu.memref_squeeze %dma_start3A_334 : memref<1x1x80xi32, #tpu.memory_space<vmem>> -> memref<80xi32, #tpu.memory_space<vmem>>
        %dma_start3A_336 = arith.constant 0 : i32
        %dma_start3A_337 = arith.constant 0 : i32
        %dma_start3A_338 = tpu.memref_slice %arg9[%dma_start3A_336, %dma_start3A_337] : memref<10240x128xf32, #tpu.memory_space<vmem_shared>> -> memref<10240x128xf32, #tpu.memory_space<vmem_shared>>
        tpu.enqueue_indirect_dma source(%dma_start3A_332 : memref<80x128xf32, #tpu.memory_space<vmem>>) target(%dma_start3A_338 : memref<10240x128xf32, #tpu.memory_space<vmem_shared>>) offsets(%dma_start3A_335 : memref<80xi32, #tpu.memory_space<vmem>>) semaphore(%arg20 : memref<!tpu.dma_semaphore, #tpu.memory_space<semaphore_mem>>) {add = true}
      } else {
      }
      %jit3A_191 = arith.constant 4 : i32
      %eq3A_192 = arith.constant 0 : i32
      %eq3A_193 = arith.cmpi eq, %jit3A_191, %eq3A_192 : i32
      %jit3A_194 = arith.constant 1 : i32
      %select_n3A_195 = arith.select %eq3A_193, %jit3A_194, %jit3A_191 : i32
      %rem3A_196 = arith.remsi %scan3A_136, %select_n3A_195 : i32
      %ne3A_197 = arith.constant 0 : i32
      %ne3A_198 = arith.cmpi ne, %rem3A_196, %ne3A_197 : i32
      %lt3A_199 = arith.constant 0 : i32
      %lt3A_200 = arith.cmpi slt, %rem3A_196, %lt3A_199 : i32
      %lt3A_201 = arith.constant 0 : i32
      %lt3A_202 = arith.cmpi slt, %select_n3A_195, %lt3A_201 : i32
      %ne3A_203 = arith.xori %lt3A_200, %lt3A_202 : i1
      %and3A_204 = arith.andi %ne3A_203, %ne3A_198 : i1
      %add3A_205 = arith.addi %rem3A_196, %select_n3A_195 : i32
      %select_n3A_206 = arith.select %and3A_204, %add3A_205, %rem3A_196 : i32
      %eq3A_207 = arith.constant 3 : i32
      %eq3A_208 = arith.cmpi eq, %select_n3A_206, %eq3A_207 : i32
      %convert_element_type3A_209 = arith.extui %eq3A_208 : i1 to i32
      %cond3A_210 = arith.constant 0 : i32
      %cond3A_211 = arith.cmpi ne, %convert_element_type3A_209, %cond3A_210 : i32
      scf.if %cond3A_211 {
        %ge3A = arith.constant 2 : i32
        %ge3A_212 = arith.cmpi sge, %scan3A_136, %ge3A : i32
        %convert_element_type3A_213 = arith.extui %ge3A_212 : i1 to i32
        %cond3A_214 = arith.constant 0 : i32
        %cond3A_215 = arith.cmpi ne, %convert_element_type3A_213, %cond3A_214 : i32
        scf.if %cond3A_215 {
          %dma_wait3A_339 = arith.constant 1 : i32
          %dma_wait3A_340 = arith.constant 0 : i32
          %dma_wait3A_341 = arith.constant 1 : i32
          %dma_wait3A_342 = arith.constant 0 : i32
          %dma_wait3A_343 = arith.constant 0 : i32
          %dma_wait3A_344 = arith.constant 0 : i32
          %dma_wait3A_345 = tpu.memref_slice %arg8[%dma_wait3A_339, %dma_wait3A_340, %dma_wait3A_343, %dma_wait3A_344] : memref<2x2x80x128xf32, #tpu.memory_space<vmem>> -> memref<1x1x80x128xf32, #tpu.memory_space<vmem>>
          %dma_wait3A_346 = tpu.memref_squeeze %dma_wait3A_345 : memref<1x1x80x128xf32, #tpu.memory_space<vmem>> -> memref<80x128xf32, #tpu.memory_space<vmem>>
          %dma_wait3A_347 = arith.constant 0 : i32
          %dma_wait3A_348 = tpu.memref_slice %arg7[%dma_wait3A_341, %dma_wait3A_342, %dma_wait3A_347] : memref<4x2x80xi32, #tpu.memory_space<vmem>> -> memref<1x1x80xi32, #tpu.memory_space<vmem>>
          %dma_wait3A_349 = tpu.memref_squeeze %dma_wait3A_348 : memref<1x1x80xi32, #tpu.memory_space<vmem>> -> memref<80xi32, #tpu.memory_space<vmem>>
          %dma_wait3A_350 = arith.constant 0 : i32
          %dma_wait3A_351 = arith.constant 0 : i32
          %dma_wait3A_352 = tpu.memref_slice %arg9[%dma_wait3A_350, %dma_wait3A_351] : memref<10240x128xf32, #tpu.memory_space<vmem_shared>> -> memref<10240x128xf32, #tpu.memory_space<vmem_shared>>
          tpu.wait_indirect_dma semaphore(%arg19 : memref<!tpu.dma_semaphore, #tpu.memory_space<semaphore_mem>>) src(%dma_wait3A_346 : memref<80x128xf32, #tpu.memory_space<vmem>>) dst(%dma_wait3A_352 : memref<10240x128xf32, #tpu.memory_space<vmem_shared>>)
          %dma_wait3A_353 = arith.constant 1 : i32
          %dma_wait3A_354 = arith.constant 1 : i32
          %dma_wait3A_355 = arith.constant 1 : i32
          %dma_wait3A_356 = arith.constant 1 : i32
          %dma_wait3A_357 = arith.constant 0 : i32
          %dma_wait3A_358 = arith.constant 0 : i32
          %dma_wait3A_359 = tpu.memref_slice %arg8[%dma_wait3A_353, %dma_wait3A_354, %dma_wait3A_357, %dma_wait3A_358] : memref<2x2x80x128xf32, #tpu.memory_space<vmem>> -> memref<1x1x80x128xf32, #tpu.memory_space<vmem>>
          %dma_wait3A_360 = tpu.memref_squeeze %dma_wait3A_359 : memref<1x1x80x128xf32, #tpu.memory_space<vmem>> -> memref<80x128xf32, #tpu.memory_space<vmem>>
          %dma_wait3A_361 = arith.constant 0 : i32
          %dma_wait3A_362 = tpu.memref_slice %arg7[%dma_wait3A_355, %dma_wait3A_356, %dma_wait3A_361] : memref<4x2x80xi32, #tpu.memory_space<vmem>> -> memref<1x1x80xi32, #tpu.memory_space<vmem>>
          %dma_wait3A_363 = tpu.memref_squeeze %dma_wait3A_362 : memref<1x1x80xi32, #tpu.memory_space<vmem>> -> memref<80xi32, #tpu.memory_space<vmem>>
          %dma_wait3A_364 = arith.constant 0 : i32
          %dma_wait3A_365 = arith.constant 0 : i32
          %dma_wait3A_366 = tpu.memref_slice %arg9[%dma_wait3A_364, %dma_wait3A_365] : memref<10240x128xf32, #tpu.memory_space<vmem_shared>> -> memref<10240x128xf32, #tpu.memory_space<vmem_shared>>
          tpu.wait_indirect_dma semaphore(%arg19 : memref<!tpu.dma_semaphore, #tpu.memory_space<semaphore_mem>>) src(%dma_wait3A_360 : memref<80x128xf32, #tpu.memory_space<vmem>>) dst(%dma_wait3A_366 : memref<10240x128xf32, #tpu.memory_space<vmem_shared>>)
        } else {
        }
        %dma_wait3A_216 = arith.constant 0 : i32
        %dma_wait3A_217 = arith.constant 1 : i32
        %dma_wait3A_218 = arith.constant 0 : i32
        %dma_wait3A_219 = arith.constant 0 : i32
        %dma_wait3A_220 = tpu.memref_slice %arg6[%dma_wait3A_217, %dma_wait3A_218, %dma_wait3A_219] : memref<2x2x80xi32, #tpu.memory_space<vmem>> -> memref<1x2x80xi32, #tpu.memory_space<vmem>>
        %dma_wait3A_221 = tpu.memref_squeeze %dma_wait3A_220 : memref<1x2x80xi32, #tpu.memory_space<vmem>> -> memref<2x80xi32, #tpu.memory_space<vmem>>
        %dma_wait3A_222 = arith.constant 0 : i32
        %dma_wait3A_223 = tpu.memref_slice %arg3[%dma_wait3A_216, %mul3A_4, %dma_wait3A_222] : memref<2x8000x80xi32, #tpu.memory_space<hbm>> -> memref<1x2x80xi32, #tpu.memory_space<hbm>>
        %dma_wait3A_224 = tpu.memref_squeeze %dma_wait3A_223 : memref<1x2x80xi32, #tpu.memory_space<hbm>> -> memref<2x80xi32, #tpu.memory_space<hbm>>
        %dma_wait3A_225 = arith.constant 0 : i32
        %dma_wait3A_226 = arith.constant 0 : i32
        %dma_wait3A_227 = tpu.memref_slice %arg6[%dma_wait3A_217, %dma_wait3A_225, %dma_wait3A_226] : memref<2x2x80xi32, #tpu.memory_space<vmem>> -> memref<1x2x80xi32, #tpu.memory_space<vmem>>
        %dma_wait3A_228 = tpu.memref_squeeze %dma_wait3A_227 : memref<1x2x80xi32, #tpu.memory_space<vmem>> -> memref<2x80xi32, #tpu.memory_space<vmem>>
        %dma_wait3A_229 = arith.constant 0 : i32
        %dma_wait3A_230 = tpu.memref_slice %arg3[%dma_wait3A_216, %mul3A_4, %dma_wait3A_229] : memref<2x8000x80xi32, #tpu.memory_space<hbm>> -> memref<1x2x80xi32, #tpu.memory_space<hbm>>
        %dma_wait3A_231 = tpu.memref_squeeze %dma_wait3A_230 : memref<1x2x80xi32, #tpu.memory_space<hbm>> -> memref<2x80xi32, #tpu.memory_space<hbm>>
        tpu.wait_dma2 semaphore(%arg11 : memref<!tpu.dma_semaphore, #tpu.memory_space<semaphore_mem>>) src(%dma_wait3A_231 : memref<2x80xi32, #tpu.memory_space<hbm>>) dst(%dma_wait3A_228 : memref<2x80xi32, #tpu.memory_space<vmem>>)
        %dma_wait3A_232 = arith.constant 1 : i32
        %dma_wait3A_233 = arith.constant 3 : i32
        %dma_wait3A_234 = arith.constant 0 : i32
        %dma_wait3A_235 = arith.constant 0 : i32
        %dma_wait3A_236 = tpu.memref_slice %arg7[%dma_wait3A_233, %dma_wait3A_234, %dma_wait3A_235] : memref<4x2x80xi32, #tpu.memory_space<vmem>> -> memref<1x2x80xi32, #tpu.memory_space<vmem>>
        %dma_wait3A_237 = tpu.memref_squeeze %dma_wait3A_236 : memref<1x2x80xi32, #tpu.memory_space<vmem>> -> memref<2x80xi32, #tpu.memory_space<vmem>>
        %dma_wait3A_238 = arith.constant 0 : i32
        %dma_wait3A_239 = tpu.memref_slice %arg3[%dma_wait3A_232, %mul3A_4, %dma_wait3A_238] : memref<2x8000x80xi32, #tpu.memory_space<hbm>> -> memref<1x2x80xi32, #tpu.memory_space<hbm>>
        %dma_wait3A_240 = tpu.memref_squeeze %dma_wait3A_239 : memref<1x2x80xi32, #tpu.memory_space<hbm>> -> memref<2x80xi32, #tpu.memory_space<hbm>>
        %dma_wait3A_241 = arith.constant 0 : i32
        %dma_wait3A_242 = arith.constant 0 : i32
        %dma_wait3A_243 = tpu.memref_slice %arg7[%dma_wait3A_233, %dma_wait3A_241, %dma_wait3A_242] : memref<4x2x80xi32, #tpu.memory_space<vmem>> -> memref<1x2x80xi32, #tpu.memory_space<vmem>>
        %dma_wait3A_244 = tpu.memref_squeeze %dma_wait3A_243 : memref<1x2x80xi32, #tpu.memory_space<vmem>> -> memref<2x80xi32, #tpu.memory_space<vmem>>
        %dma_wait3A_245 = arith.constant 0 : i32
        %dma_wait3A_246 = tpu.memref_slice %arg3[%dma_wait3A_232, %mul3A_4, %dma_wait3A_245] : memref<2x8000x80xi32, #tpu.memory_space<hbm>> -> memref<1x2x80xi32, #tpu.memory_space<hbm>>
        %dma_wait3A_247 = tpu.memref_squeeze %dma_wait3A_246 : memref<1x2x80xi32, #tpu.memory_space<hbm>> -> memref<2x80xi32, #tpu.memory_space<hbm>>
        tpu.wait_dma2 semaphore(%arg15 : memref<!tpu.dma_semaphore, #tpu.memory_space<semaphore_mem>>) src(%dma_wait3A_247 : memref<2x80xi32, #tpu.memory_space<hbm>>) dst(%dma_wait3A_244 : memref<2x80xi32, #tpu.memory_space<vmem>>)
        %dma_start3A_248 = arith.constant 1 : i32
        %dma_start3A_249 = arith.constant 0 : i32
        %dma_start3A_250 = arith.constant 1 : i32
        %dma_start3A_251 = arith.constant 0 : i32
        %dma_start3A_252 = arith.constant 0 : i32
        %dma_start3A_253 = arith.constant 0 : i32
        %dma_start3A_254 = tpu.memref_slice %arg8[%dma_start3A_250, %dma_start3A_251, %dma_start3A_252, %dma_start3A_253] : memref<2x2x80x128xf32, #tpu.memory_space<vmem>> -> memref<1x1x80x128xf32, #tpu.memory_space<vmem>>
        %dma_start3A_255 = tpu.memref_squeeze %dma_start3A_254 : memref<1x1x80x128xf32, #tpu.memory_space<vmem>> -> memref<80x128xf32, #tpu.memory_space<vmem>>
        %dma_start3A_256 = arith.constant 0 : i32
        %dma_start3A_257 = tpu.memref_slice %arg6[%dma_start3A_248, %dma_start3A_249, %dma_start3A_256] : memref<2x2x80xi32, #tpu.memory_space<vmem>> -> memref<1x1x80xi32, #tpu.memory_space<vmem>>
        %dma_start3A_258 = tpu.memref_squeeze %dma_start3A_257 : memref<1x1x80xi32, #tpu.memory_space<vmem>> -> memref<80xi32, #tpu.memory_space<vmem>>
        %dma_start3A_259 = arith.constant 0 : i32
        %dma_start3A_260 = arith.constant 0 : i32
        %dma_start3A_261 = tpu.memref_slice %arg2[%dma_start3A_259, %dma_start3A_260] : memref<10000x128xf32, #tpu.memory_space<hbm>> -> memref<10000x128xf32, #tpu.memory_space<hbm>>
        tpu.enqueue_indirect_dma source(%dma_start3A_261 : memref<10000x128xf32, #tpu.memory_space<hbm>>) target(%dma_start3A_255 : memref<80x128xf32, #tpu.memory_space<vmem>>) offsets(%dma_start3A_258 : memref<80xi32, #tpu.memory_space<vmem>>) semaphore(%arg17 : memref<!tpu.dma_semaphore, #tpu.memory_space<semaphore_mem>>)
        %dma_start3A_262 = arith.constant 1 : i32
        %dma_start3A_263 = arith.constant 1 : i32
        %dma_start3A_264 = arith.constant 1 : i32
        %dma_start3A_265 = arith.constant 1 : i32
        %dma_start3A_266 = arith.constant 0 : i32
        %dma_start3A_267 = arith.constant 0 : i32
        %dma_start3A_268 = tpu.memref_slice %arg8[%dma_start3A_264, %dma_start3A_265, %dma_start3A_266, %dma_start3A_267] : memref<2x2x80x128xf32, #tpu.memory_space<vmem>> -> memref<1x1x80x128xf32, #tpu.memory_space<vmem>>
        %dma_start3A_269 = tpu.memref_squeeze %dma_start3A_268 : memref<1x1x80x128xf32, #tpu.memory_space<vmem>> -> memref<80x128xf32, #tpu.memory_space<vmem>>
        %dma_start3A_270 = arith.constant 0 : i32
        %dma_start3A_271 = tpu.memref_slice %arg6[%dma_start3A_262, %dma_start3A_263, %dma_start3A_270] : memref<2x2x80xi32, #tpu.memory_space<vmem>> -> memref<1x1x80xi32, #tpu.memory_space<vmem>>
        %dma_start3A_272 = tpu.memref_squeeze %dma_start3A_271 : memref<1x1x80xi32, #tpu.memory_space<vmem>> -> memref<80xi32, #tpu.memory_space<vmem>>
        %dma_start3A_273 = arith.constant 0 : i32
        %dma_start3A_274 = arith.constant 0 : i32
        %dma_start3A_275 = tpu.memref_slice %arg2[%dma_start3A_273, %dma_start3A_274] : memref<10000x128xf32, #tpu.memory_space<hbm>> -> memref<10000x128xf32, #tpu.memory_space<hbm>>
        tpu.enqueue_indirect_dma source(%dma_start3A_275 : memref<10000x128xf32, #tpu.memory_space<hbm>>) target(%dma_start3A_269 : memref<80x128xf32, #tpu.memory_space<vmem>>) offsets(%dma_start3A_272 : memref<80xi32, #tpu.memory_space<vmem>>) semaphore(%arg17 : memref<!tpu.dma_semaphore, #tpu.memory_space<semaphore_mem>>)
        %dma_wait3A_276 = arith.constant 1 : i32
        %dma_wait3A_277 = arith.constant 0 : i32
        %dma_wait3A_278 = arith.constant 1 : i32
        %dma_wait3A_279 = arith.constant 0 : i32
        %dma_wait3A_280 = arith.constant 0 : i32
        %dma_wait3A_281 = arith.constant 0 : i32
        %dma_wait3A_282 = tpu.memref_slice %arg8[%dma_wait3A_278, %dma_wait3A_279, %dma_wait3A_280, %dma_wait3A_281] : memref<2x2x80x128xf32, #tpu.memory_space<vmem>> -> memref<1x1x80x128xf32, #tpu.memory_space<vmem>>
        %dma_wait3A_283 = tpu.memref_squeeze %dma_wait3A_282 : memref<1x1x80x128xf32, #tpu.memory_space<vmem>> -> memref<80x128xf32, #tpu.memory_space<vmem>>
        %dma_wait3A_284 = arith.constant 0 : i32
        %dma_wait3A_285 = tpu.memref_slice %arg6[%dma_wait3A_276, %dma_wait3A_277, %dma_wait3A_284] : memref<2x2x80xi32, #tpu.memory_space<vmem>> -> memref<1x1x80xi32, #tpu.memory_space<vmem>>
        %dma_wait3A_286 = tpu.memref_squeeze %dma_wait3A_285 : memref<1x1x80xi32, #tpu.memory_space<vmem>> -> memref<80xi32, #tpu.memory_space<vmem>>
        %dma_wait3A_287 = arith.constant 0 : i32
        %dma_wait3A_288 = arith.constant 0 : i32
        %dma_wait3A_289 = tpu.memref_slice %arg2[%dma_wait3A_287, %dma_wait3A_288] : memref<10000x128xf32, #tpu.memory_space<hbm>> -> memref<10000x128xf32, #tpu.memory_space<hbm>>
        tpu.wait_indirect_dma semaphore(%arg17 : memref<!tpu.dma_semaphore, #tpu.memory_space<semaphore_mem>>) src(%dma_wait3A_289 : memref<10000x128xf32, #tpu.memory_space<hbm>>) dst(%dma_wait3A_283 : memref<80x128xf32, #tpu.memory_space<vmem>>)
        %dma_wait3A_290 = arith.constant 1 : i32
        %dma_wait3A_291 = arith.constant 1 : i32
        %dma_wait3A_292 = arith.constant 1 : i32
        %dma_wait3A_293 = arith.constant 1 : i32
        %dma_wait3A_294 = arith.constant 0 : i32
        %dma_wait3A_295 = arith.constant 0 : i32
        %dma_wait3A_296 = tpu.memref_slice %arg8[%dma_wait3A_292, %dma_wait3A_293, %dma_wait3A_294, %dma_wait3A_295] : memref<2x2x80x128xf32, #tpu.memory_space<vmem>> -> memref<1x1x80x128xf32, #tpu.memory_space<vmem>>
        %dma_wait3A_297 = tpu.memref_squeeze %dma_wait3A_296 : memref<1x1x80x128xf32, #tpu.memory_space<vmem>> -> memref<80x128xf32, #tpu.memory_space<vmem>>
        %dma_wait3A_298 = arith.constant 0 : i32
        %dma_wait3A_299 = tpu.memref_slice %arg6[%dma_wait3A_290, %dma_wait3A_291, %dma_wait3A_298] : memref<2x2x80xi32, #tpu.memory_space<vmem>> -> memref<1x1x80xi32, #tpu.memory_space<vmem>>
        %dma_wait3A_300 = tpu.memref_squeeze %dma_wait3A_299 : memref<1x1x80xi32, #tpu.memory_space<vmem>> -> memref<80xi32, #tpu.memory_space<vmem>>
        %dma_wait3A_301 = arith.constant 0 : i32
        %dma_wait3A_302 = arith.constant 0 : i32
        %dma_wait3A_303 = tpu.memref_slice %arg2[%dma_wait3A_301, %dma_wait3A_302] : memref<10000x128xf32, #tpu.memory_space<hbm>> -> memref<10000x128xf32, #tpu.memory_space<hbm>>
        tpu.wait_indirect_dma semaphore(%arg17 : memref<!tpu.dma_semaphore, #tpu.memory_space<semaphore_mem>>) src(%dma_wait3A_303 : memref<10000x128xf32, #tpu.memory_space<hbm>>) dst(%dma_wait3A_297 : memref<80x128xf32, #tpu.memory_space<vmem>>)
        %add3A_304 = arith.constant 2 : i32
        %add3A_305 = arith.addi %scan3A_136, %add3A_304 : i32
        %lt3A_306 = arith.constant 125 : i32
        %lt3A_307 = arith.cmpi slt, %add3A_305, %lt3A_306 : i32
        %convert_element_type3A_308 = arith.extui %lt3A_307 : i1 to i32
        %cond3A_309 = arith.constant 0 : i32
        %cond3A_310 = arith.cmpi ne, %convert_element_type3A_308, %cond3A_309 : i32
        scf.if %cond3A_310 {
          %add3A_339 = arith.constant 2 : i32
          %add3A_340 = arith.addi %scan3A_136, %add3A_339 : i32
          %mul3A_341 = arith.constant 2 : i32
          %mul3A_342 = arith.muli %add3A_340, %mul3A_341 : i32
          %add3A_343 = arith.addi %mul3A_4, %mul3A_342 : i32
          %dma_start3A_344 = arith.constant 0 : i32
          %dma_start3A_345 = arith.constant 1 : i32
          %dma_start3A_346 = arith.constant 0 : i32
          %dma_start3A_347 = arith.constant 0 : i32
          %dma_start3A_348 = tpu.memref_slice %arg6[%dma_start3A_345, %dma_start3A_346, %dma_start3A_347] : memref<2x2x80xi32, #tpu.memory_space<vmem>> -> memref<1x2x80xi32, #tpu.memory_space<vmem>>
          %dma_start3A_349 = tpu.memref_squeeze %dma_start3A_348 : memref<1x2x80xi32, #tpu.memory_space<vmem>> -> memref<2x80xi32, #tpu.memory_space<vmem>>
          %dma_start3A_350 = arith.constant 0 : i32
          %dma_start3A_351 = tpu.memref_slice %arg3[%dma_start3A_344, %add3A_343, %dma_start3A_350] : memref<2x8000x80xi32, #tpu.memory_space<hbm>> -> memref<1x2x80xi32, #tpu.memory_space<hbm>>
          %dma_start3A_352 = tpu.memref_squeeze %dma_start3A_351 : memref<1x2x80xi32, #tpu.memory_space<hbm>> -> memref<2x80xi32, #tpu.memory_space<hbm>>
          %dma_start3A_353 = arith.constant 0 : i32
          %dma_start3A_354 = arith.constant 0 : i32
          %dma_start3A_355 = tpu.memref_slice %arg6[%dma_start3A_345, %dma_start3A_353, %dma_start3A_354] : memref<2x2x80xi32, #tpu.memory_space<vmem>> -> memref<1x2x80xi32, #tpu.memory_space<vmem>>
          %dma_start3A_356 = tpu.memref_squeeze %dma_start3A_355 : memref<1x2x80xi32, #tpu.memory_space<vmem>> -> memref<2x80xi32, #tpu.memory_space<vmem>>
          %dma_start3A_357 = arith.constant 0 : i32
          %dma_start3A_358 = tpu.memref_slice %arg3[%dma_start3A_344, %add3A_343, %dma_start3A_357] : memref<2x8000x80xi32, #tpu.memory_space<hbm>> -> memref<1x2x80xi32, #tpu.memory_space<hbm>>
          %dma_start3A_359 = tpu.memref_squeeze %dma_start3A_358 : memref<1x2x80xi32, #tpu.memory_space<hbm>> -> memref<2x80xi32, #tpu.memory_space<hbm>>
          tpu.enqueue_dma source(%dma_start3A_359 : memref<2x80xi32, #tpu.memory_space<hbm>>) target(%dma_start3A_356 : memref<2x80xi32, #tpu.memory_space<vmem>>) target_semaphore(%arg11 : memref<!tpu.dma_semaphore, #tpu.memory_space<semaphore_mem>>)
          %dma_start3A_360 = arith.constant 1 : i32
          %dma_start3A_361 = arith.constant 1 : i32
          %dma_start3A_362 = arith.constant 0 : i32
          %dma_start3A_363 = arith.constant 0 : i32
          %dma_start3A_364 = tpu.memref_slice %arg7[%dma_start3A_361, %dma_start3A_362, %dma_start3A_363] : memref<4x2x80xi32, #tpu.memory_space<vmem>> -> memref<1x2x80xi32, #tpu.memory_space<vmem>>
          %dma_start3A_365 = tpu.memref_squeeze %dma_start3A_364 : memref<1x2x80xi32, #tpu.memory_space<vmem>> -> memref<2x80xi32, #tpu.memory_space<vmem>>
          %dma_start3A_366 = arith.constant 0 : i32
          %dma_start3A_367 = tpu.memref_slice %arg3[%dma_start3A_360, %add3A_343, %dma_start3A_366] : memref<2x8000x80xi32, #tpu.memory_space<hbm>> -> memref<1x2x80xi32, #tpu.memory_space<hbm>>
          %dma_start3A_368 = tpu.memref_squeeze %dma_start3A_367 : memref<1x2x80xi32, #tpu.memory_space<hbm>> -> memref<2x80xi32, #tpu.memory_space<hbm>>
          %dma_start3A_369 = arith.constant 0 : i32
          %dma_start3A_370 = arith.constant 0 : i32
          %dma_start3A_371 = tpu.memref_slice %arg7[%dma_start3A_361, %dma_start3A_369, %dma_start3A_370] : memref<4x2x80xi32, #tpu.memory_space<vmem>> -> memref<1x2x80xi32, #tpu.memory_space<vmem>>
          %dma_start3A_372 = tpu.memref_squeeze %dma_start3A_371 : memref<1x2x80xi32, #tpu.memory_space<vmem>> -> memref<2x80xi32, #tpu.memory_space<vmem>>
          %dma_start3A_373 = arith.constant 0 : i32
          %dma_start3A_374 = tpu.memref_slice %arg3[%dma_start3A_360, %add3A_343, %dma_start3A_373] : memref<2x8000x80xi32, #tpu.memory_space<hbm>> -> memref<1x2x80xi32, #tpu.memory_space<hbm>>
          %dma_start3A_375 = tpu.memref_squeeze %dma_start3A_374 : memref<1x2x80xi32, #tpu.memory_space<hbm>> -> memref<2x80xi32, #tpu.memory_space<hbm>>
          tpu.enqueue_dma source(%dma_start3A_375 : memref<2x80xi32, #tpu.memory_space<hbm>>) target(%dma_start3A_372 : memref<2x80xi32, #tpu.memory_space<vmem>>) target_semaphore(%arg13 : memref<!tpu.dma_semaphore, #tpu.memory_space<semaphore_mem>>)
        } else {
        }
        %dma_start3A_311 = arith.constant 1 : i32
        %dma_start3A_312 = arith.constant 0 : i32
        %dma_start3A_313 = arith.constant 3 : i32
        %dma_start3A_314 = arith.constant 0 : i32
        %dma_start3A_315 = arith.constant 0 : i32
        %dma_start3A_316 = arith.constant 0 : i32
        %dma_start3A_317 = tpu.memref_slice %arg8[%dma_start3A_311, %dma_start3A_312, %dma_start3A_315, %dma_start3A_316] : memref<2x2x80x128xf32, #tpu.memory_space<vmem>> -> memref<1x1x80x128xf32, #tpu.memory_space<vmem>>
        %dma_start3A_318 = tpu.memref_squeeze %dma_start3A_317 : memref<1x1x80x128xf32, #tpu.memory_space<vmem>> -> memref<80x128xf32, #tpu.memory_space<vmem>>
        %dma_start3A_319 = arith.constant 0 : i32
        %dma_start3A_320 = tpu.memref_slice %arg7[%dma_start3A_313, %dma_start3A_314, %dma_start3A_319] : memref<4x2x80xi32, #tpu.memory_space<vmem>> -> memref<1x1x80xi32, #tpu.memory_space<vmem>>
        %dma_start3A_321 = tpu.memref_squeeze %dma_start3A_320 : memref<1x1x80xi32, #tpu.memory_space<vmem>> -> memref<80xi32, #tpu.memory_space<vmem>>
        %dma_start3A_322 = arith.constant 0 : i32
        %dma_start3A_323 = arith.constant 0 : i32
        %dma_start3A_324 = tpu.memref_slice %arg9[%dma_start3A_322, %dma_start3A_323] : memref<10240x128xf32, #tpu.memory_space<vmem_shared>> -> memref<10240x128xf32, #tpu.memory_space<vmem_shared>>
        tpu.enqueue_indirect_dma source(%dma_start3A_318 : memref<80x128xf32, #tpu.memory_space<vmem>>) target(%dma_start3A_324 : memref<10240x128xf32, #tpu.memory_space<vmem_shared>>) offsets(%dma_start3A_321 : memref<80xi32, #tpu.memory_space<vmem>>) semaphore(%arg21 : memref<!tpu.dma_semaphore, #tpu.memory_space<semaphore_mem>>) {add = true}
        %dma_start3A_325 = arith.constant 1 : i32
        %dma_start3A_326 = arith.constant 1 : i32
        %dma_start3A_327 = arith.constant 3 : i32
        %dma_start3A_328 = arith.constant 1 : i32
        %dma_start3A_329 = arith.constant 0 : i32
        %dma_start3A_330 = arith.constant 0 : i32
        %dma_start3A_331 = tpu.memref_slice %arg8[%dma_start3A_325, %dma_start3A_326, %dma_start3A_329, %dma_start3A_330] : memref<2x2x80x128xf32, #tpu.memory_space<vmem>> -> memref<1x1x80x128xf32, #tpu.memory_space<vmem>>
        %dma_start3A_332 = tpu.memref_squeeze %dma_start3A_331 : memref<1x1x80x128xf32, #tpu.memory_space<vmem>> -> memref<80x128xf32, #tpu.memory_space<vmem>>
        %dma_start3A_333 = arith.constant 0 : i32
        %dma_start3A_334 = tpu.memref_slice %arg7[%dma_start3A_327, %dma_start3A_328, %dma_start3A_333] : memref<4x2x80xi32, #tpu.memory_space<vmem>> -> memref<1x1x80xi32, #tpu.memory_space<vmem>>
        %dma_start3A_335 = tpu.memref_squeeze %dma_start3A_334 : memref<1x1x80xi32, #tpu.memory_space<vmem>> -> memref<80xi32, #tpu.memory_space<vmem>>
        %dma_start3A_336 = arith.constant 0 : i32
        %dma_start3A_337 = arith.constant 0 : i32
        %dma_start3A_338 = tpu.memref_slice %arg9[%dma_start3A_336, %dma_start3A_337] : memref<10240x128xf32, #tpu.memory_space<vmem_shared>> -> memref<10240x128xf32, #tpu.memory_space<vmem_shared>>
        tpu.enqueue_indirect_dma source(%dma_start3A_332 : memref<80x128xf32, #tpu.memory_space<vmem>>) target(%dma_start3A_338 : memref<10240x128xf32, #tpu.memory_space<vmem_shared>>) offsets(%dma_start3A_335 : memref<80xi32, #tpu.memory_space<vmem>>) semaphore(%arg21 : memref<!tpu.dma_semaphore, #tpu.memory_space<semaphore_mem>>) {add = true}
      } else {
      }
    }
    %scan3A_76 = arith.constant 125 : i32
    %dma_wait3A = arith.constant 1 : i32
    %dma_wait3A_77 = arith.constant 0 : i32
    %dma_wait3A_78 = arith.constant 3 : i32
    %dma_wait3A_79 = arith.constant 0 : i32
    %dma_wait3A_80 = arith.constant 0 : i32
    %dma_wait3A_81 = arith.constant 0 : i32
    %dma_wait3A_82 = tpu.memref_slice %arg8[%dma_wait3A, %dma_wait3A_77, %dma_wait3A_80, %dma_wait3A_81] : memref<2x2x80x128xf32, #tpu.memory_space<vmem>> -> memref<1x1x80x128xf32, #tpu.memory_space<vmem>>
    %dma_wait3A_83 = tpu.memref_squeeze %dma_wait3A_82 : memref<1x1x80x128xf32, #tpu.memory_space<vmem>> -> memref<80x128xf32, #tpu.memory_space<vmem>>
    %dma_wait3A_84 = arith.constant 0 : i32
    %dma_wait3A_85 = tpu.memref_slice %arg7[%dma_wait3A_78, %dma_wait3A_79, %dma_wait3A_84] : memref<4x2x80xi32, #tpu.memory_space<vmem>> -> memref<1x1x80xi32, #tpu.memory_space<vmem>>
    %dma_wait3A_86 = tpu.memref_squeeze %dma_wait3A_85 : memref<1x1x80xi32, #tpu.memory_space<vmem>> -> memref<80xi32, #tpu.memory_space<vmem>>
    %dma_wait3A_87 = arith.constant 0 : i32
    %dma_wait3A_88 = arith.constant 0 : i32
    %dma_wait3A_89 = tpu.memref_slice %arg9[%dma_wait3A_87, %dma_wait3A_88] : memref<10240x128xf32, #tpu.memory_space<vmem_shared>> -> memref<10240x128xf32, #tpu.memory_space<vmem_shared>>
    tpu.wait_indirect_dma semaphore(%arg21 : memref<!tpu.dma_semaphore, #tpu.memory_space<semaphore_mem>>) src(%dma_wait3A_83 : memref<80x128xf32, #tpu.memory_space<vmem>>) dst(%dma_wait3A_89 : memref<10240x128xf32, #tpu.memory_space<vmem_shared>>)
    %dma_wait3A_90 = arith.constant 1 : i32
    %dma_wait3A_91 = arith.constant 1 : i32
    %dma_wait3A_92 = arith.constant 3 : i32
    %dma_wait3A_93 = arith.constant 1 : i32
    %dma_wait3A_94 = arith.constant 0 : i32
    %dma_wait3A_95 = arith.constant 0 : i32
    %dma_wait3A_96 = tpu.memref_slice %arg8[%dma_wait3A_90, %dma_wait3A_91, %dma_wait3A_94, %dma_wait3A_95] : memref<2x2x80x128xf32, #tpu.memory_space<vmem>> -> memref<1x1x80x128xf32, #tpu.memory_space<vmem>>
    %dma_wait3A_97 = tpu.memref_squeeze %dma_wait3A_96 : memref<1x1x80x128xf32, #tpu.memory_space<vmem>> -> memref<80x128xf32, #tpu.memory_space<vmem>>
    %dma_wait3A_98 = arith.constant 0 : i32
    %dma_wait3A_99 = tpu.memref_slice %arg7[%dma_wait3A_92, %dma_wait3A_93, %dma_wait3A_98] : memref<4x2x80xi32, #tpu.memory_space<vmem>> -> memref<1x1x80xi32, #tpu.memory_space<vmem>>
    %dma_wait3A_100 = tpu.memref_squeeze %dma_wait3A_99 : memref<1x1x80xi32, #tpu.memory_space<vmem>> -> memref<80xi32, #tpu.memory_space<vmem>>
    %dma_wait3A_101 = arith.constant 0 : i32
    %dma_wait3A_102 = arith.constant 0 : i32
    %dma_wait3A_103 = tpu.memref_slice %arg9[%dma_wait3A_101, %dma_wait3A_102] : memref<10240x128xf32, #tpu.memory_space<vmem_shared>> -> memref<10240x128xf32, #tpu.memory_space<vmem_shared>>
    tpu.wait_indirect_dma semaphore(%arg21 : memref<!tpu.dma_semaphore, #tpu.memory_space<semaphore_mem>>) src(%dma_wait3A_97 : memref<80x128xf32, #tpu.memory_space<vmem>>) dst(%dma_wait3A_103 : memref<10240x128xf32, #tpu.memory_space<vmem_shared>>)
    %dma_wait3A_104 = arith.constant 0 : i32
    %dma_wait3A_105 = arith.constant 0 : i32
    %dma_wait3A_106 = arith.constant 0 : i32
    %dma_wait3A_107 = arith.constant 0 : i32
    %dma_wait3A_108 = arith.constant 0 : i32
    %dma_wait3A_109 = arith.constant 0 : i32
    %dma_wait3A_110 = tpu.memref_slice %arg8[%dma_wait3A_104, %dma_wait3A_105, %dma_wait3A_108, %dma_wait3A_109] : memref<2x2x80x128xf32, #tpu.memory_space<vmem>> -> memref<1x1x80x128xf32, #tpu.memory_space<vmem>>
    %dma_wait3A_111 = tpu.memref_squeeze %dma_wait3A_110 : memref<1x1x80x128xf32, #tpu.memory_space<vmem>> -> memref<80x128xf32, #tpu.memory_space<vmem>>
    %dma_wait3A_112 = arith.constant 0 : i32
    %dma_wait3A_113 = tpu.memref_slice %arg7[%dma_wait3A_106, %dma_wait3A_107, %dma_wait3A_112] : memref<4x2x80xi32, #tpu.memory_space<vmem>> -> memref<1x1x80xi32, #tpu.memory_space<vmem>>
    %dma_wait3A_114 = tpu.memref_squeeze %dma_wait3A_113 : memref<1x1x80xi32, #tpu.memory_space<vmem>> -> memref<80xi32, #tpu.memory_space<vmem>>
    %dma_wait3A_115 = arith.constant 0 : i32
    %dma_wait3A_116 = arith.constant 0 : i32
    %dma_wait3A_117 = tpu.memref_slice %arg9[%dma_wait3A_115, %dma_wait3A_116] : memref<10240x128xf32, #tpu.memory_space<vmem_shared>> -> memref<10240x128xf32, #tpu.memory_space<vmem_shared>>
    tpu.wait_indirect_dma semaphore(%arg18 : memref<!tpu.dma_semaphore, #tpu.memory_space<semaphore_mem>>) src(%dma_wait3A_111 : memref<80x128xf32, #tpu.memory_space<vmem>>) dst(%dma_wait3A_117 : memref<10240x128xf32, #tpu.memory_space<vmem_shared>>)
    %dma_wait3A_118 = arith.constant 0 : i32
    %dma_wait3A_119 = arith.constant 1 : i32
    %dma_wait3A_120 = arith.constant 0 : i32
    %dma_wait3A_121 = arith.constant 1 : i32
    %dma_wait3A_122 = arith.constant 0 : i32
    %dma_wait3A_123 = arith.constant 0 : i32
    %dma_wait3A_124 = tpu.memref_slice %arg8[%dma_wait3A_118, %dma_wait3A_119, %dma_wait3A_122, %dma_wait3A_123] : memref<2x2x80x128xf32, #tpu.memory_space<vmem>> -> memref<1x1x80x128xf32, #tpu.memory_space<vmem>>
    %dma_wait3A_125 = tpu.memref_squeeze %dma_wait3A_124 : memref<1x1x80x128xf32, #tpu.memory_space<vmem>> -> memref<80x128xf32, #tpu.memory_space<vmem>>
    %dma_wait3A_126 = arith.constant 0 : i32
    %dma_wait3A_127 = tpu.memref_slice %arg7[%dma_wait3A_120, %dma_wait3A_121, %dma_wait3A_126] : memref<4x2x80xi32, #tpu.memory_space<vmem>> -> memref<1x1x80xi32, #tpu.memory_space<vmem>>
    %dma_wait3A_128 = tpu.memref_squeeze %dma_wait3A_127 : memref<1x1x80xi32, #tpu.memory_space<vmem>> -> memref<80xi32, #tpu.memory_space<vmem>>
    %dma_wait3A_129 = arith.constant 0 : i32
    %dma_wait3A_130 = arith.constant 0 : i32
    %dma_wait3A_131 = tpu.memref_slice %arg9[%dma_wait3A_129, %dma_wait3A_130] : memref<10240x128xf32, #tpu.memory_space<vmem_shared>> -> memref<10240x128xf32, #tpu.memory_space<vmem_shared>>
    tpu.wait_indirect_dma semaphore(%arg18 : memref<!tpu.dma_semaphore, #tpu.memory_space<semaphore_mem>>) src(%dma_wait3A_125 : memref<80x128xf32, #tpu.memory_space<vmem>>) dst(%dma_wait3A_131 : memref<10240x128xf32, #tpu.memory_space<vmem_shared>>)
    %barrier3A_132 = arith.constant 0 : index
    tpu.barrier barrier_id(%barrier3A_132)
    %mul3A_133 = arith.constant 10240 : i32
    %mul3A_134 = arith.muli %arg0, %mul3A_133 : i32
    %add3A_135 = arith.addi %mul3A_134, %mul3A_0 : i32
    "tpu.region"() ({
      %run_scoped3A = tpu.sem_alloc : memref<!tpu.dma_semaphore, #tpu.memory_space<semaphore_mem>>
      %dma_start3A_136 = arith.constant 0 : i32
      %dma_start3A_137 = tpu.memref_slice %arg5[%add3A_135, %dma_start3A_136] : memref<20480x128xf32, #tpu.memory_space<hbm>> -> memref<640x128xf32, #tpu.memory_space<hbm>>
      %dma_start3A_138 = arith.constant 0 : i32
      %dma_start3A_139 = tpu.memref_slice %arg9[%mul3A_0, %dma_start3A_138] : memref<10240x128xf32, #tpu.memory_space<vmem_shared>> -> memref<640x128xf32, #tpu.memory_space<vmem_shared>>
      tpu.enqueue_dma source(%dma_start3A_139 : memref<640x128xf32, #tpu.memory_space<vmem_shared>>) target(%dma_start3A_137 : memref<640x128xf32, #tpu.memory_space<hbm>>) target_semaphore(%run_scoped3A : memref<!tpu.dma_semaphore, #tpu.memory_space<semaphore_mem>>)
      %dma_wait3A_140 = arith.constant 0 : i32
      %dma_wait3A_141 = tpu.memref_slice %arg5[%add3A_135, %dma_wait3A_140] : memref<20480x128xf32, #tpu.memory_space<hbm>> -> memref<640x128xf32, #tpu.memory_space<hbm>>
      %dma_wait3A_142 = arith.constant 0 : i32
      %dma_wait3A_143 = tpu.memref_slice %arg9[%mul3A_0, %dma_wait3A_142] : memref<10240x128xf32, #tpu.memory_space<vmem_shared>> -> memref<640x128xf32, #tpu.memory_space<vmem_shared>>
      tpu.wait_dma2 semaphore(%run_scoped3A : memref<!tpu.dma_semaphore, #tpu.memory_space<semaphore_mem>>) src(%dma_wait3A_143 : memref<640x128xf32, #tpu.memory_space<vmem_shared>>) dst(%dma_wait3A_141 : memref<640x128xf32, #tpu.memory_space<hbm>>)
      tpu.yield
    }) : () -> ()
    return
  }
}

#map = affine_map<(d0, d1) -> (0, 0)>
#map1 = affine_map<(d0, d1) -> (0, 0, 0)>
module attributes {stable_mosaic.version = 14 : i64} {
  func.func @sc_segsum(%arg0: i32, %arg1: i32, %arg2: memref<10000x64xf32, #tpu.memory_space<hbm>>, %arg3: memref<2x8000x80xi32, #tpu.memory_space<hbm>>, %arg4: memref<10240x64xf32, #tpu.memory_space<hbm>>, %arg5: memref<20480x64xf32, #tpu.memory_space<hbm>>, %arg6: memref<2x5x80xi32, #tpu.memory_space<vmem>>, %arg7: memref<4x5x80xi32, #tpu.memory_space<vmem>>, %arg8: memref<2x5x80x64xf32, #tpu.memory_space<vmem>>, %arg9: memref<10240x64xf32, #tpu.memory_space<vmem_shared>>, %arg10: memref<!tpu.dma_semaphore, #tpu.memory_space<semaphore_mem>>, %arg11: memref<!tpu.dma_semaphore, #tpu.memory_space<semaphore_mem>>, %arg12: memref<!tpu.dma_semaphore, #tpu.memory_space<semaphore_mem>>, %arg13: memref<!tpu.dma_semaphore, #tpu.memory_space<semaphore_mem>>, %arg14: memref<!tpu.dma_semaphore, #tpu.memory_space<semaphore_mem>>, %arg15: memref<!tpu.dma_semaphore, #tpu.memory_space<semaphore_mem>>, %arg16: memref<!tpu.dma_semaphore, #tpu.memory_space<semaphore_mem>>, %arg17: memref<!tpu.dma_semaphore, #tpu.memory_space<semaphore_mem>>, %arg18: memref<!tpu.dma_semaphore, #tpu.memory_space<semaphore_mem>>, %arg19: memref<!tpu.dma_semaphore, #tpu.memory_space<semaphore_mem>>, %arg20: memref<!tpu.dma_semaphore, #tpu.memory_space<semaphore_mem>>, %arg21: memref<!tpu.dma_semaphore, #tpu.memory_space<semaphore_mem>>) attributes {dimension_semantics = [#tpu.dimension_semantics<core_parallel>, #tpu.dimension_semantics<subcore_parallel>], iteration_bounds = array<i64: 2, 16>, scalar_prefetch = 0 : i64, scratch_operands = 16 : i64, tpu.core_type = #tpu.core_type<sc_vector_subcore>, window_params = [{transform_indices = #map}, {transform_indices = #map1}, {transform_indices = #map}, {transform_indices = #map}]} {
    %mul3A = arith.constant 640 : i32
    %mul3A_0 = arith.muli %arg1, %mul3A : i32
    %mul3A_1 = arith.constant 16 : i32
    %mul3A_2 = arith.muli %arg0, %mul3A_1 : i32
    %add3A = arith.addi %mul3A_2, %arg1 : i32
    %mul3A_3 = arith.constant 250 : i32
    %mul3A_4 = arith.muli %add3A, %mul3A_3 : i32
    "tpu.region"() ({
      %run_scoped3A = tpu.sem_alloc : memref<!tpu.dma_semaphore, #tpu.memory_space<semaphore_mem>>
      %dma_start3A_220 = arith.constant 0 : i32
      %dma_start3A_221 = tpu.memref_slice %arg9[%mul3A_0, %dma_start3A_220] : memref<10240x64xf32, #tpu.memory_space<vmem_shared>> -> memref<640x64xf32, #tpu.memory_space<vmem_shared>>
      %dma_start3A_222 = arith.constant 0 : i32
      %dma_start3A_223 = tpu.memref_slice %arg4[%mul3A_0, %dma_start3A_222] : memref<10240x64xf32, #tpu.memory_space<hbm>> -> memref<640x64xf32, #tpu.memory_space<hbm>>
      tpu.enqueue_dma source(%dma_start3A_223 : memref<640x64xf32, #tpu.memory_space<hbm>>) target(%dma_start3A_221 : memref<640x64xf32, #tpu.memory_space<vmem_shared>>) target_semaphore(%run_scoped3A : memref<!tpu.dma_semaphore, #tpu.memory_space<semaphore_mem>>)
      %dma_wait3A_224 = arith.constant 0 : i32
      %dma_wait3A_225 = tpu.memref_slice %arg9[%mul3A_0, %dma_wait3A_224] : memref<10240x64xf32, #tpu.memory_space<vmem_shared>> -> memref<640x64xf32, #tpu.memory_space<vmem_shared>>
      %dma_wait3A_226 = arith.constant 0 : i32
      %dma_wait3A_227 = tpu.memref_slice %arg4[%mul3A_0, %dma_wait3A_226] : memref<10240x64xf32, #tpu.memory_space<hbm>> -> memref<640x64xf32, #tpu.memory_space<hbm>>
      tpu.wait_dma2 semaphore(%run_scoped3A : memref<!tpu.dma_semaphore, #tpu.memory_space<semaphore_mem>>) src(%dma_wait3A_227 : memref<640x64xf32, #tpu.memory_space<hbm>>) dst(%dma_wait3A_225 : memref<640x64xf32, #tpu.memory_space<vmem_shared>>)
      tpu.yield
    }) : () -> ()
    %barrier3A = arith.constant 0 : index
    tpu.barrier barrier_id(%barrier3A)
    %add3A_5 = arith.constant 0 : i32
    %add3A_6 = arith.addi %mul3A_4, %add3A_5 : i32
    %dma_start3A = arith.constant 0 : i32
    %dma_start3A_7 = arith.constant 0 : i32
    %dma_start3A_8 = arith.constant 0 : i32
    %dma_start3A_9 = arith.constant 0 : i32
    %dma_start3A_10 = tpu.memref_slice %arg6[%dma_start3A_7, %dma_start3A_8, %dma_start3A_9] : memref<2x5x80xi32, #tpu.memory_space<vmem>> -> memref<1x5x80xi32, #tpu.memory_space<vmem>>
    %dma_start3A_11 = tpu.memref_squeeze %dma_start3A_10 : memref<1x5x80xi32, #tpu.memory_space<vmem>> -> memref<5x80xi32, #tpu.memory_space<vmem>>
    %dma_start3A_12 = arith.constant 0 : i32
    %dma_start3A_13 = tpu.memref_slice %arg3[%dma_start3A, %add3A_6, %dma_start3A_12] : memref<2x8000x80xi32, #tpu.memory_space<hbm>> -> memref<1x5x80xi32, #tpu.memory_space<hbm>>
    %dma_start3A_14 = tpu.memref_squeeze %dma_start3A_13 : memref<1x5x80xi32, #tpu.memory_space<hbm>> -> memref<5x80xi32, #tpu.memory_space<hbm>>
    %dma_start3A_15 = arith.constant 0 : i32
    %dma_start3A_16 = arith.constant 0 : i32
    %dma_start3A_17 = tpu.memref_slice %arg6[%dma_start3A_7, %dma_start3A_15, %dma_start3A_16] : memref<2x5x80xi32, #tpu.memory_space<vmem>> -> memref<1x5x80xi32, #tpu.memory_space<vmem>>
    %dma_start3A_18 = tpu.memref_squeeze %dma_start3A_17 : memref<1x5x80xi32, #tpu.memory_space<vmem>> -> memref<5x80xi32, #tpu.memory_space<vmem>>
    %dma_start3A_19 = arith.constant 0 : i32
    %dma_start3A_20 = tpu.memref_slice %arg3[%dma_start3A, %add3A_6, %dma_start3A_19] : memref<2x8000x80xi32, #tpu.memory_space<hbm>> -> memref<1x5x80xi32, #tpu.memory_space<hbm>>
    %dma_start3A_21 = tpu.memref_squeeze %dma_start3A_20 : memref<1x5x80xi32, #tpu.memory_space<hbm>> -> memref<5x80xi32, #tpu.memory_space<hbm>>
    tpu.enqueue_dma source(%dma_start3A_21 : memref<5x80xi32, #tpu.memory_space<hbm>>) target(%dma_start3A_18 : memref<5x80xi32, #tpu.memory_space<vmem>>) target_semaphore(%arg10 : memref<!tpu.dma_semaphore, #tpu.memory_space<semaphore_mem>>)
    %dma_start3A_22 = arith.constant 1 : i32
    %dma_start3A_23 = arith.constant 0 : i32
    %dma_start3A_24 = arith.constant 0 : i32
    %dma_start3A_25 = arith.constant 0 : i32
    %dma_start3A_26 = tpu.memref_slice %arg7[%dma_start3A_23, %dma_start3A_24, %dma_start3A_25] : memref<4x5x80xi32, #tpu.memory_space<vmem>> -> memref<1x5x80xi32, #tpu.memory_space<vmem>>
    %dma_start3A_27 = tpu.memref_squeeze %dma_start3A_26 : memref<1x5x80xi32, #tpu.memory_space<vmem>> -> memref<5x80xi32, #tpu.memory_space<vmem>>
    %dma_start3A_28 = arith.constant 0 : i32
    %dma_start3A_29 = tpu.memref_slice %arg3[%dma_start3A_22, %add3A_6, %dma_start3A_28] : memref<2x8000x80xi32, #tpu.memory_space<hbm>> -> memref<1x5x80xi32, #tpu.memory_space<hbm>>
    %dma_start3A_30 = tpu.memref_squeeze %dma_start3A_29 : memref<1x5x80xi32, #tpu.memory_space<hbm>> -> memref<5x80xi32, #tpu.memory_space<hbm>>
    %dma_start3A_31 = arith.constant 0 : i32
    %dma_start3A_32 = arith.constant 0 : i32
    %dma_start3A_33 = tpu.memref_slice %arg7[%dma_start3A_23, %dma_start3A_31, %dma_start3A_32] : memref<4x5x80xi32, #tpu.memory_space<vmem>> -> memref<1x5x80xi32, #tpu.memory_space<vmem>>
    %dma_start3A_34 = tpu.memref_squeeze %dma_start3A_33 : memref<1x5x80xi32, #tpu.memory_space<vmem>> -> memref<5x80xi32, #tpu.memory_space<vmem>>
    %dma_start3A_35 = arith.constant 0 : i32
    %dma_start3A_36 = tpu.memref_slice %arg3[%dma_start3A_22, %add3A_6, %dma_start3A_35] : memref<2x8000x80xi32, #tpu.memory_space<hbm>> -> memref<1x5x80xi32, #tpu.memory_space<hbm>>
    %dma_start3A_37 = tpu.memref_squeeze %dma_start3A_36 : memref<1x5x80xi32, #tpu.memory_space<hbm>> -> memref<5x80xi32, #tpu.memory_space<hbm>>
    tpu.enqueue_dma source(%dma_start3A_37 : memref<5x80xi32, #tpu.memory_space<hbm>>) target(%dma_start3A_34 : memref<5x80xi32, #tpu.memory_space<vmem>>) target_semaphore(%arg12 : memref<!tpu.dma_semaphore, #tpu.memory_space<semaphore_mem>>)
    %add3A_38 = arith.constant 5 : i32
    %add3A_39 = arith.addi %mul3A_4, %add3A_38 : i32
    %dma_start3A_40 = arith.constant 0 : i32
    %dma_start3A_41 = arith.constant 1 : i32
    %dma_start3A_42 = arith.constant 0 : i32
    %dma_start3A_43 = arith.constant 0 : i32
    %dma_start3A_44 = tpu.memref_slice %arg6[%dma_start3A_41, %dma_start3A_42, %dma_start3A_43] : memref<2x5x80xi32, #tpu.memory_space<vmem>> -> memref<1x5x80xi32, #tpu.memory_space<vmem>>
    %dma_start3A_45 = tpu.memref_squeeze %dma_start3A_44 : memref<1x5x80xi32, #tpu.memory_space<vmem>> -> memref<5x80xi32, #tpu.memory_space<vmem>>
    %dma_start3A_46 = arith.constant 0 : i32
    %dma_start3A_47 = tpu.memref_slice %arg3[%dma_start3A_40, %add3A_39, %dma_start3A_46] : memref<2x8000x80xi32, #tpu.memory_space<hbm>> -> memref<1x5x80xi32, #tpu.memory_space<hbm>>
    %dma_start3A_48 = tpu.memref_squeeze %dma_start3A_47 : memref<1x5x80xi32, #tpu.memory_space<hbm>> -> memref<5x80xi32, #tpu.memory_space<hbm>>
    %dma_start3A_49 = arith.constant 0 : i32
    %dma_start3A_50 = arith.constant 0 : i32
    %dma_start3A_51 = tpu.memref_slice %arg6[%dma_start3A_41, %dma_start3A_49, %dma_start3A_50] : memref<2x5x80xi32, #tpu.memory_space<vmem>> -> memref<1x5x80xi32, #tpu.memory_space<vmem>>
    %dma_start3A_52 = tpu.memref_squeeze %dma_start3A_51 : memref<1x5x80xi32, #tpu.memory_space<vmem>> -> memref<5x80xi32, #tpu.memory_space<vmem>>
    %dma_start3A_53 = arith.constant 0 : i32
    %dma_start3A_54 = tpu.memref_slice %arg3[%dma_start3A_40, %add3A_39, %dma_start3A_53] : memref<2x8000x80xi32, #tpu.memory_space<hbm>> -> memref<1x5x80xi32, #tpu.memory_space<hbm>>
    %dma_start3A_55 = tpu.memref_squeeze %dma_start3A_54 : memref<1x5x80xi32, #tpu.memory_space<hbm>> -> memref<5x80xi32, #tpu.memory_space<hbm>>
    tpu.enqueue_dma source(%dma_start3A_55 : memref<5x80xi32, #tpu.memory_space<hbm>>) target(%dma_start3A_52 : memref<5x80xi32, #tpu.memory_space<vmem>>) target_semaphore(%arg11 : memref<!tpu.dma_semaphore, #tpu.memory_space<semaphore_mem>>)
    %dma_start3A_56 = arith.constant 1 : i32
    %dma_start3A_57 = arith.constant 1 : i32
    %dma_start3A_58 = arith.constant 0 : i32
    %dma_start3A_59 = arith.constant 0 : i32
    %dma_start3A_60 = tpu.memref_slice %arg7[%dma_start3A_57, %dma_start3A_58, %dma_start3A_59] : memref<4x5x80xi32, #tpu.memory_space<vmem>> -> memref<1x5x80xi32, #tpu.memory_space<vmem>>
    %dma_start3A_61 = tpu.memref_squeeze %dma_start3A_60 : memref<1x5x80xi32, #tpu.memory_space<vmem>> -> memref<5x80xi32, #tpu.memory_space<vmem>>
    %dma_start3A_62 = arith.constant 0 : i32
    %dma_start3A_63 = tpu.memref_slice %arg3[%dma_start3A_56, %add3A_39, %dma_start3A_62] : memref<2x8000x80xi32, #tpu.memory_space<hbm>> -> memref<1x5x80xi32, #tpu.memory_space<hbm>>
    %dma_start3A_64 = tpu.memref_squeeze %dma_start3A_63 : memref<1x5x80xi32, #tpu.memory_space<hbm>> -> memref<5x80xi32, #tpu.memory_space<hbm>>
    %dma_start3A_65 = arith.constant 0 : i32
    %dma_start3A_66 = arith.constant 0 : i32
    %dma_start3A_67 = tpu.memref_slice %arg7[%dma_start3A_57, %dma_start3A_65, %dma_start3A_66] : memref<4x5x80xi32, #tpu.memory_space<vmem>> -> memref<1x5x80xi32, #tpu.memory_space<vmem>>
    %dma_start3A_68 = tpu.memref_squeeze %dma_start3A_67 : memref<1x5x80xi32, #tpu.memory_space<vmem>> -> memref<5x80xi32, #tpu.memory_space<vmem>>
    %dma_start3A_69 = arith.constant 0 : i32
    %dma_start3A_70 = tpu.memref_slice %arg3[%dma_start3A_56, %add3A_39, %dma_start3A_69] : memref<2x8000x80xi32, #tpu.memory_space<hbm>> -> memref<1x5x80xi32, #tpu.memory_space<hbm>>
    %dma_start3A_71 = tpu.memref_squeeze %dma_start3A_70 : memref<1x5x80xi32, #tpu.memory_space<hbm>> -> memref<5x80xi32, #tpu.memory_space<hbm>>
    tpu.enqueue_dma source(%dma_start3A_71 : memref<5x80xi32, #tpu.memory_space<hbm>>) target(%dma_start3A_68 : memref<5x80xi32, #tpu.memory_space<vmem>>) target_semaphore(%arg13 : memref<!tpu.dma_semaphore, #tpu.memory_space<semaphore_mem>>)
    %scan3A = arith.constant 0 : i32
    %scan3A_72 = arith.constant 0 : i32
    %scan3A_73 = arith.constant 50 : i32
    %scan3A_74 = arith.addi %scan3A_72, %scan3A_73 : i32
    %scan3A_75 = arith.constant 1 : i32
    scf.for %scan3A_220 = %scan3A_72 to %scan3A_74 step %scan3A_75  : i32 {
      %jit3A = arith.constant 4 : i32
      %eq3A = arith.constant 0 : i32
      %eq3A_221 = arith.cmpi eq, %jit3A, %eq3A : i32
      %jit3A_222 = arith.constant 1 : i32
      %select_n3A = arith.select %eq3A_221, %jit3A_222, %jit3A : i32
      %rem3A = arith.remsi %scan3A_220, %select_n3A : i32
      %ne3A = arith.constant 0 : i32
      %ne3A_223 = arith.cmpi ne, %rem3A, %ne3A : i32
      %lt3A = arith.constant 0 : i32
      %lt3A_224 = arith.cmpi slt, %rem3A, %lt3A : i32
      %lt3A_225 = arith.constant 0 : i32
      %lt3A_226 = arith.cmpi slt, %select_n3A, %lt3A_225 : i32
      %ne3A_227 = arith.xori %lt3A_224, %lt3A_226 : i1
      %and3A = arith.andi %ne3A_227, %ne3A_223 : i1
      %add3A_228 = arith.addi %rem3A, %select_n3A : i32
      %select_n3A_229 = arith.select %and3A, %add3A_228, %rem3A : i32
      %eq3A_230 = arith.constant 0 : i32
      %eq3A_231 = arith.cmpi eq, %select_n3A_229, %eq3A_230 : i32
      %convert_element_type3A = arith.extui %eq3A_231 : i1 to i32
      %cond3A = arith.constant 0 : i32
      %cond3A_232 = arith.cmpi ne, %convert_element_type3A, %cond3A : i32
      scf.if %cond3A_232 {
        %ge3A = arith.constant 2 : i32
        %ge3A_296 = arith.cmpi sge, %scan3A_220, %ge3A : i32
        %convert_element_type3A_297 = arith.extui %ge3A_296 : i1 to i32
        %cond3A_298 = arith.constant 0 : i32
        %cond3A_299 = arith.cmpi ne, %convert_element_type3A_297, %cond3A_298 : i32
        scf.if %cond3A_299 {
          %dma_wait3A_549 = arith.constant 0 : i32
          %dma_wait3A_550 = arith.constant 0 : i32
          %dma_wait3A_551 = arith.constant 2 : i32
          %dma_wait3A_552 = arith.constant 0 : i32
          %dma_wait3A_553 = arith.constant 0 : i32
          %dma_wait3A_554 = arith.constant 0 : i32
          %dma_wait3A_555 = tpu.memref_slice %arg8[%dma_wait3A_549, %dma_wait3A_550, %dma_wait3A_553, %dma_wait3A_554] : memref<2x5x80x64xf32, #tpu.memory_space<vmem>> -> memref<1x1x80x64xf32, #tpu.memory_space<vmem>>
          %dma_wait3A_556 = tpu.memref_squeeze %dma_wait3A_555 : memref<1x1x80x64xf32, #tpu.memory_space<vmem>> -> memref<80x64xf32, #tpu.memory_space<vmem>>
          %dma_wait3A_557 = arith.constant 0 : i32
          %dma_wait3A_558 = tpu.memref_slice %arg7[%dma_wait3A_551, %dma_wait3A_552, %dma_wait3A_557] : memref<4x5x80xi32, #tpu.memory_space<vmem>> -> memref<1x1x80xi32, #tpu.memory_space<vmem>>
          %dma_wait3A_559 = tpu.memref_squeeze %dma_wait3A_558 : memref<1x1x80xi32, #tpu.memory_space<vmem>> -> memref<80xi32, #tpu.memory_space<vmem>>
          %dma_wait3A_560 = arith.constant 0 : i32
          %dma_wait3A_561 = arith.constant 0 : i32
          %dma_wait3A_562 = tpu.memref_slice %arg9[%dma_wait3A_560, %dma_wait3A_561] : memref<10240x64xf32, #tpu.memory_space<vmem_shared>> -> memref<10240x64xf32, #tpu.memory_space<vmem_shared>>
          tpu.wait_indirect_dma semaphore(%arg20 : memref<!tpu.dma_semaphore, #tpu.memory_space<semaphore_mem>>) src(%dma_wait3A_556 : memref<80x64xf32, #tpu.memory_space<vmem>>) dst(%dma_wait3A_562 : memref<10240x64xf32, #tpu.memory_space<vmem_shared>>)
          %dma_wait3A_563 = arith.constant 0 : i32
          %dma_wait3A_564 = arith.constant 1 : i32
          %dma_wait3A_565 = arith.constant 2 : i32
          %dma_wait3A_566 = arith.constant 1 : i32
          %dma_wait3A_567 = arith.constant 0 : i32
          %dma_wait3A_568 = arith.constant 0 : i32
          %dma_wait3A_569 = tpu.memref_slice %arg8[%dma_wait3A_563, %dma_wait3A_564, %dma_wait3A_567, %dma_wait3A_568] : memref<2x5x80x64xf32, #tpu.memory_space<vmem>> -> memref<1x1x80x64xf32, #tpu.memory_space<vmem>>
          %dma_wait3A_570 = tpu.memref_squeeze %dma_wait3A_569 : memref<1x1x80x64xf32, #tpu.memory_space<vmem>> -> memref<80x64xf32, #tpu.memory_space<vmem>>
          %dma_wait3A_571 = arith.constant 0 : i32
          %dma_wait3A_572 = tpu.memref_slice %arg7[%dma_wait3A_565, %dma_wait3A_566, %dma_wait3A_571] : memref<4x5x80xi32, #tpu.memory_space<vmem>> -> memref<1x1x80xi32, #tpu.memory_space<vmem>>
          %dma_wait3A_573 = tpu.memref_squeeze %dma_wait3A_572 : memref<1x1x80xi32, #tpu.memory_space<vmem>> -> memref<80xi32, #tpu.memory_space<vmem>>
          %dma_wait3A_574 = arith.constant 0 : i32
          %dma_wait3A_575 = arith.constant 0 : i32
          %dma_wait3A_576 = tpu.memref_slice %arg9[%dma_wait3A_574, %dma_wait3A_575] : memref<10240x64xf32, #tpu.memory_space<vmem_shared>> -> memref<10240x64xf32, #tpu.memory_space<vmem_shared>>
          tpu.wait_indirect_dma semaphore(%arg20 : memref<!tpu.dma_semaphore, #tpu.memory_space<semaphore_mem>>) src(%dma_wait3A_570 : memref<80x64xf32, #tpu.memory_space<vmem>>) dst(%dma_wait3A_576 : memref<10240x64xf32, #tpu.memory_space<vmem_shared>>)
          %dma_wait3A_577 = arith.constant 0 : i32
          %dma_wait3A_578 = arith.constant 2 : i32
          %dma_wait3A_579 = arith.constant 2 : i32
          %dma_wait3A_580 = arith.constant 2 : i32
          %dma_wait3A_581 = arith.constant 0 : i32
          %dma_wait3A_582 = arith.constant 0 : i32
          %dma_wait3A_583 = tpu.memref_slice %arg8[%dma_wait3A_577, %dma_wait3A_578, %dma_wait3A_581, %dma_wait3A_582] : memref<2x5x80x64xf32, #tpu.memory_space<vmem>> -> memref<1x1x80x64xf32, #tpu.memory_space<vmem>>
          %dma_wait3A_584 = tpu.memref_squeeze %dma_wait3A_583 : memref<1x1x80x64xf32, #tpu.memory_space<vmem>> -> memref<80x64xf32, #tpu.memory_space<vmem>>
          %dma_wait3A_585 = arith.constant 0 : i32
          %dma_wait3A_586 = tpu.memref_slice %arg7[%dma_wait3A_579, %dma_wait3A_580, %dma_wait3A_585] : memref<4x5x80xi32, #tpu.memory_space<vmem>> -> memref<1x1x80xi32, #tpu.memory_space<vmem>>
          %dma_wait3A_587 = tpu.memref_squeeze %dma_wait3A_586 : memref<1x1x80xi32, #tpu.memory_space<vmem>> -> memref<80xi32, #tpu.memory_space<vmem>>
          %dma_wait3A_588 = arith.constant 0 : i32
          %dma_wait3A_589 = arith.constant 0 : i32
          %dma_wait3A_590 = tpu.memref_slice %arg9[%dma_wait3A_588, %dma_wait3A_589] : memref<10240x64xf32, #tpu.memory_space<vmem_shared>> -> memref<10240x64xf32, #tpu.memory_space<vmem_shared>>
          tpu.wait_indirect_dma semaphore(%arg20 : memref<!tpu.dma_semaphore, #tpu.memory_space<semaphore_mem>>) src(%dma_wait3A_584 : memref<80x64xf32, #tpu.memory_space<vmem>>) dst(%dma_wait3A_590 : memref<10240x64xf32, #tpu.memory_space<vmem_shared>>)
          %dma_wait3A_591 = arith.constant 0 : i32
          %dma_wait3A_592 = arith.constant 3 : i32
          %dma_wait3A_593 = arith.constant 2 : i32
          %dma_wait3A_594 = arith.constant 3 : i32
          %dma_wait3A_595 = arith.constant 0 : i32
          %dma_wait3A_596 = arith.constant 0 : i32
          %dma_wait3A_597 = tpu.memref_slice %arg8[%dma_wait3A_591, %dma_wait3A_592, %dma_wait3A_595, %dma_wait3A_596] : memref<2x5x80x64xf32, #tpu.memory_space<vmem>> -> memref<1x1x80x64xf32, #tpu.memory_space<vmem>>
          %dma_wait3A_598 = tpu.memref_squeeze %dma_wait3A_597 : memref<1x1x80x64xf32, #tpu.memory_space<vmem>> -> memref<80x64xf32, #tpu.memory_space<vmem>>
          %dma_wait3A_599 = arith.constant 0 : i32
          %dma_wait3A_600 = tpu.memref_slice %arg7[%dma_wait3A_593, %dma_wait3A_594, %dma_wait3A_599] : memref<4x5x80xi32, #tpu.memory_space<vmem>> -> memref<1x1x80xi32, #tpu.memory_space<vmem>>
          %dma_wait3A_601 = tpu.memref_squeeze %dma_wait3A_600 : memref<1x1x80xi32, #tpu.memory_space<vmem>> -> memref<80xi32, #tpu.memory_space<vmem>>
          %dma_wait3A_602 = arith.constant 0 : i32
          %dma_wait3A_603 = arith.constant 0 : i32
          %dma_wait3A_604 = tpu.memref_slice %arg9[%dma_wait3A_602, %dma_wait3A_603] : memref<10240x64xf32, #tpu.memory_space<vmem_shared>> -> memref<10240x64xf32, #tpu.memory_space<vmem_shared>>
          tpu.wait_indirect_dma semaphore(%arg20 : memref<!tpu.dma_semaphore, #tpu.memory_space<semaphore_mem>>) src(%dma_wait3A_598 : memref<80x64xf32, #tpu.memory_space<vmem>>) dst(%dma_wait3A_604 : memref<10240x64xf32, #tpu.memory_space<vmem_shared>>)
          %dma_wait3A_605 = arith.constant 0 : i32
          %dma_wait3A_606 = arith.constant 4 : i32
          %dma_wait3A_607 = arith.constant 2 : i32
          %dma_wait3A_608 = arith.constant 4 : i32
          %dma_wait3A_609 = arith.constant 0 : i32
          %dma_wait3A_610 = arith.constant 0 : i32
          %dma_wait3A_611 = tpu.memref_slice %arg8[%dma_wait3A_605, %dma_wait3A_606, %dma_wait3A_609, %dma_wait3A_610] : memref<2x5x80x64xf32, #tpu.memory_space<vmem>> -> memref<1x1x80x64xf32, #tpu.memory_space<vmem>>
          %dma_wait3A_612 = tpu.memref_squeeze %dma_wait3A_611 : memref<1x1x80x64xf32, #tpu.memory_space<vmem>> -> memref<80x64xf32, #tpu.memory_space<vmem>>
          %dma_wait3A_613 = arith.constant 0 : i32
          %dma_wait3A_614 = tpu.memref_slice %arg7[%dma_wait3A_607, %dma_wait3A_608, %dma_wait3A_613] : memref<4x5x80xi32, #tpu.memory_space<vmem>> -> memref<1x1x80xi32, #tpu.memory_space<vmem>>
          %dma_wait3A_615 = tpu.memref_squeeze %dma_wait3A_614 : memref<1x1x80xi32, #tpu.memory_space<vmem>> -> memref<80xi32, #tpu.memory_space<vmem>>
          %dma_wait3A_616 = arith.constant 0 : i32
          %dma_wait3A_617 = arith.constant 0 : i32
          %dma_wait3A_618 = tpu.memref_slice %arg9[%dma_wait3A_616, %dma_wait3A_617] : memref<10240x64xf32, #tpu.memory_space<vmem_shared>> -> memref<10240x64xf32, #tpu.memory_space<vmem_shared>>
          tpu.wait_indirect_dma semaphore(%arg20 : memref<!tpu.dma_semaphore, #tpu.memory_space<semaphore_mem>>) src(%dma_wait3A_612 : memref<80x64xf32, #tpu.memory_space<vmem>>) dst(%dma_wait3A_618 : memref<10240x64xf32, #tpu.memory_space<vmem_shared>>)
        } else {
        }
        %dma_wait3A_300 = arith.constant 0 : i32
        %dma_wait3A_301 = arith.constant 0 : i32
        %dma_wait3A_302 = arith.constant 0 : i32
        %dma_wait3A_303 = arith.constant 0 : i32
        %dma_wait3A_304 = tpu.memref_slice %arg6[%dma_wait3A_301, %dma_wait3A_302, %dma_wait3A_303] : memref<2x5x80xi32, #tpu.memory_space<vmem>> -> memref<1x5x80xi32, #tpu.memory_space<vmem>>
        %dma_wait3A_305 = tpu.memref_squeeze %dma_wait3A_304 : memref<1x5x80xi32, #tpu.memory_space<vmem>> -> memref<5x80xi32, #tpu.memory_space<vmem>>
        %dma_wait3A_306 = arith.constant 0 : i32
        %dma_wait3A_307 = tpu.memref_slice %arg3[%dma_wait3A_300, %mul3A_4, %dma_wait3A_306] : memref<2x8000x80xi32, #tpu.memory_space<hbm>> -> memref<1x5x80xi32, #tpu.memory_space<hbm>>
        %dma_wait3A_308 = tpu.memref_squeeze %dma_wait3A_307 : memref<1x5x80xi32, #tpu.memory_space<hbm>> -> memref<5x80xi32, #tpu.memory_space<hbm>>
        %dma_wait3A_309 = arith.constant 0 : i32
        %dma_wait3A_310 = arith.constant 0 : i32
        %dma_wait3A_311 = tpu.memref_slice %arg6[%dma_wait3A_301, %dma_wait3A_309, %dma_wait3A_310] : memref<2x5x80xi32, #tpu.memory_space<vmem>> -> memref<1x5x80xi32, #tpu.memory_space<vmem>>
        %dma_wait3A_312 = tpu.memref_squeeze %dma_wait3A_311 : memref<1x5x80xi32, #tpu.memory_space<vmem>> -> memref<5x80xi32, #tpu.memory_space<vmem>>
        %dma_wait3A_313 = arith.constant 0 : i32
        %dma_wait3A_314 = tpu.memref_slice %arg3[%dma_wait3A_300, %mul3A_4, %dma_wait3A_313] : memref<2x8000x80xi32, #tpu.memory_space<hbm>> -> memref<1x5x80xi32, #tpu.memory_space<hbm>>
        %dma_wait3A_315 = tpu.memref_squeeze %dma_wait3A_314 : memref<1x5x80xi32, #tpu.memory_space<hbm>> -> memref<5x80xi32, #tpu.memory_space<hbm>>
        tpu.wait_dma2 semaphore(%arg10 : memref<!tpu.dma_semaphore, #tpu.memory_space<semaphore_mem>>) src(%dma_wait3A_315 : memref<5x80xi32, #tpu.memory_space<hbm>>) dst(%dma_wait3A_312 : memref<5x80xi32, #tpu.memory_space<vmem>>)
        %dma_wait3A_316 = arith.constant 1 : i32
        %dma_wait3A_317 = arith.constant 0 : i32
        %dma_wait3A_318 = arith.constant 0 : i32
        %dma_wait3A_319 = arith.constant 0 : i32
        %dma_wait3A_320 = tpu.memref_slice %arg7[%dma_wait3A_317, %dma_wait3A_318, %dma_wait3A_319] : memref<4x5x80xi32, #tpu.memory_space<vmem>> -> memref<1x5x80xi32, #tpu.memory_space<vmem>>
        %dma_wait3A_321 = tpu.memref_squeeze %dma_wait3A_320 : memref<1x5x80xi32, #tpu.memory_space<vmem>> -> memref<5x80xi32, #tpu.memory_space<vmem>>
        %dma_wait3A_322 = arith.constant 0 : i32
        %dma_wait3A_323 = tpu.memref_slice %arg3[%dma_wait3A_316, %mul3A_4, %dma_wait3A_322] : memref<2x8000x80xi32, #tpu.memory_space<hbm>> -> memref<1x5x80xi32, #tpu.memory_space<hbm>>
        %dma_wait3A_324 = tpu.memref_squeeze %dma_wait3A_323 : memref<1x5x80xi32, #tpu.memory_space<hbm>> -> memref<5x80xi32, #tpu.memory_space<hbm>>
        %dma_wait3A_325 = arith.constant 0 : i32
        %dma_wait3A_326 = arith.constant 0 : i32
        %dma_wait3A_327 = tpu.memref_slice %arg7[%dma_wait3A_317, %dma_wait3A_325, %dma_wait3A_326] : memref<4x5x80xi32, #tpu.memory_space<vmem>> -> memref<1x5x80xi32, #tpu.memory_space<vmem>>
        %dma_wait3A_328 = tpu.memref_squeeze %dma_wait3A_327 : memref<1x5x80xi32, #tpu.memory_space<vmem>> -> memref<5x80xi32, #tpu.memory_space<vmem>>
        %dma_wait3A_329 = arith.constant 0 : i32
        %dma_wait3A_330 = tpu.memref_slice %arg3[%dma_wait3A_316, %mul3A_4, %dma_wait3A_329] : memref<2x8000x80xi32, #tpu.memory_space<hbm>> -> memref<1x5x80xi32, #tpu.memory_space<hbm>>
        %dma_wait3A_331 = tpu.memref_squeeze %dma_wait3A_330 : memref<1x5x80xi32, #tpu.memory_space<hbm>> -> memref<5x80xi32, #tpu.memory_space<hbm>>
        tpu.wait_dma2 semaphore(%arg12 : memref<!tpu.dma_semaphore, #tpu.memory_space<semaphore_mem>>) src(%dma_wait3A_331 : memref<5x80xi32, #tpu.memory_space<hbm>>) dst(%dma_wait3A_328 : memref<5x80xi32, #tpu.memory_space<vmem>>)
        %dma_start3A_332 = arith.constant 0 : i32
        %dma_start3A_333 = arith.constant 0 : i32
        %dma_start3A_334 = arith.constant 0 : i32
        %dma_start3A_335 = arith.constant 0 : i32
        %dma_start3A_336 = arith.constant 0 : i32
        %dma_start3A_337 = arith.constant 0 : i32
        %dma_start3A_338 = tpu.memref_slice %arg8[%dma_start3A_334, %dma_start3A_335, %dma_start3A_336, %dma_start3A_337] : memref<2x5x80x64xf32, #tpu.memory_space<vmem>> -> memref<1x1x80x64xf32, #tpu.memory_space<vmem>>
        %dma_start3A_339 = tpu.memref_squeeze %dma_start3A_338 : memref<1x1x80x64xf32, #tpu.memory_space<vmem>> -> memref<80x64xf32, #tpu.memory_space<vmem>>
        %dma_start3A_340 = arith.constant 0 : i32
        %dma_start3A_341 = tpu.memref_slice %arg6[%dma_start3A_332, %dma_start3A_333, %dma_start3A_340] : memref<2x5x80xi32, #tpu.memory_space<vmem>> -> memref<1x1x80xi32, #tpu.memory_space<vmem>>
        %dma_start3A_342 = tpu.memref_squeeze %dma_start3A_341 : memref<1x1x80xi32, #tpu.memory_space<vmem>> -> memref<80xi32, #tpu.memory_space<vmem>>
        %dma_start3A_343 = arith.constant 0 : i32
        %dma_start3A_344 = arith.constant 0 : i32
        %dma_start3A_345 = tpu.memref_slice %arg2[%dma_start3A_343, %dma_start3A_344] : memref<10000x64xf32, #tpu.memory_space<hbm>> -> memref<10000x64xf32, #tpu.memory_space<hbm>>
        tpu.enqueue_indirect_dma source(%dma_start3A_345 : memref<10000x64xf32, #tpu.memory_space<hbm>>) target(%dma_start3A_339 : memref<80x64xf32, #tpu.memory_space<vmem>>) offsets(%dma_start3A_342 : memref<80xi32, #tpu.memory_space<vmem>>) semaphore(%arg16 : memref<!tpu.dma_semaphore, #tpu.memory_space<semaphore_mem>>)
        %dma_start3A_346 = arith.constant 0 : i32
        %dma_start3A_347 = arith.constant 1 : i32
        %dma_start3A_348 = arith.constant 0 : i32
        %dma_start3A_349 = arith.constant 1 : i32
        %dma_start3A_350 = arith.constant 0 : i32
        %dma_start3A_351 = arith.constant 0 : i32
        %dma_start3A_352 = tpu.memref_slice %arg8[%dma_start3A_348, %dma_start3A_349, %dma_start3A_350, %dma_start3A_351] : memref<2x5x80x64xf32, #tpu.memory_space<vmem>> -> memref<1x1x80x64xf32, #tpu.memory_space<vmem>>
        %dma_start3A_353 = tpu.memref_squeeze %dma_start3A_352 : memref<1x1x80x64xf32, #tpu.memory_space<vmem>> -> memref<80x64xf32, #tpu.memory_space<vmem>>
        %dma_start3A_354 = arith.constant 0 : i32
        %dma_start3A_355 = tpu.memref_slice %arg6[%dma_start3A_346, %dma_start3A_347, %dma_start3A_354] : memref<2x5x80xi32, #tpu.memory_space<vmem>> -> memref<1x1x80xi32, #tpu.memory_space<vmem>>
        %dma_start3A_356 = tpu.memref_squeeze %dma_start3A_355 : memref<1x1x80xi32, #tpu.memory_space<vmem>> -> memref<80xi32, #tpu.memory_space<vmem>>
        %dma_start3A_357 = arith.constant 0 : i32
        %dma_start3A_358 = arith.constant 0 : i32
        %dma_start3A_359 = tpu.memref_slice %arg2[%dma_start3A_357, %dma_start3A_358] : memref<10000x64xf32, #tpu.memory_space<hbm>> -> memref<10000x64xf32, #tpu.memory_space<hbm>>
        tpu.enqueue_indirect_dma source(%dma_start3A_359 : memref<10000x64xf32, #tpu.memory_space<hbm>>) target(%dma_start3A_353 : memref<80x64xf32, #tpu.memory_space<vmem>>) offsets(%dma_start3A_356 : memref<80xi32, #tpu.memory_space<vmem>>) semaphore(%arg16 : memref<!tpu.dma_semaphore, #tpu.memory_space<semaphore_mem>>)
        %dma_start3A_360 = arith.constant 0 : i32
        %dma_start3A_361 = arith.constant 2 : i32
        %dma_start3A_362 = arith.constant 0 : i32
        %dma_start3A_363 = arith.constant 2 : i32
        %dma_start3A_364 = arith.constant 0 : i32
        %dma_start3A_365 = arith.constant 0 : i32
        %dma_start3A_366 = tpu.memref_slice %arg8[%dma_start3A_362, %dma_start3A_363, %dma_start3A_364, %dma_start3A_365] : memref<2x5x80x64xf32, #tpu.memory_space<vmem>> -> memref<1x1x80x64xf32, #tpu.memory_space<vmem>>
        %dma_start3A_367 = tpu.memref_squeeze %dma_start3A_366 : memref<1x1x80x64xf32, #tpu.memory_space<vmem>> -> memref<80x64xf32, #tpu.memory_space<vmem>>
        %dma_start3A_368 = arith.constant 0 : i32
        %dma_start3A_369 = tpu.memref_slice %arg6[%dma_start3A_360, %dma_start3A_361, %dma_start3A_368] : memref<2x5x80xi32, #tpu.memory_space<vmem>> -> memref<1x1x80xi32, #tpu.memory_space<vmem>>
        %dma_start3A_370 = tpu.memref_squeeze %dma_start3A_369 : memref<1x1x80xi32, #tpu.memory_space<vmem>> -> memref<80xi32, #tpu.memory_space<vmem>>
        %dma_start3A_371 = arith.constant 0 : i32
        %dma_start3A_372 = arith.constant 0 : i32
        %dma_start3A_373 = tpu.memref_slice %arg2[%dma_start3A_371, %dma_start3A_372] : memref<10000x64xf32, #tpu.memory_space<hbm>> -> memref<10000x64xf32, #tpu.memory_space<hbm>>
        tpu.enqueue_indirect_dma source(%dma_start3A_373 : memref<10000x64xf32, #tpu.memory_space<hbm>>) target(%dma_start3A_367 : memref<80x64xf32, #tpu.memory_space<vmem>>) offsets(%dma_start3A_370 : memref<80xi32, #tpu.memory_space<vmem>>) semaphore(%arg16 : memref<!tpu.dma_semaphore, #tpu.memory_space<semaphore_mem>>)
        %dma_start3A_374 = arith.constant 0 : i32
        %dma_start3A_375 = arith.constant 3 : i32
        %dma_start3A_376 = arith.constant 0 : i32
        %dma_start3A_377 = arith.constant 3 : i32
        %dma_start3A_378 = arith.constant 0 : i32
        %dma_start3A_379 = arith.constant 0 : i32
        %dma_start3A_380 = tpu.memref_slice %arg8[%dma_start3A_376, %dma_start3A_377, %dma_start3A_378, %dma_start3A_379] : memref<2x5x80x64xf32, #tpu.memory_space<vmem>> -> memref<1x1x80x64xf32, #tpu.memory_space<vmem>>
        %dma_start3A_381 = tpu.memref_squeeze %dma_start3A_380 : memref<1x1x80x64xf32, #tpu.memory_space<vmem>> -> memref<80x64xf32, #tpu.memory_space<vmem>>
        %dma_start3A_382 = arith.constant 0 : i32
        %dma_start3A_383 = tpu.memref_slice %arg6[%dma_start3A_374, %dma_start3A_375, %dma_start3A_382] : memref<2x5x80xi32, #tpu.memory_space<vmem>> -> memref<1x1x80xi32, #tpu.memory_space<vmem>>
        %dma_start3A_384 = tpu.memref_squeeze %dma_start3A_383 : memref<1x1x80xi32, #tpu.memory_space<vmem>> -> memref<80xi32, #tpu.memory_space<vmem>>
        %dma_start3A_385 = arith.constant 0 : i32
        %dma_start3A_386 = arith.constant 0 : i32
        %dma_start3A_387 = tpu.memref_slice %arg2[%dma_start3A_385, %dma_start3A_386] : memref<10000x64xf32, #tpu.memory_space<hbm>> -> memref<10000x64xf32, #tpu.memory_space<hbm>>
        tpu.enqueue_indirect_dma source(%dma_start3A_387 : memref<10000x64xf32, #tpu.memory_space<hbm>>) target(%dma_start3A_381 : memref<80x64xf32, #tpu.memory_space<vmem>>) offsets(%dma_start3A_384 : memref<80xi32, #tpu.memory_space<vmem>>) semaphore(%arg16 : memref<!tpu.dma_semaphore, #tpu.memory_space<semaphore_mem>>)
        %dma_start3A_388 = arith.constant 0 : i32
        %dma_start3A_389 = arith.constant 4 : i32
        %dma_start3A_390 = arith.constant 0 : i32
        %dma_start3A_391 = arith.constant 4 : i32
        %dma_start3A_392 = arith.constant 0 : i32
        %dma_start3A_393 = arith.constant 0 : i32
        %dma_start3A_394 = tpu.memref_slice %arg8[%dma_start3A_390, %dma_start3A_391, %dma_start3A_392, %dma_start3A_393] : memref<2x5x80x64xf32, #tpu.memory_space<vmem>> -> memref<1x1x80x64xf32, #tpu.memory_space<vmem>>
        %dma_start3A_395 = tpu.memref_squeeze %dma_start3A_394 : memref<1x1x80x64xf32, #tpu.memory_space<vmem>> -> memref<80x64xf32, #tpu.memory_space<vmem>>
        %dma_start3A_396 = arith.constant 0 : i32
        %dma_start3A_397 = tpu.memref_slice %arg6[%dma_start3A_388, %dma_start3A_389, %dma_start3A_396] : memref<2x5x80xi32, #tpu.memory_space<vmem>> -> memref<1x1x80xi32, #tpu.memory_space<vmem>>
        %dma_start3A_398 = tpu.memref_squeeze %dma_start3A_397 : memref<1x1x80xi32, #tpu.memory_space<vmem>> -> memref<80xi32, #tpu.memory_space<vmem>>
        %dma_start3A_399 = arith.constant 0 : i32
        %dma_start3A_400 = arith.constant 0 : i32
        %dma_start3A_401 = tpu.memref_slice %arg2[%dma_start3A_399, %dma_start3A_400] : memref<10000x64xf32, #tpu.memory_space<hbm>> -> memref<10000x64xf32, #tpu.memory_space<hbm>>
        tpu.enqueue_indirect_dma source(%dma_start3A_401 : memref<10000x64xf32, #tpu.memory_space<hbm>>) target(%dma_start3A_395 : memref<80x64xf32, #tpu.memory_space<vmem>>) offsets(%dma_start3A_398 : memref<80xi32, #tpu.memory_space<vmem>>) semaphore(%arg16 : memref<!tpu.dma_semaphore, #tpu.memory_space<semaphore_mem>>)
        %dma_wait3A_402 = arith.constant 0 : i32
        %dma_wait3A_403 = arith.constant 0 : i32
        %dma_wait3A_404 = arith.constant 0 : i32
        %dma_wait3A_405 = arith.constant 0 : i32
        %dma_wait3A_406 = arith.constant 0 : i32
        %dma_wait3A_407 = arith.constant 0 : i32
        %dma_wait3A_408 = tpu.memref_slice %arg8[%dma_wait3A_404, %dma_wait3A_405, %dma_wait3A_406, %dma_wait3A_407] : memref<2x5x80x64xf32, #tpu.memory_space<vmem>> -> memref<1x1x80x64xf32, #tpu.memory_space<vmem>>
        %dma_wait3A_409 = tpu.memref_squeeze %dma_wait3A_408 : memref<1x1x80x64xf32, #tpu.memory_space<vmem>> -> memref<80x64xf32, #tpu.memory_space<vmem>>
        %dma_wait3A_410 = arith.constant 0 : i32
        %dma_wait3A_411 = tpu.memref_slice %arg6[%dma_wait3A_402, %dma_wait3A_403, %dma_wait3A_410] : memref<2x5x80xi32, #tpu.memory_space<vmem>> -> memref<1x1x80xi32, #tpu.memory_space<vmem>>
        %dma_wait3A_412 = tpu.memref_squeeze %dma_wait3A_411 : memref<1x1x80xi32, #tpu.memory_space<vmem>> -> memref<80xi32, #tpu.memory_space<vmem>>
        %dma_wait3A_413 = arith.constant 0 : i32
        %dma_wait3A_414 = arith.constant 0 : i32
        %dma_wait3A_415 = tpu.memref_slice %arg2[%dma_wait3A_413, %dma_wait3A_414] : memref<10000x64xf32, #tpu.memory_space<hbm>> -> memref<10000x64xf32, #tpu.memory_space<hbm>>
        tpu.wait_indirect_dma semaphore(%arg16 : memref<!tpu.dma_semaphore, #tpu.memory_space<semaphore_mem>>) src(%dma_wait3A_415 : memref<10000x64xf32, #tpu.memory_space<hbm>>) dst(%dma_wait3A_409 : memref<80x64xf32, #tpu.memory_space<vmem>>)
        %dma_wait3A_416 = arith.constant 0 : i32
        %dma_wait3A_417 = arith.constant 1 : i32
        %dma_wait3A_418 = arith.constant 0 : i32
        %dma_wait3A_419 = arith.constant 1 : i32
        %dma_wait3A_420 = arith.constant 0 : i32
        %dma_wait3A_421 = arith.constant 0 : i32
        %dma_wait3A_422 = tpu.memref_slice %arg8[%dma_wait3A_418, %dma_wait3A_419, %dma_wait3A_420, %dma_wait3A_421] : memref<2x5x80x64xf32, #tpu.memory_space<vmem>> -> memref<1x1x80x64xf32, #tpu.memory_space<vmem>>
        %dma_wait3A_423 = tpu.memref_squeeze %dma_wait3A_422 : memref<1x1x80x64xf32, #tpu.memory_space<vmem>> -> memref<80x64xf32, #tpu.memory_space<vmem>>
        %dma_wait3A_424 = arith.constant 0 : i32
        %dma_wait3A_425 = tpu.memref_slice %arg6[%dma_wait3A_416, %dma_wait3A_417, %dma_wait3A_424] : memref<2x5x80xi32, #tpu.memory_space<vmem>> -> memref<1x1x80xi32, #tpu.memory_space<vmem>>
        %dma_wait3A_426 = tpu.memref_squeeze %dma_wait3A_425 : memref<1x1x80xi32, #tpu.memory_space<vmem>> -> memref<80xi32, #tpu.memory_space<vmem>>
        %dma_wait3A_427 = arith.constant 0 : i32
        %dma_wait3A_428 = arith.constant 0 : i32
        %dma_wait3A_429 = tpu.memref_slice %arg2[%dma_wait3A_427, %dma_wait3A_428] : memref<10000x64xf32, #tpu.memory_space<hbm>> -> memref<10000x64xf32, #tpu.memory_space<hbm>>
        tpu.wait_indirect_dma semaphore(%arg16 : memref<!tpu.dma_semaphore, #tpu.memory_space<semaphore_mem>>) src(%dma_wait3A_429 : memref<10000x64xf32, #tpu.memory_space<hbm>>) dst(%dma_wait3A_423 : memref<80x64xf32, #tpu.memory_space<vmem>>)
        %dma_wait3A_430 = arith.constant 0 : i32
        %dma_wait3A_431 = arith.constant 2 : i32
        %dma_wait3A_432 = arith.constant 0 : i32
        %dma_wait3A_433 = arith.constant 2 : i32
        %dma_wait3A_434 = arith.constant 0 : i32
        %dma_wait3A_435 = arith.constant 0 : i32
        %dma_wait3A_436 = tpu.memref_slice %arg8[%dma_wait3A_432, %dma_wait3A_433, %dma_wait3A_434, %dma_wait3A_435] : memref<2x5x80x64xf32, #tpu.memory_space<vmem>> -> memref<1x1x80x64xf32, #tpu.memory_space<vmem>>
        %dma_wait3A_437 = tpu.memref_squeeze %dma_wait3A_436 : memref<1x1x80x64xf32, #tpu.memory_space<vmem>> -> memref<80x64xf32, #tpu.memory_space<vmem>>
        %dma_wait3A_438 = arith.constant 0 : i32
        %dma_wait3A_439 = tpu.memref_slice %arg6[%dma_wait3A_430, %dma_wait3A_431, %dma_wait3A_438] : memref<2x5x80xi32, #tpu.memory_space<vmem>> -> memref<1x1x80xi32, #tpu.memory_space<vmem>>
        %dma_wait3A_440 = tpu.memref_squeeze %dma_wait3A_439 : memref<1x1x80xi32, #tpu.memory_space<vmem>> -> memref<80xi32, #tpu.memory_space<vmem>>
        %dma_wait3A_441 = arith.constant 0 : i32
        %dma_wait3A_442 = arith.constant 0 : i32
        %dma_wait3A_443 = tpu.memref_slice %arg2[%dma_wait3A_441, %dma_wait3A_442] : memref<10000x64xf32, #tpu.memory_space<hbm>> -> memref<10000x64xf32, #tpu.memory_space<hbm>>
        tpu.wait_indirect_dma semaphore(%arg16 : memref<!tpu.dma_semaphore, #tpu.memory_space<semaphore_mem>>) src(%dma_wait3A_443 : memref<10000x64xf32, #tpu.memory_space<hbm>>) dst(%dma_wait3A_437 : memref<80x64xf32, #tpu.memory_space<vmem>>)
        %dma_wait3A_444 = arith.constant 0 : i32
        %dma_wait3A_445 = arith.constant 3 : i32
        %dma_wait3A_446 = arith.constant 0 : i32
        %dma_wait3A_447 = arith.constant 3 : i32
        %dma_wait3A_448 = arith.constant 0 : i32
        %dma_wait3A_449 = arith.constant 0 : i32
        %dma_wait3A_450 = tpu.memref_slice %arg8[%dma_wait3A_446, %dma_wait3A_447, %dma_wait3A_448, %dma_wait3A_449] : memref<2x5x80x64xf32, #tpu.memory_space<vmem>> -> memref<1x1x80x64xf32, #tpu.memory_space<vmem>>
        %dma_wait3A_451 = tpu.memref_squeeze %dma_wait3A_450 : memref<1x1x80x64xf32, #tpu.memory_space<vmem>> -> memref<80x64xf32, #tpu.memory_space<vmem>>
        %dma_wait3A_452 = arith.constant 0 : i32
        %dma_wait3A_453 = tpu.memref_slice %arg6[%dma_wait3A_444, %dma_wait3A_445, %dma_wait3A_452] : memref<2x5x80xi32, #tpu.memory_space<vmem>> -> memref<1x1x80xi32, #tpu.memory_space<vmem>>
        %dma_wait3A_454 = tpu.memref_squeeze %dma_wait3A_453 : memref<1x1x80xi32, #tpu.memory_space<vmem>> -> memref<80xi32, #tpu.memory_space<vmem>>
        %dma_wait3A_455 = arith.constant 0 : i32
        %dma_wait3A_456 = arith.constant 0 : i32
        %dma_wait3A_457 = tpu.memref_slice %arg2[%dma_wait3A_455, %dma_wait3A_456] : memref<10000x64xf32, #tpu.memory_space<hbm>> -> memref<10000x64xf32, #tpu.memory_space<hbm>>
        tpu.wait_indirect_dma semaphore(%arg16 : memref<!tpu.dma_semaphore, #tpu.memory_space<semaphore_mem>>) src(%dma_wait3A_457 : memref<10000x64xf32, #tpu.memory_space<hbm>>) dst(%dma_wait3A_451 : memref<80x64xf32, #tpu.memory_space<vmem>>)
        %dma_wait3A_458 = arith.constant 0 : i32
        %dma_wait3A_459 = arith.constant 4 : i32
        %dma_wait3A_460 = arith.constant 0 : i32
        %dma_wait3A_461 = arith.constant 4 : i32
        %dma_wait3A_462 = arith.constant 0 : i32
        %dma_wait3A_463 = arith.constant 0 : i32
        %dma_wait3A_464 = tpu.memref_slice %arg8[%dma_wait3A_460, %dma_wait3A_461, %dma_wait3A_462, %dma_wait3A_463] : memref<2x5x80x64xf32, #tpu.memory_space<vmem>> -> memref<1x1x80x64xf32, #tpu.memory_space<vmem>>
        %dma_wait3A_465 = tpu.memref_squeeze %dma_wait3A_464 : memref<1x1x80x64xf32, #tpu.memory_space<vmem>> -> memref<80x64xf32, #tpu.memory_space<vmem>>
        %dma_wait3A_466 = arith.constant 0 : i32
        %dma_wait3A_467 = tpu.memref_slice %arg6[%dma_wait3A_458, %dma_wait3A_459, %dma_wait3A_466] : memref<2x5x80xi32, #tpu.memory_space<vmem>> -> memref<1x1x80xi32, #tpu.memory_space<vmem>>
        %dma_wait3A_468 = tpu.memref_squeeze %dma_wait3A_467 : memref<1x1x80xi32, #tpu.memory_space<vmem>> -> memref<80xi32, #tpu.memory_space<vmem>>
        %dma_wait3A_469 = arith.constant 0 : i32
        %dma_wait3A_470 = arith.constant 0 : i32
        %dma_wait3A_471 = tpu.memref_slice %arg2[%dma_wait3A_469, %dma_wait3A_470] : memref<10000x64xf32, #tpu.memory_space<hbm>> -> memref<10000x64xf32, #tpu.memory_space<hbm>>
        tpu.wait_indirect_dma semaphore(%arg16 : memref<!tpu.dma_semaphore, #tpu.memory_space<semaphore_mem>>) src(%dma_wait3A_471 : memref<10000x64xf32, #tpu.memory_space<hbm>>) dst(%dma_wait3A_465 : memref<80x64xf32, #tpu.memory_space<vmem>>)
        %add3A_472 = arith.constant 2 : i32
        %add3A_473 = arith.addi %scan3A_220, %add3A_472 : i32
        %lt3A_474 = arith.constant 50 : i32
        %lt3A_475 = arith.cmpi slt, %add3A_473, %lt3A_474 : i32
        %convert_element_type3A_476 = arith.extui %lt3A_475 : i1 to i32
        %cond3A_477 = arith.constant 0 : i32
        %cond3A_478 = arith.cmpi ne, %convert_element_type3A_476, %cond3A_477 : i32
        scf.if %cond3A_478 {
          %add3A_549 = arith.constant 2 : i32
          %add3A_550 = arith.addi %scan3A_220, %add3A_549 : i32
          %mul3A_551 = arith.constant 5 : i32
          %mul3A_552 = arith.muli %add3A_550, %mul3A_551 : i32
          %add3A_553 = arith.addi %mul3A_4, %mul3A_552 : i32
          %dma_start3A_554 = arith.constant 0 : i32
          %dma_start3A_555 = arith.constant 0 : i32
          %dma_start3A_556 = arith.constant 0 : i32
          %dma_start3A_557 = arith.constant 0 : i32
          %dma_start3A_558 = tpu.memref_slice %arg6[%dma_start3A_555, %dma_start3A_556, %dma_start3A_557] : memref<2x5x80xi32, #tpu.memory_space<vmem>> -> memref<1x5x80xi32, #tpu.memory_space<vmem>>
          %dma_start3A_559 = tpu.memref_squeeze %dma_start3A_558 : memref<1x5x80xi32, #tpu.memory_space<vmem>> -> memref<5x80xi32, #tpu.memory_space<vmem>>
          %dma_start3A_560 = arith.constant 0 : i32
          %dma_start3A_561 = tpu.memref_slice %arg3[%dma_start3A_554, %add3A_553, %dma_start3A_560] : memref<2x8000x80xi32, #tpu.memory_space<hbm>> -> memref<1x5x80xi32, #tpu.memory_space<hbm>>
          %dma_start3A_562 = tpu.memref_squeeze %dma_start3A_561 : memref<1x5x80xi32, #tpu.memory_space<hbm>> -> memref<5x80xi32, #tpu.memory_space<hbm>>
          %dma_start3A_563 = arith.constant 0 : i32
          %dma_start3A_564 = arith.constant 0 : i32
          %dma_start3A_565 = tpu.memref_slice %arg6[%dma_start3A_555, %dma_start3A_563, %dma_start3A_564] : memref<2x5x80xi32, #tpu.memory_space<vmem>> -> memref<1x5x80xi32, #tpu.memory_space<vmem>>
          %dma_start3A_566 = tpu.memref_squeeze %dma_start3A_565 : memref<1x5x80xi32, #tpu.memory_space<vmem>> -> memref<5x80xi32, #tpu.memory_space<vmem>>
          %dma_start3A_567 = arith.constant 0 : i32
          %dma_start3A_568 = tpu.memref_slice %arg3[%dma_start3A_554, %add3A_553, %dma_start3A_567] : memref<2x8000x80xi32, #tpu.memory_space<hbm>> -> memref<1x5x80xi32, #tpu.memory_space<hbm>>
          %dma_start3A_569 = tpu.memref_squeeze %dma_start3A_568 : memref<1x5x80xi32, #tpu.memory_space<hbm>> -> memref<5x80xi32, #tpu.memory_space<hbm>>
          tpu.enqueue_dma source(%dma_start3A_569 : memref<5x80xi32, #tpu.memory_space<hbm>>) target(%dma_start3A_566 : memref<5x80xi32, #tpu.memory_space<vmem>>) target_semaphore(%arg10 : memref<!tpu.dma_semaphore, #tpu.memory_space<semaphore_mem>>)
          %dma_start3A_570 = arith.constant 1 : i32
          %dma_start3A_571 = arith.constant 2 : i32
          %dma_start3A_572 = arith.constant 0 : i32
          %dma_start3A_573 = arith.constant 0 : i32
          %dma_start3A_574 = tpu.memref_slice %arg7[%dma_start3A_571, %dma_start3A_572, %dma_start3A_573] : memref<4x5x80xi32, #tpu.memory_space<vmem>> -> memref<1x5x80xi32, #tpu.memory_space<vmem>>
          %dma_start3A_575 = tpu.memref_squeeze %dma_start3A_574 : memref<1x5x80xi32, #tpu.memory_space<vmem>> -> memref<5x80xi32, #tpu.memory_space<vmem>>
          %dma_start3A_576 = arith.constant 0 : i32
          %dma_start3A_577 = tpu.memref_slice %arg3[%dma_start3A_570, %add3A_553, %dma_start3A_576] : memref<2x8000x80xi32, #tpu.memory_space<hbm>> -> memref<1x5x80xi32, #tpu.memory_space<hbm>>
          %dma_start3A_578 = tpu.memref_squeeze %dma_start3A_577 : memref<1x5x80xi32, #tpu.memory_space<hbm>> -> memref<5x80xi32, #tpu.memory_space<hbm>>
          %dma_start3A_579 = arith.constant 0 : i32
          %dma_start3A_580 = arith.constant 0 : i32
          %dma_start3A_581 = tpu.memref_slice %arg7[%dma_start3A_571, %dma_start3A_579, %dma_start3A_580] : memref<4x5x80xi32, #tpu.memory_space<vmem>> -> memref<1x5x80xi32, #tpu.memory_space<vmem>>
          %dma_start3A_582 = tpu.memref_squeeze %dma_start3A_581 : memref<1x5x80xi32, #tpu.memory_space<vmem>> -> memref<5x80xi32, #tpu.memory_space<vmem>>
          %dma_start3A_583 = arith.constant 0 : i32
          %dma_start3A_584 = tpu.memref_slice %arg3[%dma_start3A_570, %add3A_553, %dma_start3A_583] : memref<2x8000x80xi32, #tpu.memory_space<hbm>> -> memref<1x5x80xi32, #tpu.memory_space<hbm>>
          %dma_start3A_585 = tpu.memref_squeeze %dma_start3A_584 : memref<1x5x80xi32, #tpu.memory_space<hbm>> -> memref<5x80xi32, #tpu.memory_space<hbm>>
          tpu.enqueue_dma source(%dma_start3A_585 : memref<5x80xi32, #tpu.memory_space<hbm>>) target(%dma_start3A_582 : memref<5x80xi32, #tpu.memory_space<vmem>>) target_semaphore(%arg14 : memref<!tpu.dma_semaphore, #tpu.memory_space<semaphore_mem>>)
        } else {
        }
        %dma_start3A_479 = arith.constant 0 : i32
        %dma_start3A_480 = arith.constant 0 : i32
        %dma_start3A_481 = arith.constant 0 : i32
        %dma_start3A_482 = arith.constant 0 : i32
        %dma_start3A_483 = arith.constant 0 : i32
        %dma_start3A_484 = arith.constant 0 : i32
        %dma_start3A_485 = tpu.memref_slice %arg8[%dma_start3A_479, %dma_start3A_480, %dma_start3A_483, %dma_start3A_484] : memref<2x5x80x64xf32, #tpu.memory_space<vmem>> -> memref<1x1x80x64xf32, #tpu.memory_space<vmem>>
        %dma_start3A_486 = tpu.memref_squeeze %dma_start3A_485 : memref<1x1x80x64xf32, #tpu.memory_space<vmem>> -> memref<80x64xf32, #tpu.memory_space<vmem>>
        %dma_start3A_487 = arith.constant 0 : i32
        %dma_start3A_488 = tpu.memref_slice %arg7[%dma_start3A_481, %dma_start3A_482, %dma_start3A_487] : memref<4x5x80xi32, #tpu.memory_space<vmem>> -> memref<1x1x80xi32, #tpu.memory_space<vmem>>
        %dma_start3A_489 = tpu.memref_squeeze %dma_start3A_488 : memref<1x1x80xi32, #tpu.memory_space<vmem>> -> memref<80xi32, #tpu.memory_space<vmem>>
        %dma_start3A_490 = arith.constant 0 : i32
        %dma_start3A_491 = arith.constant 0 : i32
        %dma_start3A_492 = tpu.memref_slice %arg9[%dma_start3A_490, %dma_start3A_491] : memref<10240x64xf32, #tpu.memory_space<vmem_shared>> -> memref<10240x64xf32, #tpu.memory_space<vmem_shared>>
        tpu.enqueue_indirect_dma source(%dma_start3A_486 : memref<80x64xf32, #tpu.memory_space<vmem>>) target(%dma_start3A_492 : memref<10240x64xf32, #tpu.memory_space<vmem_shared>>) offsets(%dma_start3A_489 : memref<80xi32, #tpu.memory_space<vmem>>) semaphore(%arg18 : memref<!tpu.dma_semaphore, #tpu.memory_space<semaphore_mem>>) {add = true}
        %dma_start3A_493 = arith.constant 0 : i32
        %dma_start3A_494 = arith.constant 1 : i32
        %dma_start3A_495 = arith.constant 0 : i32
        %dma_start3A_496 = arith.constant 1 : i32
        %dma_start3A_497 = arith.constant 0 : i32
        %dma_start3A_498 = arith.constant 0 : i32
        %dma_start3A_499 = tpu.memref_slice %arg8[%dma_start3A_493, %dma_start3A_494, %dma_start3A_497, %dma_start3A_498] : memref<2x5x80x64xf32, #tpu.memory_space<vmem>> -> memref<1x1x80x64xf32, #tpu.memory_space<vmem>>
        %dma_start3A_500 = tpu.memref_squeeze %dma_start3A_499 : memref<1x1x80x64xf32, #tpu.memory_space<vmem>> -> memref<80x64xf32, #tpu.memory_space<vmem>>
        %dma_start3A_501 = arith.constant 0 : i32
        %dma_start3A_502 = tpu.memref_slice %arg7[%dma_start3A_495, %dma_start3A_496, %dma_start3A_501] : memref<4x5x80xi32, #tpu.memory_space<vmem>> -> memref<1x1x80xi32, #tpu.memory_space<vmem>>
        %dma_start3A_503 = tpu.memref_squeeze %dma_start3A_502 : memref<1x1x80xi32, #tpu.memory_space<vmem>> -> memref<80xi32, #tpu.memory_space<vmem>>
        %dma_start3A_504 = arith.constant 0 : i32
        %dma_start3A_505 = arith.constant 0 : i32
        %dma_start3A_506 = tpu.memref_slice %arg9[%dma_start3A_504, %dma_start3A_505] : memref<10240x64xf32, #tpu.memory_space<vmem_shared>> -> memref<10240x64xf32, #tpu.memory_space<vmem_shared>>
        tpu.enqueue_indirect_dma source(%dma_start3A_500 : memref<80x64xf32, #tpu.memory_space<vmem>>) target(%dma_start3A_506 : memref<10240x64xf32, #tpu.memory_space<vmem_shared>>) offsets(%dma_start3A_503 : memref<80xi32, #tpu.memory_space<vmem>>) semaphore(%arg18 : memref<!tpu.dma_semaphore, #tpu.memory_space<semaphore_mem>>) {add = true}
        %dma_start3A_507 = arith.constant 0 : i32
        %dma_start3A_508 = arith.constant 2 : i32
        %dma_start3A_509 = arith.constant 0 : i32
        %dma_start3A_510 = arith.constant 2 : i32
        %dma_start3A_511 = arith.constant 0 : i32
        %dma_start3A_512 = arith.constant 0 : i32
        %dma_start3A_513 = tpu.memref_slice %arg8[%dma_start3A_507, %dma_start3A_508, %dma_start3A_511, %dma_start3A_512] : memref<2x5x80x64xf32, #tpu.memory_space<vmem>> -> memref<1x1x80x64xf32, #tpu.memory_space<vmem>>
        %dma_start3A_514 = tpu.memref_squeeze %dma_start3A_513 : memref<1x1x80x64xf32, #tpu.memory_space<vmem>> -> memref<80x64xf32, #tpu.memory_space<vmem>>
        %dma_start3A_515 = arith.constant 0 : i32
        %dma_start3A_516 = tpu.memref_slice %arg7[%dma_start3A_509, %dma_start3A_510, %dma_start3A_515] : memref<4x5x80xi32, #tpu.memory_space<vmem>> -> memref<1x1x80xi32, #tpu.memory_space<vmem>>
        %dma_start3A_517 = tpu.memref_squeeze %dma_start3A_516 : memref<1x1x80xi32, #tpu.memory_space<vmem>> -> memref<80xi32, #tpu.memory_space<vmem>>
        %dma_start3A_518 = arith.constant 0 : i32
        %dma_start3A_519 = arith.constant 0 : i32
        %dma_start3A_520 = tpu.memref_slice %arg9[%dma_start3A_518, %dma_start3A_519] : memref<10240x64xf32, #tpu.memory_space<vmem_shared>> -> memref<10240x64xf32, #tpu.memory_space<vmem_shared>>
        tpu.enqueue_indirect_dma source(%dma_start3A_514 : memref<80x64xf32, #tpu.memory_space<vmem>>) target(%dma_start3A_520 : memref<10240x64xf32, #tpu.memory_space<vmem_shared>>) offsets(%dma_start3A_517 : memref<80xi32, #tpu.memory_space<vmem>>) semaphore(%arg18 : memref<!tpu.dma_semaphore, #tpu.memory_space<semaphore_mem>>) {add = true}
        %dma_start3A_521 = arith.constant 0 : i32
        %dma_start3A_522 = arith.constant 3 : i32
        %dma_start3A_523 = arith.constant 0 : i32
        %dma_start3A_524 = arith.constant 3 : i32
        %dma_start3A_525 = arith.constant 0 : i32
        %dma_start3A_526 = arith.constant 0 : i32
        %dma_start3A_527 = tpu.memref_slice %arg8[%dma_start3A_521, %dma_start3A_522, %dma_start3A_525, %dma_start3A_526] : memref<2x5x80x64xf32, #tpu.memory_space<vmem>> -> memref<1x1x80x64xf32, #tpu.memory_space<vmem>>
        %dma_start3A_528 = tpu.memref_squeeze %dma_start3A_527 : memref<1x1x80x64xf32, #tpu.memory_space<vmem>> -> memref<80x64xf32, #tpu.memory_space<vmem>>
        %dma_start3A_529 = arith.constant 0 : i32
        %dma_start3A_530 = tpu.memref_slice %arg7[%dma_start3A_523, %dma_start3A_524, %dma_start3A_529] : memref<4x5x80xi32, #tpu.memory_space<vmem>> -> memref<1x1x80xi32, #tpu.memory_space<vmem>>
        %dma_start3A_531 = tpu.memref_squeeze %dma_start3A_530 : memref<1x1x80xi32, #tpu.memory_space<vmem>> -> memref<80xi32, #tpu.memory_space<vmem>>
        %dma_start3A_532 = arith.constant 0 : i32
        %dma_start3A_533 = arith.constant 0 : i32
        %dma_start3A_534 = tpu.memref_slice %arg9[%dma_start3A_532, %dma_start3A_533] : memref<10240x64xf32, #tpu.memory_space<vmem_shared>> -> memref<10240x64xf32, #tpu.memory_space<vmem_shared>>
        tpu.enqueue_indirect_dma source(%dma_start3A_528 : memref<80x64xf32, #tpu.memory_space<vmem>>) target(%dma_start3A_534 : memref<10240x64xf32, #tpu.memory_space<vmem_shared>>) offsets(%dma_start3A_531 : memref<80xi32, #tpu.memory_space<vmem>>) semaphore(%arg18 : memref<!tpu.dma_semaphore, #tpu.memory_space<semaphore_mem>>) {add = true}
        %dma_start3A_535 = arith.constant 0 : i32
        %dma_start3A_536 = arith.constant 4 : i32
        %dma_start3A_537 = arith.constant 0 : i32
        %dma_start3A_538 = arith.constant 4 : i32
        %dma_start3A_539 = arith.constant 0 : i32
        %dma_start3A_540 = arith.constant 0 : i32
        %dma_start3A_541 = tpu.memref_slice %arg8[%dma_start3A_535, %dma_start3A_536, %dma_start3A_539, %dma_start3A_540] : memref<2x5x80x64xf32, #tpu.memory_space<vmem>> -> memref<1x1x80x64xf32, #tpu.memory_space<vmem>>
        %dma_start3A_542 = tpu.memref_squeeze %dma_start3A_541 : memref<1x1x80x64xf32, #tpu.memory_space<vmem>> -> memref<80x64xf32, #tpu.memory_space<vmem>>
        %dma_start3A_543 = arith.constant 0 : i32
        %dma_start3A_544 = tpu.memref_slice %arg7[%dma_start3A_537, %dma_start3A_538, %dma_start3A_543] : memref<4x5x80xi32, #tpu.memory_space<vmem>> -> memref<1x1x80xi32, #tpu.memory_space<vmem>>
        %dma_start3A_545 = tpu.memref_squeeze %dma_start3A_544 : memref<1x1x80xi32, #tpu.memory_space<vmem>> -> memref<80xi32, #tpu.memory_space<vmem>>
        %dma_start3A_546 = arith.constant 0 : i32
        %dma_start3A_547 = arith.constant 0 : i32
        %dma_start3A_548 = tpu.memref_slice %arg9[%dma_start3A_546, %dma_start3A_547] : memref<10240x64xf32, #tpu.memory_space<vmem_shared>> -> memref<10240x64xf32, #tpu.memory_space<vmem_shared>>
        tpu.enqueue_indirect_dma source(%dma_start3A_542 : memref<80x64xf32, #tpu.memory_space<vmem>>) target(%dma_start3A_548 : memref<10240x64xf32, #tpu.memory_space<vmem_shared>>) offsets(%dma_start3A_545 : memref<80xi32, #tpu.memory_space<vmem>>) semaphore(%arg18 : memref<!tpu.dma_semaphore, #tpu.memory_space<semaphore_mem>>) {add = true}
      } else {
      }
      %jit3A_233 = arith.constant 4 : i32
      %eq3A_234 = arith.constant 0 : i32
      %eq3A_235 = arith.cmpi eq, %jit3A_233, %eq3A_234 : i32
      %jit3A_236 = arith.constant 1 : i32
      %select_n3A_237 = arith.select %eq3A_235, %jit3A_236, %jit3A_233 : i32
      %rem3A_238 = arith.remsi %scan3A_220, %select_n3A_237 : i32
      %ne3A_239 = arith.constant 0 : i32
      %ne3A_240 = arith.cmpi ne, %rem3A_238, %ne3A_239 : i32
      %lt3A_241 = arith.constant 0 : i32
      %lt3A_242 = arith.cmpi slt, %rem3A_238, %lt3A_241 : i32
      %lt3A_243 = arith.constant 0 : i32
      %lt3A_244 = arith.cmpi slt, %select_n3A_237, %lt3A_243 : i32
      %ne3A_245 = arith.xori %lt3A_242, %lt3A_244 : i1
      %and3A_246 = arith.andi %ne3A_245, %ne3A_240 : i1
      %add3A_247 = arith.addi %rem3A_238, %select_n3A_237 : i32
      %select_n3A_248 = arith.select %and3A_246, %add3A_247, %rem3A_238 : i32
      %eq3A_249 = arith.constant 1 : i32
      %eq3A_250 = arith.cmpi eq, %select_n3A_248, %eq3A_249 : i32
      %convert_element_type3A_251 = arith.extui %eq3A_250 : i1 to i32
      %cond3A_252 = arith.constant 0 : i32
      %cond3A_253 = arith.cmpi ne, %convert_element_type3A_251, %cond3A_252 : i32
      scf.if %cond3A_253 {
        %ge3A = arith.constant 2 : i32
        %ge3A_296 = arith.cmpi sge, %scan3A_220, %ge3A : i32
        %convert_element_type3A_297 = arith.extui %ge3A_296 : i1 to i32
        %cond3A_298 = arith.constant 0 : i32
        %cond3A_299 = arith.cmpi ne, %convert_element_type3A_297, %cond3A_298 : i32
        scf.if %cond3A_299 {
          %dma_wait3A_549 = arith.constant 1 : i32
          %dma_wait3A_550 = arith.constant 0 : i32
          %dma_wait3A_551 = arith.constant 3 : i32
          %dma_wait3A_552 = arith.constant 0 : i32
          %dma_wait3A_553 = arith.constant 0 : i32
          %dma_wait3A_554 = arith.constant 0 : i32
          %dma_wait3A_555 = tpu.memref_slice %arg8[%dma_wait3A_549, %dma_wait3A_550, %dma_wait3A_553, %dma_wait3A_554] : memref<2x5x80x64xf32, #tpu.memory_space<vmem>> -> memref<1x1x80x64xf32, #tpu.memory_space<vmem>>
          %dma_wait3A_556 = tpu.memref_squeeze %dma_wait3A_555 : memref<1x1x80x64xf32, #tpu.memory_space<vmem>> -> memref<80x64xf32, #tpu.memory_space<vmem>>
          %dma_wait3A_557 = arith.constant 0 : i32
          %dma_wait3A_558 = tpu.memref_slice %arg7[%dma_wait3A_551, %dma_wait3A_552, %dma_wait3A_557] : memref<4x5x80xi32, #tpu.memory_space<vmem>> -> memref<1x1x80xi32, #tpu.memory_space<vmem>>
          %dma_wait3A_559 = tpu.memref_squeeze %dma_wait3A_558 : memref<1x1x80xi32, #tpu.memory_space<vmem>> -> memref<80xi32, #tpu.memory_space<vmem>>
          %dma_wait3A_560 = arith.constant 0 : i32
          %dma_wait3A_561 = arith.constant 0 : i32
          %dma_wait3A_562 = tpu.memref_slice %arg9[%dma_wait3A_560, %dma_wait3A_561] : memref<10240x64xf32, #tpu.memory_space<vmem_shared>> -> memref<10240x64xf32, #tpu.memory_space<vmem_shared>>
          tpu.wait_indirect_dma semaphore(%arg21 : memref<!tpu.dma_semaphore, #tpu.memory_space<semaphore_mem>>) src(%dma_wait3A_556 : memref<80x64xf32, #tpu.memory_space<vmem>>) dst(%dma_wait3A_562 : memref<10240x64xf32, #tpu.memory_space<vmem_shared>>)
          %dma_wait3A_563 = arith.constant 1 : i32
          %dma_wait3A_564 = arith.constant 1 : i32
          %dma_wait3A_565 = arith.constant 3 : i32
          %dma_wait3A_566 = arith.constant 1 : i32
          %dma_wait3A_567 = arith.constant 0 : i32
          %dma_wait3A_568 = arith.constant 0 : i32
          %dma_wait3A_569 = tpu.memref_slice %arg8[%dma_wait3A_563, %dma_wait3A_564, %dma_wait3A_567, %dma_wait3A_568] : memref<2x5x80x64xf32, #tpu.memory_space<vmem>> -> memref<1x1x80x64xf32, #tpu.memory_space<vmem>>
          %dma_wait3A_570 = tpu.memref_squeeze %dma_wait3A_569 : memref<1x1x80x64xf32, #tpu.memory_space<vmem>> -> memref<80x64xf32, #tpu.memory_space<vmem>>
          %dma_wait3A_571 = arith.constant 0 : i32
          %dma_wait3A_572 = tpu.memref_slice %arg7[%dma_wait3A_565, %dma_wait3A_566, %dma_wait3A_571] : memref<4x5x80xi32, #tpu.memory_space<vmem>> -> memref<1x1x80xi32, #tpu.memory_space<vmem>>
          %dma_wait3A_573 = tpu.memref_squeeze %dma_wait3A_572 : memref<1x1x80xi32, #tpu.memory_space<vmem>> -> memref<80xi32, #tpu.memory_space<vmem>>
          %dma_wait3A_574 = arith.constant 0 : i32
          %dma_wait3A_575 = arith.constant 0 : i32
          %dma_wait3A_576 = tpu.memref_slice %arg9[%dma_wait3A_574, %dma_wait3A_575] : memref<10240x64xf32, #tpu.memory_space<vmem_shared>> -> memref<10240x64xf32, #tpu.memory_space<vmem_shared>>
          tpu.wait_indirect_dma semaphore(%arg21 : memref<!tpu.dma_semaphore, #tpu.memory_space<semaphore_mem>>) src(%dma_wait3A_570 : memref<80x64xf32, #tpu.memory_space<vmem>>) dst(%dma_wait3A_576 : memref<10240x64xf32, #tpu.memory_space<vmem_shared>>)
          %dma_wait3A_577 = arith.constant 1 : i32
          %dma_wait3A_578 = arith.constant 2 : i32
          %dma_wait3A_579 = arith.constant 3 : i32
          %dma_wait3A_580 = arith.constant 2 : i32
          %dma_wait3A_581 = arith.constant 0 : i32
          %dma_wait3A_582 = arith.constant 0 : i32
          %dma_wait3A_583 = tpu.memref_slice %arg8[%dma_wait3A_577, %dma_wait3A_578, %dma_wait3A_581, %dma_wait3A_582] : memref<2x5x80x64xf32, #tpu.memory_space<vmem>> -> memref<1x1x80x64xf32, #tpu.memory_space<vmem>>
          %dma_wait3A_584 = tpu.memref_squeeze %dma_wait3A_583 : memref<1x1x80x64xf32, #tpu.memory_space<vmem>> -> memref<80x64xf32, #tpu.memory_space<vmem>>
          %dma_wait3A_585 = arith.constant 0 : i32
          %dma_wait3A_586 = tpu.memref_slice %arg7[%dma_wait3A_579, %dma_wait3A_580, %dma_wait3A_585] : memref<4x5x80xi32, #tpu.memory_space<vmem>> -> memref<1x1x80xi32, #tpu.memory_space<vmem>>
          %dma_wait3A_587 = tpu.memref_squeeze %dma_wait3A_586 : memref<1x1x80xi32, #tpu.memory_space<vmem>> -> memref<80xi32, #tpu.memory_space<vmem>>
          %dma_wait3A_588 = arith.constant 0 : i32
          %dma_wait3A_589 = arith.constant 0 : i32
          %dma_wait3A_590 = tpu.memref_slice %arg9[%dma_wait3A_588, %dma_wait3A_589] : memref<10240x64xf32, #tpu.memory_space<vmem_shared>> -> memref<10240x64xf32, #tpu.memory_space<vmem_shared>>
          tpu.wait_indirect_dma semaphore(%arg21 : memref<!tpu.dma_semaphore, #tpu.memory_space<semaphore_mem>>) src(%dma_wait3A_584 : memref<80x64xf32, #tpu.memory_space<vmem>>) dst(%dma_wait3A_590 : memref<10240x64xf32, #tpu.memory_space<vmem_shared>>)
          %dma_wait3A_591 = arith.constant 1 : i32
          %dma_wait3A_592 = arith.constant 3 : i32
          %dma_wait3A_593 = arith.constant 3 : i32
          %dma_wait3A_594 = arith.constant 3 : i32
          %dma_wait3A_595 = arith.constant 0 : i32
          %dma_wait3A_596 = arith.constant 0 : i32
          %dma_wait3A_597 = tpu.memref_slice %arg8[%dma_wait3A_591, %dma_wait3A_592, %dma_wait3A_595, %dma_wait3A_596] : memref<2x5x80x64xf32, #tpu.memory_space<vmem>> -> memref<1x1x80x64xf32, #tpu.memory_space<vmem>>
          %dma_wait3A_598 = tpu.memref_squeeze %dma_wait3A_597 : memref<1x1x80x64xf32, #tpu.memory_space<vmem>> -> memref<80x64xf32, #tpu.memory_space<vmem>>
          %dma_wait3A_599 = arith.constant 0 : i32
          %dma_wait3A_600 = tpu.memref_slice %arg7[%dma_wait3A_593, %dma_wait3A_594, %dma_wait3A_599] : memref<4x5x80xi32, #tpu.memory_space<vmem>> -> memref<1x1x80xi32, #tpu.memory_space<vmem>>
          %dma_wait3A_601 = tpu.memref_squeeze %dma_wait3A_600 : memref<1x1x80xi32, #tpu.memory_space<vmem>> -> memref<80xi32, #tpu.memory_space<vmem>>
          %dma_wait3A_602 = arith.constant 0 : i32
          %dma_wait3A_603 = arith.constant 0 : i32
          %dma_wait3A_604 = tpu.memref_slice %arg9[%dma_wait3A_602, %dma_wait3A_603] : memref<10240x64xf32, #tpu.memory_space<vmem_shared>> -> memref<10240x64xf32, #tpu.memory_space<vmem_shared>>
          tpu.wait_indirect_dma semaphore(%arg21 : memref<!tpu.dma_semaphore, #tpu.memory_space<semaphore_mem>>) src(%dma_wait3A_598 : memref<80x64xf32, #tpu.memory_space<vmem>>) dst(%dma_wait3A_604 : memref<10240x64xf32, #tpu.memory_space<vmem_shared>>)
          %dma_wait3A_605 = arith.constant 1 : i32
          %dma_wait3A_606 = arith.constant 4 : i32
          %dma_wait3A_607 = arith.constant 3 : i32
          %dma_wait3A_608 = arith.constant 4 : i32
          %dma_wait3A_609 = arith.constant 0 : i32
          %dma_wait3A_610 = arith.constant 0 : i32
          %dma_wait3A_611 = tpu.memref_slice %arg8[%dma_wait3A_605, %dma_wait3A_606, %dma_wait3A_609, %dma_wait3A_610] : memref<2x5x80x64xf32, #tpu.memory_space<vmem>> -> memref<1x1x80x64xf32, #tpu.memory_space<vmem>>
          %dma_wait3A_612 = tpu.memref_squeeze %dma_wait3A_611 : memref<1x1x80x64xf32, #tpu.memory_space<vmem>> -> memref<80x64xf32, #tpu.memory_space<vmem>>
          %dma_wait3A_613 = arith.constant 0 : i32
          %dma_wait3A_614 = tpu.memref_slice %arg7[%dma_wait3A_607, %dma_wait3A_608, %dma_wait3A_613] : memref<4x5x80xi32, #tpu.memory_space<vmem>> -> memref<1x1x80xi32, #tpu.memory_space<vmem>>
          %dma_wait3A_615 = tpu.memref_squeeze %dma_wait3A_614 : memref<1x1x80xi32, #tpu.memory_space<vmem>> -> memref<80xi32, #tpu.memory_space<vmem>>
          %dma_wait3A_616 = arith.constant 0 : i32
          %dma_wait3A_617 = arith.constant 0 : i32
          %dma_wait3A_618 = tpu.memref_slice %arg9[%dma_wait3A_616, %dma_wait3A_617] : memref<10240x64xf32, #tpu.memory_space<vmem_shared>> -> memref<10240x64xf32, #tpu.memory_space<vmem_shared>>
          tpu.wait_indirect_dma semaphore(%arg21 : memref<!tpu.dma_semaphore, #tpu.memory_space<semaphore_mem>>) src(%dma_wait3A_612 : memref<80x64xf32, #tpu.memory_space<vmem>>) dst(%dma_wait3A_618 : memref<10240x64xf32, #tpu.memory_space<vmem_shared>>)
        } else {
        }
        %dma_wait3A_300 = arith.constant 0 : i32
        %dma_wait3A_301 = arith.constant 1 : i32
        %dma_wait3A_302 = arith.constant 0 : i32
        %dma_wait3A_303 = arith.constant 0 : i32
        %dma_wait3A_304 = tpu.memref_slice %arg6[%dma_wait3A_301, %dma_wait3A_302, %dma_wait3A_303] : memref<2x5x80xi32, #tpu.memory_space<vmem>> -> memref<1x5x80xi32, #tpu.memory_space<vmem>>
        %dma_wait3A_305 = tpu.memref_squeeze %dma_wait3A_304 : memref<1x5x80xi32, #tpu.memory_space<vmem>> -> memref<5x80xi32, #tpu.memory_space<vmem>>
        %dma_wait3A_306 = arith.constant 0 : i32
        %dma_wait3A_307 = tpu.memref_slice %arg3[%dma_wait3A_300, %mul3A_4, %dma_wait3A_306] : memref<2x8000x80xi32, #tpu.memory_space<hbm>> -> memref<1x5x80xi32, #tpu.memory_space<hbm>>
        %dma_wait3A_308 = tpu.memref_squeeze %dma_wait3A_307 : memref<1x5x80xi32, #tpu.memory_space<hbm>> -> memref<5x80xi32, #tpu.memory_space<hbm>>
        %dma_wait3A_309 = arith.constant 0 : i32
        %dma_wait3A_310 = arith.constant 0 : i32
        %dma_wait3A_311 = tpu.memref_slice %arg6[%dma_wait3A_301, %dma_wait3A_309, %dma_wait3A_310] : memref<2x5x80xi32, #tpu.memory_space<vmem>> -> memref<1x5x80xi32, #tpu.memory_space<vmem>>
        %dma_wait3A_312 = tpu.memref_squeeze %dma_wait3A_311 : memref<1x5x80xi32, #tpu.memory_space<vmem>> -> memref<5x80xi32, #tpu.memory_space<vmem>>
        %dma_wait3A_313 = arith.constant 0 : i32
        %dma_wait3A_314 = tpu.memref_slice %arg3[%dma_wait3A_300, %mul3A_4, %dma_wait3A_313] : memref<2x8000x80xi32, #tpu.memory_space<hbm>> -> memref<1x5x80xi32, #tpu.memory_space<hbm>>
        %dma_wait3A_315 = tpu.memref_squeeze %dma_wait3A_314 : memref<1x5x80xi32, #tpu.memory_space<hbm>> -> memref<5x80xi32, #tpu.memory_space<hbm>>
        tpu.wait_dma2 semaphore(%arg11 : memref<!tpu.dma_semaphore, #tpu.memory_space<semaphore_mem>>) src(%dma_wait3A_315 : memref<5x80xi32, #tpu.memory_space<hbm>>) dst(%dma_wait3A_312 : memref<5x80xi32, #tpu.memory_space<vmem>>)
        %dma_wait3A_316 = arith.constant 1 : i32
        %dma_wait3A_317 = arith.constant 1 : i32
        %dma_wait3A_318 = arith.constant 0 : i32
        %dma_wait3A_319 = arith.constant 0 : i32
        %dma_wait3A_320 = tpu.memref_slice %arg7[%dma_wait3A_317, %dma_wait3A_318, %dma_wait3A_319] : memref<4x5x80xi32, #tpu.memory_space<vmem>> -> memref<1x5x80xi32, #tpu.memory_space<vmem>>
        %dma_wait3A_321 = tpu.memref_squeeze %dma_wait3A_320 : memref<1x5x80xi32, #tpu.memory_space<vmem>> -> memref<5x80xi32, #tpu.memory_space<vmem>>
        %dma_wait3A_322 = arith.constant 0 : i32
        %dma_wait3A_323 = tpu.memref_slice %arg3[%dma_wait3A_316, %mul3A_4, %dma_wait3A_322] : memref<2x8000x80xi32, #tpu.memory_space<hbm>> -> memref<1x5x80xi32, #tpu.memory_space<hbm>>
        %dma_wait3A_324 = tpu.memref_squeeze %dma_wait3A_323 : memref<1x5x80xi32, #tpu.memory_space<hbm>> -> memref<5x80xi32, #tpu.memory_space<hbm>>
        %dma_wait3A_325 = arith.constant 0 : i32
        %dma_wait3A_326 = arith.constant 0 : i32
        %dma_wait3A_327 = tpu.memref_slice %arg7[%dma_wait3A_317, %dma_wait3A_325, %dma_wait3A_326] : memref<4x5x80xi32, #tpu.memory_space<vmem>> -> memref<1x5x80xi32, #tpu.memory_space<vmem>>
        %dma_wait3A_328 = tpu.memref_squeeze %dma_wait3A_327 : memref<1x5x80xi32, #tpu.memory_space<vmem>> -> memref<5x80xi32, #tpu.memory_space<vmem>>
        %dma_wait3A_329 = arith.constant 0 : i32
        %dma_wait3A_330 = tpu.memref_slice %arg3[%dma_wait3A_316, %mul3A_4, %dma_wait3A_329] : memref<2x8000x80xi32, #tpu.memory_space<hbm>> -> memref<1x5x80xi32, #tpu.memory_space<hbm>>
        %dma_wait3A_331 = tpu.memref_squeeze %dma_wait3A_330 : memref<1x5x80xi32, #tpu.memory_space<hbm>> -> memref<5x80xi32, #tpu.memory_space<hbm>>
        tpu.wait_dma2 semaphore(%arg13 : memref<!tpu.dma_semaphore, #tpu.memory_space<semaphore_mem>>) src(%dma_wait3A_331 : memref<5x80xi32, #tpu.memory_space<hbm>>) dst(%dma_wait3A_328 : memref<5x80xi32, #tpu.memory_space<vmem>>)
        %dma_start3A_332 = arith.constant 1 : i32
        %dma_start3A_333 = arith.constant 0 : i32
        %dma_start3A_334 = arith.constant 1 : i32
        %dma_start3A_335 = arith.constant 0 : i32
        %dma_start3A_336 = arith.constant 0 : i32
        %dma_start3A_337 = arith.constant 0 : i32
        %dma_start3A_338 = tpu.memref_slice %arg8[%dma_start3A_334, %dma_start3A_335, %dma_start3A_336, %dma_start3A_337] : memref<2x5x80x64xf32, #tpu.memory_space<vmem>> -> memref<1x1x80x64xf32, #tpu.memory_space<vmem>>
        %dma_start3A_339 = tpu.memref_squeeze %dma_start3A_338 : memref<1x1x80x64xf32, #tpu.memory_space<vmem>> -> memref<80x64xf32, #tpu.memory_space<vmem>>
        %dma_start3A_340 = arith.constant 0 : i32
        %dma_start3A_341 = tpu.memref_slice %arg6[%dma_start3A_332, %dma_start3A_333, %dma_start3A_340] : memref<2x5x80xi32, #tpu.memory_space<vmem>> -> memref<1x1x80xi32, #tpu.memory_space<vmem>>
        %dma_start3A_342 = tpu.memref_squeeze %dma_start3A_341 : memref<1x1x80xi32, #tpu.memory_space<vmem>> -> memref<80xi32, #tpu.memory_space<vmem>>
        %dma_start3A_343 = arith.constant 0 : i32
        %dma_start3A_344 = arith.constant 0 : i32
        %dma_start3A_345 = tpu.memref_slice %arg2[%dma_start3A_343, %dma_start3A_344] : memref<10000x64xf32, #tpu.memory_space<hbm>> -> memref<10000x64xf32, #tpu.memory_space<hbm>>
        tpu.enqueue_indirect_dma source(%dma_start3A_345 : memref<10000x64xf32, #tpu.memory_space<hbm>>) target(%dma_start3A_339 : memref<80x64xf32, #tpu.memory_space<vmem>>) offsets(%dma_start3A_342 : memref<80xi32, #tpu.memory_space<vmem>>) semaphore(%arg17 : memref<!tpu.dma_semaphore, #tpu.memory_space<semaphore_mem>>)
        %dma_start3A_346 = arith.constant 1 : i32
        %dma_start3A_347 = arith.constant 1 : i32
        %dma_start3A_348 = arith.constant 1 : i32
        %dma_start3A_349 = arith.constant 1 : i32
        %dma_start3A_350 = arith.constant 0 : i32
        %dma_start3A_351 = arith.constant 0 : i32
        %dma_start3A_352 = tpu.memref_slice %arg8[%dma_start3A_348, %dma_start3A_349, %dma_start3A_350, %dma_start3A_351] : memref<2x5x80x64xf32, #tpu.memory_space<vmem>> -> memref<1x1x80x64xf32, #tpu.memory_space<vmem>>
        %dma_start3A_353 = tpu.memref_squeeze %dma_start3A_352 : memref<1x1x80x64xf32, #tpu.memory_space<vmem>> -> memref<80x64xf32, #tpu.memory_space<vmem>>
        %dma_start3A_354 = arith.constant 0 : i32
        %dma_start3A_355 = tpu.memref_slice %arg6[%dma_start3A_346, %dma_start3A_347, %dma_start3A_354] : memref<2x5x80xi32, #tpu.memory_space<vmem>> -> memref<1x1x80xi32, #tpu.memory_space<vmem>>
        %dma_start3A_356 = tpu.memref_squeeze %dma_start3A_355 : memref<1x1x80xi32, #tpu.memory_space<vmem>> -> memref<80xi32, #tpu.memory_space<vmem>>
        %dma_start3A_357 = arith.constant 0 : i32
        %dma_start3A_358 = arith.constant 0 : i32
        %dma_start3A_359 = tpu.memref_slice %arg2[%dma_start3A_357, %dma_start3A_358] : memref<10000x64xf32, #tpu.memory_space<hbm>> -> memref<10000x64xf32, #tpu.memory_space<hbm>>
        tpu.enqueue_indirect_dma source(%dma_start3A_359 : memref<10000x64xf32, #tpu.memory_space<hbm>>) target(%dma_start3A_353 : memref<80x64xf32, #tpu.memory_space<vmem>>) offsets(%dma_start3A_356 : memref<80xi32, #tpu.memory_space<vmem>>) semaphore(%arg17 : memref<!tpu.dma_semaphore, #tpu.memory_space<semaphore_mem>>)
        %dma_start3A_360 = arith.constant 1 : i32
        %dma_start3A_361 = arith.constant 2 : i32
        %dma_start3A_362 = arith.constant 1 : i32
        %dma_start3A_363 = arith.constant 2 : i32
        %dma_start3A_364 = arith.constant 0 : i32
        %dma_start3A_365 = arith.constant 0 : i32
        %dma_start3A_366 = tpu.memref_slice %arg8[%dma_start3A_362, %dma_start3A_363, %dma_start3A_364, %dma_start3A_365] : memref<2x5x80x64xf32, #tpu.memory_space<vmem>> -> memref<1x1x80x64xf32, #tpu.memory_space<vmem>>
        %dma_start3A_367 = tpu.memref_squeeze %dma_start3A_366 : memref<1x1x80x64xf32, #tpu.memory_space<vmem>> -> memref<80x64xf32, #tpu.memory_space<vmem>>
        %dma_start3A_368 = arith.constant 0 : i32
        %dma_start3A_369 = tpu.memref_slice %arg6[%dma_start3A_360, %dma_start3A_361, %dma_start3A_368] : memref<2x5x80xi32, #tpu.memory_space<vmem>> -> memref<1x1x80xi32, #tpu.memory_space<vmem>>
        %dma_start3A_370 = tpu.memref_squeeze %dma_start3A_369 : memref<1x1x80xi32, #tpu.memory_space<vmem>> -> memref<80xi32, #tpu.memory_space<vmem>>
        %dma_start3A_371 = arith.constant 0 : i32
        %dma_start3A_372 = arith.constant 0 : i32
        %dma_start3A_373 = tpu.memref_slice %arg2[%dma_start3A_371, %dma_start3A_372] : memref<10000x64xf32, #tpu.memory_space<hbm>> -> memref<10000x64xf32, #tpu.memory_space<hbm>>
        tpu.enqueue_indirect_dma source(%dma_start3A_373 : memref<10000x64xf32, #tpu.memory_space<hbm>>) target(%dma_start3A_367 : memref<80x64xf32, #tpu.memory_space<vmem>>) offsets(%dma_start3A_370 : memref<80xi32, #tpu.memory_space<vmem>>) semaphore(%arg17 : memref<!tpu.dma_semaphore, #tpu.memory_space<semaphore_mem>>)
        %dma_start3A_374 = arith.constant 1 : i32
        %dma_start3A_375 = arith.constant 3 : i32
        %dma_start3A_376 = arith.constant 1 : i32
        %dma_start3A_377 = arith.constant 3 : i32
        %dma_start3A_378 = arith.constant 0 : i32
        %dma_start3A_379 = arith.constant 0 : i32
        %dma_start3A_380 = tpu.memref_slice %arg8[%dma_start3A_376, %dma_start3A_377, %dma_start3A_378, %dma_start3A_379] : memref<2x5x80x64xf32, #tpu.memory_space<vmem>> -> memref<1x1x80x64xf32, #tpu.memory_space<vmem>>
        %dma_start3A_381 = tpu.memref_squeeze %dma_start3A_380 : memref<1x1x80x64xf32, #tpu.memory_space<vmem>> -> memref<80x64xf32, #tpu.memory_space<vmem>>
        %dma_start3A_382 = arith.constant 0 : i32
        %dma_start3A_383 = tpu.memref_slice %arg6[%dma_start3A_374, %dma_start3A_375, %dma_start3A_382] : memref<2x5x80xi32, #tpu.memory_space<vmem>> -> memref<1x1x80xi32, #tpu.memory_space<vmem>>
        %dma_start3A_384 = tpu.memref_squeeze %dma_start3A_383 : memref<1x1x80xi32, #tpu.memory_space<vmem>> -> memref<80xi32, #tpu.memory_space<vmem>>
        %dma_start3A_385 = arith.constant 0 : i32
        %dma_start3A_386 = arith.constant 0 : i32
        %dma_start3A_387 = tpu.memref_slice %arg2[%dma_start3A_385, %dma_start3A_386] : memref<10000x64xf32, #tpu.memory_space<hbm>> -> memref<10000x64xf32, #tpu.memory_space<hbm>>
        tpu.enqueue_indirect_dma source(%dma_start3A_387 : memref<10000x64xf32, #tpu.memory_space<hbm>>) target(%dma_start3A_381 : memref<80x64xf32, #tpu.memory_space<vmem>>) offsets(%dma_start3A_384 : memref<80xi32, #tpu.memory_space<vmem>>) semaphore(%arg17 : memref<!tpu.dma_semaphore, #tpu.memory_space<semaphore_mem>>)
        %dma_start3A_388 = arith.constant 1 : i32
        %dma_start3A_389 = arith.constant 4 : i32
        %dma_start3A_390 = arith.constant 1 : i32
        %dma_start3A_391 = arith.constant 4 : i32
        %dma_start3A_392 = arith.constant 0 : i32
        %dma_start3A_393 = arith.constant 0 : i32
        %dma_start3A_394 = tpu.memref_slice %arg8[%dma_start3A_390, %dma_start3A_391, %dma_start3A_392, %dma_start3A_393] : memref<2x5x80x64xf32, #tpu.memory_space<vmem>> -> memref<1x1x80x64xf32, #tpu.memory_space<vmem>>
        %dma_start3A_395 = tpu.memref_squeeze %dma_start3A_394 : memref<1x1x80x64xf32, #tpu.memory_space<vmem>> -> memref<80x64xf32, #tpu.memory_space<vmem>>
        %dma_start3A_396 = arith.constant 0 : i32
        %dma_start3A_397 = tpu.memref_slice %arg6[%dma_start3A_388, %dma_start3A_389, %dma_start3A_396] : memref<2x5x80xi32, #tpu.memory_space<vmem>> -> memref<1x1x80xi32, #tpu.memory_space<vmem>>
        %dma_start3A_398 = tpu.memref_squeeze %dma_start3A_397 : memref<1x1x80xi32, #tpu.memory_space<vmem>> -> memref<80xi32, #tpu.memory_space<vmem>>
        %dma_start3A_399 = arith.constant 0 : i32
        %dma_start3A_400 = arith.constant 0 : i32
        %dma_start3A_401 = tpu.memref_slice %arg2[%dma_start3A_399, %dma_start3A_400] : memref<10000x64xf32, #tpu.memory_space<hbm>> -> memref<10000x64xf32, #tpu.memory_space<hbm>>
        tpu.enqueue_indirect_dma source(%dma_start3A_401 : memref<10000x64xf32, #tpu.memory_space<hbm>>) target(%dma_start3A_395 : memref<80x64xf32, #tpu.memory_space<vmem>>) offsets(%dma_start3A_398 : memref<80xi32, #tpu.memory_space<vmem>>) semaphore(%arg17 : memref<!tpu.dma_semaphore, #tpu.memory_space<semaphore_mem>>)
        %dma_wait3A_402 = arith.constant 1 : i32
        %dma_wait3A_403 = arith.constant 0 : i32
        %dma_wait3A_404 = arith.constant 1 : i32
        %dma_wait3A_405 = arith.constant 0 : i32
        %dma_wait3A_406 = arith.constant 0 : i32
        %dma_wait3A_407 = arith.constant 0 : i32
        %dma_wait3A_408 = tpu.memref_slice %arg8[%dma_wait3A_404, %dma_wait3A_405, %dma_wait3A_406, %dma_wait3A_407] : memref<2x5x80x64xf32, #tpu.memory_space<vmem>> -> memref<1x1x80x64xf32, #tpu.memory_space<vmem>>
        %dma_wait3A_409 = tpu.memref_squeeze %dma_wait3A_408 : memref<1x1x80x64xf32, #tpu.memory_space<vmem>> -> memref<80x64xf32, #tpu.memory_space<vmem>>
        %dma_wait3A_410 = arith.constant 0 : i32
        %dma_wait3A_411 = tpu.memref_slice %arg6[%dma_wait3A_402, %dma_wait3A_403, %dma_wait3A_410] : memref<2x5x80xi32, #tpu.memory_space<vmem>> -> memref<1x1x80xi32, #tpu.memory_space<vmem>>
        %dma_wait3A_412 = tpu.memref_squeeze %dma_wait3A_411 : memref<1x1x80xi32, #tpu.memory_space<vmem>> -> memref<80xi32, #tpu.memory_space<vmem>>
        %dma_wait3A_413 = arith.constant 0 : i32
        %dma_wait3A_414 = arith.constant 0 : i32
        %dma_wait3A_415 = tpu.memref_slice %arg2[%dma_wait3A_413, %dma_wait3A_414] : memref<10000x64xf32, #tpu.memory_space<hbm>> -> memref<10000x64xf32, #tpu.memory_space<hbm>>
        tpu.wait_indirect_dma semaphore(%arg17 : memref<!tpu.dma_semaphore, #tpu.memory_space<semaphore_mem>>) src(%dma_wait3A_415 : memref<10000x64xf32, #tpu.memory_space<hbm>>) dst(%dma_wait3A_409 : memref<80x64xf32, #tpu.memory_space<vmem>>)
        %dma_wait3A_416 = arith.constant 1 : i32
        %dma_wait3A_417 = arith.constant 1 : i32
        %dma_wait3A_418 = arith.constant 1 : i32
        %dma_wait3A_419 = arith.constant 1 : i32
        %dma_wait3A_420 = arith.constant 0 : i32
        %dma_wait3A_421 = arith.constant 0 : i32
        %dma_wait3A_422 = tpu.memref_slice %arg8[%dma_wait3A_418, %dma_wait3A_419, %dma_wait3A_420, %dma_wait3A_421] : memref<2x5x80x64xf32, #tpu.memory_space<vmem>> -> memref<1x1x80x64xf32, #tpu.memory_space<vmem>>
        %dma_wait3A_423 = tpu.memref_squeeze %dma_wait3A_422 : memref<1x1x80x64xf32, #tpu.memory_space<vmem>> -> memref<80x64xf32, #tpu.memory_space<vmem>>
        %dma_wait3A_424 = arith.constant 0 : i32
        %dma_wait3A_425 = tpu.memref_slice %arg6[%dma_wait3A_416, %dma_wait3A_417, %dma_wait3A_424] : memref<2x5x80xi32, #tpu.memory_space<vmem>> -> memref<1x1x80xi32, #tpu.memory_space<vmem>>
        %dma_wait3A_426 = tpu.memref_squeeze %dma_wait3A_425 : memref<1x1x80xi32, #tpu.memory_space<vmem>> -> memref<80xi32, #tpu.memory_space<vmem>>
        %dma_wait3A_427 = arith.constant 0 : i32
        %dma_wait3A_428 = arith.constant 0 : i32
        %dma_wait3A_429 = tpu.memref_slice %arg2[%dma_wait3A_427, %dma_wait3A_428] : memref<10000x64xf32, #tpu.memory_space<hbm>> -> memref<10000x64xf32, #tpu.memory_space<hbm>>
        tpu.wait_indirect_dma semaphore(%arg17 : memref<!tpu.dma_semaphore, #tpu.memory_space<semaphore_mem>>) src(%dma_wait3A_429 : memref<10000x64xf32, #tpu.memory_space<hbm>>) dst(%dma_wait3A_423 : memref<80x64xf32, #tpu.memory_space<vmem>>)
        %dma_wait3A_430 = arith.constant 1 : i32
        %dma_wait3A_431 = arith.constant 2 : i32
        %dma_wait3A_432 = arith.constant 1 : i32
        %dma_wait3A_433 = arith.constant 2 : i32
        %dma_wait3A_434 = arith.constant 0 : i32
        %dma_wait3A_435 = arith.constant 0 : i32
        %dma_wait3A_436 = tpu.memref_slice %arg8[%dma_wait3A_432, %dma_wait3A_433, %dma_wait3A_434, %dma_wait3A_435] : memref<2x5x80x64xf32, #tpu.memory_space<vmem>> -> memref<1x1x80x64xf32, #tpu.memory_space<vmem>>
        %dma_wait3A_437 = tpu.memref_squeeze %dma_wait3A_436 : memref<1x1x80x64xf32, #tpu.memory_space<vmem>> -> memref<80x64xf32, #tpu.memory_space<vmem>>
        %dma_wait3A_438 = arith.constant 0 : i32
        %dma_wait3A_439 = tpu.memref_slice %arg6[%dma_wait3A_430, %dma_wait3A_431, %dma_wait3A_438] : memref<2x5x80xi32, #tpu.memory_space<vmem>> -> memref<1x1x80xi32, #tpu.memory_space<vmem>>
        %dma_wait3A_440 = tpu.memref_squeeze %dma_wait3A_439 : memref<1x1x80xi32, #tpu.memory_space<vmem>> -> memref<80xi32, #tpu.memory_space<vmem>>
        %dma_wait3A_441 = arith.constant 0 : i32
        %dma_wait3A_442 = arith.constant 0 : i32
        %dma_wait3A_443 = tpu.memref_slice %arg2[%dma_wait3A_441, %dma_wait3A_442] : memref<10000x64xf32, #tpu.memory_space<hbm>> -> memref<10000x64xf32, #tpu.memory_space<hbm>>
        tpu.wait_indirect_dma semaphore(%arg17 : memref<!tpu.dma_semaphore, #tpu.memory_space<semaphore_mem>>) src(%dma_wait3A_443 : memref<10000x64xf32, #tpu.memory_space<hbm>>) dst(%dma_wait3A_437 : memref<80x64xf32, #tpu.memory_space<vmem>>)
        %dma_wait3A_444 = arith.constant 1 : i32
        %dma_wait3A_445 = arith.constant 3 : i32
        %dma_wait3A_446 = arith.constant 1 : i32
        %dma_wait3A_447 = arith.constant 3 : i32
        %dma_wait3A_448 = arith.constant 0 : i32
        %dma_wait3A_449 = arith.constant 0 : i32
        %dma_wait3A_450 = tpu.memref_slice %arg8[%dma_wait3A_446, %dma_wait3A_447, %dma_wait3A_448, %dma_wait3A_449] : memref<2x5x80x64xf32, #tpu.memory_space<vmem>> -> memref<1x1x80x64xf32, #tpu.memory_space<vmem>>
        %dma_wait3A_451 = tpu.memref_squeeze %dma_wait3A_450 : memref<1x1x80x64xf32, #tpu.memory_space<vmem>> -> memref<80x64xf32, #tpu.memory_space<vmem>>
        %dma_wait3A_452 = arith.constant 0 : i32
        %dma_wait3A_453 = tpu.memref_slice %arg6[%dma_wait3A_444, %dma_wait3A_445, %dma_wait3A_452] : memref<2x5x80xi32, #tpu.memory_space<vmem>> -> memref<1x1x80xi32, #tpu.memory_space<vmem>>
        %dma_wait3A_454 = tpu.memref_squeeze %dma_wait3A_453 : memref<1x1x80xi32, #tpu.memory_space<vmem>> -> memref<80xi32, #tpu.memory_space<vmem>>
        %dma_wait3A_455 = arith.constant 0 : i32
        %dma_wait3A_456 = arith.constant 0 : i32
        %dma_wait3A_457 = tpu.memref_slice %arg2[%dma_wait3A_455, %dma_wait3A_456] : memref<10000x64xf32, #tpu.memory_space<hbm>> -> memref<10000x64xf32, #tpu.memory_space<hbm>>
        tpu.wait_indirect_dma semaphore(%arg17 : memref<!tpu.dma_semaphore, #tpu.memory_space<semaphore_mem>>) src(%dma_wait3A_457 : memref<10000x64xf32, #tpu.memory_space<hbm>>) dst(%dma_wait3A_451 : memref<80x64xf32, #tpu.memory_space<vmem>>)
        %dma_wait3A_458 = arith.constant 1 : i32
        %dma_wait3A_459 = arith.constant 4 : i32
        %dma_wait3A_460 = arith.constant 1 : i32
        %dma_wait3A_461 = arith.constant 4 : i32
        %dma_wait3A_462 = arith.constant 0 : i32
        %dma_wait3A_463 = arith.constant 0 : i32
        %dma_wait3A_464 = tpu.memref_slice %arg8[%dma_wait3A_460, %dma_wait3A_461, %dma_wait3A_462, %dma_wait3A_463] : memref<2x5x80x64xf32, #tpu.memory_space<vmem>> -> memref<1x1x80x64xf32, #tpu.memory_space<vmem>>
        %dma_wait3A_465 = tpu.memref_squeeze %dma_wait3A_464 : memref<1x1x80x64xf32, #tpu.memory_space<vmem>> -> memref<80x64xf32, #tpu.memory_space<vmem>>
        %dma_wait3A_466 = arith.constant 0 : i32
        %dma_wait3A_467 = tpu.memref_slice %arg6[%dma_wait3A_458, %dma_wait3A_459, %dma_wait3A_466] : memref<2x5x80xi32, #tpu.memory_space<vmem>> -> memref<1x1x80xi32, #tpu.memory_space<vmem>>
        %dma_wait3A_468 = tpu.memref_squeeze %dma_wait3A_467 : memref<1x1x80xi32, #tpu.memory_space<vmem>> -> memref<80xi32, #tpu.memory_space<vmem>>
        %dma_wait3A_469 = arith.constant 0 : i32
        %dma_wait3A_470 = arith.constant 0 : i32
        %dma_wait3A_471 = tpu.memref_slice %arg2[%dma_wait3A_469, %dma_wait3A_470] : memref<10000x64xf32, #tpu.memory_space<hbm>> -> memref<10000x64xf32, #tpu.memory_space<hbm>>
        tpu.wait_indirect_dma semaphore(%arg17 : memref<!tpu.dma_semaphore, #tpu.memory_space<semaphore_mem>>) src(%dma_wait3A_471 : memref<10000x64xf32, #tpu.memory_space<hbm>>) dst(%dma_wait3A_465 : memref<80x64xf32, #tpu.memory_space<vmem>>)
        %add3A_472 = arith.constant 2 : i32
        %add3A_473 = arith.addi %scan3A_220, %add3A_472 : i32
        %lt3A_474 = arith.constant 50 : i32
        %lt3A_475 = arith.cmpi slt, %add3A_473, %lt3A_474 : i32
        %convert_element_type3A_476 = arith.extui %lt3A_475 : i1 to i32
        %cond3A_477 = arith.constant 0 : i32
        %cond3A_478 = arith.cmpi ne, %convert_element_type3A_476, %cond3A_477 : i32
        scf.if %cond3A_478 {
          %add3A_549 = arith.constant 2 : i32
          %add3A_550 = arith.addi %scan3A_220, %add3A_549 : i32
          %mul3A_551 = arith.constant 5 : i32
          %mul3A_552 = arith.muli %add3A_550, %mul3A_551 : i32
          %add3A_553 = arith.addi %mul3A_4, %mul3A_552 : i32
          %dma_start3A_554 = arith.constant 0 : i32
          %dma_start3A_555 = arith.constant 1 : i32
          %dma_start3A_556 = arith.constant 0 : i32
          %dma_start3A_557 = arith.constant 0 : i32
          %dma_start3A_558 = tpu.memref_slice %arg6[%dma_start3A_555, %dma_start3A_556, %dma_start3A_557] : memref<2x5x80xi32, #tpu.memory_space<vmem>> -> memref<1x5x80xi32, #tpu.memory_space<vmem>>
          %dma_start3A_559 = tpu.memref_squeeze %dma_start3A_558 : memref<1x5x80xi32, #tpu.memory_space<vmem>> -> memref<5x80xi32, #tpu.memory_space<vmem>>
          %dma_start3A_560 = arith.constant 0 : i32
          %dma_start3A_561 = tpu.memref_slice %arg3[%dma_start3A_554, %add3A_553, %dma_start3A_560] : memref<2x8000x80xi32, #tpu.memory_space<hbm>> -> memref<1x5x80xi32, #tpu.memory_space<hbm>>
          %dma_start3A_562 = tpu.memref_squeeze %dma_start3A_561 : memref<1x5x80xi32, #tpu.memory_space<hbm>> -> memref<5x80xi32, #tpu.memory_space<hbm>>
          %dma_start3A_563 = arith.constant 0 : i32
          %dma_start3A_564 = arith.constant 0 : i32
          %dma_start3A_565 = tpu.memref_slice %arg6[%dma_start3A_555, %dma_start3A_563, %dma_start3A_564] : memref<2x5x80xi32, #tpu.memory_space<vmem>> -> memref<1x5x80xi32, #tpu.memory_space<vmem>>
          %dma_start3A_566 = tpu.memref_squeeze %dma_start3A_565 : memref<1x5x80xi32, #tpu.memory_space<vmem>> -> memref<5x80xi32, #tpu.memory_space<vmem>>
          %dma_start3A_567 = arith.constant 0 : i32
          %dma_start3A_568 = tpu.memref_slice %arg3[%dma_start3A_554, %add3A_553, %dma_start3A_567] : memref<2x8000x80xi32, #tpu.memory_space<hbm>> -> memref<1x5x80xi32, #tpu.memory_space<hbm>>
          %dma_start3A_569 = tpu.memref_squeeze %dma_start3A_568 : memref<1x5x80xi32, #tpu.memory_space<hbm>> -> memref<5x80xi32, #tpu.memory_space<hbm>>
          tpu.enqueue_dma source(%dma_start3A_569 : memref<5x80xi32, #tpu.memory_space<hbm>>) target(%dma_start3A_566 : memref<5x80xi32, #tpu.memory_space<vmem>>) target_semaphore(%arg11 : memref<!tpu.dma_semaphore, #tpu.memory_space<semaphore_mem>>)
          %dma_start3A_570 = arith.constant 1 : i32
          %dma_start3A_571 = arith.constant 3 : i32
          %dma_start3A_572 = arith.constant 0 : i32
          %dma_start3A_573 = arith.constant 0 : i32
          %dma_start3A_574 = tpu.memref_slice %arg7[%dma_start3A_571, %dma_start3A_572, %dma_start3A_573] : memref<4x5x80xi32, #tpu.memory_space<vmem>> -> memref<1x5x80xi32, #tpu.memory_space<vmem>>
          %dma_start3A_575 = tpu.memref_squeeze %dma_start3A_574 : memref<1x5x80xi32, #tpu.memory_space<vmem>> -> memref<5x80xi32, #tpu.memory_space<vmem>>
          %dma_start3A_576 = arith.constant 0 : i32
          %dma_start3A_577 = tpu.memref_slice %arg3[%dma_start3A_570, %add3A_553, %dma_start3A_576] : memref<2x8000x80xi32, #tpu.memory_space<hbm>> -> memref<1x5x80xi32, #tpu.memory_space<hbm>>
          %dma_start3A_578 = tpu.memref_squeeze %dma_start3A_577 : memref<1x5x80xi32, #tpu.memory_space<hbm>> -> memref<5x80xi32, #tpu.memory_space<hbm>>
          %dma_start3A_579 = arith.constant 0 : i32
          %dma_start3A_580 = arith.constant 0 : i32
          %dma_start3A_581 = tpu.memref_slice %arg7[%dma_start3A_571, %dma_start3A_579, %dma_start3A_580] : memref<4x5x80xi32, #tpu.memory_space<vmem>> -> memref<1x5x80xi32, #tpu.memory_space<vmem>>
          %dma_start3A_582 = tpu.memref_squeeze %dma_start3A_581 : memref<1x5x80xi32, #tpu.memory_space<vmem>> -> memref<5x80xi32, #tpu.memory_space<vmem>>
          %dma_start3A_583 = arith.constant 0 : i32
          %dma_start3A_584 = tpu.memref_slice %arg3[%dma_start3A_570, %add3A_553, %dma_start3A_583] : memref<2x8000x80xi32, #tpu.memory_space<hbm>> -> memref<1x5x80xi32, #tpu.memory_space<hbm>>
          %dma_start3A_585 = tpu.memref_squeeze %dma_start3A_584 : memref<1x5x80xi32, #tpu.memory_space<hbm>> -> memref<5x80xi32, #tpu.memory_space<hbm>>
          tpu.enqueue_dma source(%dma_start3A_585 : memref<5x80xi32, #tpu.memory_space<hbm>>) target(%dma_start3A_582 : memref<5x80xi32, #tpu.memory_space<vmem>>) target_semaphore(%arg15 : memref<!tpu.dma_semaphore, #tpu.memory_space<semaphore_mem>>)
        } else {
        }
        %dma_start3A_479 = arith.constant 1 : i32
        %dma_start3A_480 = arith.constant 0 : i32
        %dma_start3A_481 = arith.constant 1 : i32
        %dma_start3A_482 = arith.constant 0 : i32
        %dma_start3A_483 = arith.constant 0 : i32
        %dma_start3A_484 = arith.constant 0 : i32
        %dma_start3A_485 = tpu.memref_slice %arg8[%dma_start3A_479, %dma_start3A_480, %dma_start3A_483, %dma_start3A_484] : memref<2x5x80x64xf32, #tpu.memory_space<vmem>> -> memref<1x1x80x64xf32, #tpu.memory_space<vmem>>
        %dma_start3A_486 = tpu.memref_squeeze %dma_start3A_485 : memref<1x1x80x64xf32, #tpu.memory_space<vmem>> -> memref<80x64xf32, #tpu.memory_space<vmem>>
        %dma_start3A_487 = arith.constant 0 : i32
        %dma_start3A_488 = tpu.memref_slice %arg7[%dma_start3A_481, %dma_start3A_482, %dma_start3A_487] : memref<4x5x80xi32, #tpu.memory_space<vmem>> -> memref<1x1x80xi32, #tpu.memory_space<vmem>>
        %dma_start3A_489 = tpu.memref_squeeze %dma_start3A_488 : memref<1x1x80xi32, #tpu.memory_space<vmem>> -> memref<80xi32, #tpu.memory_space<vmem>>
        %dma_start3A_490 = arith.constant 0 : i32
        %dma_start3A_491 = arith.constant 0 : i32
        %dma_start3A_492 = tpu.memref_slice %arg9[%dma_start3A_490, %dma_start3A_491] : memref<10240x64xf32, #tpu.memory_space<vmem_shared>> -> memref<10240x64xf32, #tpu.memory_space<vmem_shared>>
        tpu.enqueue_indirect_dma source(%dma_start3A_486 : memref<80x64xf32, #tpu.memory_space<vmem>>) target(%dma_start3A_492 : memref<10240x64xf32, #tpu.memory_space<vmem_shared>>) offsets(%dma_start3A_489 : memref<80xi32, #tpu.memory_space<vmem>>) semaphore(%arg19 : memref<!tpu.dma_semaphore, #tpu.memory_space<semaphore_mem>>) {add = true}
        %dma_start3A_493 = arith.constant 1 : i32
        %dma_start3A_494 = arith.constant 1 : i32
        %dma_start3A_495 = arith.constant 1 : i32
        %dma_start3A_496 = arith.constant 1 : i32
        %dma_start3A_497 = arith.constant 0 : i32
        %dma_start3A_498 = arith.constant 0 : i32
        %dma_start3A_499 = tpu.memref_slice %arg8[%dma_start3A_493, %dma_start3A_494, %dma_start3A_497, %dma_start3A_498] : memref<2x5x80x64xf32, #tpu.memory_space<vmem>> -> memref<1x1x80x64xf32, #tpu.memory_space<vmem>>
        %dma_start3A_500 = tpu.memref_squeeze %dma_start3A_499 : memref<1x1x80x64xf32, #tpu.memory_space<vmem>> -> memref<80x64xf32, #tpu.memory_space<vmem>>
        %dma_start3A_501 = arith.constant 0 : i32
        %dma_start3A_502 = tpu.memref_slice %arg7[%dma_start3A_495, %dma_start3A_496, %dma_start3A_501] : memref<4x5x80xi32, #tpu.memory_space<vmem>> -> memref<1x1x80xi32, #tpu.memory_space<vmem>>
        %dma_start3A_503 = tpu.memref_squeeze %dma_start3A_502 : memref<1x1x80xi32, #tpu.memory_space<vmem>> -> memref<80xi32, #tpu.memory_space<vmem>>
        %dma_start3A_504 = arith.constant 0 : i32
        %dma_start3A_505 = arith.constant 0 : i32
        %dma_start3A_506 = tpu.memref_slice %arg9[%dma_start3A_504, %dma_start3A_505] : memref<10240x64xf32, #tpu.memory_space<vmem_shared>> -> memref<10240x64xf32, #tpu.memory_space<vmem_shared>>
        tpu.enqueue_indirect_dma source(%dma_start3A_500 : memref<80x64xf32, #tpu.memory_space<vmem>>) target(%dma_start3A_506 : memref<10240x64xf32, #tpu.memory_space<vmem_shared>>) offsets(%dma_start3A_503 : memref<80xi32, #tpu.memory_space<vmem>>) semaphore(%arg19 : memref<!tpu.dma_semaphore, #tpu.memory_space<semaphore_mem>>) {add = true}
        %dma_start3A_507 = arith.constant 1 : i32
        %dma_start3A_508 = arith.constant 2 : i32
        %dma_start3A_509 = arith.constant 1 : i32
        %dma_start3A_510 = arith.constant 2 : i32
        %dma_start3A_511 = arith.constant 0 : i32
        %dma_start3A_512 = arith.constant 0 : i32
        %dma_start3A_513 = tpu.memref_slice %arg8[%dma_start3A_507, %dma_start3A_508, %dma_start3A_511, %dma_start3A_512] : memref<2x5x80x64xf32, #tpu.memory_space<vmem>> -> memref<1x1x80x64xf32, #tpu.memory_space<vmem>>
        %dma_start3A_514 = tpu.memref_squeeze %dma_start3A_513 : memref<1x1x80x64xf32, #tpu.memory_space<vmem>> -> memref<80x64xf32, #tpu.memory_space<vmem>>
        %dma_start3A_515 = arith.constant 0 : i32
        %dma_start3A_516 = tpu.memref_slice %arg7[%dma_start3A_509, %dma_start3A_510, %dma_start3A_515] : memref<4x5x80xi32, #tpu.memory_space<vmem>> -> memref<1x1x80xi32, #tpu.memory_space<vmem>>
        %dma_start3A_517 = tpu.memref_squeeze %dma_start3A_516 : memref<1x1x80xi32, #tpu.memory_space<vmem>> -> memref<80xi32, #tpu.memory_space<vmem>>
        %dma_start3A_518 = arith.constant 0 : i32
        %dma_start3A_519 = arith.constant 0 : i32
        %dma_start3A_520 = tpu.memref_slice %arg9[%dma_start3A_518, %dma_start3A_519] : memref<10240x64xf32, #tpu.memory_space<vmem_shared>> -> memref<10240x64xf32, #tpu.memory_space<vmem_shared>>
        tpu.enqueue_indirect_dma source(%dma_start3A_514 : memref<80x64xf32, #tpu.memory_space<vmem>>) target(%dma_start3A_520 : memref<10240x64xf32, #tpu.memory_space<vmem_shared>>) offsets(%dma_start3A_517 : memref<80xi32, #tpu.memory_space<vmem>>) semaphore(%arg19 : memref<!tpu.dma_semaphore, #tpu.memory_space<semaphore_mem>>) {add = true}
        %dma_start3A_521 = arith.constant 1 : i32
        %dma_start3A_522 = arith.constant 3 : i32
        %dma_start3A_523 = arith.constant 1 : i32
        %dma_start3A_524 = arith.constant 3 : i32
        %dma_start3A_525 = arith.constant 0 : i32
        %dma_start3A_526 = arith.constant 0 : i32
        %dma_start3A_527 = tpu.memref_slice %arg8[%dma_start3A_521, %dma_start3A_522, %dma_start3A_525, %dma_start3A_526] : memref<2x5x80x64xf32, #tpu.memory_space<vmem>> -> memref<1x1x80x64xf32, #tpu.memory_space<vmem>>
        %dma_start3A_528 = tpu.memref_squeeze %dma_start3A_527 : memref<1x1x80x64xf32, #tpu.memory_space<vmem>> -> memref<80x64xf32, #tpu.memory_space<vmem>>
        %dma_start3A_529 = arith.constant 0 : i32
        %dma_start3A_530 = tpu.memref_slice %arg7[%dma_start3A_523, %dma_start3A_524, %dma_start3A_529] : memref<4x5x80xi32, #tpu.memory_space<vmem>> -> memref<1x1x80xi32, #tpu.memory_space<vmem>>
        %dma_start3A_531 = tpu.memref_squeeze %dma_start3A_530 : memref<1x1x80xi32, #tpu.memory_space<vmem>> -> memref<80xi32, #tpu.memory_space<vmem>>
        %dma_start3A_532 = arith.constant 0 : i32
        %dma_start3A_533 = arith.constant 0 : i32
        %dma_start3A_534 = tpu.memref_slice %arg9[%dma_start3A_532, %dma_start3A_533] : memref<10240x64xf32, #tpu.memory_space<vmem_shared>> -> memref<10240x64xf32, #tpu.memory_space<vmem_shared>>
        tpu.enqueue_indirect_dma source(%dma_start3A_528 : memref<80x64xf32, #tpu.memory_space<vmem>>) target(%dma_start3A_534 : memref<10240x64xf32, #tpu.memory_space<vmem_shared>>) offsets(%dma_start3A_531 : memref<80xi32, #tpu.memory_space<vmem>>) semaphore(%arg19 : memref<!tpu.dma_semaphore, #tpu.memory_space<semaphore_mem>>) {add = true}
        %dma_start3A_535 = arith.constant 1 : i32
        %dma_start3A_536 = arith.constant 4 : i32
        %dma_start3A_537 = arith.constant 1 : i32
        %dma_start3A_538 = arith.constant 4 : i32
        %dma_start3A_539 = arith.constant 0 : i32
        %dma_start3A_540 = arith.constant 0 : i32
        %dma_start3A_541 = tpu.memref_slice %arg8[%dma_start3A_535, %dma_start3A_536, %dma_start3A_539, %dma_start3A_540] : memref<2x5x80x64xf32, #tpu.memory_space<vmem>> -> memref<1x1x80x64xf32, #tpu.memory_space<vmem>>
        %dma_start3A_542 = tpu.memref_squeeze %dma_start3A_541 : memref<1x1x80x64xf32, #tpu.memory_space<vmem>> -> memref<80x64xf32, #tpu.memory_space<vmem>>
        %dma_start3A_543 = arith.constant 0 : i32
        %dma_start3A_544 = tpu.memref_slice %arg7[%dma_start3A_537, %dma_start3A_538, %dma_start3A_543] : memref<4x5x80xi32, #tpu.memory_space<vmem>> -> memref<1x1x80xi32, #tpu.memory_space<vmem>>
        %dma_start3A_545 = tpu.memref_squeeze %dma_start3A_544 : memref<1x1x80xi32, #tpu.memory_space<vmem>> -> memref<80xi32, #tpu.memory_space<vmem>>
        %dma_start3A_546 = arith.constant 0 : i32
        %dma_start3A_547 = arith.constant 0 : i32
        %dma_start3A_548 = tpu.memref_slice %arg9[%dma_start3A_546, %dma_start3A_547] : memref<10240x64xf32, #tpu.memory_space<vmem_shared>> -> memref<10240x64xf32, #tpu.memory_space<vmem_shared>>
        tpu.enqueue_indirect_dma source(%dma_start3A_542 : memref<80x64xf32, #tpu.memory_space<vmem>>) target(%dma_start3A_548 : memref<10240x64xf32, #tpu.memory_space<vmem_shared>>) offsets(%dma_start3A_545 : memref<80xi32, #tpu.memory_space<vmem>>) semaphore(%arg19 : memref<!tpu.dma_semaphore, #tpu.memory_space<semaphore_mem>>) {add = true}
      } else {
      }
      %jit3A_254 = arith.constant 4 : i32
      %eq3A_255 = arith.constant 0 : i32
      %eq3A_256 = arith.cmpi eq, %jit3A_254, %eq3A_255 : i32
      %jit3A_257 = arith.constant 1 : i32
      %select_n3A_258 = arith.select %eq3A_256, %jit3A_257, %jit3A_254 : i32
      %rem3A_259 = arith.remsi %scan3A_220, %select_n3A_258 : i32
      %ne3A_260 = arith.constant 0 : i32
      %ne3A_261 = arith.cmpi ne, %rem3A_259, %ne3A_260 : i32
      %lt3A_262 = arith.constant 0 : i32
      %lt3A_263 = arith.cmpi slt, %rem3A_259, %lt3A_262 : i32
      %lt3A_264 = arith.constant 0 : i32
      %lt3A_265 = arith.cmpi slt, %select_n3A_258, %lt3A_264 : i32
      %ne3A_266 = arith.xori %lt3A_263, %lt3A_265 : i1
      %and3A_267 = arith.andi %ne3A_266, %ne3A_261 : i1
      %add3A_268 = arith.addi %rem3A_259, %select_n3A_258 : i32
      %select_n3A_269 = arith.select %and3A_267, %add3A_268, %rem3A_259 : i32
      %eq3A_270 = arith.constant 2 : i32
      %eq3A_271 = arith.cmpi eq, %select_n3A_269, %eq3A_270 : i32
      %convert_element_type3A_272 = arith.extui %eq3A_271 : i1 to i32
      %cond3A_273 = arith.constant 0 : i32
      %cond3A_274 = arith.cmpi ne, %convert_element_type3A_272, %cond3A_273 : i32
      scf.if %cond3A_274 {
        %ge3A = arith.constant 2 : i32
        %ge3A_296 = arith.cmpi sge, %scan3A_220, %ge3A : i32
        %convert_element_type3A_297 = arith.extui %ge3A_296 : i1 to i32
        %cond3A_298 = arith.constant 0 : i32
        %cond3A_299 = arith.cmpi ne, %convert_element_type3A_297, %cond3A_298 : i32
        scf.if %cond3A_299 {
          %dma_wait3A_549 = arith.constant 0 : i32
          %dma_wait3A_550 = arith.constant 0 : i32
          %dma_wait3A_551 = arith.constant 0 : i32
          %dma_wait3A_552 = arith.constant 0 : i32
          %dma_wait3A_553 = arith.constant 0 : i32
          %dma_wait3A_554 = arith.constant 0 : i32
          %dma_wait3A_555 = tpu.memref_slice %arg8[%dma_wait3A_549, %dma_wait3A_550, %dma_wait3A_553, %dma_wait3A_554] : memref<2x5x80x64xf32, #tpu.memory_space<vmem>> -> memref<1x1x80x64xf32, #tpu.memory_space<vmem>>
          %dma_wait3A_556 = tpu.memref_squeeze %dma_wait3A_555 : memref<1x1x80x64xf32, #tpu.memory_space<vmem>> -> memref<80x64xf32, #tpu.memory_space<vmem>>
          %dma_wait3A_557 = arith.constant 0 : i32
          %dma_wait3A_558 = tpu.memref_slice %arg7[%dma_wait3A_551, %dma_wait3A_552, %dma_wait3A_557] : memref<4x5x80xi32, #tpu.memory_space<vmem>> -> memref<1x1x80xi32, #tpu.memory_space<vmem>>
          %dma_wait3A_559 = tpu.memref_squeeze %dma_wait3A_558 : memref<1x1x80xi32, #tpu.memory_space<vmem>> -> memref<80xi32, #tpu.memory_space<vmem>>
          %dma_wait3A_560 = arith.constant 0 : i32
          %dma_wait3A_561 = arith.constant 0 : i32
          %dma_wait3A_562 = tpu.memref_slice %arg9[%dma_wait3A_560, %dma_wait3A_561] : memref<10240x64xf32, #tpu.memory_space<vmem_shared>> -> memref<10240x64xf32, #tpu.memory_space<vmem_shared>>
          tpu.wait_indirect_dma semaphore(%arg18 : memref<!tpu.dma_semaphore, #tpu.memory_space<semaphore_mem>>) src(%dma_wait3A_556 : memref<80x64xf32, #tpu.memory_space<vmem>>) dst(%dma_wait3A_562 : memref<10240x64xf32, #tpu.memory_space<vmem_shared>>)
          %dma_wait3A_563 = arith.constant 0 : i32
          %dma_wait3A_564 = arith.constant 1 : i32
          %dma_wait3A_565 = arith.constant 0 : i32
          %dma_wait3A_566 = arith.constant 1 : i32
          %dma_wait3A_567 = arith.constant 0 : i32
          %dma_wait3A_568 = arith.constant 0 : i32
          %dma_wait3A_569 = tpu.memref_slice %arg8[%dma_wait3A_563, %dma_wait3A_564, %dma_wait3A_567, %dma_wait3A_568] : memref<2x5x80x64xf32, #tpu.memory_space<vmem>> -> memref<1x1x80x64xf32, #tpu.memory_space<vmem>>
          %dma_wait3A_570 = tpu.memref_squeeze %dma_wait3A_569 : memref<1x1x80x64xf32, #tpu.memory_space<vmem>> -> memref<80x64xf32, #tpu.memory_space<vmem>>
          %dma_wait3A_571 = arith.constant 0 : i32
          %dma_wait3A_572 = tpu.memref_slice %arg7[%dma_wait3A_565, %dma_wait3A_566, %dma_wait3A_571] : memref<4x5x80xi32, #tpu.memory_space<vmem>> -> memref<1x1x80xi32, #tpu.memory_space<vmem>>
          %dma_wait3A_573 = tpu.memref_squeeze %dma_wait3A_572 : memref<1x1x80xi32, #tpu.memory_space<vmem>> -> memref<80xi32, #tpu.memory_space<vmem>>
          %dma_wait3A_574 = arith.constant 0 : i32
          %dma_wait3A_575 = arith.constant 0 : i32
          %dma_wait3A_576 = tpu.memref_slice %arg9[%dma_wait3A_574, %dma_wait3A_575] : memref<10240x64xf32, #tpu.memory_space<vmem_shared>> -> memref<10240x64xf32, #tpu.memory_space<vmem_shared>>
          tpu.wait_indirect_dma semaphore(%arg18 : memref<!tpu.dma_semaphore, #tpu.memory_space<semaphore_mem>>) src(%dma_wait3A_570 : memref<80x64xf32, #tpu.memory_space<vmem>>) dst(%dma_wait3A_576 : memref<10240x64xf32, #tpu.memory_space<vmem_shared>>)
          %dma_wait3A_577 = arith.constant 0 : i32
          %dma_wait3A_578 = arith.constant 2 : i32
          %dma_wait3A_579 = arith.constant 0 : i32
          %dma_wait3A_580 = arith.constant 2 : i32
          %dma_wait3A_581 = arith.constant 0 : i32
          %dma_wait3A_582 = arith.constant 0 : i32
          %dma_wait3A_583 = tpu.memref_slice %arg8[%dma_wait3A_577, %dma_wait3A_578, %dma_wait3A_581, %dma_wait3A_582] : memref<2x5x80x64xf32, #tpu.memory_space<vmem>> -> memref<1x1x80x64xf32, #tpu.memory_space<vmem>>
          %dma_wait3A_584 = tpu.memref_squeeze %dma_wait3A_583 : memref<1x1x80x64xf32, #tpu.memory_space<vmem>> -> memref<80x64xf32, #tpu.memory_space<vmem>>
          %dma_wait3A_585 = arith.constant 0 : i32
          %dma_wait3A_586 = tpu.memref_slice %arg7[%dma_wait3A_579, %dma_wait3A_580, %dma_wait3A_585] : memref<4x5x80xi32, #tpu.memory_space<vmem>> -> memref<1x1x80xi32, #tpu.memory_space<vmem>>
          %dma_wait3A_587 = tpu.memref_squeeze %dma_wait3A_586 : memref<1x1x80xi32, #tpu.memory_space<vmem>> -> memref<80xi32, #tpu.memory_space<vmem>>
          %dma_wait3A_588 = arith.constant 0 : i32
          %dma_wait3A_589 = arith.constant 0 : i32
          %dma_wait3A_590 = tpu.memref_slice %arg9[%dma_wait3A_588, %dma_wait3A_589] : memref<10240x64xf32, #tpu.memory_space<vmem_shared>> -> memref<10240x64xf32, #tpu.memory_space<vmem_shared>>
          tpu.wait_indirect_dma semaphore(%arg18 : memref<!tpu.dma_semaphore, #tpu.memory_space<semaphore_mem>>) src(%dma_wait3A_584 : memref<80x64xf32, #tpu.memory_space<vmem>>) dst(%dma_wait3A_590 : memref<10240x64xf32, #tpu.memory_space<vmem_shared>>)
          %dma_wait3A_591 = arith.constant 0 : i32
          %dma_wait3A_592 = arith.constant 3 : i32
          %dma_wait3A_593 = arith.constant 0 : i32
          %dma_wait3A_594 = arith.constant 3 : i32
          %dma_wait3A_595 = arith.constant 0 : i32
          %dma_wait3A_596 = arith.constant 0 : i32
          %dma_wait3A_597 = tpu.memref_slice %arg8[%dma_wait3A_591, %dma_wait3A_592, %dma_wait3A_595, %dma_wait3A_596] : memref<2x5x80x64xf32, #tpu.memory_space<vmem>> -> memref<1x1x80x64xf32, #tpu.memory_space<vmem>>
          %dma_wait3A_598 = tpu.memref_squeeze %dma_wait3A_597 : memref<1x1x80x64xf32, #tpu.memory_space<vmem>> -> memref<80x64xf32, #tpu.memory_space<vmem>>
          %dma_wait3A_599 = arith.constant 0 : i32
          %dma_wait3A_600 = tpu.memref_slice %arg7[%dma_wait3A_593, %dma_wait3A_594, %dma_wait3A_599] : memref<4x5x80xi32, #tpu.memory_space<vmem>> -> memref<1x1x80xi32, #tpu.memory_space<vmem>>
          %dma_wait3A_601 = tpu.memref_squeeze %dma_wait3A_600 : memref<1x1x80xi32, #tpu.memory_space<vmem>> -> memref<80xi32, #tpu.memory_space<vmem>>
          %dma_wait3A_602 = arith.constant 0 : i32
          %dma_wait3A_603 = arith.constant 0 : i32
          %dma_wait3A_604 = tpu.memref_slice %arg9[%dma_wait3A_602, %dma_wait3A_603] : memref<10240x64xf32, #tpu.memory_space<vmem_shared>> -> memref<10240x64xf32, #tpu.memory_space<vmem_shared>>
          tpu.wait_indirect_dma semaphore(%arg18 : memref<!tpu.dma_semaphore, #tpu.memory_space<semaphore_mem>>) src(%dma_wait3A_598 : memref<80x64xf32, #tpu.memory_space<vmem>>) dst(%dma_wait3A_604 : memref<10240x64xf32, #tpu.memory_space<vmem_shared>>)
          %dma_wait3A_605 = arith.constant 0 : i32
          %dma_wait3A_606 = arith.constant 4 : i32
          %dma_wait3A_607 = arith.constant 0 : i32
          %dma_wait3A_608 = arith.constant 4 : i32
          %dma_wait3A_609 = arith.constant 0 : i32
          %dma_wait3A_610 = arith.constant 0 : i32
          %dma_wait3A_611 = tpu.memref_slice %arg8[%dma_wait3A_605, %dma_wait3A_606, %dma_wait3A_609, %dma_wait3A_610] : memref<2x5x80x64xf32, #tpu.memory_space<vmem>> -> memref<1x1x80x64xf32, #tpu.memory_space<vmem>>
          %dma_wait3A_612 = tpu.memref_squeeze %dma_wait3A_611 : memref<1x1x80x64xf32, #tpu.memory_space<vmem>> -> memref<80x64xf32, #tpu.memory_space<vmem>>
          %dma_wait3A_613 = arith.constant 0 : i32
          %dma_wait3A_614 = tpu.memref_slice %arg7[%dma_wait3A_607, %dma_wait3A_608, %dma_wait3A_613] : memref<4x5x80xi32, #tpu.memory_space<vmem>> -> memref<1x1x80xi32, #tpu.memory_space<vmem>>
          %dma_wait3A_615 = tpu.memref_squeeze %dma_wait3A_614 : memref<1x1x80xi32, #tpu.memory_space<vmem>> -> memref<80xi32, #tpu.memory_space<vmem>>
          %dma_wait3A_616 = arith.constant 0 : i32
          %dma_wait3A_617 = arith.constant 0 : i32
          %dma_wait3A_618 = tpu.memref_slice %arg9[%dma_wait3A_616, %dma_wait3A_617] : memref<10240x64xf32, #tpu.memory_space<vmem_shared>> -> memref<10240x64xf32, #tpu.memory_space<vmem_shared>>
          tpu.wait_indirect_dma semaphore(%arg18 : memref<!tpu.dma_semaphore, #tpu.memory_space<semaphore_mem>>) src(%dma_wait3A_612 : memref<80x64xf32, #tpu.memory_space<vmem>>) dst(%dma_wait3A_618 : memref<10240x64xf32, #tpu.memory_space<vmem_shared>>)
        } else {
        }
        %dma_wait3A_300 = arith.constant 0 : i32
        %dma_wait3A_301 = arith.constant 0 : i32
        %dma_wait3A_302 = arith.constant 0 : i32
        %dma_wait3A_303 = arith.constant 0 : i32
        %dma_wait3A_304 = tpu.memref_slice %arg6[%dma_wait3A_301, %dma_wait3A_302, %dma_wait3A_303] : memref<2x5x80xi32, #tpu.memory_space<vmem>> -> memref<1x5x80xi32, #tpu.memory_space<vmem>>
        %dma_wait3A_305 = tpu.memref_squeeze %dma_wait3A_304 : memref<1x5x80xi32, #tpu.memory_space<vmem>> -> memref<5x80xi32, #tpu.memory_space<vmem>>
        %dma_wait3A_306 = arith.constant 0 : i32
        %dma_wait3A_307 = tpu.memref_slice %arg3[%dma_wait3A_300, %mul3A_4, %dma_wait3A_306] : memref<2x8000x80xi32, #tpu.memory_space<hbm>> -> memref<1x5x80xi32, #tpu.memory_space<hbm>>
        %dma_wait3A_308 = tpu.memref_squeeze %dma_wait3A_307 : memref<1x5x80xi32, #tpu.memory_space<hbm>> -> memref<5x80xi32, #tpu.memory_space<hbm>>
        %dma_wait3A_309 = arith.constant 0 : i32
        %dma_wait3A_310 = arith.constant 0 : i32
        %dma_wait3A_311 = tpu.memref_slice %arg6[%dma_wait3A_301, %dma_wait3A_309, %dma_wait3A_310] : memref<2x5x80xi32, #tpu.memory_space<vmem>> -> memref<1x5x80xi32, #tpu.memory_space<vmem>>
        %dma_wait3A_312 = tpu.memref_squeeze %dma_wait3A_311 : memref<1x5x80xi32, #tpu.memory_space<vmem>> -> memref<5x80xi32, #tpu.memory_space<vmem>>
        %dma_wait3A_313 = arith.constant 0 : i32
        %dma_wait3A_314 = tpu.memref_slice %arg3[%dma_wait3A_300, %mul3A_4, %dma_wait3A_313] : memref<2x8000x80xi32, #tpu.memory_space<hbm>> -> memref<1x5x80xi32, #tpu.memory_space<hbm>>
        %dma_wait3A_315 = tpu.memref_squeeze %dma_wait3A_314 : memref<1x5x80xi32, #tpu.memory_space<hbm>> -> memref<5x80xi32, #tpu.memory_space<hbm>>
        tpu.wait_dma2 semaphore(%arg10 : memref<!tpu.dma_semaphore, #tpu.memory_space<semaphore_mem>>) src(%dma_wait3A_315 : memref<5x80xi32, #tpu.memory_space<hbm>>) dst(%dma_wait3A_312 : memref<5x80xi32, #tpu.memory_space<vmem>>)
        %dma_wait3A_316 = arith.constant 1 : i32
        %dma_wait3A_317 = arith.constant 2 : i32
        %dma_wait3A_318 = arith.constant 0 : i32
        %dma_wait3A_319 = arith.constant 0 : i32
        %dma_wait3A_320 = tpu.memref_slice %arg7[%dma_wait3A_317, %dma_wait3A_318, %dma_wait3A_319] : memref<4x5x80xi32, #tpu.memory_space<vmem>> -> memref<1x5x80xi32, #tpu.memory_space<vmem>>
        %dma_wait3A_321 = tpu.memref_squeeze %dma_wait3A_320 : memref<1x5x80xi32, #tpu.memory_space<vmem>> -> memref<5x80xi32, #tpu.memory_space<vmem>>
        %dma_wait3A_322 = arith.constant 0 : i32
        %dma_wait3A_323 = tpu.memref_slice %arg3[%dma_wait3A_316, %mul3A_4, %dma_wait3A_322] : memref<2x8000x80xi32, #tpu.memory_space<hbm>> -> memref<1x5x80xi32, #tpu.memory_space<hbm>>
        %dma_wait3A_324 = tpu.memref_squeeze %dma_wait3A_323 : memref<1x5x80xi32, #tpu.memory_space<hbm>> -> memref<5x80xi32, #tpu.memory_space<hbm>>
        %dma_wait3A_325 = arith.constant 0 : i32
        %dma_wait3A_326 = arith.constant 0 : i32
        %dma_wait3A_327 = tpu.memref_slice %arg7[%dma_wait3A_317, %dma_wait3A_325, %dma_wait3A_326] : memref<4x5x80xi32, #tpu.memory_space<vmem>> -> memref<1x5x80xi32, #tpu.memory_space<vmem>>
        %dma_wait3A_328 = tpu.memref_squeeze %dma_wait3A_327 : memref<1x5x80xi32, #tpu.memory_space<vmem>> -> memref<5x80xi32, #tpu.memory_space<vmem>>
        %dma_wait3A_329 = arith.constant 0 : i32
        %dma_wait3A_330 = tpu.memref_slice %arg3[%dma_wait3A_316, %mul3A_4, %dma_wait3A_329] : memref<2x8000x80xi32, #tpu.memory_space<hbm>> -> memref<1x5x80xi32, #tpu.memory_space<hbm>>
        %dma_wait3A_331 = tpu.memref_squeeze %dma_wait3A_330 : memref<1x5x80xi32, #tpu.memory_space<hbm>> -> memref<5x80xi32, #tpu.memory_space<hbm>>
        tpu.wait_dma2 semaphore(%arg14 : memref<!tpu.dma_semaphore, #tpu.memory_space<semaphore_mem>>) src(%dma_wait3A_331 : memref<5x80xi32, #tpu.memory_space<hbm>>) dst(%dma_wait3A_328 : memref<5x80xi32, #tpu.memory_space<vmem>>)
        %dma_start3A_332 = arith.constant 0 : i32
        %dma_start3A_333 = arith.constant 0 : i32
        %dma_start3A_334 = arith.constant 0 : i32
        %dma_start3A_335 = arith.constant 0 : i32
        %dma_start3A_336 = arith.constant 0 : i32
        %dma_start3A_337 = arith.constant 0 : i32
        %dma_start3A_338 = tpu.memref_slice %arg8[%dma_start3A_334, %dma_start3A_335, %dma_start3A_336, %dma_start3A_337] : memref<2x5x80x64xf32, #tpu.memory_space<vmem>> -> memref<1x1x80x64xf32, #tpu.memory_space<vmem>>
        %dma_start3A_339 = tpu.memref_squeeze %dma_start3A_338 : memref<1x1x80x64xf32, #tpu.memory_space<vmem>> -> memref<80x64xf32, #tpu.memory_space<vmem>>
        %dma_start3A_340 = arith.constant 0 : i32
        %dma_start3A_341 = tpu.memref_slice %arg6[%dma_start3A_332, %dma_start3A_333, %dma_start3A_340] : memref<2x5x80xi32, #tpu.memory_space<vmem>> -> memref<1x1x80xi32, #tpu.memory_space<vmem>>
        %dma_start3A_342 = tpu.memref_squeeze %dma_start3A_341 : memref<1x1x80xi32, #tpu.memory_space<vmem>> -> memref<80xi32, #tpu.memory_space<vmem>>
        %dma_start3A_343 = arith.constant 0 : i32
        %dma_start3A_344 = arith.constant 0 : i32
        %dma_start3A_345 = tpu.memref_slice %arg2[%dma_start3A_343, %dma_start3A_344] : memref<10000x64xf32, #tpu.memory_space<hbm>> -> memref<10000x64xf32, #tpu.memory_space<hbm>>
        tpu.enqueue_indirect_dma source(%dma_start3A_345 : memref<10000x64xf32, #tpu.memory_space<hbm>>) target(%dma_start3A_339 : memref<80x64xf32, #tpu.memory_space<vmem>>) offsets(%dma_start3A_342 : memref<80xi32, #tpu.memory_space<vmem>>) semaphore(%arg16 : memref<!tpu.dma_semaphore, #tpu.memory_space<semaphore_mem>>)
        %dma_start3A_346 = arith.constant 0 : i32
        %dma_start3A_347 = arith.constant 1 : i32
        %dma_start3A_348 = arith.constant 0 : i32
        %dma_start3A_349 = arith.constant 1 : i32
        %dma_start3A_350 = arith.constant 0 : i32
        %dma_start3A_351 = arith.constant 0 : i32
        %dma_start3A_352 = tpu.memref_slice %arg8[%dma_start3A_348, %dma_start3A_349, %dma_start3A_350, %dma_start3A_351] : memref<2x5x80x64xf32, #tpu.memory_space<vmem>> -> memref<1x1x80x64xf32, #tpu.memory_space<vmem>>
        %dma_start3A_353 = tpu.memref_squeeze %dma_start3A_352 : memref<1x1x80x64xf32, #tpu.memory_space<vmem>> -> memref<80x64xf32, #tpu.memory_space<vmem>>
        %dma_start3A_354 = arith.constant 0 : i32
        %dma_start3A_355 = tpu.memref_slice %arg6[%dma_start3A_346, %dma_start3A_347, %dma_start3A_354] : memref<2x5x80xi32, #tpu.memory_space<vmem>> -> memref<1x1x80xi32, #tpu.memory_space<vmem>>
        %dma_start3A_356 = tpu.memref_squeeze %dma_start3A_355 : memref<1x1x80xi32, #tpu.memory_space<vmem>> -> memref<80xi32, #tpu.memory_space<vmem>>
        %dma_start3A_357 = arith.constant 0 : i32
        %dma_start3A_358 = arith.constant 0 : i32
        %dma_start3A_359 = tpu.memref_slice %arg2[%dma_start3A_357, %dma_start3A_358] : memref<10000x64xf32, #tpu.memory_space<hbm>> -> memref<10000x64xf32, #tpu.memory_space<hbm>>
        tpu.enqueue_indirect_dma source(%dma_start3A_359 : memref<10000x64xf32, #tpu.memory_space<hbm>>) target(%dma_start3A_353 : memref<80x64xf32, #tpu.memory_space<vmem>>) offsets(%dma_start3A_356 : memref<80xi32, #tpu.memory_space<vmem>>) semaphore(%arg16 : memref<!tpu.dma_semaphore, #tpu.memory_space<semaphore_mem>>)
        %dma_start3A_360 = arith.constant 0 : i32
        %dma_start3A_361 = arith.constant 2 : i32
        %dma_start3A_362 = arith.constant 0 : i32
        %dma_start3A_363 = arith.constant 2 : i32
        %dma_start3A_364 = arith.constant 0 : i32
        %dma_start3A_365 = arith.constant 0 : i32
        %dma_start3A_366 = tpu.memref_slice %arg8[%dma_start3A_362, %dma_start3A_363, %dma_start3A_364, %dma_start3A_365] : memref<2x5x80x64xf32, #tpu.memory_space<vmem>> -> memref<1x1x80x64xf32, #tpu.memory_space<vmem>>
        %dma_start3A_367 = tpu.memref_squeeze %dma_start3A_366 : memref<1x1x80x64xf32, #tpu.memory_space<vmem>> -> memref<80x64xf32, #tpu.memory_space<vmem>>
        %dma_start3A_368 = arith.constant 0 : i32
        %dma_start3A_369 = tpu.memref_slice %arg6[%dma_start3A_360, %dma_start3A_361, %dma_start3A_368] : memref<2x5x80xi32, #tpu.memory_space<vmem>> -> memref<1x1x80xi32, #tpu.memory_space<vmem>>
        %dma_start3A_370 = tpu.memref_squeeze %dma_start3A_369 : memref<1x1x80xi32, #tpu.memory_space<vmem>> -> memref<80xi32, #tpu.memory_space<vmem>>
        %dma_start3A_371 = arith.constant 0 : i32
        %dma_start3A_372 = arith.constant 0 : i32
        %dma_start3A_373 = tpu.memref_slice %arg2[%dma_start3A_371, %dma_start3A_372] : memref<10000x64xf32, #tpu.memory_space<hbm>> -> memref<10000x64xf32, #tpu.memory_space<hbm>>
        tpu.enqueue_indirect_dma source(%dma_start3A_373 : memref<10000x64xf32, #tpu.memory_space<hbm>>) target(%dma_start3A_367 : memref<80x64xf32, #tpu.memory_space<vmem>>) offsets(%dma_start3A_370 : memref<80xi32, #tpu.memory_space<vmem>>) semaphore(%arg16 : memref<!tpu.dma_semaphore, #tpu.memory_space<semaphore_mem>>)
        %dma_start3A_374 = arith.constant 0 : i32
        %dma_start3A_375 = arith.constant 3 : i32
        %dma_start3A_376 = arith.constant 0 : i32
        %dma_start3A_377 = arith.constant 3 : i32
        %dma_start3A_378 = arith.constant 0 : i32
        %dma_start3A_379 = arith.constant 0 : i32
        %dma_start3A_380 = tpu.memref_slice %arg8[%dma_start3A_376, %dma_start3A_377, %dma_start3A_378, %dma_start3A_379] : memref<2x5x80x64xf32, #tpu.memory_space<vmem>> -> memref<1x1x80x64xf32, #tpu.memory_space<vmem>>
        %dma_start3A_381 = tpu.memref_squeeze %dma_start3A_380 : memref<1x1x80x64xf32, #tpu.memory_space<vmem>> -> memref<80x64xf32, #tpu.memory_space<vmem>>
        %dma_start3A_382 = arith.constant 0 : i32
        %dma_start3A_383 = tpu.memref_slice %arg6[%dma_start3A_374, %dma_start3A_375, %dma_start3A_382] : memref<2x5x80xi32, #tpu.memory_space<vmem>> -> memref<1x1x80xi32, #tpu.memory_space<vmem>>
        %dma_start3A_384 = tpu.memref_squeeze %dma_start3A_383 : memref<1x1x80xi32, #tpu.memory_space<vmem>> -> memref<80xi32, #tpu.memory_space<vmem>>
        %dma_start3A_385 = arith.constant 0 : i32
        %dma_start3A_386 = arith.constant 0 : i32
        %dma_start3A_387 = tpu.memref_slice %arg2[%dma_start3A_385, %dma_start3A_386] : memref<10000x64xf32, #tpu.memory_space<hbm>> -> memref<10000x64xf32, #tpu.memory_space<hbm>>
        tpu.enqueue_indirect_dma source(%dma_start3A_387 : memref<10000x64xf32, #tpu.memory_space<hbm>>) target(%dma_start3A_381 : memref<80x64xf32, #tpu.memory_space<vmem>>) offsets(%dma_start3A_384 : memref<80xi32, #tpu.memory_space<vmem>>) semaphore(%arg16 : memref<!tpu.dma_semaphore, #tpu.memory_space<semaphore_mem>>)
        %dma_start3A_388 = arith.constant 0 : i32
        %dma_start3A_389 = arith.constant 4 : i32
        %dma_start3A_390 = arith.constant 0 : i32
        %dma_start3A_391 = arith.constant 4 : i32
        %dma_start3A_392 = arith.constant 0 : i32
        %dma_start3A_393 = arith.constant 0 : i32
        %dma_start3A_394 = tpu.memref_slice %arg8[%dma_start3A_390, %dma_start3A_391, %dma_start3A_392, %dma_start3A_393] : memref<2x5x80x64xf32, #tpu.memory_space<vmem>> -> memref<1x1x80x64xf32, #tpu.memory_space<vmem>>
        %dma_start3A_395 = tpu.memref_squeeze %dma_start3A_394 : memref<1x1x80x64xf32, #tpu.memory_space<vmem>> -> memref<80x64xf32, #tpu.memory_space<vmem>>
        %dma_start3A_396 = arith.constant 0 : i32
        %dma_start3A_397 = tpu.memref_slice %arg6[%dma_start3A_388, %dma_start3A_389, %dma_start3A_396] : memref<2x5x80xi32, #tpu.memory_space<vmem>> -> memref<1x1x80xi32, #tpu.memory_space<vmem>>
        %dma_start3A_398 = tpu.memref_squeeze %dma_start3A_397 : memref<1x1x80xi32, #tpu.memory_space<vmem>> -> memref<80xi32, #tpu.memory_space<vmem>>
        %dma_start3A_399 = arith.constant 0 : i32
        %dma_start3A_400 = arith.constant 0 : i32
        %dma_start3A_401 = tpu.memref_slice %arg2[%dma_start3A_399, %dma_start3A_400] : memref<10000x64xf32, #tpu.memory_space<hbm>> -> memref<10000x64xf32, #tpu.memory_space<hbm>>
        tpu.enqueue_indirect_dma source(%dma_start3A_401 : memref<10000x64xf32, #tpu.memory_space<hbm>>) target(%dma_start3A_395 : memref<80x64xf32, #tpu.memory_space<vmem>>) offsets(%dma_start3A_398 : memref<80xi32, #tpu.memory_space<vmem>>) semaphore(%arg16 : memref<!tpu.dma_semaphore, #tpu.memory_space<semaphore_mem>>)
        %dma_wait3A_402 = arith.constant 0 : i32
        %dma_wait3A_403 = arith.constant 0 : i32
        %dma_wait3A_404 = arith.constant 0 : i32
        %dma_wait3A_405 = arith.constant 0 : i32
        %dma_wait3A_406 = arith.constant 0 : i32
        %dma_wait3A_407 = arith.constant 0 : i32
        %dma_wait3A_408 = tpu.memref_slice %arg8[%dma_wait3A_404, %dma_wait3A_405, %dma_wait3A_406, %dma_wait3A_407] : memref<2x5x80x64xf32, #tpu.memory_space<vmem>> -> memref<1x1x80x64xf32, #tpu.memory_space<vmem>>
        %dma_wait3A_409 = tpu.memref_squeeze %dma_wait3A_408 : memref<1x1x80x64xf32, #tpu.memory_space<vmem>> -> memref<80x64xf32, #tpu.memory_space<vmem>>
        %dma_wait3A_410 = arith.constant 0 : i32
        %dma_wait3A_411 = tpu.memref_slice %arg6[%dma_wait3A_402, %dma_wait3A_403, %dma_wait3A_410] : memref<2x5x80xi32, #tpu.memory_space<vmem>> -> memref<1x1x80xi32, #tpu.memory_space<vmem>>
        %dma_wait3A_412 = tpu.memref_squeeze %dma_wait3A_411 : memref<1x1x80xi32, #tpu.memory_space<vmem>> -> memref<80xi32, #tpu.memory_space<vmem>>
        %dma_wait3A_413 = arith.constant 0 : i32
        %dma_wait3A_414 = arith.constant 0 : i32
        %dma_wait3A_415 = tpu.memref_slice %arg2[%dma_wait3A_413, %dma_wait3A_414] : memref<10000x64xf32, #tpu.memory_space<hbm>> -> memref<10000x64xf32, #tpu.memory_space<hbm>>
        tpu.wait_indirect_dma semaphore(%arg16 : memref<!tpu.dma_semaphore, #tpu.memory_space<semaphore_mem>>) src(%dma_wait3A_415 : memref<10000x64xf32, #tpu.memory_space<hbm>>) dst(%dma_wait3A_409 : memref<80x64xf32, #tpu.memory_space<vmem>>)
        %dma_wait3A_416 = arith.constant 0 : i32
        %dma_wait3A_417 = arith.constant 1 : i32
        %dma_wait3A_418 = arith.constant 0 : i32
        %dma_wait3A_419 = arith.constant 1 : i32
        %dma_wait3A_420 = arith.constant 0 : i32
        %dma_wait3A_421 = arith.constant 0 : i32
        %dma_wait3A_422 = tpu.memref_slice %arg8[%dma_wait3A_418, %dma_wait3A_419, %dma_wait3A_420, %dma_wait3A_421] : memref<2x5x80x64xf32, #tpu.memory_space<vmem>> -> memref<1x1x80x64xf32, #tpu.memory_space<vmem>>
        %dma_wait3A_423 = tpu.memref_squeeze %dma_wait3A_422 : memref<1x1x80x64xf32, #tpu.memory_space<vmem>> -> memref<80x64xf32, #tpu.memory_space<vmem>>
        %dma_wait3A_424 = arith.constant 0 : i32
        %dma_wait3A_425 = tpu.memref_slice %arg6[%dma_wait3A_416, %dma_wait3A_417, %dma_wait3A_424] : memref<2x5x80xi32, #tpu.memory_space<vmem>> -> memref<1x1x80xi32, #tpu.memory_space<vmem>>
        %dma_wait3A_426 = tpu.memref_squeeze %dma_wait3A_425 : memref<1x1x80xi32, #tpu.memory_space<vmem>> -> memref<80xi32, #tpu.memory_space<vmem>>
        %dma_wait3A_427 = arith.constant 0 : i32
        %dma_wait3A_428 = arith.constant 0 : i32
        %dma_wait3A_429 = tpu.memref_slice %arg2[%dma_wait3A_427, %dma_wait3A_428] : memref<10000x64xf32, #tpu.memory_space<hbm>> -> memref<10000x64xf32, #tpu.memory_space<hbm>>
        tpu.wait_indirect_dma semaphore(%arg16 : memref<!tpu.dma_semaphore, #tpu.memory_space<semaphore_mem>>) src(%dma_wait3A_429 : memref<10000x64xf32, #tpu.memory_space<hbm>>) dst(%dma_wait3A_423 : memref<80x64xf32, #tpu.memory_space<vmem>>)
        %dma_wait3A_430 = arith.constant 0 : i32
        %dma_wait3A_431 = arith.constant 2 : i32
        %dma_wait3A_432 = arith.constant 0 : i32
        %dma_wait3A_433 = arith.constant 2 : i32
        %dma_wait3A_434 = arith.constant 0 : i32
        %dma_wait3A_435 = arith.constant 0 : i32
        %dma_wait3A_436 = tpu.memref_slice %arg8[%dma_wait3A_432, %dma_wait3A_433, %dma_wait3A_434, %dma_wait3A_435] : memref<2x5x80x64xf32, #tpu.memory_space<vmem>> -> memref<1x1x80x64xf32, #tpu.memory_space<vmem>>
        %dma_wait3A_437 = tpu.memref_squeeze %dma_wait3A_436 : memref<1x1x80x64xf32, #tpu.memory_space<vmem>> -> memref<80x64xf32, #tpu.memory_space<vmem>>
        %dma_wait3A_438 = arith.constant 0 : i32
        %dma_wait3A_439 = tpu.memref_slice %arg6[%dma_wait3A_430, %dma_wait3A_431, %dma_wait3A_438] : memref<2x5x80xi32, #tpu.memory_space<vmem>> -> memref<1x1x80xi32, #tpu.memory_space<vmem>>
        %dma_wait3A_440 = tpu.memref_squeeze %dma_wait3A_439 : memref<1x1x80xi32, #tpu.memory_space<vmem>> -> memref<80xi32, #tpu.memory_space<vmem>>
        %dma_wait3A_441 = arith.constant 0 : i32
        %dma_wait3A_442 = arith.constant 0 : i32
        %dma_wait3A_443 = tpu.memref_slice %arg2[%dma_wait3A_441, %dma_wait3A_442] : memref<10000x64xf32, #tpu.memory_space<hbm>> -> memref<10000x64xf32, #tpu.memory_space<hbm>>
        tpu.wait_indirect_dma semaphore(%arg16 : memref<!tpu.dma_semaphore, #tpu.memory_space<semaphore_mem>>) src(%dma_wait3A_443 : memref<10000x64xf32, #tpu.memory_space<hbm>>) dst(%dma_wait3A_437 : memref<80x64xf32, #tpu.memory_space<vmem>>)
        %dma_wait3A_444 = arith.constant 0 : i32
        %dma_wait3A_445 = arith.constant 3 : i32
        %dma_wait3A_446 = arith.constant 0 : i32
        %dma_wait3A_447 = arith.constant 3 : i32
        %dma_wait3A_448 = arith.constant 0 : i32
        %dma_wait3A_449 = arith.constant 0 : i32
        %dma_wait3A_450 = tpu.memref_slice %arg8[%dma_wait3A_446, %dma_wait3A_447, %dma_wait3A_448, %dma_wait3A_449] : memref<2x5x80x64xf32, #tpu.memory_space<vmem>> -> memref<1x1x80x64xf32, #tpu.memory_space<vmem>>
        %dma_wait3A_451 = tpu.memref_squeeze %dma_wait3A_450 : memref<1x1x80x64xf32, #tpu.memory_space<vmem>> -> memref<80x64xf32, #tpu.memory_space<vmem>>
        %dma_wait3A_452 = arith.constant 0 : i32
        %dma_wait3A_453 = tpu.memref_slice %arg6[%dma_wait3A_444, %dma_wait3A_445, %dma_wait3A_452] : memref<2x5x80xi32, #tpu.memory_space<vmem>> -> memref<1x1x80xi32, #tpu.memory_space<vmem>>
        %dma_wait3A_454 = tpu.memref_squeeze %dma_wait3A_453 : memref<1x1x80xi32, #tpu.memory_space<vmem>> -> memref<80xi32, #tpu.memory_space<vmem>>
        %dma_wait3A_455 = arith.constant 0 : i32
        %dma_wait3A_456 = arith.constant 0 : i32
        %dma_wait3A_457 = tpu.memref_slice %arg2[%dma_wait3A_455, %dma_wait3A_456] : memref<10000x64xf32, #tpu.memory_space<hbm>> -> memref<10000x64xf32, #tpu.memory_space<hbm>>
        tpu.wait_indirect_dma semaphore(%arg16 : memref<!tpu.dma_semaphore, #tpu.memory_space<semaphore_mem>>) src(%dma_wait3A_457 : memref<10000x64xf32, #tpu.memory_space<hbm>>) dst(%dma_wait3A_451 : memref<80x64xf32, #tpu.memory_space<vmem>>)
        %dma_wait3A_458 = arith.constant 0 : i32
        %dma_wait3A_459 = arith.constant 4 : i32
        %dma_wait3A_460 = arith.constant 0 : i32
        %dma_wait3A_461 = arith.constant 4 : i32
        %dma_wait3A_462 = arith.constant 0 : i32
        %dma_wait3A_463 = arith.constant 0 : i32
        %dma_wait3A_464 = tpu.memref_slice %arg8[%dma_wait3A_460, %dma_wait3A_461, %dma_wait3A_462, %dma_wait3A_463] : memref<2x5x80x64xf32, #tpu.memory_space<vmem>> -> memref<1x1x80x64xf32, #tpu.memory_space<vmem>>
        %dma_wait3A_465 = tpu.memref_squeeze %dma_wait3A_464 : memref<1x1x80x64xf32, #tpu.memory_space<vmem>> -> memref<80x64xf32, #tpu.memory_space<vmem>>
        %dma_wait3A_466 = arith.constant 0 : i32
        %dma_wait3A_467 = tpu.memref_slice %arg6[%dma_wait3A_458, %dma_wait3A_459, %dma_wait3A_466] : memref<2x5x80xi32, #tpu.memory_space<vmem>> -> memref<1x1x80xi32, #tpu.memory_space<vmem>>
        %dma_wait3A_468 = tpu.memref_squeeze %dma_wait3A_467 : memref<1x1x80xi32, #tpu.memory_space<vmem>> -> memref<80xi32, #tpu.memory_space<vmem>>
        %dma_wait3A_469 = arith.constant 0 : i32
        %dma_wait3A_470 = arith.constant 0 : i32
        %dma_wait3A_471 = tpu.memref_slice %arg2[%dma_wait3A_469, %dma_wait3A_470] : memref<10000x64xf32, #tpu.memory_space<hbm>> -> memref<10000x64xf32, #tpu.memory_space<hbm>>
        tpu.wait_indirect_dma semaphore(%arg16 : memref<!tpu.dma_semaphore, #tpu.memory_space<semaphore_mem>>) src(%dma_wait3A_471 : memref<10000x64xf32, #tpu.memory_space<hbm>>) dst(%dma_wait3A_465 : memref<80x64xf32, #tpu.memory_space<vmem>>)
        %add3A_472 = arith.constant 2 : i32
        %add3A_473 = arith.addi %scan3A_220, %add3A_472 : i32
        %lt3A_474 = arith.constant 50 : i32
        %lt3A_475 = arith.cmpi slt, %add3A_473, %lt3A_474 : i32
        %convert_element_type3A_476 = arith.extui %lt3A_475 : i1 to i32
        %cond3A_477 = arith.constant 0 : i32
        %cond3A_478 = arith.cmpi ne, %convert_element_type3A_476, %cond3A_477 : i32
        scf.if %cond3A_478 {
          %add3A_549 = arith.constant 2 : i32
          %add3A_550 = arith.addi %scan3A_220, %add3A_549 : i32
          %mul3A_551 = arith.constant 5 : i32
          %mul3A_552 = arith.muli %add3A_550, %mul3A_551 : i32
          %add3A_553 = arith.addi %mul3A_4, %mul3A_552 : i32
          %dma_start3A_554 = arith.constant 0 : i32
          %dma_start3A_555 = arith.constant 0 : i32
          %dma_start3A_556 = arith.constant 0 : i32
          %dma_start3A_557 = arith.constant 0 : i32
          %dma_start3A_558 = tpu.memref_slice %arg6[%dma_start3A_555, %dma_start3A_556, %dma_start3A_557] : memref<2x5x80xi32, #tpu.memory_space<vmem>> -> memref<1x5x80xi32, #tpu.memory_space<vmem>>
          %dma_start3A_559 = tpu.memref_squeeze %dma_start3A_558 : memref<1x5x80xi32, #tpu.memory_space<vmem>> -> memref<5x80xi32, #tpu.memory_space<vmem>>
          %dma_start3A_560 = arith.constant 0 : i32
          %dma_start3A_561 = tpu.memref_slice %arg3[%dma_start3A_554, %add3A_553, %dma_start3A_560] : memref<2x8000x80xi32, #tpu.memory_space<hbm>> -> memref<1x5x80xi32, #tpu.memory_space<hbm>>
          %dma_start3A_562 = tpu.memref_squeeze %dma_start3A_561 : memref<1x5x80xi32, #tpu.memory_space<hbm>> -> memref<5x80xi32, #tpu.memory_space<hbm>>
          %dma_start3A_563 = arith.constant 0 : i32
          %dma_start3A_564 = arith.constant 0 : i32
          %dma_start3A_565 = tpu.memref_slice %arg6[%dma_start3A_555, %dma_start3A_563, %dma_start3A_564] : memref<2x5x80xi32, #tpu.memory_space<vmem>> -> memref<1x5x80xi32, #tpu.memory_space<vmem>>
          %dma_start3A_566 = tpu.memref_squeeze %dma_start3A_565 : memref<1x5x80xi32, #tpu.memory_space<vmem>> -> memref<5x80xi32, #tpu.memory_space<vmem>>
          %dma_start3A_567 = arith.constant 0 : i32
          %dma_start3A_568 = tpu.memref_slice %arg3[%dma_start3A_554, %add3A_553, %dma_start3A_567] : memref<2x8000x80xi32, #tpu.memory_space<hbm>> -> memref<1x5x80xi32, #tpu.memory_space<hbm>>
          %dma_start3A_569 = tpu.memref_squeeze %dma_start3A_568 : memref<1x5x80xi32, #tpu.memory_space<hbm>> -> memref<5x80xi32, #tpu.memory_space<hbm>>
          tpu.enqueue_dma source(%dma_start3A_569 : memref<5x80xi32, #tpu.memory_space<hbm>>) target(%dma_start3A_566 : memref<5x80xi32, #tpu.memory_space<vmem>>) target_semaphore(%arg10 : memref<!tpu.dma_semaphore, #tpu.memory_space<semaphore_mem>>)
          %dma_start3A_570 = arith.constant 1 : i32
          %dma_start3A_571 = arith.constant 0 : i32
          %dma_start3A_572 = arith.constant 0 : i32
          %dma_start3A_573 = arith.constant 0 : i32
          %dma_start3A_574 = tpu.memref_slice %arg7[%dma_start3A_571, %dma_start3A_572, %dma_start3A_573] : memref<4x5x80xi32, #tpu.memory_space<vmem>> -> memref<1x5x80xi32, #tpu.memory_space<vmem>>
          %dma_start3A_575 = tpu.memref_squeeze %dma_start3A_574 : memref<1x5x80xi32, #tpu.memory_space<vmem>> -> memref<5x80xi32, #tpu.memory_space<vmem>>
          %dma_start3A_576 = arith.constant 0 : i32
          %dma_start3A_577 = tpu.memref_slice %arg3[%dma_start3A_570, %add3A_553, %dma_start3A_576] : memref<2x8000x80xi32, #tpu.memory_space<hbm>> -> memref<1x5x80xi32, #tpu.memory_space<hbm>>
          %dma_start3A_578 = tpu.memref_squeeze %dma_start3A_577 : memref<1x5x80xi32, #tpu.memory_space<hbm>> -> memref<5x80xi32, #tpu.memory_space<hbm>>
          %dma_start3A_579 = arith.constant 0 : i32
          %dma_start3A_580 = arith.constant 0 : i32
          %dma_start3A_581 = tpu.memref_slice %arg7[%dma_start3A_571, %dma_start3A_579, %dma_start3A_580] : memref<4x5x80xi32, #tpu.memory_space<vmem>> -> memref<1x5x80xi32, #tpu.memory_space<vmem>>
          %dma_start3A_582 = tpu.memref_squeeze %dma_start3A_581 : memref<1x5x80xi32, #tpu.memory_space<vmem>> -> memref<5x80xi32, #tpu.memory_space<vmem>>
          %dma_start3A_583 = arith.constant 0 : i32
          %dma_start3A_584 = tpu.memref_slice %arg3[%dma_start3A_570, %add3A_553, %dma_start3A_583] : memref<2x8000x80xi32, #tpu.memory_space<hbm>> -> memref<1x5x80xi32, #tpu.memory_space<hbm>>
          %dma_start3A_585 = tpu.memref_squeeze %dma_start3A_584 : memref<1x5x80xi32, #tpu.memory_space<hbm>> -> memref<5x80xi32, #tpu.memory_space<hbm>>
          tpu.enqueue_dma source(%dma_start3A_585 : memref<5x80xi32, #tpu.memory_space<hbm>>) target(%dma_start3A_582 : memref<5x80xi32, #tpu.memory_space<vmem>>) target_semaphore(%arg12 : memref<!tpu.dma_semaphore, #tpu.memory_space<semaphore_mem>>)
        } else {
        }
        %dma_start3A_479 = arith.constant 0 : i32
        %dma_start3A_480 = arith.constant 0 : i32
        %dma_start3A_481 = arith.constant 2 : i32
        %dma_start3A_482 = arith.constant 0 : i32
        %dma_start3A_483 = arith.constant 0 : i32
        %dma_start3A_484 = arith.constant 0 : i32
        %dma_start3A_485 = tpu.memref_slice %arg8[%dma_start3A_479, %dma_start3A_480, %dma_start3A_483, %dma_start3A_484] : memref<2x5x80x64xf32, #tpu.memory_space<vmem>> -> memref<1x1x80x64xf32, #tpu.memory_space<vmem>>
        %dma_start3A_486 = tpu.memref_squeeze %dma_start3A_485 : memref<1x1x80x64xf32, #tpu.memory_space<vmem>> -> memref<80x64xf32, #tpu.memory_space<vmem>>
        %dma_start3A_487 = arith.constant 0 : i32
        %dma_start3A_488 = tpu.memref_slice %arg7[%dma_start3A_481, %dma_start3A_482, %dma_start3A_487] : memref<4x5x80xi32, #tpu.memory_space<vmem>> -> memref<1x1x80xi32, #tpu.memory_space<vmem>>
        %dma_start3A_489 = tpu.memref_squeeze %dma_start3A_488 : memref<1x1x80xi32, #tpu.memory_space<vmem>> -> memref<80xi32, #tpu.memory_space<vmem>>
        %dma_start3A_490 = arith.constant 0 : i32
        %dma_start3A_491 = arith.constant 0 : i32
        %dma_start3A_492 = tpu.memref_slice %arg9[%dma_start3A_490, %dma_start3A_491] : memref<10240x64xf32, #tpu.memory_space<vmem_shared>> -> memref<10240x64xf32, #tpu.memory_space<vmem_shared>>
        tpu.enqueue_indirect_dma source(%dma_start3A_486 : memref<80x64xf32, #tpu.memory_space<vmem>>) target(%dma_start3A_492 : memref<10240x64xf32, #tpu.memory_space<vmem_shared>>) offsets(%dma_start3A_489 : memref<80xi32, #tpu.memory_space<vmem>>) semaphore(%arg20 : memref<!tpu.dma_semaphore, #tpu.memory_space<semaphore_mem>>) {add = true}
        %dma_start3A_493 = arith.constant 0 : i32
        %dma_start3A_494 = arith.constant 1 : i32
        %dma_start3A_495 = arith.constant 2 : i32
        %dma_start3A_496 = arith.constant 1 : i32
        %dma_start3A_497 = arith.constant 0 : i32
        %dma_start3A_498 = arith.constant 0 : i32
        %dma_start3A_499 = tpu.memref_slice %arg8[%dma_start3A_493, %dma_start3A_494, %dma_start3A_497, %dma_start3A_498] : memref<2x5x80x64xf32, #tpu.memory_space<vmem>> -> memref<1x1x80x64xf32, #tpu.memory_space<vmem>>
        %dma_start3A_500 = tpu.memref_squeeze %dma_start3A_499 : memref<1x1x80x64xf32, #tpu.memory_space<vmem>> -> memref<80x64xf32, #tpu.memory_space<vmem>>
        %dma_start3A_501 = arith.constant 0 : i32
        %dma_start3A_502 = tpu.memref_slice %arg7[%dma_start3A_495, %dma_start3A_496, %dma_start3A_501] : memref<4x5x80xi32, #tpu.memory_space<vmem>> -> memref<1x1x80xi32, #tpu.memory_space<vmem>>
        %dma_start3A_503 = tpu.memref_squeeze %dma_start3A_502 : memref<1x1x80xi32, #tpu.memory_space<vmem>> -> memref<80xi32, #tpu.memory_space<vmem>>
        %dma_start3A_504 = arith.constant 0 : i32
        %dma_start3A_505 = arith.constant 0 : i32
        %dma_start3A_506 = tpu.memref_slice %arg9[%dma_start3A_504, %dma_start3A_505] : memref<10240x64xf32, #tpu.memory_space<vmem_shared>> -> memref<10240x64xf32, #tpu.memory_space<vmem_shared>>
        tpu.enqueue_indirect_dma source(%dma_start3A_500 : memref<80x64xf32, #tpu.memory_space<vmem>>) target(%dma_start3A_506 : memref<10240x64xf32, #tpu.memory_space<vmem_shared>>) offsets(%dma_start3A_503 : memref<80xi32, #tpu.memory_space<vmem>>) semaphore(%arg20 : memref<!tpu.dma_semaphore, #tpu.memory_space<semaphore_mem>>) {add = true}
        %dma_start3A_507 = arith.constant 0 : i32
        %dma_start3A_508 = arith.constant 2 : i32
        %dma_start3A_509 = arith.constant 2 : i32
        %dma_start3A_510 = arith.constant 2 : i32
        %dma_start3A_511 = arith.constant 0 : i32
        %dma_start3A_512 = arith.constant 0 : i32
        %dma_start3A_513 = tpu.memref_slice %arg8[%dma_start3A_507, %dma_start3A_508, %dma_start3A_511, %dma_start3A_512] : memref<2x5x80x64xf32, #tpu.memory_space<vmem>> -> memref<1x1x80x64xf32, #tpu.memory_space<vmem>>
        %dma_start3A_514 = tpu.memref_squeeze %dma_start3A_513 : memref<1x1x80x64xf32, #tpu.memory_space<vmem>> -> memref<80x64xf32, #tpu.memory_space<vmem>>
        %dma_start3A_515 = arith.constant 0 : i32
        %dma_start3A_516 = tpu.memref_slice %arg7[%dma_start3A_509, %dma_start3A_510, %dma_start3A_515] : memref<4x5x80xi32, #tpu.memory_space<vmem>> -> memref<1x1x80xi32, #tpu.memory_space<vmem>>
        %dma_start3A_517 = tpu.memref_squeeze %dma_start3A_516 : memref<1x1x80xi32, #tpu.memory_space<vmem>> -> memref<80xi32, #tpu.memory_space<vmem>>
        %dma_start3A_518 = arith.constant 0 : i32
        %dma_start3A_519 = arith.constant 0 : i32
        %dma_start3A_520 = tpu.memref_slice %arg9[%dma_start3A_518, %dma_start3A_519] : memref<10240x64xf32, #tpu.memory_space<vmem_shared>> -> memref<10240x64xf32, #tpu.memory_space<vmem_shared>>
        tpu.enqueue_indirect_dma source(%dma_start3A_514 : memref<80x64xf32, #tpu.memory_space<vmem>>) target(%dma_start3A_520 : memref<10240x64xf32, #tpu.memory_space<vmem_shared>>) offsets(%dma_start3A_517 : memref<80xi32, #tpu.memory_space<vmem>>) semaphore(%arg20 : memref<!tpu.dma_semaphore, #tpu.memory_space<semaphore_mem>>) {add = true}
        %dma_start3A_521 = arith.constant 0 : i32
        %dma_start3A_522 = arith.constant 3 : i32
        %dma_start3A_523 = arith.constant 2 : i32
        %dma_start3A_524 = arith.constant 3 : i32
        %dma_start3A_525 = arith.constant 0 : i32
        %dma_start3A_526 = arith.constant 0 : i32
        %dma_start3A_527 = tpu.memref_slice %arg8[%dma_start3A_521, %dma_start3A_522, %dma_start3A_525, %dma_start3A_526] : memref<2x5x80x64xf32, #tpu.memory_space<vmem>> -> memref<1x1x80x64xf32, #tpu.memory_space<vmem>>
        %dma_start3A_528 = tpu.memref_squeeze %dma_start3A_527 : memref<1x1x80x64xf32, #tpu.memory_space<vmem>> -> memref<80x64xf32, #tpu.memory_space<vmem>>
        %dma_start3A_529 = arith.constant 0 : i32
        %dma_start3A_530 = tpu.memref_slice %arg7[%dma_start3A_523, %dma_start3A_524, %dma_start3A_529] : memref<4x5x80xi32, #tpu.memory_space<vmem>> -> memref<1x1x80xi32, #tpu.memory_space<vmem>>
        %dma_start3A_531 = tpu.memref_squeeze %dma_start3A_530 : memref<1x1x80xi32, #tpu.memory_space<vmem>> -> memref<80xi32, #tpu.memory_space<vmem>>
        %dma_start3A_532 = arith.constant 0 : i32
        %dma_start3A_533 = arith.constant 0 : i32
        %dma_start3A_534 = tpu.memref_slice %arg9[%dma_start3A_532, %dma_start3A_533] : memref<10240x64xf32, #tpu.memory_space<vmem_shared>> -> memref<10240x64xf32, #tpu.memory_space<vmem_shared>>
        tpu.enqueue_indirect_dma source(%dma_start3A_528 : memref<80x64xf32, #tpu.memory_space<vmem>>) target(%dma_start3A_534 : memref<10240x64xf32, #tpu.memory_space<vmem_shared>>) offsets(%dma_start3A_531 : memref<80xi32, #tpu.memory_space<vmem>>) semaphore(%arg20 : memref<!tpu.dma_semaphore, #tpu.memory_space<semaphore_mem>>) {add = true}
        %dma_start3A_535 = arith.constant 0 : i32
        %dma_start3A_536 = arith.constant 4 : i32
        %dma_start3A_537 = arith.constant 2 : i32
        %dma_start3A_538 = arith.constant 4 : i32
        %dma_start3A_539 = arith.constant 0 : i32
        %dma_start3A_540 = arith.constant 0 : i32
        %dma_start3A_541 = tpu.memref_slice %arg8[%dma_start3A_535, %dma_start3A_536, %dma_start3A_539, %dma_start3A_540] : memref<2x5x80x64xf32, #tpu.memory_space<vmem>> -> memref<1x1x80x64xf32, #tpu.memory_space<vmem>>
        %dma_start3A_542 = tpu.memref_squeeze %dma_start3A_541 : memref<1x1x80x64xf32, #tpu.memory_space<vmem>> -> memref<80x64xf32, #tpu.memory_space<vmem>>
        %dma_start3A_543 = arith.constant 0 : i32
        %dma_start3A_544 = tpu.memref_slice %arg7[%dma_start3A_537, %dma_start3A_538, %dma_start3A_543] : memref<4x5x80xi32, #tpu.memory_space<vmem>> -> memref<1x1x80xi32, #tpu.memory_space<vmem>>
        %dma_start3A_545 = tpu.memref_squeeze %dma_start3A_544 : memref<1x1x80xi32, #tpu.memory_space<vmem>> -> memref<80xi32, #tpu.memory_space<vmem>>
        %dma_start3A_546 = arith.constant 0 : i32
        %dma_start3A_547 = arith.constant 0 : i32
        %dma_start3A_548 = tpu.memref_slice %arg9[%dma_start3A_546, %dma_start3A_547] : memref<10240x64xf32, #tpu.memory_space<vmem_shared>> -> memref<10240x64xf32, #tpu.memory_space<vmem_shared>>
        tpu.enqueue_indirect_dma source(%dma_start3A_542 : memref<80x64xf32, #tpu.memory_space<vmem>>) target(%dma_start3A_548 : memref<10240x64xf32, #tpu.memory_space<vmem_shared>>) offsets(%dma_start3A_545 : memref<80xi32, #tpu.memory_space<vmem>>) semaphore(%arg20 : memref<!tpu.dma_semaphore, #tpu.memory_space<semaphore_mem>>) {add = true}
      } else {
      }
      %jit3A_275 = arith.constant 4 : i32
      %eq3A_276 = arith.constant 0 : i32
      %eq3A_277 = arith.cmpi eq, %jit3A_275, %eq3A_276 : i32
      %jit3A_278 = arith.constant 1 : i32
      %select_n3A_279 = arith.select %eq3A_277, %jit3A_278, %jit3A_275 : i32
      %rem3A_280 = arith.remsi %scan3A_220, %select_n3A_279 : i32
      %ne3A_281 = arith.constant 0 : i32
      %ne3A_282 = arith.cmpi ne, %rem3A_280, %ne3A_281 : i32
      %lt3A_283 = arith.constant 0 : i32
      %lt3A_284 = arith.cmpi slt, %rem3A_280, %lt3A_283 : i32
      %lt3A_285 = arith.constant 0 : i32
      %lt3A_286 = arith.cmpi slt, %select_n3A_279, %lt3A_285 : i32
      %ne3A_287 = arith.xori %lt3A_284, %lt3A_286 : i1
      %and3A_288 = arith.andi %ne3A_287, %ne3A_282 : i1
      %add3A_289 = arith.addi %rem3A_280, %select_n3A_279 : i32
      %select_n3A_290 = arith.select %and3A_288, %add3A_289, %rem3A_280 : i32
      %eq3A_291 = arith.constant 3 : i32
      %eq3A_292 = arith.cmpi eq, %select_n3A_290, %eq3A_291 : i32
      %convert_element_type3A_293 = arith.extui %eq3A_292 : i1 to i32
      %cond3A_294 = arith.constant 0 : i32
      %cond3A_295 = arith.cmpi ne, %convert_element_type3A_293, %cond3A_294 : i32
      scf.if %cond3A_295 {
        %ge3A = arith.constant 2 : i32
        %ge3A_296 = arith.cmpi sge, %scan3A_220, %ge3A : i32
        %convert_element_type3A_297 = arith.extui %ge3A_296 : i1 to i32
        %cond3A_298 = arith.constant 0 : i32
        %cond3A_299 = arith.cmpi ne, %convert_element_type3A_297, %cond3A_298 : i32
        scf.if %cond3A_299 {
          %dma_wait3A_549 = arith.constant 1 : i32
          %dma_wait3A_550 = arith.constant 0 : i32
          %dma_wait3A_551 = arith.constant 1 : i32
          %dma_wait3A_552 = arith.constant 0 : i32
          %dma_wait3A_553 = arith.constant 0 : i32
          %dma_wait3A_554 = arith.constant 0 : i32
          %dma_wait3A_555 = tpu.memref_slice %arg8[%dma_wait3A_549, %dma_wait3A_550, %dma_wait3A_553, %dma_wait3A_554] : memref<2x5x80x64xf32, #tpu.memory_space<vmem>> -> memref<1x1x80x64xf32, #tpu.memory_space<vmem>>
          %dma_wait3A_556 = tpu.memref_squeeze %dma_wait3A_555 : memref<1x1x80x64xf32, #tpu.memory_space<vmem>> -> memref<80x64xf32, #tpu.memory_space<vmem>>
          %dma_wait3A_557 = arith.constant 0 : i32
          %dma_wait3A_558 = tpu.memref_slice %arg7[%dma_wait3A_551, %dma_wait3A_552, %dma_wait3A_557] : memref<4x5x80xi32, #tpu.memory_space<vmem>> -> memref<1x1x80xi32, #tpu.memory_space<vmem>>
          %dma_wait3A_559 = tpu.memref_squeeze %dma_wait3A_558 : memref<1x1x80xi32, #tpu.memory_space<vmem>> -> memref<80xi32, #tpu.memory_space<vmem>>
          %dma_wait3A_560 = arith.constant 0 : i32
          %dma_wait3A_561 = arith.constant 0 : i32
          %dma_wait3A_562 = tpu.memref_slice %arg9[%dma_wait3A_560, %dma_wait3A_561] : memref<10240x64xf32, #tpu.memory_space<vmem_shared>> -> memref<10240x64xf32, #tpu.memory_space<vmem_shared>>
          tpu.wait_indirect_dma semaphore(%arg19 : memref<!tpu.dma_semaphore, #tpu.memory_space<semaphore_mem>>) src(%dma_wait3A_556 : memref<80x64xf32, #tpu.memory_space<vmem>>) dst(%dma_wait3A_562 : memref<10240x64xf32, #tpu.memory_space<vmem_shared>>)
          %dma_wait3A_563 = arith.constant 1 : i32
          %dma_wait3A_564 = arith.constant 1 : i32
          %dma_wait3A_565 = arith.constant 1 : i32
          %dma_wait3A_566 = arith.constant 1 : i32
          %dma_wait3A_567 = arith.constant 0 : i32
          %dma_wait3A_568 = arith.constant 0 : i32
          %dma_wait3A_569 = tpu.memref_slice %arg8[%dma_wait3A_563, %dma_wait3A_564, %dma_wait3A_567, %dma_wait3A_568] : memref<2x5x80x64xf32, #tpu.memory_space<vmem>> -> memref<1x1x80x64xf32, #tpu.memory_space<vmem>>
          %dma_wait3A_570 = tpu.memref_squeeze %dma_wait3A_569 : memref<1x1x80x64xf32, #tpu.memory_space<vmem>> -> memref<80x64xf32, #tpu.memory_space<vmem>>
          %dma_wait3A_571 = arith.constant 0 : i32
          %dma_wait3A_572 = tpu.memref_slice %arg7[%dma_wait3A_565, %dma_wait3A_566, %dma_wait3A_571] : memref<4x5x80xi32, #tpu.memory_space<vmem>> -> memref<1x1x80xi32, #tpu.memory_space<vmem>>
          %dma_wait3A_573 = tpu.memref_squeeze %dma_wait3A_572 : memref<1x1x80xi32, #tpu.memory_space<vmem>> -> memref<80xi32, #tpu.memory_space<vmem>>
          %dma_wait3A_574 = arith.constant 0 : i32
          %dma_wait3A_575 = arith.constant 0 : i32
          %dma_wait3A_576 = tpu.memref_slice %arg9[%dma_wait3A_574, %dma_wait3A_575] : memref<10240x64xf32, #tpu.memory_space<vmem_shared>> -> memref<10240x64xf32, #tpu.memory_space<vmem_shared>>
          tpu.wait_indirect_dma semaphore(%arg19 : memref<!tpu.dma_semaphore, #tpu.memory_space<semaphore_mem>>) src(%dma_wait3A_570 : memref<80x64xf32, #tpu.memory_space<vmem>>) dst(%dma_wait3A_576 : memref<10240x64xf32, #tpu.memory_space<vmem_shared>>)
          %dma_wait3A_577 = arith.constant 1 : i32
          %dma_wait3A_578 = arith.constant 2 : i32
          %dma_wait3A_579 = arith.constant 1 : i32
          %dma_wait3A_580 = arith.constant 2 : i32
          %dma_wait3A_581 = arith.constant 0 : i32
          %dma_wait3A_582 = arith.constant 0 : i32
          %dma_wait3A_583 = tpu.memref_slice %arg8[%dma_wait3A_577, %dma_wait3A_578, %dma_wait3A_581, %dma_wait3A_582] : memref<2x5x80x64xf32, #tpu.memory_space<vmem>> -> memref<1x1x80x64xf32, #tpu.memory_space<vmem>>
          %dma_wait3A_584 = tpu.memref_squeeze %dma_wait3A_583 : memref<1x1x80x64xf32, #tpu.memory_space<vmem>> -> memref<80x64xf32, #tpu.memory_space<vmem>>
          %dma_wait3A_585 = arith.constant 0 : i32
          %dma_wait3A_586 = tpu.memref_slice %arg7[%dma_wait3A_579, %dma_wait3A_580, %dma_wait3A_585] : memref<4x5x80xi32, #tpu.memory_space<vmem>> -> memref<1x1x80xi32, #tpu.memory_space<vmem>>
          %dma_wait3A_587 = tpu.memref_squeeze %dma_wait3A_586 : memref<1x1x80xi32, #tpu.memory_space<vmem>> -> memref<80xi32, #tpu.memory_space<vmem>>
          %dma_wait3A_588 = arith.constant 0 : i32
          %dma_wait3A_589 = arith.constant 0 : i32
          %dma_wait3A_590 = tpu.memref_slice %arg9[%dma_wait3A_588, %dma_wait3A_589] : memref<10240x64xf32, #tpu.memory_space<vmem_shared>> -> memref<10240x64xf32, #tpu.memory_space<vmem_shared>>
          tpu.wait_indirect_dma semaphore(%arg19 : memref<!tpu.dma_semaphore, #tpu.memory_space<semaphore_mem>>) src(%dma_wait3A_584 : memref<80x64xf32, #tpu.memory_space<vmem>>) dst(%dma_wait3A_590 : memref<10240x64xf32, #tpu.memory_space<vmem_shared>>)
          %dma_wait3A_591 = arith.constant 1 : i32
          %dma_wait3A_592 = arith.constant 3 : i32
          %dma_wait3A_593 = arith.constant 1 : i32
          %dma_wait3A_594 = arith.constant 3 : i32
          %dma_wait3A_595 = arith.constant 0 : i32
          %dma_wait3A_596 = arith.constant 0 : i32
          %dma_wait3A_597 = tpu.memref_slice %arg8[%dma_wait3A_591, %dma_wait3A_592, %dma_wait3A_595, %dma_wait3A_596] : memref<2x5x80x64xf32, #tpu.memory_space<vmem>> -> memref<1x1x80x64xf32, #tpu.memory_space<vmem>>
          %dma_wait3A_598 = tpu.memref_squeeze %dma_wait3A_597 : memref<1x1x80x64xf32, #tpu.memory_space<vmem>> -> memref<80x64xf32, #tpu.memory_space<vmem>>
          %dma_wait3A_599 = arith.constant 0 : i32
          %dma_wait3A_600 = tpu.memref_slice %arg7[%dma_wait3A_593, %dma_wait3A_594, %dma_wait3A_599] : memref<4x5x80xi32, #tpu.memory_space<vmem>> -> memref<1x1x80xi32, #tpu.memory_space<vmem>>
          %dma_wait3A_601 = tpu.memref_squeeze %dma_wait3A_600 : memref<1x1x80xi32, #tpu.memory_space<vmem>> -> memref<80xi32, #tpu.memory_space<vmem>>
          %dma_wait3A_602 = arith.constant 0 : i32
          %dma_wait3A_603 = arith.constant 0 : i32
          %dma_wait3A_604 = tpu.memref_slice %arg9[%dma_wait3A_602, %dma_wait3A_603] : memref<10240x64xf32, #tpu.memory_space<vmem_shared>> -> memref<10240x64xf32, #tpu.memory_space<vmem_shared>>
          tpu.wait_indirect_dma semaphore(%arg19 : memref<!tpu.dma_semaphore, #tpu.memory_space<semaphore_mem>>) src(%dma_wait3A_598 : memref<80x64xf32, #tpu.memory_space<vmem>>) dst(%dma_wait3A_604 : memref<10240x64xf32, #tpu.memory_space<vmem_shared>>)
          %dma_wait3A_605 = arith.constant 1 : i32
          %dma_wait3A_606 = arith.constant 4 : i32
          %dma_wait3A_607 = arith.constant 1 : i32
          %dma_wait3A_608 = arith.constant 4 : i32
          %dma_wait3A_609 = arith.constant 0 : i32
          %dma_wait3A_610 = arith.constant 0 : i32
          %dma_wait3A_611 = tpu.memref_slice %arg8[%dma_wait3A_605, %dma_wait3A_606, %dma_wait3A_609, %dma_wait3A_610] : memref<2x5x80x64xf32, #tpu.memory_space<vmem>> -> memref<1x1x80x64xf32, #tpu.memory_space<vmem>>
          %dma_wait3A_612 = tpu.memref_squeeze %dma_wait3A_611 : memref<1x1x80x64xf32, #tpu.memory_space<vmem>> -> memref<80x64xf32, #tpu.memory_space<vmem>>
          %dma_wait3A_613 = arith.constant 0 : i32
          %dma_wait3A_614 = tpu.memref_slice %arg7[%dma_wait3A_607, %dma_wait3A_608, %dma_wait3A_613] : memref<4x5x80xi32, #tpu.memory_space<vmem>> -> memref<1x1x80xi32, #tpu.memory_space<vmem>>
          %dma_wait3A_615 = tpu.memref_squeeze %dma_wait3A_614 : memref<1x1x80xi32, #tpu.memory_space<vmem>> -> memref<80xi32, #tpu.memory_space<vmem>>
          %dma_wait3A_616 = arith.constant 0 : i32
          %dma_wait3A_617 = arith.constant 0 : i32
          %dma_wait3A_618 = tpu.memref_slice %arg9[%dma_wait3A_616, %dma_wait3A_617] : memref<10240x64xf32, #tpu.memory_space<vmem_shared>> -> memref<10240x64xf32, #tpu.memory_space<vmem_shared>>
          tpu.wait_indirect_dma semaphore(%arg19 : memref<!tpu.dma_semaphore, #tpu.memory_space<semaphore_mem>>) src(%dma_wait3A_612 : memref<80x64xf32, #tpu.memory_space<vmem>>) dst(%dma_wait3A_618 : memref<10240x64xf32, #tpu.memory_space<vmem_shared>>)
        } else {
        }
        %dma_wait3A_300 = arith.constant 0 : i32
        %dma_wait3A_301 = arith.constant 1 : i32
        %dma_wait3A_302 = arith.constant 0 : i32
        %dma_wait3A_303 = arith.constant 0 : i32
        %dma_wait3A_304 = tpu.memref_slice %arg6[%dma_wait3A_301, %dma_wait3A_302, %dma_wait3A_303] : memref<2x5x80xi32, #tpu.memory_space<vmem>> -> memref<1x5x80xi32, #tpu.memory_space<vmem>>
        %dma_wait3A_305 = tpu.memref_squeeze %dma_wait3A_304 : memref<1x5x80xi32, #tpu.memory_space<vmem>> -> memref<5x80xi32, #tpu.memory_space<vmem>>
        %dma_wait3A_306 = arith.constant 0 : i32
        %dma_wait3A_307 = tpu.memref_slice %arg3[%dma_wait3A_300, %mul3A_4, %dma_wait3A_306] : memref<2x8000x80xi32, #tpu.memory_space<hbm>> -> memref<1x5x80xi32, #tpu.memory_space<hbm>>
        %dma_wait3A_308 = tpu.memref_squeeze %dma_wait3A_307 : memref<1x5x80xi32, #tpu.memory_space<hbm>> -> memref<5x80xi32, #tpu.memory_space<hbm>>
        %dma_wait3A_309 = arith.constant 0 : i32
        %dma_wait3A_310 = arith.constant 0 : i32
        %dma_wait3A_311 = tpu.memref_slice %arg6[%dma_wait3A_301, %dma_wait3A_309, %dma_wait3A_310] : memref<2x5x80xi32, #tpu.memory_space<vmem>> -> memref<1x5x80xi32, #tpu.memory_space<vmem>>
        %dma_wait3A_312 = tpu.memref_squeeze %dma_wait3A_311 : memref<1x5x80xi32, #tpu.memory_space<vmem>> -> memref<5x80xi32, #tpu.memory_space<vmem>>
        %dma_wait3A_313 = arith.constant 0 : i32
        %dma_wait3A_314 = tpu.memref_slice %arg3[%dma_wait3A_300, %mul3A_4, %dma_wait3A_313] : memref<2x8000x80xi32, #tpu.memory_space<hbm>> -> memref<1x5x80xi32, #tpu.memory_space<hbm>>
        %dma_wait3A_315 = tpu.memref_squeeze %dma_wait3A_314 : memref<1x5x80xi32, #tpu.memory_space<hbm>> -> memref<5x80xi32, #tpu.memory_space<hbm>>
        tpu.wait_dma2 semaphore(%arg11 : memref<!tpu.dma_semaphore, #tpu.memory_space<semaphore_mem>>) src(%dma_wait3A_315 : memref<5x80xi32, #tpu.memory_space<hbm>>) dst(%dma_wait3A_312 : memref<5x80xi32, #tpu.memory_space<vmem>>)
        %dma_wait3A_316 = arith.constant 1 : i32
        %dma_wait3A_317 = arith.constant 3 : i32
        %dma_wait3A_318 = arith.constant 0 : i32
        %dma_wait3A_319 = arith.constant 0 : i32
        %dma_wait3A_320 = tpu.memref_slice %arg7[%dma_wait3A_317, %dma_wait3A_318, %dma_wait3A_319] : memref<4x5x80xi32, #tpu.memory_space<vmem>> -> memref<1x5x80xi32, #tpu.memory_space<vmem>>
        %dma_wait3A_321 = tpu.memref_squeeze %dma_wait3A_320 : memref<1x5x80xi32, #tpu.memory_space<vmem>> -> memref<5x80xi32, #tpu.memory_space<vmem>>
        %dma_wait3A_322 = arith.constant 0 : i32
        %dma_wait3A_323 = tpu.memref_slice %arg3[%dma_wait3A_316, %mul3A_4, %dma_wait3A_322] : memref<2x8000x80xi32, #tpu.memory_space<hbm>> -> memref<1x5x80xi32, #tpu.memory_space<hbm>>
        %dma_wait3A_324 = tpu.memref_squeeze %dma_wait3A_323 : memref<1x5x80xi32, #tpu.memory_space<hbm>> -> memref<5x80xi32, #tpu.memory_space<hbm>>
        %dma_wait3A_325 = arith.constant 0 : i32
        %dma_wait3A_326 = arith.constant 0 : i32
        %dma_wait3A_327 = tpu.memref_slice %arg7[%dma_wait3A_317, %dma_wait3A_325, %dma_wait3A_326] : memref<4x5x80xi32, #tpu.memory_space<vmem>> -> memref<1x5x80xi32, #tpu.memory_space<vmem>>
        %dma_wait3A_328 = tpu.memref_squeeze %dma_wait3A_327 : memref<1x5x80xi32, #tpu.memory_space<vmem>> -> memref<5x80xi32, #tpu.memory_space<vmem>>
        %dma_wait3A_329 = arith.constant 0 : i32
        %dma_wait3A_330 = tpu.memref_slice %arg3[%dma_wait3A_316, %mul3A_4, %dma_wait3A_329] : memref<2x8000x80xi32, #tpu.memory_space<hbm>> -> memref<1x5x80xi32, #tpu.memory_space<hbm>>
        %dma_wait3A_331 = tpu.memref_squeeze %dma_wait3A_330 : memref<1x5x80xi32, #tpu.memory_space<hbm>> -> memref<5x80xi32, #tpu.memory_space<hbm>>
        tpu.wait_dma2 semaphore(%arg15 : memref<!tpu.dma_semaphore, #tpu.memory_space<semaphore_mem>>) src(%dma_wait3A_331 : memref<5x80xi32, #tpu.memory_space<hbm>>) dst(%dma_wait3A_328 : memref<5x80xi32, #tpu.memory_space<vmem>>)
        %dma_start3A_332 = arith.constant 1 : i32
        %dma_start3A_333 = arith.constant 0 : i32
        %dma_start3A_334 = arith.constant 1 : i32
        %dma_start3A_335 = arith.constant 0 : i32
        %dma_start3A_336 = arith.constant 0 : i32
        %dma_start3A_337 = arith.constant 0 : i32
        %dma_start3A_338 = tpu.memref_slice %arg8[%dma_start3A_334, %dma_start3A_335, %dma_start3A_336, %dma_start3A_337] : memref<2x5x80x64xf32, #tpu.memory_space<vmem>> -> memref<1x1x80x64xf32, #tpu.memory_space<vmem>>
        %dma_start3A_339 = tpu.memref_squeeze %dma_start3A_338 : memref<1x1x80x64xf32, #tpu.memory_space<vmem>> -> memref<80x64xf32, #tpu.memory_space<vmem>>
        %dma_start3A_340 = arith.constant 0 : i32
        %dma_start3A_341 = tpu.memref_slice %arg6[%dma_start3A_332, %dma_start3A_333, %dma_start3A_340] : memref<2x5x80xi32, #tpu.memory_space<vmem>> -> memref<1x1x80xi32, #tpu.memory_space<vmem>>
        %dma_start3A_342 = tpu.memref_squeeze %dma_start3A_341 : memref<1x1x80xi32, #tpu.memory_space<vmem>> -> memref<80xi32, #tpu.memory_space<vmem>>
        %dma_start3A_343 = arith.constant 0 : i32
        %dma_start3A_344 = arith.constant 0 : i32
        %dma_start3A_345 = tpu.memref_slice %arg2[%dma_start3A_343, %dma_start3A_344] : memref<10000x64xf32, #tpu.memory_space<hbm>> -> memref<10000x64xf32, #tpu.memory_space<hbm>>
        tpu.enqueue_indirect_dma source(%dma_start3A_345 : memref<10000x64xf32, #tpu.memory_space<hbm>>) target(%dma_start3A_339 : memref<80x64xf32, #tpu.memory_space<vmem>>) offsets(%dma_start3A_342 : memref<80xi32, #tpu.memory_space<vmem>>) semaphore(%arg17 : memref<!tpu.dma_semaphore, #tpu.memory_space<semaphore_mem>>)
        %dma_start3A_346 = arith.constant 1 : i32
        %dma_start3A_347 = arith.constant 1 : i32
        %dma_start3A_348 = arith.constant 1 : i32
        %dma_start3A_349 = arith.constant 1 : i32
        %dma_start3A_350 = arith.constant 0 : i32
        %dma_start3A_351 = arith.constant 0 : i32
        %dma_start3A_352 = tpu.memref_slice %arg8[%dma_start3A_348, %dma_start3A_349, %dma_start3A_350, %dma_start3A_351] : memref<2x5x80x64xf32, #tpu.memory_space<vmem>> -> memref<1x1x80x64xf32, #tpu.memory_space<vmem>>
        %dma_start3A_353 = tpu.memref_squeeze %dma_start3A_352 : memref<1x1x80x64xf32, #tpu.memory_space<vmem>> -> memref<80x64xf32, #tpu.memory_space<vmem>>
        %dma_start3A_354 = arith.constant 0 : i32
        %dma_start3A_355 = tpu.memref_slice %arg6[%dma_start3A_346, %dma_start3A_347, %dma_start3A_354] : memref<2x5x80xi32, #tpu.memory_space<vmem>> -> memref<1x1x80xi32, #tpu.memory_space<vmem>>
        %dma_start3A_356 = tpu.memref_squeeze %dma_start3A_355 : memref<1x1x80xi32, #tpu.memory_space<vmem>> -> memref<80xi32, #tpu.memory_space<vmem>>
        %dma_start3A_357 = arith.constant 0 : i32
        %dma_start3A_358 = arith.constant 0 : i32
        %dma_start3A_359 = tpu.memref_slice %arg2[%dma_start3A_357, %dma_start3A_358] : memref<10000x64xf32, #tpu.memory_space<hbm>> -> memref<10000x64xf32, #tpu.memory_space<hbm>>
        tpu.enqueue_indirect_dma source(%dma_start3A_359 : memref<10000x64xf32, #tpu.memory_space<hbm>>) target(%dma_start3A_353 : memref<80x64xf32, #tpu.memory_space<vmem>>) offsets(%dma_start3A_356 : memref<80xi32, #tpu.memory_space<vmem>>) semaphore(%arg17 : memref<!tpu.dma_semaphore, #tpu.memory_space<semaphore_mem>>)
        %dma_start3A_360 = arith.constant 1 : i32
        %dma_start3A_361 = arith.constant 2 : i32
        %dma_start3A_362 = arith.constant 1 : i32
        %dma_start3A_363 = arith.constant 2 : i32
        %dma_start3A_364 = arith.constant 0 : i32
        %dma_start3A_365 = arith.constant 0 : i32
        %dma_start3A_366 = tpu.memref_slice %arg8[%dma_start3A_362, %dma_start3A_363, %dma_start3A_364, %dma_start3A_365] : memref<2x5x80x64xf32, #tpu.memory_space<vmem>> -> memref<1x1x80x64xf32, #tpu.memory_space<vmem>>
        %dma_start3A_367 = tpu.memref_squeeze %dma_start3A_366 : memref<1x1x80x64xf32, #tpu.memory_space<vmem>> -> memref<80x64xf32, #tpu.memory_space<vmem>>
        %dma_start3A_368 = arith.constant 0 : i32
        %dma_start3A_369 = tpu.memref_slice %arg6[%dma_start3A_360, %dma_start3A_361, %dma_start3A_368] : memref<2x5x80xi32, #tpu.memory_space<vmem>> -> memref<1x1x80xi32, #tpu.memory_space<vmem>>
        %dma_start3A_370 = tpu.memref_squeeze %dma_start3A_369 : memref<1x1x80xi32, #tpu.memory_space<vmem>> -> memref<80xi32, #tpu.memory_space<vmem>>
        %dma_start3A_371 = arith.constant 0 : i32
        %dma_start3A_372 = arith.constant 0 : i32
        %dma_start3A_373 = tpu.memref_slice %arg2[%dma_start3A_371, %dma_start3A_372] : memref<10000x64xf32, #tpu.memory_space<hbm>> -> memref<10000x64xf32, #tpu.memory_space<hbm>>
        tpu.enqueue_indirect_dma source(%dma_start3A_373 : memref<10000x64xf32, #tpu.memory_space<hbm>>) target(%dma_start3A_367 : memref<80x64xf32, #tpu.memory_space<vmem>>) offsets(%dma_start3A_370 : memref<80xi32, #tpu.memory_space<vmem>>) semaphore(%arg17 : memref<!tpu.dma_semaphore, #tpu.memory_space<semaphore_mem>>)
        %dma_start3A_374 = arith.constant 1 : i32
        %dma_start3A_375 = arith.constant 3 : i32
        %dma_start3A_376 = arith.constant 1 : i32
        %dma_start3A_377 = arith.constant 3 : i32
        %dma_start3A_378 = arith.constant 0 : i32
        %dma_start3A_379 = arith.constant 0 : i32
        %dma_start3A_380 = tpu.memref_slice %arg8[%dma_start3A_376, %dma_start3A_377, %dma_start3A_378, %dma_start3A_379] : memref<2x5x80x64xf32, #tpu.memory_space<vmem>> -> memref<1x1x80x64xf32, #tpu.memory_space<vmem>>
        %dma_start3A_381 = tpu.memref_squeeze %dma_start3A_380 : memref<1x1x80x64xf32, #tpu.memory_space<vmem>> -> memref<80x64xf32, #tpu.memory_space<vmem>>
        %dma_start3A_382 = arith.constant 0 : i32
        %dma_start3A_383 = tpu.memref_slice %arg6[%dma_start3A_374, %dma_start3A_375, %dma_start3A_382] : memref<2x5x80xi32, #tpu.memory_space<vmem>> -> memref<1x1x80xi32, #tpu.memory_space<vmem>>
        %dma_start3A_384 = tpu.memref_squeeze %dma_start3A_383 : memref<1x1x80xi32, #tpu.memory_space<vmem>> -> memref<80xi32, #tpu.memory_space<vmem>>
        %dma_start3A_385 = arith.constant 0 : i32
        %dma_start3A_386 = arith.constant 0 : i32
        %dma_start3A_387 = tpu.memref_slice %arg2[%dma_start3A_385, %dma_start3A_386] : memref<10000x64xf32, #tpu.memory_space<hbm>> -> memref<10000x64xf32, #tpu.memory_space<hbm>>
        tpu.enqueue_indirect_dma source(%dma_start3A_387 : memref<10000x64xf32, #tpu.memory_space<hbm>>) target(%dma_start3A_381 : memref<80x64xf32, #tpu.memory_space<vmem>>) offsets(%dma_start3A_384 : memref<80xi32, #tpu.memory_space<vmem>>) semaphore(%arg17 : memref<!tpu.dma_semaphore, #tpu.memory_space<semaphore_mem>>)
        %dma_start3A_388 = arith.constant 1 : i32
        %dma_start3A_389 = arith.constant 4 : i32
        %dma_start3A_390 = arith.constant 1 : i32
        %dma_start3A_391 = arith.constant 4 : i32
        %dma_start3A_392 = arith.constant 0 : i32
        %dma_start3A_393 = arith.constant 0 : i32
        %dma_start3A_394 = tpu.memref_slice %arg8[%dma_start3A_390, %dma_start3A_391, %dma_start3A_392, %dma_start3A_393] : memref<2x5x80x64xf32, #tpu.memory_space<vmem>> -> memref<1x1x80x64xf32, #tpu.memory_space<vmem>>
        %dma_start3A_395 = tpu.memref_squeeze %dma_start3A_394 : memref<1x1x80x64xf32, #tpu.memory_space<vmem>> -> memref<80x64xf32, #tpu.memory_space<vmem>>
        %dma_start3A_396 = arith.constant 0 : i32
        %dma_start3A_397 = tpu.memref_slice %arg6[%dma_start3A_388, %dma_start3A_389, %dma_start3A_396] : memref<2x5x80xi32, #tpu.memory_space<vmem>> -> memref<1x1x80xi32, #tpu.memory_space<vmem>>
        %dma_start3A_398 = tpu.memref_squeeze %dma_start3A_397 : memref<1x1x80xi32, #tpu.memory_space<vmem>> -> memref<80xi32, #tpu.memory_space<vmem>>
        %dma_start3A_399 = arith.constant 0 : i32
        %dma_start3A_400 = arith.constant 0 : i32
        %dma_start3A_401 = tpu.memref_slice %arg2[%dma_start3A_399, %dma_start3A_400] : memref<10000x64xf32, #tpu.memory_space<hbm>> -> memref<10000x64xf32, #tpu.memory_space<hbm>>
        tpu.enqueue_indirect_dma source(%dma_start3A_401 : memref<10000x64xf32, #tpu.memory_space<hbm>>) target(%dma_start3A_395 : memref<80x64xf32, #tpu.memory_space<vmem>>) offsets(%dma_start3A_398 : memref<80xi32, #tpu.memory_space<vmem>>) semaphore(%arg17 : memref<!tpu.dma_semaphore, #tpu.memory_space<semaphore_mem>>)
        %dma_wait3A_402 = arith.constant 1 : i32
        %dma_wait3A_403 = arith.constant 0 : i32
        %dma_wait3A_404 = arith.constant 1 : i32
        %dma_wait3A_405 = arith.constant 0 : i32
        %dma_wait3A_406 = arith.constant 0 : i32
        %dma_wait3A_407 = arith.constant 0 : i32
        %dma_wait3A_408 = tpu.memref_slice %arg8[%dma_wait3A_404, %dma_wait3A_405, %dma_wait3A_406, %dma_wait3A_407] : memref<2x5x80x64xf32, #tpu.memory_space<vmem>> -> memref<1x1x80x64xf32, #tpu.memory_space<vmem>>
        %dma_wait3A_409 = tpu.memref_squeeze %dma_wait3A_408 : memref<1x1x80x64xf32, #tpu.memory_space<vmem>> -> memref<80x64xf32, #tpu.memory_space<vmem>>
        %dma_wait3A_410 = arith.constant 0 : i32
        %dma_wait3A_411 = tpu.memref_slice %arg6[%dma_wait3A_402, %dma_wait3A_403, %dma_wait3A_410] : memref<2x5x80xi32, #tpu.memory_space<vmem>> -> memref<1x1x80xi32, #tpu.memory_space<vmem>>
        %dma_wait3A_412 = tpu.memref_squeeze %dma_wait3A_411 : memref<1x1x80xi32, #tpu.memory_space<vmem>> -> memref<80xi32, #tpu.memory_space<vmem>>
        %dma_wait3A_413 = arith.constant 0 : i32
        %dma_wait3A_414 = arith.constant 0 : i32
        %dma_wait3A_415 = tpu.memref_slice %arg2[%dma_wait3A_413, %dma_wait3A_414] : memref<10000x64xf32, #tpu.memory_space<hbm>> -> memref<10000x64xf32, #tpu.memory_space<hbm>>
        tpu.wait_indirect_dma semaphore(%arg17 : memref<!tpu.dma_semaphore, #tpu.memory_space<semaphore_mem>>) src(%dma_wait3A_415 : memref<10000x64xf32, #tpu.memory_space<hbm>>) dst(%dma_wait3A_409 : memref<80x64xf32, #tpu.memory_space<vmem>>)
        %dma_wait3A_416 = arith.constant 1 : i32
        %dma_wait3A_417 = arith.constant 1 : i32
        %dma_wait3A_418 = arith.constant 1 : i32
        %dma_wait3A_419 = arith.constant 1 : i32
        %dma_wait3A_420 = arith.constant 0 : i32
        %dma_wait3A_421 = arith.constant 0 : i32
        %dma_wait3A_422 = tpu.memref_slice %arg8[%dma_wait3A_418, %dma_wait3A_419, %dma_wait3A_420, %dma_wait3A_421] : memref<2x5x80x64xf32, #tpu.memory_space<vmem>> -> memref<1x1x80x64xf32, #tpu.memory_space<vmem>>
        %dma_wait3A_423 = tpu.memref_squeeze %dma_wait3A_422 : memref<1x1x80x64xf32, #tpu.memory_space<vmem>> -> memref<80x64xf32, #tpu.memory_space<vmem>>
        %dma_wait3A_424 = arith.constant 0 : i32
        %dma_wait3A_425 = tpu.memref_slice %arg6[%dma_wait3A_416, %dma_wait3A_417, %dma_wait3A_424] : memref<2x5x80xi32, #tpu.memory_space<vmem>> -> memref<1x1x80xi32, #tpu.memory_space<vmem>>
        %dma_wait3A_426 = tpu.memref_squeeze %dma_wait3A_425 : memref<1x1x80xi32, #tpu.memory_space<vmem>> -> memref<80xi32, #tpu.memory_space<vmem>>
        %dma_wait3A_427 = arith.constant 0 : i32
        %dma_wait3A_428 = arith.constant 0 : i32
        %dma_wait3A_429 = tpu.memref_slice %arg2[%dma_wait3A_427, %dma_wait3A_428] : memref<10000x64xf32, #tpu.memory_space<hbm>> -> memref<10000x64xf32, #tpu.memory_space<hbm>>
        tpu.wait_indirect_dma semaphore(%arg17 : memref<!tpu.dma_semaphore, #tpu.memory_space<semaphore_mem>>) src(%dma_wait3A_429 : memref<10000x64xf32, #tpu.memory_space<hbm>>) dst(%dma_wait3A_423 : memref<80x64xf32, #tpu.memory_space<vmem>>)
        %dma_wait3A_430 = arith.constant 1 : i32
        %dma_wait3A_431 = arith.constant 2 : i32
        %dma_wait3A_432 = arith.constant 1 : i32
        %dma_wait3A_433 = arith.constant 2 : i32
        %dma_wait3A_434 = arith.constant 0 : i32
        %dma_wait3A_435 = arith.constant 0 : i32
        %dma_wait3A_436 = tpu.memref_slice %arg8[%dma_wait3A_432, %dma_wait3A_433, %dma_wait3A_434, %dma_wait3A_435] : memref<2x5x80x64xf32, #tpu.memory_space<vmem>> -> memref<1x1x80x64xf32, #tpu.memory_space<vmem>>
        %dma_wait3A_437 = tpu.memref_squeeze %dma_wait3A_436 : memref<1x1x80x64xf32, #tpu.memory_space<vmem>> -> memref<80x64xf32, #tpu.memory_space<vmem>>
        %dma_wait3A_438 = arith.constant 0 : i32
        %dma_wait3A_439 = tpu.memref_slice %arg6[%dma_wait3A_430, %dma_wait3A_431, %dma_wait3A_438] : memref<2x5x80xi32, #tpu.memory_space<vmem>> -> memref<1x1x80xi32, #tpu.memory_space<vmem>>
        %dma_wait3A_440 = tpu.memref_squeeze %dma_wait3A_439 : memref<1x1x80xi32, #tpu.memory_space<vmem>> -> memref<80xi32, #tpu.memory_space<vmem>>
        %dma_wait3A_441 = arith.constant 0 : i32
        %dma_wait3A_442 = arith.constant 0 : i32
        %dma_wait3A_443 = tpu.memref_slice %arg2[%dma_wait3A_441, %dma_wait3A_442] : memref<10000x64xf32, #tpu.memory_space<hbm>> -> memref<10000x64xf32, #tpu.memory_space<hbm>>
        tpu.wait_indirect_dma semaphore(%arg17 : memref<!tpu.dma_semaphore, #tpu.memory_space<semaphore_mem>>) src(%dma_wait3A_443 : memref<10000x64xf32, #tpu.memory_space<hbm>>) dst(%dma_wait3A_437 : memref<80x64xf32, #tpu.memory_space<vmem>>)
        %dma_wait3A_444 = arith.constant 1 : i32
        %dma_wait3A_445 = arith.constant 3 : i32
        %dma_wait3A_446 = arith.constant 1 : i32
        %dma_wait3A_447 = arith.constant 3 : i32
        %dma_wait3A_448 = arith.constant 0 : i32
        %dma_wait3A_449 = arith.constant 0 : i32
        %dma_wait3A_450 = tpu.memref_slice %arg8[%dma_wait3A_446, %dma_wait3A_447, %dma_wait3A_448, %dma_wait3A_449] : memref<2x5x80x64xf32, #tpu.memory_space<vmem>> -> memref<1x1x80x64xf32, #tpu.memory_space<vmem>>
        %dma_wait3A_451 = tpu.memref_squeeze %dma_wait3A_450 : memref<1x1x80x64xf32, #tpu.memory_space<vmem>> -> memref<80x64xf32, #tpu.memory_space<vmem>>
        %dma_wait3A_452 = arith.constant 0 : i32
        %dma_wait3A_453 = tpu.memref_slice %arg6[%dma_wait3A_444, %dma_wait3A_445, %dma_wait3A_452] : memref<2x5x80xi32, #tpu.memory_space<vmem>> -> memref<1x1x80xi32, #tpu.memory_space<vmem>>
        %dma_wait3A_454 = tpu.memref_squeeze %dma_wait3A_453 : memref<1x1x80xi32, #tpu.memory_space<vmem>> -> memref<80xi32, #tpu.memory_space<vmem>>
        %dma_wait3A_455 = arith.constant 0 : i32
        %dma_wait3A_456 = arith.constant 0 : i32
        %dma_wait3A_457 = tpu.memref_slice %arg2[%dma_wait3A_455, %dma_wait3A_456] : memref<10000x64xf32, #tpu.memory_space<hbm>> -> memref<10000x64xf32, #tpu.memory_space<hbm>>
        tpu.wait_indirect_dma semaphore(%arg17 : memref<!tpu.dma_semaphore, #tpu.memory_space<semaphore_mem>>) src(%dma_wait3A_457 : memref<10000x64xf32, #tpu.memory_space<hbm>>) dst(%dma_wait3A_451 : memref<80x64xf32, #tpu.memory_space<vmem>>)
        %dma_wait3A_458 = arith.constant 1 : i32
        %dma_wait3A_459 = arith.constant 4 : i32
        %dma_wait3A_460 = arith.constant 1 : i32
        %dma_wait3A_461 = arith.constant 4 : i32
        %dma_wait3A_462 = arith.constant 0 : i32
        %dma_wait3A_463 = arith.constant 0 : i32
        %dma_wait3A_464 = tpu.memref_slice %arg8[%dma_wait3A_460, %dma_wait3A_461, %dma_wait3A_462, %dma_wait3A_463] : memref<2x5x80x64xf32, #tpu.memory_space<vmem>> -> memref<1x1x80x64xf32, #tpu.memory_space<vmem>>
        %dma_wait3A_465 = tpu.memref_squeeze %dma_wait3A_464 : memref<1x1x80x64xf32, #tpu.memory_space<vmem>> -> memref<80x64xf32, #tpu.memory_space<vmem>>
        %dma_wait3A_466 = arith.constant 0 : i32
        %dma_wait3A_467 = tpu.memref_slice %arg6[%dma_wait3A_458, %dma_wait3A_459, %dma_wait3A_466] : memref<2x5x80xi32, #tpu.memory_space<vmem>> -> memref<1x1x80xi32, #tpu.memory_space<vmem>>
        %dma_wait3A_468 = tpu.memref_squeeze %dma_wait3A_467 : memref<1x1x80xi32, #tpu.memory_space<vmem>> -> memref<80xi32, #tpu.memory_space<vmem>>
        %dma_wait3A_469 = arith.constant 0 : i32
        %dma_wait3A_470 = arith.constant 0 : i32
        %dma_wait3A_471 = tpu.memref_slice %arg2[%dma_wait3A_469, %dma_wait3A_470] : memref<10000x64xf32, #tpu.memory_space<hbm>> -> memref<10000x64xf32, #tpu.memory_space<hbm>>
        tpu.wait_indirect_dma semaphore(%arg17 : memref<!tpu.dma_semaphore, #tpu.memory_space<semaphore_mem>>) src(%dma_wait3A_471 : memref<10000x64xf32, #tpu.memory_space<hbm>>) dst(%dma_wait3A_465 : memref<80x64xf32, #tpu.memory_space<vmem>>)
        %add3A_472 = arith.constant 2 : i32
        %add3A_473 = arith.addi %scan3A_220, %add3A_472 : i32
        %lt3A_474 = arith.constant 50 : i32
        %lt3A_475 = arith.cmpi slt, %add3A_473, %lt3A_474 : i32
        %convert_element_type3A_476 = arith.extui %lt3A_475 : i1 to i32
        %cond3A_477 = arith.constant 0 : i32
        %cond3A_478 = arith.cmpi ne, %convert_element_type3A_476, %cond3A_477 : i32
        scf.if %cond3A_478 {
          %add3A_549 = arith.constant 2 : i32
          %add3A_550 = arith.addi %scan3A_220, %add3A_549 : i32
          %mul3A_551 = arith.constant 5 : i32
          %mul3A_552 = arith.muli %add3A_550, %mul3A_551 : i32
          %add3A_553 = arith.addi %mul3A_4, %mul3A_552 : i32
          %dma_start3A_554 = arith.constant 0 : i32
          %dma_start3A_555 = arith.constant 1 : i32
          %dma_start3A_556 = arith.constant 0 : i32
          %dma_start3A_557 = arith.constant 0 : i32
          %dma_start3A_558 = tpu.memref_slice %arg6[%dma_start3A_555, %dma_start3A_556, %dma_start3A_557] : memref<2x5x80xi32, #tpu.memory_space<vmem>> -> memref<1x5x80xi32, #tpu.memory_space<vmem>>
          %dma_start3A_559 = tpu.memref_squeeze %dma_start3A_558 : memref<1x5x80xi32, #tpu.memory_space<vmem>> -> memref<5x80xi32, #tpu.memory_space<vmem>>
          %dma_start3A_560 = arith.constant 0 : i32
          %dma_start3A_561 = tpu.memref_slice %arg3[%dma_start3A_554, %add3A_553, %dma_start3A_560] : memref<2x8000x80xi32, #tpu.memory_space<hbm>> -> memref<1x5x80xi32, #tpu.memory_space<hbm>>
          %dma_start3A_562 = tpu.memref_squeeze %dma_start3A_561 : memref<1x5x80xi32, #tpu.memory_space<hbm>> -> memref<5x80xi32, #tpu.memory_space<hbm>>
          %dma_start3A_563 = arith.constant 0 : i32
          %dma_start3A_564 = arith.constant 0 : i32
          %dma_start3A_565 = tpu.memref_slice %arg6[%dma_start3A_555, %dma_start3A_563, %dma_start3A_564] : memref<2x5x80xi32, #tpu.memory_space<vmem>> -> memref<1x5x80xi32, #tpu.memory_space<vmem>>
          %dma_start3A_566 = tpu.memref_squeeze %dma_start3A_565 : memref<1x5x80xi32, #tpu.memory_space<vmem>> -> memref<5x80xi32, #tpu.memory_space<vmem>>
          %dma_start3A_567 = arith.constant 0 : i32
          %dma_start3A_568 = tpu.memref_slice %arg3[%dma_start3A_554, %add3A_553, %dma_start3A_567] : memref<2x8000x80xi32, #tpu.memory_space<hbm>> -> memref<1x5x80xi32, #tpu.memory_space<hbm>>
          %dma_start3A_569 = tpu.memref_squeeze %dma_start3A_568 : memref<1x5x80xi32, #tpu.memory_space<hbm>> -> memref<5x80xi32, #tpu.memory_space<hbm>>
          tpu.enqueue_dma source(%dma_start3A_569 : memref<5x80xi32, #tpu.memory_space<hbm>>) target(%dma_start3A_566 : memref<5x80xi32, #tpu.memory_space<vmem>>) target_semaphore(%arg11 : memref<!tpu.dma_semaphore, #tpu.memory_space<semaphore_mem>>)
          %dma_start3A_570 = arith.constant 1 : i32
          %dma_start3A_571 = arith.constant 1 : i32
          %dma_start3A_572 = arith.constant 0 : i32
          %dma_start3A_573 = arith.constant 0 : i32
          %dma_start3A_574 = tpu.memref_slice %arg7[%dma_start3A_571, %dma_start3A_572, %dma_start3A_573] : memref<4x5x80xi32, #tpu.memory_space<vmem>> -> memref<1x5x80xi32, #tpu.memory_space<vmem>>
          %dma_start3A_575 = tpu.memref_squeeze %dma_start3A_574 : memref<1x5x80xi32, #tpu.memory_space<vmem>> -> memref<5x80xi32, #tpu.memory_space<vmem>>
          %dma_start3A_576 = arith.constant 0 : i32
          %dma_start3A_577 = tpu.memref_slice %arg3[%dma_start3A_570, %add3A_553, %dma_start3A_576] : memref<2x8000x80xi32, #tpu.memory_space<hbm>> -> memref<1x5x80xi32, #tpu.memory_space<hbm>>
          %dma_start3A_578 = tpu.memref_squeeze %dma_start3A_577 : memref<1x5x80xi32, #tpu.memory_space<hbm>> -> memref<5x80xi32, #tpu.memory_space<hbm>>
          %dma_start3A_579 = arith.constant 0 : i32
          %dma_start3A_580 = arith.constant 0 : i32
          %dma_start3A_581 = tpu.memref_slice %arg7[%dma_start3A_571, %dma_start3A_579, %dma_start3A_580] : memref<4x5x80xi32, #tpu.memory_space<vmem>> -> memref<1x5x80xi32, #tpu.memory_space<vmem>>
          %dma_start3A_582 = tpu.memref_squeeze %dma_start3A_581 : memref<1x5x80xi32, #tpu.memory_space<vmem>> -> memref<5x80xi32, #tpu.memory_space<vmem>>
          %dma_start3A_583 = arith.constant 0 : i32
          %dma_start3A_584 = tpu.memref_slice %arg3[%dma_start3A_570, %add3A_553, %dma_start3A_583] : memref<2x8000x80xi32, #tpu.memory_space<hbm>> -> memref<1x5x80xi32, #tpu.memory_space<hbm>>
          %dma_start3A_585 = tpu.memref_squeeze %dma_start3A_584 : memref<1x5x80xi32, #tpu.memory_space<hbm>> -> memref<5x80xi32, #tpu.memory_space<hbm>>
          tpu.enqueue_dma source(%dma_start3A_585 : memref<5x80xi32, #tpu.memory_space<hbm>>) target(%dma_start3A_582 : memref<5x80xi32, #tpu.memory_space<vmem>>) target_semaphore(%arg13 : memref<!tpu.dma_semaphore, #tpu.memory_space<semaphore_mem>>)
        } else {
        }
        %dma_start3A_479 = arith.constant 1 : i32
        %dma_start3A_480 = arith.constant 0 : i32
        %dma_start3A_481 = arith.constant 3 : i32
        %dma_start3A_482 = arith.constant 0 : i32
        %dma_start3A_483 = arith.constant 0 : i32
        %dma_start3A_484 = arith.constant 0 : i32
        %dma_start3A_485 = tpu.memref_slice %arg8[%dma_start3A_479, %dma_start3A_480, %dma_start3A_483, %dma_start3A_484] : memref<2x5x80x64xf32, #tpu.memory_space<vmem>> -> memref<1x1x80x64xf32, #tpu.memory_space<vmem>>
        %dma_start3A_486 = tpu.memref_squeeze %dma_start3A_485 : memref<1x1x80x64xf32, #tpu.memory_space<vmem>> -> memref<80x64xf32, #tpu.memory_space<vmem>>
        %dma_start3A_487 = arith.constant 0 : i32
        %dma_start3A_488 = tpu.memref_slice %arg7[%dma_start3A_481, %dma_start3A_482, %dma_start3A_487] : memref<4x5x80xi32, #tpu.memory_space<vmem>> -> memref<1x1x80xi32, #tpu.memory_space<vmem>>
        %dma_start3A_489 = tpu.memref_squeeze %dma_start3A_488 : memref<1x1x80xi32, #tpu.memory_space<vmem>> -> memref<80xi32, #tpu.memory_space<vmem>>
        %dma_start3A_490 = arith.constant 0 : i32
        %dma_start3A_491 = arith.constant 0 : i32
        %dma_start3A_492 = tpu.memref_slice %arg9[%dma_start3A_490, %dma_start3A_491] : memref<10240x64xf32, #tpu.memory_space<vmem_shared>> -> memref<10240x64xf32, #tpu.memory_space<vmem_shared>>
        tpu.enqueue_indirect_dma source(%dma_start3A_486 : memref<80x64xf32, #tpu.memory_space<vmem>>) target(%dma_start3A_492 : memref<10240x64xf32, #tpu.memory_space<vmem_shared>>) offsets(%dma_start3A_489 : memref<80xi32, #tpu.memory_space<vmem>>) semaphore(%arg21 : memref<!tpu.dma_semaphore, #tpu.memory_space<semaphore_mem>>) {add = true}
        %dma_start3A_493 = arith.constant 1 : i32
        %dma_start3A_494 = arith.constant 1 : i32
        %dma_start3A_495 = arith.constant 3 : i32
        %dma_start3A_496 = arith.constant 1 : i32
        %dma_start3A_497 = arith.constant 0 : i32
        %dma_start3A_498 = arith.constant 0 : i32
        %dma_start3A_499 = tpu.memref_slice %arg8[%dma_start3A_493, %dma_start3A_494, %dma_start3A_497, %dma_start3A_498] : memref<2x5x80x64xf32, #tpu.memory_space<vmem>> -> memref<1x1x80x64xf32, #tpu.memory_space<vmem>>
        %dma_start3A_500 = tpu.memref_squeeze %dma_start3A_499 : memref<1x1x80x64xf32, #tpu.memory_space<vmem>> -> memref<80x64xf32, #tpu.memory_space<vmem>>
        %dma_start3A_501 = arith.constant 0 : i32
        %dma_start3A_502 = tpu.memref_slice %arg7[%dma_start3A_495, %dma_start3A_496, %dma_start3A_501] : memref<4x5x80xi32, #tpu.memory_space<vmem>> -> memref<1x1x80xi32, #tpu.memory_space<vmem>>
        %dma_start3A_503 = tpu.memref_squeeze %dma_start3A_502 : memref<1x1x80xi32, #tpu.memory_space<vmem>> -> memref<80xi32, #tpu.memory_space<vmem>>
        %dma_start3A_504 = arith.constant 0 : i32
        %dma_start3A_505 = arith.constant 0 : i32
        %dma_start3A_506 = tpu.memref_slice %arg9[%dma_start3A_504, %dma_start3A_505] : memref<10240x64xf32, #tpu.memory_space<vmem_shared>> -> memref<10240x64xf32, #tpu.memory_space<vmem_shared>>
        tpu.enqueue_indirect_dma source(%dma_start3A_500 : memref<80x64xf32, #tpu.memory_space<vmem>>) target(%dma_start3A_506 : memref<10240x64xf32, #tpu.memory_space<vmem_shared>>) offsets(%dma_start3A_503 : memref<80xi32, #tpu.memory_space<vmem>>) semaphore(%arg21 : memref<!tpu.dma_semaphore, #tpu.memory_space<semaphore_mem>>) {add = true}
        %dma_start3A_507 = arith.constant 1 : i32
        %dma_start3A_508 = arith.constant 2 : i32
        %dma_start3A_509 = arith.constant 3 : i32
        %dma_start3A_510 = arith.constant 2 : i32
        %dma_start3A_511 = arith.constant 0 : i32
        %dma_start3A_512 = arith.constant 0 : i32
        %dma_start3A_513 = tpu.memref_slice %arg8[%dma_start3A_507, %dma_start3A_508, %dma_start3A_511, %dma_start3A_512] : memref<2x5x80x64xf32, #tpu.memory_space<vmem>> -> memref<1x1x80x64xf32, #tpu.memory_space<vmem>>
        %dma_start3A_514 = tpu.memref_squeeze %dma_start3A_513 : memref<1x1x80x64xf32, #tpu.memory_space<vmem>> -> memref<80x64xf32, #tpu.memory_space<vmem>>
        %dma_start3A_515 = arith.constant 0 : i32
        %dma_start3A_516 = tpu.memref_slice %arg7[%dma_start3A_509, %dma_start3A_510, %dma_start3A_515] : memref<4x5x80xi32, #tpu.memory_space<vmem>> -> memref<1x1x80xi32, #tpu.memory_space<vmem>>
        %dma_start3A_517 = tpu.memref_squeeze %dma_start3A_516 : memref<1x1x80xi32, #tpu.memory_space<vmem>> -> memref<80xi32, #tpu.memory_space<vmem>>
        %dma_start3A_518 = arith.constant 0 : i32
        %dma_start3A_519 = arith.constant 0 : i32
        %dma_start3A_520 = tpu.memref_slice %arg9[%dma_start3A_518, %dma_start3A_519] : memref<10240x64xf32, #tpu.memory_space<vmem_shared>> -> memref<10240x64xf32, #tpu.memory_space<vmem_shared>>
        tpu.enqueue_indirect_dma source(%dma_start3A_514 : memref<80x64xf32, #tpu.memory_space<vmem>>) target(%dma_start3A_520 : memref<10240x64xf32, #tpu.memory_space<vmem_shared>>) offsets(%dma_start3A_517 : memref<80xi32, #tpu.memory_space<vmem>>) semaphore(%arg21 : memref<!tpu.dma_semaphore, #tpu.memory_space<semaphore_mem>>) {add = true}
        %dma_start3A_521 = arith.constant 1 : i32
        %dma_start3A_522 = arith.constant 3 : i32
        %dma_start3A_523 = arith.constant 3 : i32
        %dma_start3A_524 = arith.constant 3 : i32
        %dma_start3A_525 = arith.constant 0 : i32
        %dma_start3A_526 = arith.constant 0 : i32
        %dma_start3A_527 = tpu.memref_slice %arg8[%dma_start3A_521, %dma_start3A_522, %dma_start3A_525, %dma_start3A_526] : memref<2x5x80x64xf32, #tpu.memory_space<vmem>> -> memref<1x1x80x64xf32, #tpu.memory_space<vmem>>
        %dma_start3A_528 = tpu.memref_squeeze %dma_start3A_527 : memref<1x1x80x64xf32, #tpu.memory_space<vmem>> -> memref<80x64xf32, #tpu.memory_space<vmem>>
        %dma_start3A_529 = arith.constant 0 : i32
        %dma_start3A_530 = tpu.memref_slice %arg7[%dma_start3A_523, %dma_start3A_524, %dma_start3A_529] : memref<4x5x80xi32, #tpu.memory_space<vmem>> -> memref<1x1x80xi32, #tpu.memory_space<vmem>>
        %dma_start3A_531 = tpu.memref_squeeze %dma_start3A_530 : memref<1x1x80xi32, #tpu.memory_space<vmem>> -> memref<80xi32, #tpu.memory_space<vmem>>
        %dma_start3A_532 = arith.constant 0 : i32
        %dma_start3A_533 = arith.constant 0 : i32
        %dma_start3A_534 = tpu.memref_slice %arg9[%dma_start3A_532, %dma_start3A_533] : memref<10240x64xf32, #tpu.memory_space<vmem_shared>> -> memref<10240x64xf32, #tpu.memory_space<vmem_shared>>
        tpu.enqueue_indirect_dma source(%dma_start3A_528 : memref<80x64xf32, #tpu.memory_space<vmem>>) target(%dma_start3A_534 : memref<10240x64xf32, #tpu.memory_space<vmem_shared>>) offsets(%dma_start3A_531 : memref<80xi32, #tpu.memory_space<vmem>>) semaphore(%arg21 : memref<!tpu.dma_semaphore, #tpu.memory_space<semaphore_mem>>) {add = true}
        %dma_start3A_535 = arith.constant 1 : i32
        %dma_start3A_536 = arith.constant 4 : i32
        %dma_start3A_537 = arith.constant 3 : i32
        %dma_start3A_538 = arith.constant 4 : i32
        %dma_start3A_539 = arith.constant 0 : i32
        %dma_start3A_540 = arith.constant 0 : i32
        %dma_start3A_541 = tpu.memref_slice %arg8[%dma_start3A_535, %dma_start3A_536, %dma_start3A_539, %dma_start3A_540] : memref<2x5x80x64xf32, #tpu.memory_space<vmem>> -> memref<1x1x80x64xf32, #tpu.memory_space<vmem>>
        %dma_start3A_542 = tpu.memref_squeeze %dma_start3A_541 : memref<1x1x80x64xf32, #tpu.memory_space<vmem>> -> memref<80x64xf32, #tpu.memory_space<vmem>>
        %dma_start3A_543 = arith.constant 0 : i32
        %dma_start3A_544 = tpu.memref_slice %arg7[%dma_start3A_537, %dma_start3A_538, %dma_start3A_543] : memref<4x5x80xi32, #tpu.memory_space<vmem>> -> memref<1x1x80xi32, #tpu.memory_space<vmem>>
        %dma_start3A_545 = tpu.memref_squeeze %dma_start3A_544 : memref<1x1x80xi32, #tpu.memory_space<vmem>> -> memref<80xi32, #tpu.memory_space<vmem>>
        %dma_start3A_546 = arith.constant 0 : i32
        %dma_start3A_547 = arith.constant 0 : i32
        %dma_start3A_548 = tpu.memref_slice %arg9[%dma_start3A_546, %dma_start3A_547] : memref<10240x64xf32, #tpu.memory_space<vmem_shared>> -> memref<10240x64xf32, #tpu.memory_space<vmem_shared>>
        tpu.enqueue_indirect_dma source(%dma_start3A_542 : memref<80x64xf32, #tpu.memory_space<vmem>>) target(%dma_start3A_548 : memref<10240x64xf32, #tpu.memory_space<vmem_shared>>) offsets(%dma_start3A_545 : memref<80xi32, #tpu.memory_space<vmem>>) semaphore(%arg21 : memref<!tpu.dma_semaphore, #tpu.memory_space<semaphore_mem>>) {add = true}
      } else {
      }
    }
    %scan3A_76 = arith.constant 50 : i32
    %dma_wait3A = arith.constant 0 : i32
    %dma_wait3A_77 = arith.constant 0 : i32
    %dma_wait3A_78 = arith.constant 0 : i32
    %dma_wait3A_79 = arith.constant 0 : i32
    %dma_wait3A_80 = arith.constant 0 : i32
    %dma_wait3A_81 = arith.constant 0 : i32
    %dma_wait3A_82 = tpu.memref_slice %arg8[%dma_wait3A, %dma_wait3A_77, %dma_wait3A_80, %dma_wait3A_81] : memref<2x5x80x64xf32, #tpu.memory_space<vmem>> -> memref<1x1x80x64xf32, #tpu.memory_space<vmem>>
    %dma_wait3A_83 = tpu.memref_squeeze %dma_wait3A_82 : memref<1x1x80x64xf32, #tpu.memory_space<vmem>> -> memref<80x64xf32, #tpu.memory_space<vmem>>
    %dma_wait3A_84 = arith.constant 0 : i32
    %dma_wait3A_85 = tpu.memref_slice %arg7[%dma_wait3A_78, %dma_wait3A_79, %dma_wait3A_84] : memref<4x5x80xi32, #tpu.memory_space<vmem>> -> memref<1x1x80xi32, #tpu.memory_space<vmem>>
    %dma_wait3A_86 = tpu.memref_squeeze %dma_wait3A_85 : memref<1x1x80xi32, #tpu.memory_space<vmem>> -> memref<80xi32, #tpu.memory_space<vmem>>
    %dma_wait3A_87 = arith.constant 0 : i32
    %dma_wait3A_88 = arith.constant 0 : i32
    %dma_wait3A_89 = tpu.memref_slice %arg9[%dma_wait3A_87, %dma_wait3A_88] : memref<10240x64xf32, #tpu.memory_space<vmem_shared>> -> memref<10240x64xf32, #tpu.memory_space<vmem_shared>>
    tpu.wait_indirect_dma semaphore(%arg18 : memref<!tpu.dma_semaphore, #tpu.memory_space<semaphore_mem>>) src(%dma_wait3A_83 : memref<80x64xf32, #tpu.memory_space<vmem>>) dst(%dma_wait3A_89 : memref<10240x64xf32, #tpu.memory_space<vmem_shared>>)
    %dma_wait3A_90 = arith.constant 0 : i32
    %dma_wait3A_91 = arith.constant 1 : i32
    %dma_wait3A_92 = arith.constant 0 : i32
    %dma_wait3A_93 = arith.constant 1 : i32
    %dma_wait3A_94 = arith.constant 0 : i32
    %dma_wait3A_95 = arith.constant 0 : i32
    %dma_wait3A_96 = tpu.memref_slice %arg8[%dma_wait3A_90, %dma_wait3A_91, %dma_wait3A_94, %dma_wait3A_95] : memref<2x5x80x64xf32, #tpu.memory_space<vmem>> -> memref<1x1x80x64xf32, #tpu.memory_space<vmem>>
    %dma_wait3A_97 = tpu.memref_squeeze %dma_wait3A_96 : memref<1x1x80x64xf32, #tpu.memory_space<vmem>> -> memref<80x64xf32, #tpu.memory_space<vmem>>
    %dma_wait3A_98 = arith.constant 0 : i32
    %dma_wait3A_99 = tpu.memref_slice %arg7[%dma_wait3A_92, %dma_wait3A_93, %dma_wait3A_98] : memref<4x5x80xi32, #tpu.memory_space<vmem>> -> memref<1x1x80xi32, #tpu.memory_space<vmem>>
    %dma_wait3A_100 = tpu.memref_squeeze %dma_wait3A_99 : memref<1x1x80xi32, #tpu.memory_space<vmem>> -> memref<80xi32, #tpu.memory_space<vmem>>
    %dma_wait3A_101 = arith.constant 0 : i32
    %dma_wait3A_102 = arith.constant 0 : i32
    %dma_wait3A_103 = tpu.memref_slice %arg9[%dma_wait3A_101, %dma_wait3A_102] : memref<10240x64xf32, #tpu.memory_space<vmem_shared>> -> memref<10240x64xf32, #tpu.memory_space<vmem_shared>>
    tpu.wait_indirect_dma semaphore(%arg18 : memref<!tpu.dma_semaphore, #tpu.memory_space<semaphore_mem>>) src(%dma_wait3A_97 : memref<80x64xf32, #tpu.memory_space<vmem>>) dst(%dma_wait3A_103 : memref<10240x64xf32, #tpu.memory_space<vmem_shared>>)
    %dma_wait3A_104 = arith.constant 0 : i32
    %dma_wait3A_105 = arith.constant 2 : i32
    %dma_wait3A_106 = arith.constant 0 : i32
    %dma_wait3A_107 = arith.constant 2 : i32
    %dma_wait3A_108 = arith.constant 0 : i32
    %dma_wait3A_109 = arith.constant 0 : i32
    %dma_wait3A_110 = tpu.memref_slice %arg8[%dma_wait3A_104, %dma_wait3A_105, %dma_wait3A_108, %dma_wait3A_109] : memref<2x5x80x64xf32, #tpu.memory_space<vmem>> -> memref<1x1x80x64xf32, #tpu.memory_space<vmem>>
    %dma_wait3A_111 = tpu.memref_squeeze %dma_wait3A_110 : memref<1x1x80x64xf32, #tpu.memory_space<vmem>> -> memref<80x64xf32, #tpu.memory_space<vmem>>
    %dma_wait3A_112 = arith.constant 0 : i32
    %dma_wait3A_113 = tpu.memref_slice %arg7[%dma_wait3A_106, %dma_wait3A_107, %dma_wait3A_112] : memref<4x5x80xi32, #tpu.memory_space<vmem>> -> memref<1x1x80xi32, #tpu.memory_space<vmem>>
    %dma_wait3A_114 = tpu.memref_squeeze %dma_wait3A_113 : memref<1x1x80xi32, #tpu.memory_space<vmem>> -> memref<80xi32, #tpu.memory_space<vmem>>
    %dma_wait3A_115 = arith.constant 0 : i32
    %dma_wait3A_116 = arith.constant 0 : i32
    %dma_wait3A_117 = tpu.memref_slice %arg9[%dma_wait3A_115, %dma_wait3A_116] : memref<10240x64xf32, #tpu.memory_space<vmem_shared>> -> memref<10240x64xf32, #tpu.memory_space<vmem_shared>>
    tpu.wait_indirect_dma semaphore(%arg18 : memref<!tpu.dma_semaphore, #tpu.memory_space<semaphore_mem>>) src(%dma_wait3A_111 : memref<80x64xf32, #tpu.memory_space<vmem>>) dst(%dma_wait3A_117 : memref<10240x64xf32, #tpu.memory_space<vmem_shared>>)
    %dma_wait3A_118 = arith.constant 0 : i32
    %dma_wait3A_119 = arith.constant 3 : i32
    %dma_wait3A_120 = arith.constant 0 : i32
    %dma_wait3A_121 = arith.constant 3 : i32
    %dma_wait3A_122 = arith.constant 0 : i32
    %dma_wait3A_123 = arith.constant 0 : i32
    %dma_wait3A_124 = tpu.memref_slice %arg8[%dma_wait3A_118, %dma_wait3A_119, %dma_wait3A_122, %dma_wait3A_123] : memref<2x5x80x64xf32, #tpu.memory_space<vmem>> -> memref<1x1x80x64xf32, #tpu.memory_space<vmem>>
    %dma_wait3A_125 = tpu.memref_squeeze %dma_wait3A_124 : memref<1x1x80x64xf32, #tpu.memory_space<vmem>> -> memref<80x64xf32, #tpu.memory_space<vmem>>
    %dma_wait3A_126 = arith.constant 0 : i32
    %dma_wait3A_127 = tpu.memref_slice %arg7[%dma_wait3A_120, %dma_wait3A_121, %dma_wait3A_126] : memref<4x5x80xi32, #tpu.memory_space<vmem>> -> memref<1x1x80xi32, #tpu.memory_space<vmem>>
    %dma_wait3A_128 = tpu.memref_squeeze %dma_wait3A_127 : memref<1x1x80xi32, #tpu.memory_space<vmem>> -> memref<80xi32, #tpu.memory_space<vmem>>
    %dma_wait3A_129 = arith.constant 0 : i32
    %dma_wait3A_130 = arith.constant 0 : i32
    %dma_wait3A_131 = tpu.memref_slice %arg9[%dma_wait3A_129, %dma_wait3A_130] : memref<10240x64xf32, #tpu.memory_space<vmem_shared>> -> memref<10240x64xf32, #tpu.memory_space<vmem_shared>>
    tpu.wait_indirect_dma semaphore(%arg18 : memref<!tpu.dma_semaphore, #tpu.memory_space<semaphore_mem>>) src(%dma_wait3A_125 : memref<80x64xf32, #tpu.memory_space<vmem>>) dst(%dma_wait3A_131 : memref<10240x64xf32, #tpu.memory_space<vmem_shared>>)
    %dma_wait3A_132 = arith.constant 0 : i32
    %dma_wait3A_133 = arith.constant 4 : i32
    %dma_wait3A_134 = arith.constant 0 : i32
    %dma_wait3A_135 = arith.constant 4 : i32
    %dma_wait3A_136 = arith.constant 0 : i32
    %dma_wait3A_137 = arith.constant 0 : i32
    %dma_wait3A_138 = tpu.memref_slice %arg8[%dma_wait3A_132, %dma_wait3A_133, %dma_wait3A_136, %dma_wait3A_137] : memref<2x5x80x64xf32, #tpu.memory_space<vmem>> -> memref<1x1x80x64xf32, #tpu.memory_space<vmem>>
    %dma_wait3A_139 = tpu.memref_squeeze %dma_wait3A_138 : memref<1x1x80x64xf32, #tpu.memory_space<vmem>> -> memref<80x64xf32, #tpu.memory_space<vmem>>
    %dma_wait3A_140 = arith.constant 0 : i32
    %dma_wait3A_141 = tpu.memref_slice %arg7[%dma_wait3A_134, %dma_wait3A_135, %dma_wait3A_140] : memref<4x5x80xi32, #tpu.memory_space<vmem>> -> memref<1x1x80xi32, #tpu.memory_space<vmem>>
    %dma_wait3A_142 = tpu.memref_squeeze %dma_wait3A_141 : memref<1x1x80xi32, #tpu.memory_space<vmem>> -> memref<80xi32, #tpu.memory_space<vmem>>
    %dma_wait3A_143 = arith.constant 0 : i32
    %dma_wait3A_144 = arith.constant 0 : i32
    %dma_wait3A_145 = tpu.memref_slice %arg9[%dma_wait3A_143, %dma_wait3A_144] : memref<10240x64xf32, #tpu.memory_space<vmem_shared>> -> memref<10240x64xf32, #tpu.memory_space<vmem_shared>>
    tpu.wait_indirect_dma semaphore(%arg18 : memref<!tpu.dma_semaphore, #tpu.memory_space<semaphore_mem>>) src(%dma_wait3A_139 : memref<80x64xf32, #tpu.memory_space<vmem>>) dst(%dma_wait3A_145 : memref<10240x64xf32, #tpu.memory_space<vmem_shared>>)
    %dma_wait3A_146 = arith.constant 1 : i32
    %dma_wait3A_147 = arith.constant 0 : i32
    %dma_wait3A_148 = arith.constant 1 : i32
    %dma_wait3A_149 = arith.constant 0 : i32
    %dma_wait3A_150 = arith.constant 0 : i32
    %dma_wait3A_151 = arith.constant 0 : i32
    %dma_wait3A_152 = tpu.memref_slice %arg8[%dma_wait3A_146, %dma_wait3A_147, %dma_wait3A_150, %dma_wait3A_151] : memref<2x5x80x64xf32, #tpu.memory_space<vmem>> -> memref<1x1x80x64xf32, #tpu.memory_space<vmem>>
    %dma_wait3A_153 = tpu.memref_squeeze %dma_wait3A_152 : memref<1x1x80x64xf32, #tpu.memory_space<vmem>> -> memref<80x64xf32, #tpu.memory_space<vmem>>
    %dma_wait3A_154 = arith.constant 0 : i32
    %dma_wait3A_155 = tpu.memref_slice %arg7[%dma_wait3A_148, %dma_wait3A_149, %dma_wait3A_154] : memref<4x5x80xi32, #tpu.memory_space<vmem>> -> memref<1x1x80xi32, #tpu.memory_space<vmem>>
    %dma_wait3A_156 = tpu.memref_squeeze %dma_wait3A_155 : memref<1x1x80xi32, #tpu.memory_space<vmem>> -> memref<80xi32, #tpu.memory_space<vmem>>
    %dma_wait3A_157 = arith.constant 0 : i32
    %dma_wait3A_158 = arith.constant 0 : i32
    %dma_wait3A_159 = tpu.memref_slice %arg9[%dma_wait3A_157, %dma_wait3A_158] : memref<10240x64xf32, #tpu.memory_space<vmem_shared>> -> memref<10240x64xf32, #tpu.memory_space<vmem_shared>>
    tpu.wait_indirect_dma semaphore(%arg19 : memref<!tpu.dma_semaphore, #tpu.memory_space<semaphore_mem>>) src(%dma_wait3A_153 : memref<80x64xf32, #tpu.memory_space<vmem>>) dst(%dma_wait3A_159 : memref<10240x64xf32, #tpu.memory_space<vmem_shared>>)
    %dma_wait3A_160 = arith.constant 1 : i32
    %dma_wait3A_161 = arith.constant 1 : i32
    %dma_wait3A_162 = arith.constant 1 : i32
    %dma_wait3A_163 = arith.constant 1 : i32
    %dma_wait3A_164 = arith.constant 0 : i32
    %dma_wait3A_165 = arith.constant 0 : i32
    %dma_wait3A_166 = tpu.memref_slice %arg8[%dma_wait3A_160, %dma_wait3A_161, %dma_wait3A_164, %dma_wait3A_165] : memref<2x5x80x64xf32, #tpu.memory_space<vmem>> -> memref<1x1x80x64xf32, #tpu.memory_space<vmem>>
    %dma_wait3A_167 = tpu.memref_squeeze %dma_wait3A_166 : memref<1x1x80x64xf32, #tpu.memory_space<vmem>> -> memref<80x64xf32, #tpu.memory_space<vmem>>
    %dma_wait3A_168 = arith.constant 0 : i32
    %dma_wait3A_169 = tpu.memref_slice %arg7[%dma_wait3A_162, %dma_wait3A_163, %dma_wait3A_168] : memref<4x5x80xi32, #tpu.memory_space<vmem>> -> memref<1x1x80xi32, #tpu.memory_space<vmem>>
    %dma_wait3A_170 = tpu.memref_squeeze %dma_wait3A_169 : memref<1x1x80xi32, #tpu.memory_space<vmem>> -> memref<80xi32, #tpu.memory_space<vmem>>
    %dma_wait3A_171 = arith.constant 0 : i32
    %dma_wait3A_172 = arith.constant 0 : i32
    %dma_wait3A_173 = tpu.memref_slice %arg9[%dma_wait3A_171, %dma_wait3A_172] : memref<10240x64xf32, #tpu.memory_space<vmem_shared>> -> memref<10240x64xf32, #tpu.memory_space<vmem_shared>>
    tpu.wait_indirect_dma semaphore(%arg19 : memref<!tpu.dma_semaphore, #tpu.memory_space<semaphore_mem>>) src(%dma_wait3A_167 : memref<80x64xf32, #tpu.memory_space<vmem>>) dst(%dma_wait3A_173 : memref<10240x64xf32, #tpu.memory_space<vmem_shared>>)
    %dma_wait3A_174 = arith.constant 1 : i32
    %dma_wait3A_175 = arith.constant 2 : i32
    %dma_wait3A_176 = arith.constant 1 : i32
    %dma_wait3A_177 = arith.constant 2 : i32
    %dma_wait3A_178 = arith.constant 0 : i32
    %dma_wait3A_179 = arith.constant 0 : i32
    %dma_wait3A_180 = tpu.memref_slice %arg8[%dma_wait3A_174, %dma_wait3A_175, %dma_wait3A_178, %dma_wait3A_179] : memref<2x5x80x64xf32, #tpu.memory_space<vmem>> -> memref<1x1x80x64xf32, #tpu.memory_space<vmem>>
    %dma_wait3A_181 = tpu.memref_squeeze %dma_wait3A_180 : memref<1x1x80x64xf32, #tpu.memory_space<vmem>> -> memref<80x64xf32, #tpu.memory_space<vmem>>
    %dma_wait3A_182 = arith.constant 0 : i32
    %dma_wait3A_183 = tpu.memref_slice %arg7[%dma_wait3A_176, %dma_wait3A_177, %dma_wait3A_182] : memref<4x5x80xi32, #tpu.memory_space<vmem>> -> memref<1x1x80xi32, #tpu.memory_space<vmem>>
    %dma_wait3A_184 = tpu.memref_squeeze %dma_wait3A_183 : memref<1x1x80xi32, #tpu.memory_space<vmem>> -> memref<80xi32, #tpu.memory_space<vmem>>
    %dma_wait3A_185 = arith.constant 0 : i32
    %dma_wait3A_186 = arith.constant 0 : i32
    %dma_wait3A_187 = tpu.memref_slice %arg9[%dma_wait3A_185, %dma_wait3A_186] : memref<10240x64xf32, #tpu.memory_space<vmem_shared>> -> memref<10240x64xf32, #tpu.memory_space<vmem_shared>>
    tpu.wait_indirect_dma semaphore(%arg19 : memref<!tpu.dma_semaphore, #tpu.memory_space<semaphore_mem>>) src(%dma_wait3A_181 : memref<80x64xf32, #tpu.memory_space<vmem>>) dst(%dma_wait3A_187 : memref<10240x64xf32, #tpu.memory_space<vmem_shared>>)
    %dma_wait3A_188 = arith.constant 1 : i32
    %dma_wait3A_189 = arith.constant 3 : i32
    %dma_wait3A_190 = arith.constant 1 : i32
    %dma_wait3A_191 = arith.constant 3 : i32
    %dma_wait3A_192 = arith.constant 0 : i32
    %dma_wait3A_193 = arith.constant 0 : i32
    %dma_wait3A_194 = tpu.memref_slice %arg8[%dma_wait3A_188, %dma_wait3A_189, %dma_wait3A_192, %dma_wait3A_193] : memref<2x5x80x64xf32, #tpu.memory_space<vmem>> -> memref<1x1x80x64xf32, #tpu.memory_space<vmem>>
    %dma_wait3A_195 = tpu.memref_squeeze %dma_wait3A_194 : memref<1x1x80x64xf32, #tpu.memory_space<vmem>> -> memref<80x64xf32, #tpu.memory_space<vmem>>
    %dma_wait3A_196 = arith.constant 0 : i32
    %dma_wait3A_197 = tpu.memref_slice %arg7[%dma_wait3A_190, %dma_wait3A_191, %dma_wait3A_196] : memref<4x5x80xi32, #tpu.memory_space<vmem>> -> memref<1x1x80xi32, #tpu.memory_space<vmem>>
    %dma_wait3A_198 = tpu.memref_squeeze %dma_wait3A_197 : memref<1x1x80xi32, #tpu.memory_space<vmem>> -> memref<80xi32, #tpu.memory_space<vmem>>
    %dma_wait3A_199 = arith.constant 0 : i32
    %dma_wait3A_200 = arith.constant 0 : i32
    %dma_wait3A_201 = tpu.memref_slice %arg9[%dma_wait3A_199, %dma_wait3A_200] : memref<10240x64xf32, #tpu.memory_space<vmem_shared>> -> memref<10240x64xf32, #tpu.memory_space<vmem_shared>>
    tpu.wait_indirect_dma semaphore(%arg19 : memref<!tpu.dma_semaphore, #tpu.memory_space<semaphore_mem>>) src(%dma_wait3A_195 : memref<80x64xf32, #tpu.memory_space<vmem>>) dst(%dma_wait3A_201 : memref<10240x64xf32, #tpu.memory_space<vmem_shared>>)
    %dma_wait3A_202 = arith.constant 1 : i32
    %dma_wait3A_203 = arith.constant 4 : i32
    %dma_wait3A_204 = arith.constant 1 : i32
    %dma_wait3A_205 = arith.constant 4 : i32
    %dma_wait3A_206 = arith.constant 0 : i32
    %dma_wait3A_207 = arith.constant 0 : i32
    %dma_wait3A_208 = tpu.memref_slice %arg8[%dma_wait3A_202, %dma_wait3A_203, %dma_wait3A_206, %dma_wait3A_207] : memref<2x5x80x64xf32, #tpu.memory_space<vmem>> -> memref<1x1x80x64xf32, #tpu.memory_space<vmem>>
    %dma_wait3A_209 = tpu.memref_squeeze %dma_wait3A_208 : memref<1x1x80x64xf32, #tpu.memory_space<vmem>> -> memref<80x64xf32, #tpu.memory_space<vmem>>
    %dma_wait3A_210 = arith.constant 0 : i32
    %dma_wait3A_211 = tpu.memref_slice %arg7[%dma_wait3A_204, %dma_wait3A_205, %dma_wait3A_210] : memref<4x5x80xi32, #tpu.memory_space<vmem>> -> memref<1x1x80xi32, #tpu.memory_space<vmem>>
    %dma_wait3A_212 = tpu.memref_squeeze %dma_wait3A_211 : memref<1x1x80xi32, #tpu.memory_space<vmem>> -> memref<80xi32, #tpu.memory_space<vmem>>
    %dma_wait3A_213 = arith.constant 0 : i32
    %dma_wait3A_214 = arith.constant 0 : i32
    %dma_wait3A_215 = tpu.memref_slice %arg9[%dma_wait3A_213, %dma_wait3A_214] : memref<10240x64xf32, #tpu.memory_space<vmem_shared>> -> memref<10240x64xf32, #tpu.memory_space<vmem_shared>>
    tpu.wait_indirect_dma semaphore(%arg19 : memref<!tpu.dma_semaphore, #tpu.memory_space<semaphore_mem>>) src(%dma_wait3A_209 : memref<80x64xf32, #tpu.memory_space<vmem>>) dst(%dma_wait3A_215 : memref<10240x64xf32, #tpu.memory_space<vmem_shared>>)
    %barrier3A_216 = arith.constant 0 : index
    tpu.barrier barrier_id(%barrier3A_216)
    %mul3A_217 = arith.constant 10240 : i32
    %mul3A_218 = arith.muli %arg0, %mul3A_217 : i32
    %add3A_219 = arith.addi %mul3A_218, %mul3A_0 : i32
    "tpu.region"() ({
      %run_scoped3A = tpu.sem_alloc : memref<!tpu.dma_semaphore, #tpu.memory_space<semaphore_mem>>
      %dma_start3A_220 = arith.constant 0 : i32
      %dma_start3A_221 = tpu.memref_slice %arg5[%add3A_219, %dma_start3A_220] : memref<20480x64xf32, #tpu.memory_space<hbm>> -> memref<640x64xf32, #tpu.memory_space<hbm>>
      %dma_start3A_222 = arith.constant 0 : i32
      %dma_start3A_223 = tpu.memref_slice %arg9[%mul3A_0, %dma_start3A_222] : memref<10240x64xf32, #tpu.memory_space<vmem_shared>> -> memref<640x64xf32, #tpu.memory_space<vmem_shared>>
      tpu.enqueue_dma source(%dma_start3A_223 : memref<640x64xf32, #tpu.memory_space<vmem_shared>>) target(%dma_start3A_221 : memref<640x64xf32, #tpu.memory_space<hbm>>) target_semaphore(%run_scoped3A : memref<!tpu.dma_semaphore, #tpu.memory_space<semaphore_mem>>)
      %dma_wait3A_224 = arith.constant 0 : i32
      %dma_wait3A_225 = tpu.memref_slice %arg5[%add3A_219, %dma_wait3A_224] : memref<20480x64xf32, #tpu.memory_space<hbm>> -> memref<640x64xf32, #tpu.memory_space<hbm>>
      %dma_wait3A_226 = arith.constant 0 : i32
      %dma_wait3A_227 = tpu.memref_slice %arg9[%mul3A_0, %dma_wait3A_226] : memref<10240x64xf32, #tpu.memory_space<vmem_shared>> -> memref<640x64xf32, #tpu.memory_space<vmem_shared>>
      tpu.wait_dma2 semaphore(%run_scoped3A : memref<!tpu.dma_semaphore, #tpu.memory_space<semaphore_mem>>) src(%dma_wait3A_227 : memref<640x64xf32, #tpu.memory_space<vmem_shared>>) dst(%dma_wait3A_225 : memref<640x64xf32, #tpu.memory_space<hbm>>)
      tpu.yield
    }) : () -> ()
    return
  }
}

module attributes {stable_mosaic.version = 14 : i64} {
  func.func @_tc_l0_body(%arg0: memref<10000x128xf32, #tpu.memory_space<vmem>>, %arg1: memref<20480x128xf32, #tpu.memory_space<vmem>>, %arg2: memref<1x1xf32, #tpu.memory_space<vmem>>, %arg3: memref<128x64xf32, #tpu.memory_space<vmem>>, %arg4: memref<1x64xf32, #tpu.memory_space<vmem>>, %arg5: memref<1x64xf32, #tpu.memory_space<vmem>>, %arg6: memref<1x64xf32, #tpu.memory_space<vmem>>, %arg7: memref<64x64xf32, #tpu.memory_space<vmem>>, %arg8: memref<1x64xf32, #tpu.memory_space<vmem>>, %arg9: memref<1x64xf32, #tpu.memory_space<vmem>>, %arg10: memref<1x64xf32, #tpu.memory_space<vmem>>, %arg11: memref<1x64xf32, #tpu.memory_space<vmem>>, %arg12: memref<1x64xf32, #tpu.memory_space<vmem>>, %arg13: memref<10000x64xf32, #tpu.memory_space<vmem>>, %arg14: memref<1x128xf32, #tpu.memory_space<vmem>>, %arg15: memref<1x64xf32, #tpu.memory_space<vmem>>) attributes {dimension_semantics = [], scalar_prefetch = 0 : i64, scratch_operands = 0 : i64, tpu.core_type = #tpu.core_type<tc>} {
    %get3A = arith.constant 0 : index
    %get3A_0 = arith.constant 0 : index
    %get3A_1 = vector.load %arg1[%get3A, %get3A_0] : memref<20480x128xf32, #tpu.memory_space<vmem>>, vector<10000x128xf32>
    %get3A_2 = arith.constant 10240 : index
    %get3A_3 = arith.constant 0 : index
    %get3A_4 = vector.load %arg1[%get3A_2, %get3A_3] : memref<20480x128xf32, #tpu.memory_space<vmem>>, vector<10000x128xf32>
    %add3A = arith.addf %get3A_1, %get3A_4 : vector<10000x128xf32>
    %get3A_5 = arith.constant 0 : index
    %get3A_6 = arith.constant 0 : index
    %get3A_7 = vector.load %arg0[%get3A_5, %get3A_6] : memref<10000x128xf32, #tpu.memory_space<vmem>>, vector<10000x128xf32>
    %get3A_8 = arith.constant 0 : index
    %get3A_9 = arith.constant 0 : index
    %get3A_10 = vector.load %arg2[%get3A_8, %get3A_9] : memref<1x1xf32, #tpu.memory_space<vmem>>, vector<1x1xf32>
    %get3A_11 = vector.extract %get3A_10[0, 0] : f32 from vector<1x1xf32>
    %get3A_12 = arith.constant 0 : index
    %get3A_13 = arith.constant 0 : index
    %get3A_14 = vector.load %arg3[%get3A_12, %get3A_13] : memref<128x64xf32, #tpu.memory_space<vmem>>, vector<128x64xf32>
    %get3A_15 = arith.constant 0 : index
    %get3A_16 = arith.constant 0 : index
    %get3A_17 = vector.load %arg4[%get3A_15, %get3A_16] : memref<1x64xf32, #tpu.memory_space<vmem>>, vector<1x64xf32>
    %get3A_18 = arith.constant 0 : index
    %get3A_19 = arith.constant 0 : index
    %get3A_20 = vector.load %arg5[%get3A_18, %get3A_19] : memref<1x64xf32, #tpu.memory_space<vmem>>, vector<1x64xf32>
    %get3A_21 = arith.constant 0 : index
    %get3A_22 = arith.constant 0 : index
    %get3A_23 = vector.load %arg6[%get3A_21, %get3A_22] : memref<1x64xf32, #tpu.memory_space<vmem>>, vector<1x64xf32>
    %get3A_24 = arith.constant 0 : index
    %get3A_25 = arith.constant 0 : index
    %get3A_26 = vector.load %arg7[%get3A_24, %get3A_25] : memref<64x64xf32, #tpu.memory_space<vmem>>, vector<64x64xf32>
    %get3A_27 = arith.constant 0 : index
    %get3A_28 = arith.constant 0 : index
    %get3A_29 = vector.load %arg8[%get3A_27, %get3A_28] : memref<1x64xf32, #tpu.memory_space<vmem>>, vector<1x64xf32>
    %get3A_30 = arith.constant 0 : index
    %get3A_31 = arith.constant 0 : index
    %get3A_32 = vector.load %arg9[%get3A_30, %get3A_31] : memref<1x64xf32, #tpu.memory_space<vmem>>, vector<1x64xf32>
    %get3A_33 = arith.constant 0 : index
    %get3A_34 = arith.constant 0 : index
    %get3A_35 = vector.load %arg10[%get3A_33, %get3A_34] : memref<1x64xf32, #tpu.memory_space<vmem>>, vector<1x64xf32>
    %get3A_36 = arith.constant 0 : index
    %get3A_37 = arith.constant 0 : index
    %get3A_38 = vector.load %arg11[%get3A_36, %get3A_37] : memref<1x64xf32, #tpu.memory_space<vmem>>, vector<1x64xf32>
    %get3A_39 = arith.constant 0 : index
    %get3A_40 = arith.constant 0 : index
    %get3A_41 = vector.load %arg12[%get3A_39, %get3A_40] : memref<1x64xf32, #tpu.memory_space<vmem>>, vector<1x64xf32>
    %add3A_42 = arith.constant 1.000000e+00 : f32
    %add3A_43 = arith.addf %add3A_42, %get3A_11 : f32
    %mul3A = vector.broadcast %add3A_43 : f32 to vector<10000x128xf32>
    %mul3A_44 = arith.mulf %mul3A, %get3A_7 : vector<10000x128xf32>
    %add3A_45 = arith.addf %mul3A_44, %add3A : vector<10000x128xf32>
    %dot_general3A = arith.constant dense<0.000000e+00> : vector<10000x64xf32>
    %dot_general3A_46 = tpu.matmul %add3A_45, %get3A_14, %dot_general3A {dimension_numbers = #tpu.dot_dimension_numbers<[1], [0], [0], [1], [0, 0, 1, 1], [], []>, transpose_lhs_hint = false} : vector<10000x128xf32>, vector<128x64xf32>, vector<10000x64xf32> -> vector<10000x64xf32>
    %add3A_47 = vector.broadcast %get3A_17 : vector<1x64xf32> to vector<10000x64xf32>
    %add3A_48 = arith.addf %dot_general3A_46, %add3A_47 : vector<10000x64xf32>
    %reduce_sum3A = arith.constant dense<0.000000e+00> : vector<64xf32>
    %reduce_sum3A_49 = vector.multi_reduction <add>, %add3A_48, %reduce_sum3A [0] : vector<10000x64xf32> to vector<64xf32>
    %div3A = arith.constant 1.000000e+04 : f32
    %div3A_50 = vector.broadcast %div3A : f32 to vector<64xf32>
    %div3A_51 = arith.divf %reduce_sum3A_49, %div3A_50 : vector<64xf32>
    %jit3A = arith.constant 0 : i32
    %reduce_sum3A_52 = arith.constant dense<0.000000e+00> : vector<64xf32>
    %reduce_sum3A_53 = vector.multi_reduction <add>, %add3A_48, %reduce_sum3A_52 [0] : vector<10000x64xf32> to vector<64xf32>
    %broadcast_in_dim3A = vector.shape_cast %reduce_sum3A_53 : vector<64xf32> to vector<1x64xf32>
    %div3A_54 = arith.constant 1.000000e+04 : f32
    %div3A_55 = vector.broadcast %div3A_54 : f32 to vector<1x64xf32>
    %div3A_56 = arith.divf %broadcast_in_dim3A, %div3A_55 : vector<1x64xf32>
    %sub3A = vector.broadcast %div3A_56 : vector<1x64xf32> to vector<10000x64xf32>
    %sub3A_57 = arith.subf %add3A_48, %sub3A : vector<10000x64xf32>
    %square3A = arith.mulf %sub3A_57, %sub3A_57 : vector<10000x64xf32>
    %convert_element_type3A = arith.sitofp %jit3A : i32 to f32
    %sub3A_58 = arith.constant 1.000000e+04 : f32
    %sub3A_59 = arith.subf %sub3A_58, %convert_element_type3A : f32
    %reduce_sum3A_60 = arith.constant dense<0.000000e+00> : vector<64xf32>
    %reduce_sum3A_61 = vector.multi_reduction <add>, %square3A, %reduce_sum3A_60 [0] : vector<10000x64xf32> to vector<64xf32>
    %div3A_62 = vector.broadcast %sub3A_59 : f32 to vector<64xf32>
    %div3A_63 = arith.divf %reduce_sum3A_61, %div3A_62 : vector<64xf32>
    %gt3A = arith.constant 0.000000e+00 : f32
    %gt3A_64 = arith.cmpf ogt, %sub3A_59, %gt3A : f32
    %jit3A_65 = arith.constant 0x7FC00000 : f32
    %broadcast_in_dim3A_66 = vector.broadcast %jit3A_65 : f32 to vector<64xf32>
    %select_n3A = arith.select %gt3A_64, %div3A_63, %broadcast_in_dim3A_66 : vector<64xf32>
    %broadcast_in_dim3A_67 = vector.shape_cast %div3A_51 : vector<64xf32> to vector<1x64xf32>
    %sub3A_68 = vector.broadcast %broadcast_in_dim3A_67 : vector<1x64xf32> to vector<10000x64xf32>
    %sub3A_69 = arith.subf %add3A_48, %sub3A_68 : vector<10000x64xf32>
    %add3A_70 = arith.constant 9.99999974E-6 : f32
    %add3A_71 = vector.broadcast %add3A_70 : f32 to vector<64xf32>
    %add3A_72 = arith.addf %select_n3A, %add3A_71 : vector<64xf32>
    %sqrt3A = math.sqrt %add3A_72 : vector<64xf32>
    %broadcast_in_dim3A_73 = vector.shape_cast %sqrt3A : vector<64xf32> to vector<1x64xf32>
    %div3A_74 = vector.broadcast %broadcast_in_dim3A_73 : vector<1x64xf32> to vector<10000x64xf32>
    %div3A_75 = arith.divf %sub3A_69, %div3A_74 : vector<10000x64xf32>
    %mul3A_76 = vector.broadcast %get3A_20 : vector<1x64xf32> to vector<10000x64xf32>
    %mul3A_77 = arith.mulf %div3A_75, %mul3A_76 : vector<10000x64xf32>
    %add3A_78 = vector.broadcast %get3A_23 : vector<1x64xf32> to vector<10000x64xf32>
    %add3A_79 = arith.addf %mul3A_77, %add3A_78 : vector<10000x64xf32>
    %max3A = arith.constant 0.000000e+00 : f32
    %max3A_80 = vector.broadcast %max3A : f32 to vector<10000x64xf32>
    %max3A_81 = arith.maximumf %add3A_79, %max3A_80 : vector<10000x64xf32>
    %dot_general3A_82 = arith.constant dense<0.000000e+00> : vector<10000x64xf32>
    %dot_general3A_83 = tpu.matmul %max3A_81, %get3A_26, %dot_general3A_82 {dimension_numbers = #tpu.dot_dimension_numbers<[1], [0], [0], [1], [0, 0, 1, 1], [], []>, transpose_lhs_hint = false} : vector<10000x64xf32>, vector<64x64xf32>, vector<10000x64xf32> -> vector<10000x64xf32>
    %add3A_84 = vector.broadcast %get3A_29 : vector<1x64xf32> to vector<10000x64xf32>
    %add3A_85 = arith.addf %dot_general3A_83, %add3A_84 : vector<10000x64xf32>
    %reduce_sum3A_86 = arith.constant dense<0.000000e+00> : vector<64xf32>
    %reduce_sum3A_87 = vector.multi_reduction <add>, %add3A_85, %reduce_sum3A_86 [0] : vector<10000x64xf32> to vector<64xf32>
    %div3A_88 = arith.constant 1.000000e+04 : f32
    %div3A_89 = vector.broadcast %div3A_88 : f32 to vector<64xf32>
    %div3A_90 = arith.divf %reduce_sum3A_87, %div3A_89 : vector<64xf32>
    %jit3A_91 = arith.constant 0 : i32
    %reduce_sum3A_92 = arith.constant dense<0.000000e+00> : vector<64xf32>
    %reduce_sum3A_93 = vector.multi_reduction <add>, %add3A_85, %reduce_sum3A_92 [0] : vector<10000x64xf32> to vector<64xf32>
    %broadcast_in_dim3A_94 = vector.shape_cast %reduce_sum3A_93 : vector<64xf32> to vector<1x64xf32>
    %div3A_95 = arith.constant 1.000000e+04 : f32
    %div3A_96 = vector.broadcast %div3A_95 : f32 to vector<1x64xf32>
    %div3A_97 = arith.divf %broadcast_in_dim3A_94, %div3A_96 : vector<1x64xf32>
    %sub3A_98 = vector.broadcast %div3A_97 : vector<1x64xf32> to vector<10000x64xf32>
    %sub3A_99 = arith.subf %add3A_85, %sub3A_98 : vector<10000x64xf32>
    %square3A_100 = arith.mulf %sub3A_99, %sub3A_99 : vector<10000x64xf32>
    %convert_element_type3A_101 = arith.sitofp %jit3A_91 : i32 to f32
    %sub3A_102 = arith.constant 1.000000e+04 : f32
    %sub3A_103 = arith.subf %sub3A_102, %convert_element_type3A_101 : f32
    %reduce_sum3A_104 = arith.constant dense<0.000000e+00> : vector<64xf32>
    %reduce_sum3A_105 = vector.multi_reduction <add>, %square3A_100, %reduce_sum3A_104 [0] : vector<10000x64xf32> to vector<64xf32>
    %div3A_106 = vector.broadcast %sub3A_103 : f32 to vector<64xf32>
    %div3A_107 = arith.divf %reduce_sum3A_105, %div3A_106 : vector<64xf32>
    %gt3A_108 = arith.constant 0.000000e+00 : f32
    %gt3A_109 = arith.cmpf ogt, %sub3A_103, %gt3A_108 : f32
    %jit3A_110 = arith.constant 0x7FC00000 : f32
    %broadcast_in_dim3A_111 = vector.broadcast %jit3A_110 : f32 to vector<64xf32>
    %select_n3A_112 = arith.select %gt3A_109, %div3A_107, %broadcast_in_dim3A_111 : vector<64xf32>
    %broadcast_in_dim3A_113 = vector.shape_cast %div3A_90 : vector<64xf32> to vector<1x64xf32>
    %sub3A_114 = vector.broadcast %broadcast_in_dim3A_113 : vector<1x64xf32> to vector<10000x64xf32>
    %sub3A_115 = arith.subf %add3A_85, %sub3A_114 : vector<10000x64xf32>
    %add3A_116 = arith.constant 9.99999974E-6 : f32
    %add3A_117 = vector.broadcast %add3A_116 : f32 to vector<64xf32>
    %add3A_118 = arith.addf %select_n3A_112, %add3A_117 : vector<64xf32>
    %sqrt3A_119 = math.sqrt %add3A_118 : vector<64xf32>
    %broadcast_in_dim3A_120 = vector.shape_cast %sqrt3A_119 : vector<64xf32> to vector<1x64xf32>
    %div3A_121 = vector.broadcast %broadcast_in_dim3A_120 : vector<1x64xf32> to vector<10000x64xf32>
    %div3A_122 = arith.divf %sub3A_115, %div3A_121 : vector<10000x64xf32>
    %mul3A_123 = vector.broadcast %get3A_32 : vector<1x64xf32> to vector<10000x64xf32>
    %mul3A_124 = arith.mulf %div3A_122, %mul3A_123 : vector<10000x64xf32>
    %add3A_125 = vector.broadcast %get3A_35 : vector<1x64xf32> to vector<10000x64xf32>
    %add3A_126 = arith.addf %mul3A_124, %add3A_125 : vector<10000x64xf32>
    %max3A_127 = arith.constant 0.000000e+00 : f32
    %max3A_128 = vector.broadcast %max3A_127 : f32 to vector<10000x64xf32>
    %max3A_129 = arith.maximumf %add3A_126, %max3A_128 : vector<10000x64xf32>
    %reduce_sum3A_130 = arith.constant dense<0.000000e+00> : vector<64xf32>
    %reduce_sum3A_131 = vector.multi_reduction <add>, %max3A_129, %reduce_sum3A_130 [0] : vector<10000x64xf32> to vector<64xf32>
    %div3A_132 = arith.constant 1.000000e+04 : f32
    %div3A_133 = vector.broadcast %div3A_132 : f32 to vector<64xf32>
    %div3A_134 = arith.divf %reduce_sum3A_131, %div3A_133 : vector<64xf32>
    %jit3A_135 = arith.constant 0 : i32
    %reduce_sum3A_136 = arith.constant dense<0.000000e+00> : vector<64xf32>
    %reduce_sum3A_137 = vector.multi_reduction <add>, %max3A_129, %reduce_sum3A_136 [0] : vector<10000x64xf32> to vector<64xf32>
    %broadcast_in_dim3A_138 = vector.shape_cast %reduce_sum3A_137 : vector<64xf32> to vector<1x64xf32>
    %div3A_139 = arith.constant 1.000000e+04 : f32
    %div3A_140 = vector.broadcast %div3A_139 : f32 to vector<1x64xf32>
    %div3A_141 = arith.divf %broadcast_in_dim3A_138, %div3A_140 : vector<1x64xf32>
    %sub3A_142 = vector.broadcast %div3A_141 : vector<1x64xf32> to vector<10000x64xf32>
    %sub3A_143 = arith.subf %max3A_129, %sub3A_142 : vector<10000x64xf32>
    %square3A_144 = arith.mulf %sub3A_143, %sub3A_143 : vector<10000x64xf32>
    %convert_element_type3A_145 = arith.sitofp %jit3A_135 : i32 to f32
    %sub3A_146 = arith.constant 1.000000e+04 : f32
    %sub3A_147 = arith.subf %sub3A_146, %convert_element_type3A_145 : f32
    %reduce_sum3A_148 = arith.constant dense<0.000000e+00> : vector<64xf32>
    %reduce_sum3A_149 = vector.multi_reduction <add>, %square3A_144, %reduce_sum3A_148 [0] : vector<10000x64xf32> to vector<64xf32>
    %div3A_150 = vector.broadcast %sub3A_147 : f32 to vector<64xf32>
    %div3A_151 = arith.divf %reduce_sum3A_149, %div3A_150 : vector<64xf32>
    %gt3A_152 = arith.constant 0.000000e+00 : f32
    %gt3A_153 = arith.cmpf ogt, %sub3A_147, %gt3A_152 : f32
    %jit3A_154 = arith.constant 0x7FC00000 : f32
    %broadcast_in_dim3A_155 = vector.broadcast %jit3A_154 : f32 to vector<64xf32>
    %select_n3A_156 = arith.select %gt3A_153, %div3A_151, %broadcast_in_dim3A_155 : vector<64xf32>
    %broadcast_in_dim3A_157 = vector.shape_cast %div3A_134 : vector<64xf32> to vector<1x64xf32>
    %sub3A_158 = vector.broadcast %broadcast_in_dim3A_157 : vector<1x64xf32> to vector<10000x64xf32>
    %sub3A_159 = arith.subf %max3A_129, %sub3A_158 : vector<10000x64xf32>
    %add3A_160 = arith.constant 9.99999974E-6 : f32
    %add3A_161 = vector.broadcast %add3A_160 : f32 to vector<64xf32>
    %add3A_162 = arith.addf %select_n3A_156, %add3A_161 : vector<64xf32>
    %sqrt3A_163 = math.sqrt %add3A_162 : vector<64xf32>
    %broadcast_in_dim3A_164 = vector.shape_cast %sqrt3A_163 : vector<64xf32> to vector<1x64xf32>
    %div3A_165 = vector.broadcast %broadcast_in_dim3A_164 : vector<1x64xf32> to vector<10000x64xf32>
    %div3A_166 = arith.divf %sub3A_159, %div3A_165 : vector<10000x64xf32>
    %mul3A_167 = vector.broadcast %get3A_38 : vector<1x64xf32> to vector<10000x64xf32>
    %mul3A_168 = arith.mulf %div3A_166, %mul3A_167 : vector<10000x64xf32>
    %add3A_169 = vector.broadcast %get3A_41 : vector<1x64xf32> to vector<10000x64xf32>
    %add3A_170 = arith.addf %mul3A_168, %add3A_169 : vector<10000x64xf32>
    %max3A_171 = arith.constant 0.000000e+00 : f32
    %max3A_172 = vector.broadcast %max3A_171 : f32 to vector<10000x64xf32>
    %max3A_173 = arith.maximumf %add3A_170, %max3A_172 : vector<10000x64xf32>
    %swap3A = arith.constant 0 : index
    %swap3A_174 = arith.constant 0 : index
    %swap3A_175 = vector.load %arg13[%swap3A, %swap3A_174] : memref<10000x64xf32, #tpu.memory_space<vmem>>, vector<10000x64xf32>
    tpu.vector_store %arg13[%swap3A, %swap3A_174], %max3A_173 {strides = array<i32>} : memref<10000x64xf32, #tpu.memory_space<vmem>>, vector<10000x64xf32>,
    %reduce_max3A = arith.constant dense<0xFF800000> : vector<128xf32>
    %reduce_max3A_176 = vector.multi_reduction <maximumf>, %get3A_7, %reduce_max3A [0] : vector<10000x128xf32> to vector<128xf32>
    %broadcast_in_dim3A_177 = vector.shape_cast %reduce_max3A_176 : vector<128xf32> to vector<1x128xf32>
    %swap3A_178 = arith.constant 0 : index
    %swap3A_179 = arith.constant 0 : index
    %swap3A_180 = vector.load %arg14[%swap3A_178, %swap3A_179] : memref<1x128xf32, #tpu.memory_space<vmem>>, vector<1x128xf32>
    tpu.vector_store %arg14[%swap3A_178, %swap3A_179], %broadcast_in_dim3A_177 {strides = array<i32>} : memref<1x128xf32, #tpu.memory_space<vmem>>, vector<1x128xf32>,
    %reduce_max3A_181 = arith.constant dense<0xFF800000> : vector<64xf32>
    %reduce_max3A_182 = vector.multi_reduction <maximumf>, %max3A_173, %reduce_max3A_181 [0] : vector<10000x64xf32> to vector<64xf32>
    %broadcast_in_dim3A_183 = vector.shape_cast %reduce_max3A_182 : vector<64xf32> to vector<1x64xf32>
    %swap3A_184 = arith.constant 0 : index
    %swap3A_185 = arith.constant 0 : index
    %swap3A_186 = vector.load %arg15[%swap3A_184, %swap3A_185] : memref<1x64xf32, #tpu.memory_space<vmem>>, vector<1x64xf32>
    tpu.vector_store %arg15[%swap3A_184, %swap3A_185], %broadcast_in_dim3A_183 {strides = array<i32>} : memref<1x64xf32, #tpu.memory_space<vmem>>, vector<1x64xf32>,
    return
  }
}

module attributes {stable_mosaic.version = 14 : i64} {
  func.func @_tc_l1_body(%arg0: memref<10000x64xf32, #tpu.memory_space<vmem>>, %arg1: memref<20480x64xf32, #tpu.memory_space<vmem>>, %arg2: memref<1x1xf32, #tpu.memory_space<vmem>>, %arg3: memref<64x64xf32, #tpu.memory_space<vmem>>, %arg4: memref<1x64xf32, #tpu.memory_space<vmem>>, %arg5: memref<1x64xf32, #tpu.memory_space<vmem>>, %arg6: memref<1x64xf32, #tpu.memory_space<vmem>>, %arg7: memref<64x64xf32, #tpu.memory_space<vmem>>, %arg8: memref<1x64xf32, #tpu.memory_space<vmem>>, %arg9: memref<1x64xf32, #tpu.memory_space<vmem>>, %arg10: memref<1x64xf32, #tpu.memory_space<vmem>>, %arg11: memref<1x64xf32, #tpu.memory_space<vmem>>, %arg12: memref<1x64xf32, #tpu.memory_space<vmem>>, %arg13: memref<1x128xf32, #tpu.memory_space<vmem>>, %arg14: memref<1x64xf32, #tpu.memory_space<vmem>>, %arg15: memref<128x128xf32, #tpu.memory_space<vmem>>, %arg16: memref<1x128xf32, #tpu.memory_space<vmem>>, %arg17: memref<64x128xf32, #tpu.memory_space<vmem>>, %arg18: memref<1x128xf32, #tpu.memory_space<vmem>>, %arg19: memref<64x128xf32, #tpu.memory_space<vmem>>, %arg20: memref<1x128xf32, #tpu.memory_space<vmem>>, %arg21: memref<10000x64xf32, #tpu.memory_space<vmem>>, %arg22: memref<1x128xf32, #tpu.memory_space<vmem>>) attributes {dimension_semantics = [], scalar_prefetch = 0 : i64, scratch_operands = 0 : i64, tpu.core_type = #tpu.core_type<tc>} {
    %get3A = arith.constant 0 : index
    %get3A_0 = arith.constant 0 : index
    %get3A_1 = vector.load %arg1[%get3A, %get3A_0] : memref<20480x64xf32, #tpu.memory_space<vmem>>, vector<10000x64xf32>
    %get3A_2 = arith.constant 10240 : index
    %get3A_3 = arith.constant 0 : index
    %get3A_4 = vector.load %arg1[%get3A_2, %get3A_3] : memref<20480x64xf32, #tpu.memory_space<vmem>>, vector<10000x64xf32>
    %add3A = arith.addf %get3A_1, %get3A_4 : vector<10000x64xf32>
    %get3A_5 = arith.constant 0 : index
    %get3A_6 = arith.constant 0 : index
    %get3A_7 = vector.load %arg0[%get3A_5, %get3A_6] : memref<10000x64xf32, #tpu.memory_space<vmem>>, vector<10000x64xf32>
    %get3A_8 = arith.constant 0 : index
    %get3A_9 = arith.constant 0 : index
    %get3A_10 = vector.load %arg2[%get3A_8, %get3A_9] : memref<1x1xf32, #tpu.memory_space<vmem>>, vector<1x1xf32>
    %get3A_11 = vector.extract %get3A_10[0, 0] : f32 from vector<1x1xf32>
    %get3A_12 = arith.constant 0 : index
    %get3A_13 = arith.constant 0 : index
    %get3A_14 = vector.load %arg3[%get3A_12, %get3A_13] : memref<64x64xf32, #tpu.memory_space<vmem>>, vector<64x64xf32>
    %get3A_15 = arith.constant 0 : index
    %get3A_16 = arith.constant 0 : index
    %get3A_17 = vector.load %arg4[%get3A_15, %get3A_16] : memref<1x64xf32, #tpu.memory_space<vmem>>, vector<1x64xf32>
    %get3A_18 = arith.constant 0 : index
    %get3A_19 = arith.constant 0 : index
    %get3A_20 = vector.load %arg5[%get3A_18, %get3A_19] : memref<1x64xf32, #tpu.memory_space<vmem>>, vector<1x64xf32>
    %get3A_21 = arith.constant 0 : index
    %get3A_22 = arith.constant 0 : index
    %get3A_23 = vector.load %arg6[%get3A_21, %get3A_22] : memref<1x64xf32, #tpu.memory_space<vmem>>, vector<1x64xf32>
    %get3A_24 = arith.constant 0 : index
    %get3A_25 = arith.constant 0 : index
    %get3A_26 = vector.load %arg7[%get3A_24, %get3A_25] : memref<64x64xf32, #tpu.memory_space<vmem>>, vector<64x64xf32>
    %get3A_27 = arith.constant 0 : index
    %get3A_28 = arith.constant 0 : index
    %get3A_29 = vector.load %arg8[%get3A_27, %get3A_28] : memref<1x64xf32, #tpu.memory_space<vmem>>, vector<1x64xf32>
    %get3A_30 = arith.constant 0 : index
    %get3A_31 = arith.constant 0 : index
    %get3A_32 = vector.load %arg9[%get3A_30, %get3A_31] : memref<1x64xf32, #tpu.memory_space<vmem>>, vector<1x64xf32>
    %get3A_33 = arith.constant 0 : index
    %get3A_34 = arith.constant 0 : index
    %get3A_35 = vector.load %arg10[%get3A_33, %get3A_34] : memref<1x64xf32, #tpu.memory_space<vmem>>, vector<1x64xf32>
    %get3A_36 = arith.constant 0 : index
    %get3A_37 = arith.constant 0 : index
    %get3A_38 = vector.load %arg11[%get3A_36, %get3A_37] : memref<1x64xf32, #tpu.memory_space<vmem>>, vector<1x64xf32>
    %get3A_39 = arith.constant 0 : index
    %get3A_40 = arith.constant 0 : index
    %get3A_41 = vector.load %arg12[%get3A_39, %get3A_40] : memref<1x64xf32, #tpu.memory_space<vmem>>, vector<1x64xf32>
    %add3A_42 = arith.constant 1.000000e+00 : f32
    %add3A_43 = arith.addf %add3A_42, %get3A_11 : f32
    %mul3A = vector.broadcast %add3A_43 : f32 to vector<10000x64xf32>
    %mul3A_44 = arith.mulf %mul3A, %get3A_7 : vector<10000x64xf32>
    %add3A_45 = arith.addf %mul3A_44, %add3A : vector<10000x64xf32>
    %dot_general3A = arith.constant dense<0.000000e+00> : vector<10000x64xf32>
    %dot_general3A_46 = tpu.matmul %add3A_45, %get3A_14, %dot_general3A {dimension_numbers = #tpu.dot_dimension_numbers<[1], [0], [0], [1], [0, 0, 1, 1], [], []>, transpose_lhs_hint = false} : vector<10000x64xf32>, vector<64x64xf32>, vector<10000x64xf32> -> vector<10000x64xf32>
    %add3A_47 = vector.broadcast %get3A_17 : vector<1x64xf32> to vector<10000x64xf32>
    %add3A_48 = arith.addf %dot_general3A_46, %add3A_47 : vector<10000x64xf32>
    %reduce_sum3A = arith.constant dense<0.000000e+00> : vector<64xf32>
    %reduce_sum3A_49 = vector.multi_reduction <add>, %add3A_48, %reduce_sum3A [0] : vector<10000x64xf32> to vector<64xf32>
    %div3A = arith.constant 1.000000e+04 : f32
    %div3A_50 = vector.broadcast %div3A : f32 to vector<64xf32>
    %div3A_51 = arith.divf %reduce_sum3A_49, %div3A_50 : vector<64xf32>
    %jit3A = arith.constant 0 : i32
    %reduce_sum3A_52 = arith.constant dense<0.000000e+00> : vector<64xf32>
    %reduce_sum3A_53 = vector.multi_reduction <add>, %add3A_48, %reduce_sum3A_52 [0] : vector<10000x64xf32> to vector<64xf32>
    %broadcast_in_dim3A = vector.shape_cast %reduce_sum3A_53 : vector<64xf32> to vector<1x64xf32>
    %div3A_54 = arith.constant 1.000000e+04 : f32
    %div3A_55 = vector.broadcast %div3A_54 : f32 to vector<1x64xf32>
    %div3A_56 = arith.divf %broadcast_in_dim3A, %div3A_55 : vector<1x64xf32>
    %sub3A = vector.broadcast %div3A_56 : vector<1x64xf32> to vector<10000x64xf32>
    %sub3A_57 = arith.subf %add3A_48, %sub3A : vector<10000x64xf32>
    %square3A = arith.mulf %sub3A_57, %sub3A_57 : vector<10000x64xf32>
    %convert_element_type3A = arith.sitofp %jit3A : i32 to f32
    %sub3A_58 = arith.constant 1.000000e+04 : f32
    %sub3A_59 = arith.subf %sub3A_58, %convert_element_type3A : f32
    %reduce_sum3A_60 = arith.constant dense<0.000000e+00> : vector<64xf32>
    %reduce_sum3A_61 = vector.multi_reduction <add>, %square3A, %reduce_sum3A_60 [0] : vector<10000x64xf32> to vector<64xf32>
    %div3A_62 = vector.broadcast %sub3A_59 : f32 to vector<64xf32>
    %div3A_63 = arith.divf %reduce_sum3A_61, %div3A_62 : vector<64xf32>
    %gt3A = arith.constant 0.000000e+00 : f32
    %gt3A_64 = arith.cmpf ogt, %sub3A_59, %gt3A : f32
    %jit3A_65 = arith.constant 0x7FC00000 : f32
    %broadcast_in_dim3A_66 = vector.broadcast %jit3A_65 : f32 to vector<64xf32>
    %select_n3A = arith.select %gt3A_64, %div3A_63, %broadcast_in_dim3A_66 : vector<64xf32>
    %broadcast_in_dim3A_67 = vector.shape_cast %div3A_51 : vector<64xf32> to vector<1x64xf32>
    %sub3A_68 = vector.broadcast %broadcast_in_dim3A_67 : vector<1x64xf32> to vector<10000x64xf32>
    %sub3A_69 = arith.subf %add3A_48, %sub3A_68 : vector<10000x64xf32>
    %add3A_70 = arith.constant 9.99999974E-6 : f32
    %add3A_71 = vector.broadcast %add3A_70 : f32 to vector<64xf32>
    %add3A_72 = arith.addf %select_n3A, %add3A_71 : vector<64xf32>
    %sqrt3A = math.sqrt %add3A_72 : vector<64xf32>
    %broadcast_in_dim3A_73 = vector.shape_cast %sqrt3A : vector<64xf32> to vector<1x64xf32>
    %div3A_74 = vector.broadcast %broadcast_in_dim3A_73 : vector<1x64xf32> to vector<10000x64xf32>
    %div3A_75 = arith.divf %sub3A_69, %div3A_74 : vector<10000x64xf32>
    %mul3A_76 = vector.broadcast %get3A_20 : vector<1x64xf32> to vector<10000x64xf32>
    %mul3A_77 = arith.mulf %div3A_75, %mul3A_76 : vector<10000x64xf32>
    %add3A_78 = vector.broadcast %get3A_23 : vector<1x64xf32> to vector<10000x64xf32>
    %add3A_79 = arith.addf %mul3A_77, %add3A_78 : vector<10000x64xf32>
    %max3A = arith.constant 0.000000e+00 : f32
    %max3A_80 = vector.broadcast %max3A : f32 to vector<10000x64xf32>
    %max3A_81 = arith.maximumf %add3A_79, %max3A_80 : vector<10000x64xf32>
    %dot_general3A_82 = arith.constant dense<0.000000e+00> : vector<10000x64xf32>
    %dot_general3A_83 = tpu.matmul %max3A_81, %get3A_26, %dot_general3A_82 {dimension_numbers = #tpu.dot_dimension_numbers<[1], [0], [0], [1], [0, 0, 1, 1], [], []>, transpose_lhs_hint = false} : vector<10000x64xf32>, vector<64x64xf32>, vector<10000x64xf32> -> vector<10000x64xf32>
    %add3A_84 = vector.broadcast %get3A_29 : vector<1x64xf32> to vector<10000x64xf32>
    %add3A_85 = arith.addf %dot_general3A_83, %add3A_84 : vector<10000x64xf32>
    %reduce_sum3A_86 = arith.constant dense<0.000000e+00> : vector<64xf32>
    %reduce_sum3A_87 = vector.multi_reduction <add>, %add3A_85, %reduce_sum3A_86 [0] : vector<10000x64xf32> to vector<64xf32>
    %div3A_88 = arith.constant 1.000000e+04 : f32
    %div3A_89 = vector.broadcast %div3A_88 : f32 to vector<64xf32>
    %div3A_90 = arith.divf %reduce_sum3A_87, %div3A_89 : vector<64xf32>
    %jit3A_91 = arith.constant 0 : i32
    %reduce_sum3A_92 = arith.constant dense<0.000000e+00> : vector<64xf32>
    %reduce_sum3A_93 = vector.multi_reduction <add>, %add3A_85, %reduce_sum3A_92 [0] : vector<10000x64xf32> to vector<64xf32>
    %broadcast_in_dim3A_94 = vector.shape_cast %reduce_sum3A_93 : vector<64xf32> to vector<1x64xf32>
    %div3A_95 = arith.constant 1.000000e+04 : f32
    %div3A_96 = vector.broadcast %div3A_95 : f32 to vector<1x64xf32>
    %div3A_97 = arith.divf %broadcast_in_dim3A_94, %div3A_96 : vector<1x64xf32>
    %sub3A_98 = vector.broadcast %div3A_97 : vector<1x64xf32> to vector<10000x64xf32>
    %sub3A_99 = arith.subf %add3A_85, %sub3A_98 : vector<10000x64xf32>
    %square3A_100 = arith.mulf %sub3A_99, %sub3A_99 : vector<10000x64xf32>
    %convert_element_type3A_101 = arith.sitofp %jit3A_91 : i32 to f32
    %sub3A_102 = arith.constant 1.000000e+04 : f32
    %sub3A_103 = arith.subf %sub3A_102, %convert_element_type3A_101 : f32
    %reduce_sum3A_104 = arith.constant dense<0.000000e+00> : vector<64xf32>
    %reduce_sum3A_105 = vector.multi_reduction <add>, %square3A_100, %reduce_sum3A_104 [0] : vector<10000x64xf32> to vector<64xf32>
    %div3A_106 = vector.broadcast %sub3A_103 : f32 to vector<64xf32>
    %div3A_107 = arith.divf %reduce_sum3A_105, %div3A_106 : vector<64xf32>
    %gt3A_108 = arith.constant 0.000000e+00 : f32
    %gt3A_109 = arith.cmpf ogt, %sub3A_103, %gt3A_108 : f32
    %jit3A_110 = arith.constant 0x7FC00000 : f32
    %broadcast_in_dim3A_111 = vector.broadcast %jit3A_110 : f32 to vector<64xf32>
    %select_n3A_112 = arith.select %gt3A_109, %div3A_107, %broadcast_in_dim3A_111 : vector<64xf32>
    %broadcast_in_dim3A_113 = vector.shape_cast %div3A_90 : vector<64xf32> to vector<1x64xf32>
    %sub3A_114 = vector.broadcast %broadcast_in_dim3A_113 : vector<1x64xf32> to vector<10000x64xf32>
    %sub3A_115 = arith.subf %add3A_85, %sub3A_114 : vector<10000x64xf32>
    %add3A_116 = arith.constant 9.99999974E-6 : f32
    %add3A_117 = vector.broadcast %add3A_116 : f32 to vector<64xf32>
    %add3A_118 = arith.addf %select_n3A_112, %add3A_117 : vector<64xf32>
    %sqrt3A_119 = math.sqrt %add3A_118 : vector<64xf32>
    %broadcast_in_dim3A_120 = vector.shape_cast %sqrt3A_119 : vector<64xf32> to vector<1x64xf32>
    %div3A_121 = vector.broadcast %broadcast_in_dim3A_120 : vector<1x64xf32> to vector<10000x64xf32>
    %div3A_122 = arith.divf %sub3A_115, %div3A_121 : vector<10000x64xf32>
    %mul3A_123 = vector.broadcast %get3A_32 : vector<1x64xf32> to vector<10000x64xf32>
    %mul3A_124 = arith.mulf %div3A_122, %mul3A_123 : vector<10000x64xf32>
    %add3A_125 = vector.broadcast %get3A_35 : vector<1x64xf32> to vector<10000x64xf32>
    %add3A_126 = arith.addf %mul3A_124, %add3A_125 : vector<10000x64xf32>
    %max3A_127 = arith.constant 0.000000e+00 : f32
    %max3A_128 = vector.broadcast %max3A_127 : f32 to vector<10000x64xf32>
    %max3A_129 = arith.maximumf %add3A_126, %max3A_128 : vector<10000x64xf32>
    %reduce_sum3A_130 = arith.constant dense<0.000000e+00> : vector<64xf32>
    %reduce_sum3A_131 = vector.multi_reduction <add>, %max3A_129, %reduce_sum3A_130 [0] : vector<10000x64xf32> to vector<64xf32>
    %div3A_132 = arith.constant 1.000000e+04 : f32
    %div3A_133 = vector.broadcast %div3A_132 : f32 to vector<64xf32>
    %div3A_134 = arith.divf %reduce_sum3A_131, %div3A_133 : vector<64xf32>
    %jit3A_135 = arith.constant 0 : i32
    %reduce_sum3A_136 = arith.constant dense<0.000000e+00> : vector<64xf32>
    %reduce_sum3A_137 = vector.multi_reduction <add>, %max3A_129, %reduce_sum3A_136 [0] : vector<10000x64xf32> to vector<64xf32>
    %broadcast_in_dim3A_138 = vector.shape_cast %reduce_sum3A_137 : vector<64xf32> to vector<1x64xf32>
    %div3A_139 = arith.constant 1.000000e+04 : f32
    %div3A_140 = vector.broadcast %div3A_139 : f32 to vector<1x64xf32>
    %div3A_141 = arith.divf %broadcast_in_dim3A_138, %div3A_140 : vector<1x64xf32>
    %sub3A_142 = vector.broadcast %div3A_141 : vector<1x64xf32> to vector<10000x64xf32>
    %sub3A_143 = arith.subf %max3A_129, %sub3A_142 : vector<10000x64xf32>
    %square3A_144 = arith.mulf %sub3A_143, %sub3A_143 : vector<10000x64xf32>
    %convert_element_type3A_145 = arith.sitofp %jit3A_135 : i32 to f32
    %sub3A_146 = arith.constant 1.000000e+04 : f32
    %sub3A_147 = arith.subf %sub3A_146, %convert_element_type3A_145 : f32
    %reduce_sum3A_148 = arith.constant dense<0.000000e+00> : vector<64xf32>
    %reduce_sum3A_149 = vector.multi_reduction <add>, %square3A_144, %reduce_sum3A_148 [0] : vector<10000x64xf32> to vector<64xf32>
    %div3A_150 = vector.broadcast %sub3A_147 : f32 to vector<64xf32>
    %div3A_151 = arith.divf %reduce_sum3A_149, %div3A_150 : vector<64xf32>
    %gt3A_152 = arith.constant 0.000000e+00 : f32
    %gt3A_153 = arith.cmpf ogt, %sub3A_147, %gt3A_152 : f32
    %jit3A_154 = arith.constant 0x7FC00000 : f32
    %broadcast_in_dim3A_155 = vector.broadcast %jit3A_154 : f32 to vector<64xf32>
    %select_n3A_156 = arith.select %gt3A_153, %div3A_151, %broadcast_in_dim3A_155 : vector<64xf32>
    %broadcast_in_dim3A_157 = vector.shape_cast %div3A_134 : vector<64xf32> to vector<1x64xf32>
    %sub3A_158 = vector.broadcast %broadcast_in_dim3A_157 : vector<1x64xf32> to vector<10000x64xf32>
    %sub3A_159 = arith.subf %max3A_129, %sub3A_158 : vector<10000x64xf32>
    %add3A_160 = arith.constant 9.99999974E-6 : f32
    %add3A_161 = vector.broadcast %add3A_160 : f32 to vector<64xf32>
    %add3A_162 = arith.addf %select_n3A_156, %add3A_161 : vector<64xf32>
    %sqrt3A_163 = math.sqrt %add3A_162 : vector<64xf32>
    %broadcast_in_dim3A_164 = vector.shape_cast %sqrt3A_163 : vector<64xf32> to vector<1x64xf32>
    %div3A_165 = vector.broadcast %broadcast_in_dim3A_164 : vector<1x64xf32> to vector<10000x64xf32>
    %div3A_166 = arith.divf %sub3A_159, %div3A_165 : vector<10000x64xf32>
    %mul3A_167 = vector.broadcast %get3A_38 : vector<1x64xf32> to vector<10000x64xf32>
    %mul3A_168 = arith.mulf %div3A_166, %mul3A_167 : vector<10000x64xf32>
    %add3A_169 = vector.broadcast %get3A_41 : vector<1x64xf32> to vector<10000x64xf32>
    %add3A_170 = arith.addf %mul3A_168, %add3A_169 : vector<10000x64xf32>
    %max3A_171 = arith.constant 0.000000e+00 : f32
    %max3A_172 = vector.broadcast %max3A_171 : f32 to vector<10000x64xf32>
    %max3A_173 = arith.maximumf %add3A_170, %max3A_172 : vector<10000x64xf32>
    %swap3A = arith.constant 0 : index
    %swap3A_174 = arith.constant 0 : index
    %swap3A_175 = vector.load %arg21[%swap3A, %swap3A_174] : memref<10000x64xf32, #tpu.memory_space<vmem>>, vector<10000x64xf32>
    tpu.vector_store %arg21[%swap3A, %swap3A_174], %max3A_173 {strides = array<i32>} : memref<10000x64xf32, #tpu.memory_space<vmem>>, vector<10000x64xf32>,
    %reduce_max3A = arith.constant dense<0xFF800000> : vector<64xf32>
    %reduce_max3A_176 = vector.multi_reduction <maximumf>, %max3A_173, %reduce_max3A [0] : vector<10000x64xf32> to vector<64xf32>
    %broadcast_in_dim3A_177 = vector.shape_cast %reduce_max3A_176 : vector<64xf32> to vector<1x64xf32>
    %get3A_178 = arith.constant 0 : index
    %get3A_179 = arith.constant 0 : index
    %get3A_180 = vector.load %arg13[%get3A_178, %get3A_179] : memref<1x128xf32, #tpu.memory_space<vmem>>, vector<1x128xf32>
    %get3A_181 = arith.constant 0 : index
    %get3A_182 = arith.constant 0 : index
    %get3A_183 = vector.load %arg15[%get3A_181, %get3A_182] : memref<128x128xf32, #tpu.memory_space<vmem>>, vector<128x128xf32>
    %dot_general3A_184 = arith.constant dense<0.000000e+00> : vector<1x128xf32>
    %dot_general3A_185 = tpu.matmul %get3A_180, %get3A_183, %dot_general3A_184 {dimension_numbers = #tpu.dot_dimension_numbers<[1], [0], [0], [1], [0, 0, 1, 1], [], []>, transpose_lhs_hint = false} : vector<1x128xf32>, vector<128x128xf32>, vector<1x128xf32> -> vector<1x128xf32>
    %get3A_186 = arith.constant 0 : index
    %get3A_187 = arith.constant 0 : index
    %get3A_188 = vector.load %arg16[%get3A_186, %get3A_187] : memref<1x128xf32, #tpu.memory_space<vmem>>, vector<1x128xf32>
    %add3A_189 = arith.addf %dot_general3A_185, %get3A_188 : vector<1x128xf32>
    %get3A_190 = arith.constant 0 : index
    %get3A_191 = arith.constant 0 : index
    %get3A_192 = vector.load %arg14[%get3A_190, %get3A_191] : memref<1x64xf32, #tpu.memory_space<vmem>>, vector<1x64xf32>
    %get3A_193 = arith.constant 0 : index
    %get3A_194 = arith.constant 0 : index
    %get3A_195 = vector.load %arg17[%get3A_193, %get3A_194] : memref<64x128xf32, #tpu.memory_space<vmem>>, vector<64x128xf32>
    %dot_general3A_196 = arith.constant dense<0.000000e+00> : vector<1x128xf32>
    %dot_general3A_197 = tpu.matmul %get3A_192, %get3A_195, %dot_general3A_196 {dimension_numbers = #tpu.dot_dimension_numbers<[1], [0], [0], [1], [0, 0, 1, 1], [], []>, transpose_lhs_hint = false} : vector<1x64xf32>, vector<64x128xf32>, vector<1x128xf32> -> vector<1x128xf32>
    %add3A_198 = arith.addf %add3A_189, %dot_general3A_197 : vector<1x128xf32>
    %get3A_199 = arith.constant 0 : index
    %get3A_200 = arith.constant 0 : index
    %get3A_201 = vector.load %arg18[%get3A_199, %get3A_200] : memref<1x128xf32, #tpu.memory_space<vmem>>, vector<1x128xf32>
    %add3A_202 = arith.addf %add3A_198, %get3A_201 : vector<1x128xf32>
    %get3A_203 = arith.constant 0 : index
    %get3A_204 = arith.constant 0 : index
    %get3A_205 = vector.load %arg19[%get3A_203, %get3A_204] : memref<64x128xf32, #tpu.memory_space<vmem>>, vector<64x128xf32>
    %dot_general3A_206 = arith.constant dense<0.000000e+00> : vector<1x128xf32>
    %dot_general3A_207 = tpu.matmul %broadcast_in_dim3A_177, %get3A_205, %dot_general3A_206 {dimension_numbers = #tpu.dot_dimension_numbers<[1], [0], [0], [1], [0, 0, 1, 1], [], []>, transpose_lhs_hint = false} : vector<1x64xf32>, vector<64x128xf32>, vector<1x128xf32> -> vector<1x128xf32>
    %add3A_208 = arith.addf %add3A_202, %dot_general3A_207 : vector<1x128xf32>
    %get3A_209 = arith.constant 0 : index
    %get3A_210 = arith.constant 0 : index
    %get3A_211 = vector.load %arg20[%get3A_209, %get3A_210] : memref<1x128xf32, #tpu.memory_space<vmem>>, vector<1x128xf32>
    %add3A_212 = arith.addf %add3A_208, %get3A_211 : vector<1x128xf32>
    %swap3A_213 = arith.constant 0 : index
    %swap3A_214 = arith.constant 0 : index
    %swap3A_215 = vector.load %arg22[%swap3A_213, %swap3A_214] : memref<1x128xf32, #tpu.memory_space<vmem>>, vector<1x128xf32>
    tpu.vector_store %arg22[%swap3A_213, %swap3A_214], %add3A_212 {strides = array<i32>} : memref<1x128xf32, #tpu.memory_space<vmem>>, vector<1x128xf32>,
    return
  }
}

</mosaic_0001>

<sc_bundles>
// kernel: kernel.6.cloned.1.call-start
scs
__scs_entry_jumppad:
0x0: {  	(pc) =	sbr.rel $0x88, $3  }
0x1: {  	(tag) =	ssettag $0x0;
	lr =	simm.s32 $0x1  }
0x2: {  	[smem:$0x3F83] =	sst lr;
	_ =	strace $0xD0000000  }
0x3: {  	_ = 	snop  }
0x4: {  	_ = 	snop  }
0x5: {  	_ = 	snop  }
0x6: {  	_ = 	snop  }
0x7: {  	_ = 	snop  }
__scs_overlays_trampoline_lowered:
0x8: {  	[smem:$0x3F92] =	sst s0  }
0x9: {  	[smem:$0x3F93] =	sst s1  }
0xa: {  	[smem:$0x3F94] =	sst s2  }
0xb: {  	[smem:$0x3F95] =	sst s3  }
0xc: {  	[smem:$0x3F96] =	sst s4  }
0xd: {  	[smem:$0x3F97] =	sst s5  }
0xe: {  	[smem:$0x3F98] =	sst s6  }
0xf: {  	[smem:$0x3F99] =	sst s7  }
0x10: {  	[smem:$0x3F9A] =	sst s8  }
0x11: {  	[smem:$0x3F9B] =	sst s9;
	s0 =	simm.s32 @!p0 $0x0  }
0x12: {  	s1 =	sld [smem:$0x3F81];
	s0 =	simm.s32 @p0 $0x1  }
0x13: {  	[smem:$0x3F9C] =	sst s0;
	s0 =	simm.s32 @!p1 $0x0  }
0x14: {  	s2 =	sld [smem:$0x3F80];
	s0 =	simm.s32 @p1 $0x1  }
0x15: {  	[smem:$0x3F9D] =	sst s0;
	s0 =	simm.s32 @!p2 $0x0  }
0x16: {  	s3 =	sld [smem:$0x3FDB];
	s0 =	simm.s32 @p2 $0x1  }
0x17: {  	s4 =	simm.s32 $0x1BF5;
	[smem:$0x3F9F] =	sst s0  }
0x18: {  	s0 =	sld [smem:$0x3F82];
	_ =	swait.ge [sflag:s4], $0x0  }
0x19: {  	s7 =	sld [smem:$0x3F83]  }
0x1a: {  	s8 =	sadd.s32 $0xFFFFE003, lr  }
0x1b: {  	s9 =	sadd.s32 $0xFFFFFEF7, lr;
	s5 =	simm.s32 $0xFFFFFFFF;
	p2 =	slt.u32 s8, $0xFFFFF086  }
0x1c: {  	p1 =	slt.u32 s9, $0xF7A;
	s5 =	simm.s32 @!p2 $0x0  }
0x1d: {  	s5 =	simm.s32 @p1 $0x1;
	p0 =	seq.s32 s7, s2  }
0x1e: {  	s7 =	smul.u32 @!p0 $0xF7A, s2;
	p2 =	seq.s32 @!p0 s5, $0x0  }
0x1f: {  	s9 =	smul.u32 $0xF7A, s1;
	s8 =	simm.s32 @!p0 $0x1BF5;
	p2 =	por !p2, p0  }
0x20: {  	[sflag:s8] =	ssyncset.s32 @!p0 $0xFFFFF086;
	s6 =	sadd.s32 @!p0 s3, s7;
	s7 =	simm.s32 @!p0 $0x108  }
0x21: {  	s3 =	sadd.s32 s3, s9;
	s6 =	sadd.s32 @!p0 $0x88, s6;
	s7 =	simm.s32 @p2 $0x1082  }
0x22: {  	[simem:s7], [sflag:s8] =	dma.local @!p0 [hbm:s6], $0xF7A  }
0x23: {  	s9 =	sor.u32 $0xD0000000, s2;
	s6 =	simm.s32 $0x108;
	_ =	swait.ge @!p0 [sflag:s8], $0x0  }
0x24: {  	s3 =	sadd.s32 $0x88, s3;
	s6 =	simm.s32 @!p1 $0x1082;
	[sflag:s4] =	ssyncset.s32 $0xFFFFF086  }
0x25: {  	[simem:s6], [sflag:s4] =	dma.local [hbm:s3], $0xF7A  }
0x26: {  	[smem:$0x3F83] =	sst s1;
	(tag) =	ssettag s2;
	_ =	strace s9  }
0x27: {  	s1 =	sld [smem:$0x3F93]  }
0x28: {  	s2 =	sld [smem:$0x3F94]  }
0x29: {  	s4 =	sld [smem:$0x3F96]  }
0x2a: {  	p0 =	seq.s32 s5, $0x0;
	s5 =	sld [smem:$0x3F97]  }
0x2b: {  	s6 =	sld [smem:$0x3F98]  }
0x2c: {  	s7 =	sld [smem:$0x3F99]  }
0x2d: {  	s3 =	simm.s32 $0x108;
	s8 =	sld [smem:$0x3F9A]  }
0x2e: {  	s3 =	simm.s32 @!p0 $0x1082;
	s9 =	sld [smem:$0x3F9B]  }
0x2f: {  	lr =	sadd.s32 s0, s3;
	s0 =	sld [smem:$0x3F92]  }
0x30: {  	s3 =	sld [smem:$0x3F95]  }
0x31: {  	[smem:$0x3F9E] =	sst s10  }
0x32: {  	s10 =	sld [smem:$0x3F9C];
	_ =	sdelay $0x3  }
0x33: {  	p0 =	seq.s32 s10, $0x1;
	s10 =	sld [smem:$0x3F9E];
	_ =	sdelay $0x3  }
0x34: {  	[smem:$0x3F9E] =	sst s10  }
0x35: {  	s10 =	sld [smem:$0x3F9D];
	_ =	sdelay $0x3  }
0x36: {  	p1 =	seq.s32 s10, $0x1;
	s10 =	sld [smem:$0x3F9E];
	_ =	sdelay $0x3  }
0x37: {  	[smem:$0x3F9E] =	sst s10  }
0x38: {  	s10 =	sld [smem:$0x3F9F]  }
0x39: {  	_ = 	snop;
	(pc) =	sbr.ind lr, $3  }
0x3a: {  	_ = 	snop  }
0x3b: {  	_ = 	snop  }
0x3c: {  	p2 =	seq.s32 s10, $0x1;
	s10 =	sld [smem:$0x3F9E]  }
0x3d: {  	_ =	shalt  }
0x3e: {  	_ =	shalt  }
0x3f: {  	_ =	shalt  }
0x40: {  	_ =	shalt  }
0x41: {  	_ =	shalt  }
0x42: {  	_ =	shalt  }
0x43: {  	_ =	shalt  }
0x44: {  	_ =	shalt  }
0x45: {  	_ =	shalt  }
0x46: {  	_ =	shalt  }
0x47: {  	_ =	shalt  }
0x48: {  	_ =	shalt  }
0x49: {  	_ =	shalt  }
0x4a: {  	_ =	shalt  }
0x4b: {  	_ =	shalt  }
0x4c: {  	_ =	shalt  }
0x4d: {  	_ =	shalt  }
0x4e: {  	_ =	shalt  }
0x4f: {  	_ =	shalt  }
0x50: {  	_ =	shalt  }
0x51: {  	_ =	shalt  }
0x52: {  	_ =	shalt  }
0x53: {  	_ =	shalt  }
0x54: {  	_ =	shalt  }
0x55: {  	_ =	shalt  }
0x56: {  	_ =	shalt  }
0x57: {  	_ =	shalt  }
0x58: {  	_ =	shalt  }
0x59: {  	_ =	shalt  }
0x5a: {  	_ =	shalt  }
0x5b: {  	_ =	shalt  }
0x5c: {  	_ =	shalt  }
0x5d: {  	_ =	shalt  }
0x5e: {  	_ =	shalt  }
0x5f: {  	_ =	shalt  }
0x60: {  	_ =	shalt  }
0x61: {  	_ =	shalt  }
0x62: {  	_ =	shalt  }
0x63: {  	_ =	shalt  }
0x64: {  	_ =	shalt  }
0x65: {  	_ =	shalt  }
0x66: {  	_ =	shalt  }
0x67: {  	_ =	shalt  }
0x68: {  	_ =	shalt  }
0x69: {  	_ =	shalt  }
0x6a: {  	_ =	shalt  }
0x6b: {  	_ =	shalt  }
0x6c: {  	_ =	shalt  }
0x6d: {  	_ =	shalt  }
0x6e: {  	_ =	shalt  }
0x6f: {  	_ =	shalt  }
0x70: {  	_ =	shalt  }
0x71: {  	_ =	shalt  }
0x72: {  	_ =	shalt  }
0x73: {  	_ =	shalt  }
0x74: {  	_ =	shalt  }
0x75: {  	_ =	shalt  }
0x76: {  	_ =	shalt  }
0x77: {  	_ =	shalt  }
0x78: {  	_ =	shalt  }
0x79: {  	_ =	shalt  }
0x7a: {  	_ =	shalt  }
0x7b: {  	_ =	shalt  }
0x7c: {  	_ =	shalt  }
0x7d: {  	_ =	shalt  }
0x7e: {  	_ =	shalt  }
0x7f: {  	_ =	shalt  }
0x80: {  	_ =	shalt  }
0x81: {  	_ =	shalt  }
0x82: {  	_ =	shalt  }
0x83: {  	_ =	shalt  }
0x84: {  	_ =	shalt  }
0x85: {  	_ =	shalt  }
0x86: {  	_ =	shalt  }
0x87: {  	_ =	shalt  }
.Lfunc_end0:
.L_simem_size_0:
called_computation_lowered:
.L_overlay_start_0:
0x88: {  	s2 =	sld [smem:$0x3FD9]  }
0x89: {  	s3 =	sld [smem:$0x3FFE];
	_ =	sdelay $0x1  }
0x8a: {  	s1 =	srdreg.scid  }
0x8b: {  	s0 =	sand.u32 $0x1, s1  }
0x8c: {  	s17 =	sshll.u32 s0, $0xA;
	s2 =	sadd.s32 s3, s2  }
0x8d: {  	s2 =	sadd.s32 s2, s17  }
0x8e: {  	[smem:$0x3FAA] =	sst s2  }
0x8f: {  	_ = 	snop  }
0x90: {  	s2 =	sld [smem:$0x3FC9];
	(tm) =	ssettm $0x1  }
0x91: {  	s18 =	sld [smem:$0x3FFB];
	_ =	sdelay $0x3  }
0x92: {  	_ =	strace s18  }
0x93: {  	s3 =	sld [smem:$0x3FFC];
	_ =	sdelay $0x3  }
0x94: {  	_ =	strace s3  }
0x95: {  	s3 =	sld [smem:$0x3FFD];
	_ =	sdelay $0x3  }
0x96: {  	_ =	strace s3  }
0x97: {  	_ =	strace $0x8FFFFFFF  }
0x98: {  	s19 =	sld [smem:$0x3FDB];
	_ =	sdelay $0x1  }
0x99: {  	s4 =	simm.s32 $_scs_section_size  }
0x9a: {  	s5 =	simm.s32 $_size__tile_overlayer_lowered;
	s6 =	simm.s32 $_tile_overlayer_lowered  }
0x9b: {  	s22 =	simm.s32 $0x1BFF;
	s21 =	sshll.u32 s6, $0x1;
	s3 =	sadd.s32 s4, s19  }
0x9c: {  	s7 =	simm.s32 $0x0;
	s20 =	sshll.u32 s5, $0x1;
	s5 =	sadd.s32 s21, s3  }
0x9d: {  	[timem:s7], [sflag:s22] =	dma.local [hbm:s5], s20  }
0x9e: {  	_ =	swait.ge [sflag:s22], s20  }
0x9f: {  	s4 =	ssub.s32 $0x0, s20;
	[sflag:s22] =	ssyncset.done $0x0  }
0xa0: {  	[sflag:s22] =	ssyncadd.s32 s4;
	_ =	sdelay $0x1  }
0xa1: {  	s23 =	simm.s32 $0x1B8B  }
0xa2: {  	_ =	swait.ge [sflag:s23], $0x1  }
0xa3: {  	[sflag:s23] =	ssyncset.done $0x0  }
0xa4: {  	s25 =	simm.s32 $0x1B8E;
	s24 =	sld [smem:$0x3FFE];
	[sflag:s23] =	ssyncadd.s32 $0xFFFFFFFF  }
0xa5: {  	s26 =	simm.s32 $execute0_lowered;
	[smem:$0x3FD2] =	sst s25  }
0xa6: {  	s5 =	sshll.u32 s26, $0x1;
	_ =	strace $0x80000046;
	[dreg:$0x1] =	wrdreg $0xFFFFFFFF  }
0xa7: {  	s28 =	simm.s32 $_size_execute0_lowered;
	s3 =	sadd.s32 s3, s5;
	[dreg:$0x0] =	wrdreg $0x0  }
0xa8: {  	s5 =	sshll.u32 s28, $0x1;
	[dreg:$0x2] =	wrdreg s3  }
0xa9: {  	[dreg:$0x3] =	wrdreg s5  }
0xaa: {  	[dreg:$0x4] =	wrdreg $0xC0  }
0xab: {  	_ =	task [dreg:s7], $0x5FFFF  }
0xac: {  	[dreg:$0x1] =	wrdreg $0xFFFFFFFF  }
0xad: {  	[dreg:$0x0] =	wrdreg $0x60  }
0xae: {  	[dreg:$0x2] =	wrdreg s2  }
0xaf: {  	[dreg:$0x3] =	wrdreg s24  }
0xb0: {  	[dreg:$0x4] =	wrdreg $0xA3C00  }
0xb1: {  	[dreg:$0x5] =	wrdreg $0x9  }
0xb2: {  	_ =	task.clear_ibuf [dreg:s7], $0x6FFFF;
	_ =	strace $0x90000046  }
0xb3: {  	s29 =	simm.s32 $0x9;
	_ =	strace $0x80000048  }
0xb4: {  	_ =	swait.ge [sflag:s29], $0x1  }
0xb5: {  	[sflag:s29] =	ssyncadd.s32 $0xFFFFFFFF  }
0xb6: {  	_ =	strace $0x90000048  }
0xb7: {  	_ =	sfence  }
0xb8: {  	s30 =	sld [smem:$0x0];
	_ =	sdelay $0x2  }
0xb9: {  	s31 =	sshll.u32 s1, $0xD;
	s1 =	sshrl.u32 s1, $0x2  }
0xba: {  	s3 =	sand.u32 $0x4000, s31;
	s1 =	sadd.s32 s1, s30  }
0xbb: {  	s0 =	sor.u32 s3, s0;
	s1 =	sshll.u32 s1, $0x11  }
0xbc: {  	s0 =	sor.u32 s1, s0  }
0xbd: {  	s0 =	sadd.s32 $0x8F2B, s0  }
0xbe: {  	[sflag:s0] =	ssyncadd.remote.s32 $0x1  }
0xbf: {  	_ =	sfence.sel $0xFFFF  }
0xc0: {  	[dreg:$0x0] =	wrdreg $0xFFFFFFFF;
	(pc) =	sbr.abs _section_cstart, $3  }
0xc1: {  	[dreg:$0x1] =	wrdreg $0xFFFFFFFF  }
0xc2: {  	_ =	task.clear_ibuf [dreg:s7], $0x2FFFF;
	_ =	strace $0x9FFFFFFF  }
0xc3: {  	(tm) =	ssettm $0x7FFFFFFF  }
tec
execute0_lowered:
.L_overlay_start_1:
0x0: {  	(tag) =	ssettag $0x1  }
0x1: {  	s1 =	rddreg [dreg:$0x0]  }
0x2: {  	s5 =	rddreg [dreg:$0x1]  }
0x3: {  	s3 =	rddreg [dreg:$0x2];
	s2 =	stileid.u32  }
0x4: {  	s0 =	rddreg [dreg:$0x3];
	s4 =	simm.s32 $0x0;
	s6 =	smul.u32 $0x14000, s2  }
0x5: {  	s7 =	srdreg.scid;
	s19 =	simm.s32 $0x1E0;
	s23 =	smul.u32 $0x2800, s2  }
0x6: {  	s20 =	simm.s32 $0xC;
	s21 =	simm.s32 $0x9;
	s17 =	smul.u32 $0x4E20, s2  }
0x7: {  	s22 =	simm.s32 $0x0;
	s10 =	sand.u32 $0x1, s7;
	s18 =	smul.u32 $0x9C4, s2  }
0x8: {  	[smem:$0x7FF] =	sst s4;
	s13 =	sadd.s32 $0x4A00, s5;
	s8 =	smul.u32 $0x28000, s10  }
0x9: {  	s26 =	sshll.u32 s2, $0x6;
	_ =	strace $0x80000047;
	s16 =	smul.u32 $0x4E200, s10  }
0xa: {  	s9 =	sshll.u32 s10, $0x4;
	s12 =	ssub.s32 $0x2, s10;
	s29 =	smul.u32 $0x9C40, s10  }
0xb: {  	s11 =	sshrl.u32 s6, $0x3;
	s9 =	sor.u32 s2, s9;
	s24 =	sshrl.u32 s12, $0x1  }
0xc: {  	s15 =	sadd.s32 s6, s3;
	s7 =	sadd.s32 s23, s8;
	s9 =	smul.u32 $0x4E20, s9  }
0xd: {  	s11 =	sadd.s32 s11, s5;
	s12 =	ssub.s32 s12, s24;
	s28 =	sadd.s32 s17, s16  }
0xe: {  	s16 =	sadd.s32 s29, s13;
	s15 =	sshrl.u32 s15, $0x3;
	s14 =	sadd.s32 s7, s5  }
0xf: {  	s6 =	sadd.s32 $0x2BC00, s11;
	s7 =	sor.u32 $0x1C0D, s26;
	s17 =	sadd.s32 $0x9C540, s28  }
.Ltmp0:
0x10: {  	s12 =	smax.u32 s12, $0x1;
	s31 =	sadd.s32 s18, s16;
	(pc) =	sbr.rel .LBB2_1-.Ltmp0, $4  }
0x11: {  	s16 =	simm.s32 $0xD;
	s18 =	simm.s32 $0xA0;
	s25 =	sshrl.u32 s9, $0x3  }
0x12: {  	s11 =	sadd.s32 $0x53C00, s14;
	s30 =	sshrl.u32 s17, $0x3;
	s14 =	sadd.s32 $0x28, s31  }
0x13: {  	s17 =	simm.s32 $0x140;
	s5 =	sadd.s32 s13, s25;
	s13 =	sadd.s32 s30, s13  }
0x14: {  	s8 =	sadd.s32 $0x13880, s5;
	s9 =	sadd.s32 $0x14, s5;
	s10 =	sadd.s32 $0x13894, s5  }
.LBB2_6:
0x15: {  	_ =	swait.ge [sflag:s20], $0x2800  }
0x16: {  	[sflag:s20] =	ssyncset.done $0x0  }
0x17: {  	[sflag:s20] =	ssyncadd.s32 $0xFFFFD800  }
0x18: {  	_ =	swait.ge [sflag:s20], $0x2800  }
0x19: {  	[sflag:s20] =	ssyncset.done $0x0  }
0x1a: {  	[sflag:s20] =	ssyncadd.s32 $0xFFFFD800  }
0x1b: {  	_ =	swait.ge [sflag:s21], $0x2800  }
0x1c: {  	[sflag:s21] =	ssyncset.done $0x0  }
0x1d: {  	[sflag:s21] =	ssyncadd.s32 $0xFFFFD800  }
0x1e: {  	_ =	swait.ge [sflag:s21], $0x2800  }
0x1f: {  	s22 =	sadd.s32 $0x1, s22;
	[sflag:s21] =	ssyncset.done $0x0  }
0x20: {  	p0 =	sne.s32 s22, s12;
	[sflag:s21] =	ssyncadd.s32 $0xFFFFD800  }
.Ltmp1:
0x21: {  	[bflag:$0x0] =	sbarrier.arrive $0xFFFF;
	(pc) =	sbr.rel @!p0 .LBB2_7-.Ltmp1, $4  }
0x22: {  	[hbm:s11], [sflag:s7] =	dma.local [spmem:s15], $0x2800  }
0x23: {  	_ =	swait.ge [sflag:s16], $0x2800  }
0x24: {  	[sflag:s16] =	ssyncset.done $0x0  }
0x25: {  	[sflag:s16] =	ssyncadd.s32 $0xFFFFD800  }
.LBB2_1:
0x26: {  	[spmem:s15], [sflag:s7] =	dma.local [hbm:s6], $0x2800  }
0x27: {  	_ =	swait.ge [sflag:s16], $0x2800  }
0x28: {  	[sflag:s16] =	ssyncset.done $0x0  }
0x29: {  	[sflag:s16] =	ssyncadd.s32 $0xFFFFD800  }
0x2a: {  	[bflag:$0x0] =	sbarrier.arrive $0xFFFF  }
0x2b: {  	[tilespmem:s4], [sflag:$0x1] =	stream.linear.gather [hbm4b:s5+s4], $0xA0, $0x38;
	[tilespmem:$0x1E3C0] =	vst v63  }
0x2c: {  	_ = 	snop  }
0x2d: {  	[tilespmem:s17], [sflag:$0x3] =	stream.linear.gather [hbm4b:s8+s4], $0xA0, $0x38;
	[tilespmem:$0x1E3C0] =	vst v63  }
.Ltmp2:
0x2e: {  	_ = 	snop;
	(pc) =	sbr.rel .LBB2_2-.Ltmp2, $4  }
0x2f: {  	_ = 	snop  }
0x30: {  	[tilespmem:s18], [sflag:$0x2] =	stream.linear.gather [hbm4b:s9+s4], $0xA0, $0x38;
	[tilespmem:$0x1E3C0] =	vst v63  }
0x31: {  	s23 =	smov.u32 s14;
	s24 =	smov.u32 s13;
	s25 =	simm.s32 $0x0  }
0x32: {  	[tilespmem:s19], [sflag:$0x4] =	stream.linear.gather [hbm4b:s10+s4], $0xA0, $0x38;
	[tilespmem:$0x1E3C0] =	vst v63  }
.LBB2_4:
0x33: {  	p0 =	seq.s32 s26, $0x2  }
0x34: {  	p1 =	slt.u32 @p0 s25, $0x2  }
0x35: {  	p1 =	por p1, !p0  }
0x36: {  	s26 =	simm.s32 @!p1 $0x9  }
0x37: {  	_ =	swait.ge @!p1 [sflag:s26], $0x2800  }
0x38: {  	[sflag:s26] =	ssyncset.done @!p1 $0x0  }
0x39: {  	[sflag:s26] =	ssyncadd.s32 @!p1 $0xFFFFD800  }
0x3a: {  	_ =	swait.ge @!p1 [sflag:s26], $0x2800  }
0x3b: {  	[sflag:s26] =	ssyncset.done @!p1 $0x0  }
0x3c: {  	[sflag:s26] =	ssyncadd.s32 @!p1 $0xFFFFD800;
	s26 =	simm.s32 @p0 $0x1  }
0x3d: {  	_ =	swait.ge @p0 [sflag:s26], $0xA0  }
0x3e: {  	[sflag:s26] =	ssyncset.done @p0 $0x0  }
0x3f: {  	[sflag:s26] =	ssyncadd.s32 @p0 $0xFFFFFF60;
	s26 =	simm.s32 @p0 $0x5  }
0x40: {  	_ =	swait.ge @p0 [sflag:s26], $0xA0  }
0x41: {  	s28 =	simm.s32 @p0 $0x0;
	[sflag:s26] =	ssyncset.done @p0 $0x0  }
0x42: {  	s29 =	simm.s32 @p0 $0x3C0;
	[sflag:s26] =	ssyncadd.s32 @p0 $0xFFFFFF60;
	s26 =	simm.s32 @p0 $0x50  }
0x43: {  	[tilespmem:s29], [sflag:$0x7] =	stream.indirect.gather @p0 [hbm4b:s1+s26], $0x80, s28, s26, $0xb8;
	[tilespmem:$0x1E3C0] =	vst v63  }
0x44: {  	s30 =	simm.s32 @p0 $0x7;
	s28 =	simm.s32 @p0 $0x2BC0  }
0x45: {  	[tilespmem:s28], [sflag:$0x7] =	stream.indirect.gather @p0 [hbm4b:s1+s26], $0x80, s26, s26, $0xb8;
	[tilespmem:$0x1E3C0] =	vst v63  }
0x46: {  	_ =	swait.ge @p0 [sflag:s30], $0x2800  }
0x47: {  	[sflag:s30] =	ssyncset.done @p0 $0x0  }
0x48: {  	[sflag:s30] =	ssyncadd.s32 @p0 $0xFFFFD800  }
0x49: {  	p1 =	sgt.u32 @p0 s25, $0x7A;
	_ =	swait.ge @p0 [sflag:s30], $0x2800  }
0x4a: {  	p1 =	por p1, !p0;
	[sflag:s30] =	ssyncset.done @p0 $0x0  }
0x4b: {  	[sflag:s30] =	ssyncadd.s32 @p0 $0xFFFFD800;
	s30 =	simm.s32 @!p1 $0x0  }
0x4c: {  	[tilespmem:s30], [sflag:$0x1] =	stream.linear.gather @!p1 [hbm4b:s23+s30], $0xA0, $0x38;
	[tilespmem:$0x1E3C0] =	vst v63  }
0x4d: {  	s31 =	simm.s32 @!p1 $0x140  }
0x4e: {  	[tilespmem:s31], [sflag:$0x3] =	stream.linear.gather @!p1 [hbm4b:s24+s30], $0xA0, $0x38;
	[tilespmem:$0x1E3C0] =	vst v63  }
0x4f: {  	s30 =	simm.s32 @p0 $0x280;
	p1 =	slt.u32 @!p0 s25, $0x2  }
0x50: {  	[spmem:s3] =	stream.indirect.scatter.add.f32 @p0 [tilespmem:s29], [sflag:$0xB], $0x80, s30, s26, $0xb8;
	[tilespmem:$0x1E3C0] =	vst v63  }
0x51: {  	p1 =	por p1, p0;
	s29 =	simm.s32 @p0 $0x2D0  }
0x52: {  	[spmem:s3] =	stream.indirect.scatter.add.f32 @p0 [tilespmem:s28], [sflag:$0xB], $0x80, s29, s26, $0xb8;
	[tilespmem:$0x1E3C0] =	vst v63  }
0x53: {  	s26 =	simm.s32 @!p1 $0xA  }
0x54: {  	_ =	swait.ge @!p1 [sflag:s26], $0x2800  }
0x55: {  	[sflag:s26] =	ssyncset.done @!p1 $0x0  }
0x56: {  	[sflag:s26] =	ssyncadd.s32 @!p1 $0xFFFFD800  }
0x57: {  	_ =	swait.ge @!p1 [sflag:s26], $0x2800  }
0x58: {  	[sflag:s26] =	ssyncset.done @!p1 $0x0  }
0x59: {  	[sflag:s26] =	ssyncadd.s32 @!p1 $0xFFFFD800;
	s26 =	simm.s32 @!p0 $0x2  }
0x5a: {  	_ =	swait.ge @!p0 [sflag:s26], $0xA0  }
0x5b: {  	[sflag:s26] =	ssyncset.done @!p0 $0x0  }
0x5c: {  	[sflag:s26] =	ssyncadd.s32 @!p0 $0xFFFFFF60;
	s26 =	simm.s32 @!p0 $0x6  }
0x5d: {  	_ =	swait.ge @!p0 [sflag:s26], $0xA0  }
0x5e: {  	s28 =	simm.s32 @!p0 $0xA0;
	[sflag:s26] =	ssyncset.done @!p0 $0x0  }
0x5f: {  	s29 =	simm.s32 @!p0 $0x53C0;
	[sflag:s26] =	ssyncadd.s32 @!p0 $0xFFFFFF60;
	s26 =	simm.s32 @!p0 $0x50  }
0x60: {  	[tilespmem:s29], [sflag:$0x8] =	stream.indirect.gather @!p0 [hbm4b:s1+s26], $0x80, s28, s26, $0xb8;
	[tilespmem:$0x1E3C0] =	vst v63  }
0x61: {  	s30 =	simm.s32 @!p0 $0x7BC0;
	s28 =	simm.s32 @!p0 $0xF0  }
0x62: {  	[tilespmem:s30], [sflag:$0x8] =	stream.indirect.gather @!p0 [hbm4b:s1+s26], $0x80, s28, s26, $0xb8;
	[tilespmem:$0x1E3C0] =	vst v63  }
0x63: {  	s28 =	simm.s32 @!p0 $0x8  }
0x64: {  	_ =	swait.ge @!p0 [sflag:s28], $0x2800  }
0x65: {  	[sflag:s28] =	ssyncset.done @!p0 $0x0  }
0x66: {  	[sflag:s28] =	ssyncadd.s32 @!p0 $0xFFFFD800  }
0x67: {  	p1 =	sgt.u32 @!p0 s25, $0x7A;
	_ =	swait.ge @!p0 [sflag:s28], $0x2800  }
0x68: {  	p1 =	por p1, p0;
	[sflag:s28] =	ssyncset.done @!p0 $0x0  }
0x69: {  	s31 =	simm.s32 @!p1 $0xA0;
	[sflag:s28] =	ssyncadd.s32 @!p0 $0xFFFFD800;
	s28 =	simm.s32 @!p1 $0x0  }
0x6a: {  	[tilespmem:s31], [sflag:$0x2] =	stream.linear.gather @!p1 [hbm4b:s23+s28], $0xA0, $0x38;
	[tilespmem:$0x1E3C0] =	vst v63  }
0x6b: {  	s31 =	simm.s32 @!p1 $0x1E0  }
0x6c: {  	[tilespmem:s31], [sflag:$0x4] =	stream.linear.gather @!p1 [hbm4b:s24+s28], $0xA0, $0x38;
	[tilespmem:$0x1E3C0] =	vst v63  }
0x6d: {  	s28 =	simm.s32 @!p0 $0x320  }
0x6e: {  	[spmem:s3] =	stream.indirect.scatter.add.f32 @!p0 [tilespmem:s29], [sflag:$0xC], $0x80, s28, s26, $0xb8;
	[tilespmem:$0x1E3C0] =	vst v63  }
0x6f: {  	s28 =	simm.s32 @!p0 $0x370  }
0x70: {  	[spmem:s3] =	stream.indirect.scatter.add.f32 @!p0 [tilespmem:s30], [sflag:$0xC], $0x80, s28, s26, $0xb8;
	[tilespmem:$0x1E3C0] =	vst v63  }
.LBB2_5:
0x71: {  	s25 =	sadd.s32 $0x1, s25  }
0x72: {  	p0 =	sne.s32 s25, $0x7D  }
.Ltmp3:
0x73: {  	_ = 	snop;
	(pc) =	sbr.rel @!p0 .LBB2_6-.Ltmp3, $2  }
0x74: {  	_ =	sdelay $0x2  }
0x75: {  	s24 =	sadd.s32 $0x14, s24;
	s23 =	sadd.s32 $0x14, s23  }
.LBB2_2:
0x76: {  	s26 =	sand.u32 $0x3, s25  }
0x77: {  	p0 =	sgt.s32 s26, $0x1  }
.Ltmp4:
0x78: {  	_ = 	snop;
	(pc) =	sbr.rel @p0 .LBB2_4-.Ltmp4, $1  }
0x79: {  	_ =	sdelay $0x3  }
0x7a: {  	p0 =	seq.s32 s26, $0x0  }
0x7b: {  	p1 =	slt.u32 @p0 s25, $0x2  }
0x7c: {  	p1 =	por p1, !p0  }
0x7d: {  	s26 =	simm.s32 @!p1 $0xB  }
0x7e: {  	_ =	swait.ge @!p1 [sflag:s26], $0x2800  }
0x7f: {  	[sflag:s26] =	ssyncset.done @!p1 $0x0  }
0x80: {  	[sflag:s26] =	ssyncadd.s32 @!p1 $0xFFFFD800  }
0x81: {  	_ =	swait.ge @!p1 [sflag:s26], $0x2800  }
0x82: {  	[sflag:s26] =	ssyncset.done @!p1 $0x0  }
0x83: {  	[sflag:s26] =	ssyncadd.s32 @!p1 $0xFFFFD800;
	s26 =	simm.s32 @p0 $0x1  }
0x84: {  	_ =	swait.ge @p0 [sflag:s26], $0xA0  }
0x85: {  	[sflag:s26] =	ssyncset.done @p0 $0x0  }
0x86: {  	[sflag:s26] =	ssyncadd.s32 @p0 $0xFFFFFF60;
	s26 =	simm.s32 @p0 $0x3  }
0x87: {  	_ =	swait.ge @p0 [sflag:s26], $0xA0  }
0x88: {  	s28 =	simm.s32 @p0 $0x0;
	[sflag:s26] =	ssyncset.done @p0 $0x0  }
0x89: {  	s29 =	simm.s32 @p0 $0x3C0;
	[sflag:s26] =	ssyncadd.s32 @p0 $0xFFFFFF60;
	s26 =	simm.s32 @p0 $0x50  }
0x8a: {  	[tilespmem:s29], [sflag:$0x7] =	stream.indirect.gather @p0 [hbm4b:s1+s26], $0x80, s28, s26, $0xb8;
	[tilespmem:$0x1E3C0] =	vst v63  }
0x8b: {  	s30 =	simm.s32 @p0 $0x7;
	s28 =	simm.s32 @p0 $0x2BC0  }
0x8c: {  	[tilespmem:s28], [sflag:$0x7] =	stream.indirect.gather @p0 [hbm4b:s1+s26], $0x80, s26, s26, $0xb8;
	[tilespmem:$0x1E3C0] =	vst v63  }
0x8d: {  	_ =	swait.ge @p0 [sflag:s30], $0x2800  }
0x8e: {  	[sflag:s30] =	ssyncset.done @p0 $0x0  }
0x8f: {  	[sflag:s30] =	ssyncadd.s32 @p0 $0xFFFFD800  }
0x90: {  	p1 =	sgt.u32 @p0 s25, $0x7A;
	_ =	swait.ge @p0 [sflag:s30], $0x2800  }
0x91: {  	p1 =	por p1, !p0;
	[sflag:s30] =	ssyncset.done @p0 $0x0  }
0x92: {  	[sflag:s30] =	ssyncadd.s32 @p0 $0xFFFFD800;
	s30 =	simm.s32 @!p1 $0x0  }
0x93: {  	[tilespmem:s30], [sflag:$0x1] =	stream.linear.gather @!p1 [hbm4b:s23+s30], $0xA0, $0x38;
	[tilespmem:$0x1E3C0] =	vst v63  }
0x94: {  	s31 =	simm.s32 @!p1 $0x280  }
0x95: {  	[tilespmem:s31], [sflag:$0x5] =	stream.linear.gather @!p1 [hbm4b:s24+s30], $0xA0, $0x38;
	[tilespmem:$0x1E3C0] =	vst v63  }
0x96: {  	s30 =	simm.s32 @p0 $0x140;
	p1 =	slt.u32 @!p0 s25, $0x2  }
0x97: {  	[spmem:s3] =	stream.indirect.scatter.add.f32 @p0 [tilespmem:s29], [sflag:$0x9], $0x80, s30, s26, $0xb8;
	[tilespmem:$0x1E3C0] =	vst v63  }
0x98: {  	p1 =	por p1, p0;
	s29 =	simm.s32 @p0 $0x190  }
0x99: {  	[spmem:s3] =	stream.indirect.scatter.add.f32 @p0 [tilespmem:s28], [sflag:$0x9], $0x80, s29, s26, $0xb8;
	[tilespmem:$0x1E3C0] =	vst v63  }
0x9a: {  	s26 =	simm.s32 @!p1 $0xC  }
0x9b: {  	_ =	swait.ge @!p1 [sflag:s26], $0x2800  }
0x9c: {  	[sflag:s26] =	ssyncset.done @!p1 $0x0  }
0x9d: {  	[sflag:s26] =	ssyncadd.s32 @!p1 $0xFFFFD800  }
0x9e: {  	_ =	swait.ge @!p1 [sflag:s26], $0x2800  }
0x9f: {  	[sflag:s26] =	ssyncset.done @!p1 $0x0  }
0xa0: {  	[sflag:s26] =	ssyncadd.s32 @!p1 $0xFFFFD800;
	s26 =	simm.s32 @!p0 $0x2  }
0xa1: {  	_ =	swait.ge @!p0 [sflag:s26], $0xA0  }
0xa2: {  	[sflag:s26] =	ssyncset.done @!p0 $0x0  }
0xa3: {  	[sflag:s26] =	ssyncadd.s32 @!p0 $0xFFFFFF60;
	s26 =	simm.s32 @!p0 $0x4  }
0xa4: {  	_ =	swait.ge @!p0 [sflag:s26], $0xA0  }
0xa5: {  	s28 =	simm.s32 @!p0 $0xA0;
	[sflag:s26] =	ssyncset.done @!p0 $0x0  }
0xa6: {  	s29 =	simm.s32 @!p0 $0x53C0;
	[sflag:s26] =	ssyncadd.s32 @!p0 $0xFFFFFF60;
	s26 =	simm.s32 @!p0 $0x50  }
0xa7: {  	[tilespmem:s29], [sflag:$0x8] =	stream.indirect.gather @!p0 [hbm4b:s1+s26], $0x80, s28, s26, $0xb8;
	[tilespmem:$0x1E3C0] =	vst v63  }
0xa8: {  	s30 =	simm.s32 @!p0 $0x7BC0;
	s28 =	simm.s32 @!p0 $0xF0  }
0xa9: {  	[tilespmem:s30], [sflag:$0x8] =	stream.indirect.gather @!p0 [hbm4b:s1+s26], $0x80, s28, s26, $0xb8;
	[tilespmem:$0x1E3C0] =	vst v63  }
0xaa: {  	s28 =	simm.s32 @!p0 $0x8  }
0xab: {  	_ =	swait.ge @!p0 [sflag:s28], $0x2800  }
0xac: {  	[sflag:s28] =	ssyncset.done @!p0 $0x0  }
0xad: {  	[sflag:s28] =	ssyncadd.s32 @!p0 $0xFFFFD800  }
0xae: {  	p1 =	sgt.u32 @!p0 s25, $0x7A;
	_ =	swait.ge @!p0 [sflag:s28], $0x2800  }
0xaf: {  	p1 =	por p1, p0;
	[sflag:s28] =	ssyncset.done @!p0 $0x0  }
0xb0: {  	s31 =	simm.s32 @!p1 $0xA0;
	[sflag:s28] =	ssyncadd.s32 @!p0 $0xFFFFD800;
	s28 =	simm.s32 @!p1 $0x0  }
0xb1: {  	[tilespmem:s31], [sflag:$0x2] =	stream.linear.gather @!p1 [hbm4b:s23+s28], $0xA0, $0x38;
	[tilespmem:$0x1E3C0] =	vst v63  }
0xb2: {  	s31 =	simm.s32 @!p1 $0x320  }
0xb3: {  	[tilespmem:s31], [sflag:$0x6] =	stream.linear.gather @!p1 [hbm4b:s24+s28], $0xA0, $0x38;
	[tilespmem:$0x1E3C0] =	vst v63  }
.Ltmp5:
0xb4: {  	_ = 	snop;
	(pc) =	sbr.rel .LBB2_5-.Ltmp5, $4  }
0xb5: {  	s28 =	simm.s32 @!p0 $0x1E0  }
0xb6: {  	[spmem:s3] =	stream.indirect.scatter.add.f32 @!p0 [tilespmem:s29], [sflag:$0xA], $0x80, s28, s26, $0xb8;
	[tilespmem:$0x1E3C0] =	vst v63  }
0xb7: {  	s28 =	simm.s32 @!p0 $0x230  }
0xb8: {  	[spmem:s3] =	stream.indirect.scatter.add.f32 @!p0 [tilespmem:s30], [sflag:$0xA], $0x80, s28, s26, $0xb8;
	[tilespmem:$0x1E3C0] =	vst v63  }
.LBB2_7:
0xb9: {  	_ =	sfence.sel $0x180000  }
0xba: {  	[bflag:$0x0] =	sbarrier.arrive $0xFFFF  }
0xbb: {  	p0 =	sne.s32 s2, $0x0;
	_ =	strace $0x90000047  }
0xbc: {  	s0 =	sadd.s32 @!p0 $0x100000, s0;
	[bflag:$0x2] =	sbarrier.arrive $0xFFFF  }
0xbd: {  	[sflag:s0] =	ssyncadd.tile.s32 @!p0 $0x1;
	_ =	shalt  }
.Lfunc_end2:
_tile_overlayer_lowered:
.L_overlay_start_2:
0xbe: {  	(tag) =	ssettag $0x2  }
0xbf: {  	s0 =	rddreg [dreg:$0x0];
	s2 =	stileid.u32  }
0xc0: {  	s1 =	rddreg [dreg:$0x1];
	p0 =	sne.s32 s2, $0x0  }
0xc1: {  	s3 =	rddreg [dreg:$0x2];
	[bflag:$0x3] =	sbarrier.arrive $0xFFFF;
	s2 =	simm.s32 @!p0 $0x1C0D  }
0xc2: {  	[timem:s3], [sflag:s2] =	dma.local @!p0 [hbm:s0], s1  }
0xc3: {  	s0 =	simm.s32 @!p0 $0xD  }
0xc4: {  	_ =	swait.ge @!p0 [sflag:s0], s1  }
0xc5: {  	s1 =	ssub.s32 @!p0 $0x0, s1;
	[sflag:s0] =	ssyncset.done @!p0 $0x0  }
0xc6: {  	[sflag:s0] =	ssyncadd.s32 @!p0 s1  }
0xc7: {  	[bflag:$0x3] =	sbarrier.arrive $0xFFFF  }
0xc8: {  	_ =	shalt  }

// kernel: kernel.9.cloned.1.call-start
scs
__scs_entry_jumppad:
0x0: {  	(pc) =	sbr.rel $0x88, $3  }
0x1: {  	(tag) =	ssettag $0x0;
	lr =	simm.s32 $0x1  }
0x2: {  	[smem:$0x3F83] =	sst lr;
	_ =	strace $0xD0000000  }
0x3: {  	_ = 	snop  }
0x4: {  	_ = 	snop  }
0x5: {  	_ = 	snop  }
0x6: {  	_ = 	snop  }
0x7: {  	_ = 	snop  }
__scs_overlays_trampoline_lowered:
0x8: {  	[smem:$0x3F92] =	sst s0  }
0x9: {  	[smem:$0x3F93] =	sst s1  }
0xa: {  	[smem:$0x3F94] =	sst s2  }
0xb: {  	[smem:$0x3F95] =	sst s3  }
0xc: {  	[smem:$0x3F96] =	sst s4  }
0xd: {  	[smem:$0x3F97] =	sst s5  }
0xe: {  	[smem:$0x3F98] =	sst s6  }
0xf: {  	[smem:$0x3F99] =	sst s7  }
0x10: {  	[smem:$0x3F9A] =	sst s8  }
0x11: {  	[smem:$0x3F9B] =	sst s9;
	s0 =	simm.s32 @!p0 $0x0  }
0x12: {  	s1 =	sld [smem:$0x3F81];
	s0 =	simm.s32 @p0 $0x1  }
0x13: {  	[smem:$0x3F9C] =	sst s0;
	s0 =	simm.s32 @!p1 $0x0  }
0x14: {  	s2 =	sld [smem:$0x3F80];
	s0 =	simm.s32 @p1 $0x1  }
0x15: {  	[smem:$0x3F9D] =	sst s0;
	s0 =	simm.s32 @!p2 $0x0  }
0x16: {  	s3 =	sld [smem:$0x3FDB];
	s0 =	simm.s32 @p2 $0x1  }
0x17: {  	s4 =	simm.s32 $0x1BF5;
	[smem:$0x3F9F] =	sst s0  }
0x18: {  	s0 =	sld [smem:$0x3F82];
	_ =	swait.ge [sflag:s4], $0x0  }
0x19: {  	s7 =	sld [smem:$0x3F83]  }
0x1a: {  	s8 =	sadd.s32 $0xFFFFE003, lr  }
0x1b: {  	s9 =	sadd.s32 $0xFFFFFEF7, lr;
	s5 =	simm.s32 $0xFFFFFFFF;
	p2 =	slt.u32 s8, $0xFFFFF086  }
0x1c: {  	p1 =	slt.u32 s9, $0xF7A;
	s5 =	simm.s32 @!p2 $0x0  }
0x1d: {  	s5 =	simm.s32 @p1 $0x1;
	p0 =	seq.s32 s7, s2  }
0x1e: {  	s7 =	smul.u32 @!p0 $0xF7A, s2;
	p2 =	seq.s32 @!p0 s5, $0x0  }
0x1f: {  	s9 =	smul.u32 $0xF7A, s1;
	s8 =	simm.s32 @!p0 $0x1BF5;
	p2 =	por !p2, p0  }
0x20: {  	[sflag:s8] =	ssyncset.s32 @!p0 $0xFFFFF086;
	s6 =	sadd.s32 @!p0 s3, s7;
	s7 =	simm.s32 @!p0 $0x108  }
0x21: {  	s3 =	sadd.s32 s3, s9;
	s6 =	sadd.s32 @!p0 $0x88, s6;
	s7 =	simm.s32 @p2 $0x1082  }
0x22: {  	[simem:s7], [sflag:s8] =	dma.local @!p0 [hbm:s6], $0xF7A  }
0x23: {  	s9 =	sor.u32 $0xD0000000, s2;
	s6 =	simm.s32 $0x108;
	_ =	swait.ge @!p0 [sflag:s8], $0x0  }
0x24: {  	s3 =	sadd.s32 $0x88, s3;
	s6 =	simm.s32 @!p1 $0x1082;
	[sflag:s4] =	ssyncset.s32 $0xFFFFF086  }
0x25: {  	[simem:s6], [sflag:s4] =	dma.local [hbm:s3], $0xF7A  }
0x26: {  	[smem:$0x3F83] =	sst s1;
	(tag) =	ssettag s2;
	_ =	strace s9  }
0x27: {  	s1 =	sld [smem:$0x3F93]  }
0x28: {  	s2 =	sld [smem:$0x3F94]  }
0x29: {  	s4 =	sld [smem:$0x3F96]  }
0x2a: {  	p0 =	seq.s32 s5, $0x0;
	s5 =	sld [smem:$0x3F97]  }
0x2b: {  	s6 =	sld [smem:$0x3F98]  }
0x2c: {  	s7 =	sld [smem:$0x3F99]  }
0x2d: {  	s3 =	simm.s32 $0x108;
	s8 =	sld [smem:$0x3F9A]  }
0x2e: {  	s3 =	simm.s32 @!p0 $0x1082;
	s9 =	sld [smem:$0x3F9B]  }
0x2f: {  	lr =	sadd.s32 s0, s3;
	s0 =	sld [smem:$0x3F92]  }
0x30: {  	s3 =	sld [smem:$0x3F95]  }
0x31: {  	[smem:$0x3F9E] =	sst s10  }
0x32: {  	s10 =	sld [smem:$0x3F9C];
	_ =	sdelay $0x3  }
0x33: {  	p0 =	seq.s32 s10, $0x1;
	s10 =	sld [smem:$0x3F9E];
	_ =	sdelay $0x3  }
0x34: {  	[smem:$0x3F9E] =	sst s10  }
0x35: {  	s10 =	sld [smem:$0x3F9D];
	_ =	sdelay $0x3  }
0x36: {  	p1 =	seq.s32 s10, $0x1;
	s10 =	sld [smem:$0x3F9E];
	_ =	sdelay $0x3  }
0x37: {  	[smem:$0x3F9E] =	sst s10  }
0x38: {  	s10 =	sld [smem:$0x3F9F]  }
0x39: {  	_ = 	snop;
	(pc) =	sbr.ind lr, $3  }
0x3a: {  	_ = 	snop  }
0x3b: {  	_ = 	snop  }
0x3c: {  	p2 =	seq.s32 s10, $0x1;
	s10 =	sld [smem:$0x3F9E]  }
0x3d: {  	_ =	shalt  }
0x3e: {  	_ =	shalt  }
0x3f: {  	_ =	shalt  }
0x40: {  	_ =	shalt  }
0x41: {  	_ =	shalt  }
0x42: {  	_ =	shalt  }
0x43: {  	_ =	shalt  }
0x44: {  	_ =	shalt  }
0x45: {  	_ =	shalt  }
0x46: {  	_ =	shalt  }
0x47: {  	_ =	shalt  }
0x48: {  	_ =	shalt  }
0x49: {  	_ =	shalt  }
0x4a: {  	_ =	shalt  }
0x4b: {  	_ =	shalt  }
0x4c: {  	_ =	shalt  }
0x4d: {  	_ =	shalt  }
0x4e: {  	_ =	shalt  }
0x4f: {  	_ =	shalt  }
0x50: {  	_ =	shalt  }
0x51: {  	_ =	shalt  }
0x52: {  	_ =	shalt  }
0x53: {  	_ =	shalt  }
0x54: {  	_ =	shalt  }
0x55: {  	_ =	shalt  }
0x56: {  	_ =	shalt  }
0x57: {  	_ =	shalt  }
0x58: {  	_ =	shalt  }
0x59: {  	_ =	shalt  }
0x5a: {  	_ =	shalt  }
0x5b: {  	_ =	shalt  }
0x5c: {  	_ =	shalt  }
0x5d: {  	_ =	shalt  }
0x5e: {  	_ =	shalt  }
0x5f: {  	_ =	shalt  }
0x60: {  	_ =	shalt  }
0x61: {  	_ =	shalt  }
0x62: {  	_ =	shalt  }
0x63: {  	_ =	shalt  }
0x64: {  	_ =	shalt  }
0x65: {  	_ =	shalt  }
0x66: {  	_ =	shalt  }
0x67: {  	_ =	shalt  }
0x68: {  	_ =	shalt  }
0x69: {  	_ =	shalt  }
0x6a: {  	_ =	shalt  }
0x6b: {  	_ =	shalt  }
0x6c: {  	_ =	shalt  }
0x6d: {  	_ =	shalt  }
0x6e: {  	_ =	shalt  }
0x6f: {  	_ =	shalt  }
0x70: {  	_ =	shalt  }
0x71: {  	_ =	shalt  }
0x72: {  	_ =	shalt  }
0x73: {  	_ =	shalt  }
0x74: {  	_ =	shalt  }
0x75: {  	_ =	shalt  }
0x76: {  	_ =	shalt  }
0x77: {  	_ =	shalt  }
0x78: {  	_ =	shalt  }
0x79: {  	_ =	shalt  }
0x7a: {  	_ =	shalt  }
0x7b: {  	_ =	shalt  }
0x7c: {  	_ =	shalt  }
0x7d: {  	_ =	shalt  }
0x7e: {  	_ =	shalt  }
0x7f: {  	_ =	shalt  }
0x80: {  	_ =	shalt  }
0x81: {  	_ =	shalt  }
0x82: {  	_ =	shalt  }
0x83: {  	_ =	shalt  }
0x84: {  	_ =	shalt  }
0x85: {  	_ =	shalt  }
0x86: {  	_ =	shalt  }
0x87: {  	_ =	shalt  }
.Lfunc_end0:
.L_simem_size_0:
called_computation.1_lowered:
.L_overlay_start_0:
0x88: {  	s2 =	sld [smem:$0x3FD9]  }
0x89: {  	s3 =	sld [smem:$0x3FFE];
	_ =	sdelay $0x1  }
0x8a: {  	s1 =	srdreg.scid  }
0x8b: {  	s0 =	sand.u32 $0x1, s1  }
0x8c: {  	s14 =	sshll.u32 s0, $0xA;
	s2 =	sadd.s32 s3, s2  }
0x8d: {  	s2 =	sadd.s32 s2, s14  }
0x8e: {  	[smem:$0x3FAA] =	sst s2  }
0x8f: {  	_ = 	snop  }
0x90: {  	s2 =	sld [smem:$0x3FD0];
	_ =	sdelay $0x2  }
0x91: {  	s15 =	simm.s32 $0xA;
	s4 =	simm.s32 $0x10  }
0x92: {  	[smem:s4], [sflag:s15] =	dma.local [hbm:s2], $0x1  }
0x93: {  	_ =	swait.eq [sflag:s15], $0x1  }
0x94: {  	[sflag:s15] =	ssyncset.done $0x0  }
0x95: {  	[sflag:s15] =	ssyncadd.s32 $0xFFFFFFFF  }
0x96: {  	s16 =	sld [smem:$0x10];
	(tm) =	ssettm $0x1  }
0x97: {  	s17 =	sld [smem:$0x3FFB];
	_ =	sdelay $0x3  }
0x98: {  	_ =	strace s17  }
0x99: {  	s3 =	sld [smem:$0x3FFC];
	_ =	sdelay $0x3  }
0x9a: {  	_ =	strace s3  }
0x9b: {  	s3 =	sld [smem:$0x3FFD];
	_ =	sdelay $0x3  }
0x9c: {  	_ =	strace s3  }
0x9d: {  	_ =	strace $0x8FFFFFFF  }
0x9e: {  	s18 =	sld [smem:$0x3FDB];
	_ =	sdelay $0x1  }
0x9f: {  	s19 =	simm.s32 $_scs_section_size  }
0xa0: {  	s5 =	simm.s32 $_size__tile_overlayer_lowered;
	s6 =	simm.s32 $_tile_overlayer_lowered  }
0xa1: {  	s22 =	simm.s32 $0x1BFF;
	s21 =	sshll.u32 s6, $0x1;
	s3 =	sadd.s32 s19, s18  }
0xa2: {  	s7 =	simm.s32 $0x0;
	s20 =	sshll.u32 s5, $0x1;
	s5 =	sadd.s32 s21, s3  }
0xa3: {  	[timem:s7], [sflag:s22] =	dma.local [hbm:s5], s20  }
0xa4: {  	_ =	swait.ge [sflag:s22], s20  }
0xa5: {  	s4 =	ssub.s32 $0x0, s20;
	[sflag:s22] =	ssyncset.done $0x0  }
0xa6: {  	[sflag:s22] =	ssyncadd.s32 s4;
	_ =	sdelay $0x1  }
0xa7: {  	s23 =	simm.s32 $0x1B8B  }
0xa8: {  	_ =	swait.ge [sflag:s23], $0x1  }
0xa9: {  	[sflag:s23] =	ssyncset.done $0x0  }
0xaa: {  	s25 =	simm.s32 $0x1B8E;
	s24 =	sld [smem:$0x3FFE];
	[sflag:s23] =	ssyncadd.s32 $0xFFFFFFFF  }
0xab: {  	s26 =	simm.s32 $execute0_lowered;
	[smem:$0x3FD2] =	sst s25  }
0xac: {  	s5 =	sshll.u32 s26, $0x1;
	_ =	strace $0x80000049;
	[dreg:$0x1] =	wrdreg $0xFFFFFFFF  }
0xad: {  	s28 =	simm.s32 $_size_execute0_lowered;
	s3 =	sadd.s32 s3, s5;
	[dreg:$0x0] =	wrdreg $0x0  }
0xae: {  	s5 =	sshll.u32 s28, $0x1;
	[dreg:$0x2] =	wrdreg s3  }
0xaf: {  	[dreg:$0x3] =	wrdreg s5  }
0xb0: {  	[dreg:$0x4] =	wrdreg $0xC0  }
0xb1: {  	_ =	task [dreg:s7], $0x5FFFF  }
0xb2: {  	[dreg:$0x1] =	wrdreg $0xFFFFFFFF  }
0xb3: {  	[dreg:$0x0] =	wrdreg $0x60  }
0xb4: {  	[dreg:$0x2] =	wrdreg s16  }
0xb5: {  	[dreg:$0x3] =	wrdreg s24  }
0xb6: {  	[dreg:$0x4] =	wrdreg $0xD1600  }
0xb7: {  	[dreg:$0x5] =	wrdreg $0x9  }
0xb8: {  	_ =	task.clear_ibuf [dreg:s7], $0x6FFFF;
	_ =	strace $0x90000049  }
0xb9: {  	s29 =	simm.s32 $0x9;
	_ =	strace $0x8000004B  }
0xba: {  	_ =	swait.ge [sflag:s29], $0x1  }
0xbb: {  	[sflag:s29] =	ssyncadd.s32 $0xFFFFFFFF  }
0xbc: {  	_ =	strace $0x9000004B  }
0xbd: {  	_ =	sfence  }
0xbe: {  	s30 =	sld [smem:$0x0];
	_ =	sdelay $0x2  }
0xbf: {  	s31 =	sshll.u32 s1, $0xD;
	s1 =	sshrl.u32 s1, $0x2  }
0xc0: {  	s3 =	sand.u32 $0x4000, s31;
	s1 =	sadd.s32 s1, s30  }
0xc1: {  	s0 =	sor.u32 s3, s0;
	s1 =	sshll.u32 s1, $0x11  }
0xc2: {  	s0 =	sor.u32 s1, s0  }
0xc3: {  	s0 =	sadd.s32 $0x8F2B, s0  }
0xc4: {  	[sflag:s0] =	ssyncadd.remote.s32 $0x1  }
0xc5: {  	_ =	sfence.sel $0xFFFF  }
0xc6: {  	[dreg:$0x0] =	wrdreg $0xFFFFFFFF;
	(pc) =	sbr.abs _section_cstart, $3  }
0xc7: {  	[dreg:$0x1] =	wrdreg $0xFFFFFFFF  }
0xc8: {  	_ =	task.clear_ibuf [dreg:s7], $0x2FFFF;
	_ =	strace $0x9FFFFFFF  }
0xc9: {  	(tm) =	ssettm $0x7FFFFFFF  }
tec
execute0_lowered:
.L_overlay_start_1:
0x0: {  	(tag) =	ssettag $0x1  }
0x1: {  	s2 =	rddreg [dreg:$0x0]  }
0x2: {  	s0 =	rddreg [dreg:$0x1]  }
0x3: {  	s3 =	rddreg [dreg:$0x2];
	s11 =	stileid.u32;
	s4 =	simm.s32 $0x0  }
0x4: {  	s5 =	srdreg.scid;
	s28 =	simm.s32 $0xD;
	s29 =	simm.s32 $0x4560  }
0x5: {  	s31 =	simm.s32 $0x5960;
	s14 =	simm.s32 $0x8160;
	s1 =	smul.u32 $0xA000, s11  }
0x6: {  	s15 =	simm.s32 $0x280;
	s16 =	simm.s32 $0xA960;
	s6 =	smul.u32 $0x1400, s11  }
0x7: {  	s30 =	simm.s32 $0x0;
	[smem:$0x7FF] =	sst s4;
	s22 =	smul.u32 $0x4E20, s11  }
0x8: {  	s5 =	sand.u32 $0x1, s5;
	s9 =	sadd.s32 $0x4A00, s0;
	s24 =	smul.u32 $0x9C4, s11  }
0x9: {  	s19 =	sshll.u32 s11, $0x6;
	_ =	strace $0x8000004A;
	s8 =	smul.u32 $0x14000, s5  }
0xa: {  	s10 =	sshll.u32 s5, $0x4;
	s17 =	ssub.s32 $0x2, s5;
	s21 =	smul.u32 $0x4E200, s5  }
0xb: {  	s13 =	sor.u32 $0x1C0D, s19;
	s5 =	smul.u32 $0x9C40, s5;
	s19 =	simm.s32 $0x5  }
0xc: {  	s7 =	sshrl.u32 s1, $0x3;
	s10 =	sor.u32 s11, s10;
	s18 =	sshrl.u32 s17, $0x1  }
0xd: {  	s1 =	sadd.s32 s1, s3;
	s11 =	simm.s32 $0x4;
	[dreg:$0x5] =	wrdreg s13  }
0xe: {  	s7 =	sadd.s32 s7, s0;
	s6 =	sadd.s32 s6, s8;
	s10 =	smul.u32 $0x4E20, s10  }
0xf: {  	s5 =	sadd.s32 s5, s9;
	s0 =	sadd.s32 s6, s0;
	s6 =	ssub.s32 s17, s18  }
0x10: {  	s7 =	sadd.s32 $0x2BC00, s7;
	s5 =	sadd.s32 s24, s5;
	s17 =	sshrl.u32 s1, $0x3  }
0x11: {  	s18 =	simm.s32 $0x190;
	s24 =	simm.s32 $0x1D60;
	s1 =	simm.s32 $0x2D0  }
0x12: {  	[dreg:$0x4] =	wrdreg s7;
	s20 =	sshrl.u32 s10, $0x3;
	s7 =	sadd.s32 s22, s21  }
0x13: {  	s0 =	sadd.s32 $0x3FC00, s0;
	s6 =	smax.u32 s6, $0x1;
	s26 =	sadd.s32 $0x64, s5  }
0x14: {  	s21 =	simm.s32 $0x3;
	s22 =	simm.s32 $0x50;
	[dreg:$0xe] =	wrdreg s17  }
0x15: {  	s10 =	simm.s32 $0x2;
	s5 =	simm.s32 $0xBD60;
	[dreg:$0xa] =	wrdreg s0  }
0x16: {  	s8 =	sadd.s32 s9, s20;
	s25 =	sadd.s32 $0x9C720, s7;
	[dreg:$0xb] =	wrdreg s6  }
0x17: {  	[dreg:$0xd] =	wrdreg s26;
	s20 =	simm.s32 $0x1;
	s26 =	simm.s32 $0x3160  }
0x18: {  	s7 =	simm.s32 $0x230;
	s12 =	sadd.s32 $0x13880, s8;
	[dreg:$0x6] =	wrdreg s8  }
.Ltmp0:
0x19: {  	s23 =	sadd.s32 $0x32, s8;
	[dreg:$0x7] =	wrdreg s12;
	(pc) =	sbr.rel .LBB2_1-.Ltmp0, $4  }
0x1a: {  	s6 =	simm.s32 $0x9560;
	s8 =	sadd.s32 $0x138B2, s8;
	[dreg:$0x8] =	wrdreg s23  }
0x1b: {  	s0 =	sshrl.u32 s25, $0x3;
	s25 =	simm.s32 $0x6;
	[dreg:$0x9] =	wrdreg s8  }
0x1c: {  	s0 =	sadd.s32 s0, s9;
	s23 =	simm.s32 $0x960;
	s12 =	simm.s32 $0x6D60  }
0x1d: {  	s8 =	simm.s32 $0x8;
	[dreg:$0xc] =	wrdreg s0;
	s0 =	simm.s32 $0x7  }
.LBB2_10:
0x1e: {  	s9 =	simm.s32 $0x9  }
0x1f: {  	_ =	swait.ge [sflag:s9], $0x1400  }
0x20: {  	[sflag:s9] =	ssyncset.done $0x0  }
0x21: {  	[sflag:s9] =	ssyncadd.s32 $0xFFFFEC00  }
0x22: {  	_ =	swait.ge [sflag:s9], $0x1400  }
0x23: {  	[sflag:s9] =	ssyncset.done $0x0  }
0x24: {  	[sflag:s9] =	ssyncadd.s32 $0xFFFFEC00  }
0x25: {  	_ =	swait.ge [sflag:s9], $0x1400  }
0x26: {  	[sflag:s9] =	ssyncset.done $0x0  }
0x27: {  	[sflag:s9] =	ssyncadd.s32 $0xFFFFEC00  }
0x28: {  	_ =	swait.ge [sflag:s9], $0x1400  }
0x29: {  	[sflag:s9] =	ssyncset.done $0x0  }
0x2a: {  	[sflag:s9] =	ssyncadd.s32 $0xFFFFEC00  }
0x2b: {  	_ =	swait.ge [sflag:s9], $0x1400  }
0x2c: {  	[sflag:s9] =	ssyncset.done $0x0  }
0x2d: {  	s17 =	simm.s32 $0xA;
	[sflag:s9] =	ssyncadd.s32 $0xFFFFEC00  }
0x2e: {  	_ =	swait.ge [sflag:s17], $0x1400  }
0x2f: {  	[sflag:s17] =	ssyncset.done $0x0  }
0x30: {  	[sflag:s17] =	ssyncadd.s32 $0xFFFFEC00  }
0x31: {  	_ =	swait.ge [sflag:s17], $0x1400  }
0x32: {  	[sflag:s17] =	ssyncset.done $0x0  }
0x33: {  	[sflag:s17] =	ssyncadd.s32 $0xFFFFEC00  }
0x34: {  	_ =	swait.ge [sflag:s17], $0x1400  }
0x35: {  	[sflag:s17] =	ssyncset.done $0x0  }
0x36: {  	[sflag:s17] =	ssyncadd.s32 $0xFFFFEC00  }
0x37: {  	_ =	swait.ge [sflag:s17], $0x1400  }
0x38: {  	[sflag:s17] =	ssyncset.done $0x0  }
0x39: {  	[sflag:s17] =	ssyncadd.s32 $0xFFFFEC00  }
0x3a: {  	_ =	swait.ge [sflag:s17], $0x1400  }
0x3b: {  	[sflag:s17] =	ssyncset.done $0x0  }
0x3c: {  	[sflag:s17] =	ssyncadd.s32 $0xFFFFEC00  }
0x3d: {  	[bflag:$0x0] =	sbarrier.arrive $0xFFFF  }
0x3e: {  	s13 =	rddreg [dreg:$0x5]  }
0x3f: {  	s9 =	rddreg [dreg:$0xa]  }
0x40: {  	s28 =	simm.s32 $0xD;
	s17 =	rddreg [dreg:$0xe]  }
0x41: {  	[hbm:s9], [sflag:s13] =	dma.local [spmem:s17], $0x1400  }
0x42: {  	_ =	swait.ge [sflag:s28], $0x1400  }
0x43: {  	s30 =	rddreg [dreg:$0xf]  }
0x44: {  	s9 =	rddreg [dreg:$0xb];
	s30 =	sadd.s32 $0x1, s30  }
0x45: {  	p0 =	sne.s32 s30, s9  }
.Ltmp1:
0x46: {  	_ = 	snop;
	(pc) =	sbr.rel @!p0 .LBB2_11-.Ltmp1, $3  }
0x47: {  	_ =	sdelay $0x1  }
0x48: {  	[sflag:s28] =	ssyncset.done $0x0  }
0x49: {  	[sflag:s28] =	ssyncadd.s32 $0xFFFFEC00  }
.LBB2_1:
0x4a: {  	[dreg:$0xf] =	wrdreg s30  }
0x4b: {  	s9 =	rddreg [dreg:$0x4]  }
0x4c: {  	[spmem:s17], [sflag:s13] =	dma.local [hbm:s9], $0x1400  }
0x4d: {  	_ =	swait.ge [sflag:s28], $0x1400  }
0x4e: {  	[sflag:s28] =	ssyncset.done $0x0  }
0x4f: {  	[sflag:s28] =	ssyncadd.s32 $0xFFFFEC00  }
0x50: {  	[bflag:$0x0] =	sbarrier.arrive $0xFFFF  }
0x51: {  	s17 =	rddreg [dreg:$0x6]  }
0x52: {  	s13 =	rddreg [dreg:$0x7]  }
0x53: {  	[tilespmem:s4], [sflag:$0x1] =	stream.linear.gather [hbm4b:s17+s4], $0x190, $0x38;
	[tilespmem:$0x17160] =	vst v63  }
0x54: {  	s28 =	rddreg [dreg:$0xd];
	s17 =	simm.s32 $0x320  }
0x55: {  	[tilespmem:s17], [sflag:$0x3] =	stream.linear.gather [hbm4b:s13+s4], $0x190, $0x38;
	[tilespmem:$0x17160] =	vst v63  }
.Ltmp2:
0x56: {  	s30 =	rddreg [dreg:$0xc];
	(pc) =	sbr.rel .LBB2_2-.Ltmp2, $4  }
0x57: {  	s17 =	rddreg [dreg:$0x8]  }
0x58: {  	[tilespmem:s18], [sflag:$0x2] =	stream.linear.gather [hbm4b:s17+s4], $0x190, $0x38;
	[tilespmem:$0x17160] =	vst v63  }
0x59: {  	s9 =	simm.s32 $0x0;
	s13 =	rddreg [dreg:$0x9];
	s17 =	simm.s32 $0x4B0  }
0x5a: {  	[tilespmem:s17], [sflag:$0x4] =	stream.linear.gather [hbm4b:s13+s4], $0x190, $0x38;
	[tilespmem:$0x17160] =	vst v63  }
.LBB2_8:
0x5b: {  	s13 =	simm.s32 @!p0 $0xA  }
0x5c: {  	_ =	swait.ge @!p0 [sflag:s13], $0x1400  }
0x5d: {  	[sflag:s13] =	ssyncset.done @!p0 $0x0  }
0x5e: {  	[sflag:s13] =	ssyncadd.s32 @!p0 $0xFFFFEC00  }
0x5f: {  	_ =	swait.ge @!p0 [sflag:s13], $0x1400  }
0x60: {  	[sflag:s13] =	ssyncset.done @!p0 $0x0  }
0x61: {  	[sflag:s13] =	ssyncadd.s32 @!p0 $0xFFFFEC00  }
0x62: {  	_ =	swait.ge @!p0 [sflag:s13], $0x1400  }
0x63: {  	[sflag:s13] =	ssyncset.done @!p0 $0x0  }
0x64: {  	[sflag:s13] =	ssyncadd.s32 @!p0 $0xFFFFEC00  }
0x65: {  	_ =	swait.ge @!p0 [sflag:s13], $0x1400  }
0x66: {  	[sflag:s13] =	ssyncset.done @!p0 $0x0  }
0x67: {  	[sflag:s13] =	ssyncadd.s32 @!p0 $0xFFFFEC00  }
0x68: {  	_ =	swait.ge @!p0 [sflag:s13], $0x1400  }
0x69: {  	[sflag:s13] =	ssyncset.done @!p0 $0x0  }
0x6a: {  	[sflag:s13] =	ssyncadd.s32 @!p0 $0xFFFFEC00  }
0x6b: {  	_ =	swait.ge [sflag:s10], $0x190  }
0x6c: {  	[sflag:s10] =	ssyncset.done $0x0  }
0x6d: {  	[sflag:s10] =	ssyncadd.s32 $0xFFFFFE70  }
0x6e: {  	_ =	swait.ge [sflag:s25], $0x190  }
0x6f: {  	[sflag:s25] =	ssyncset.done $0x0  }
0x70: {  	[sflag:s25] =	ssyncadd.s32 $0xFFFFFE70  }
0x71: {  	[tilespmem:s12], [sflag:$0x8] =	stream.indirect.gather [hbm4b:s2+s22], $0x40, s18, s22, $0xb8;
	[tilespmem:$0x17160] =	vst v63  }
0x72: {  	s17 =	simm.s32 $0x1E0  }
0x73: {  	[tilespmem:s14], [sflag:$0x8] =	stream.indirect.gather [hbm4b:s2+s22], $0x40, s17, s22, $0xb8;
	[tilespmem:$0x17160] =	vst v63  }
0x74: {  	_ = 	snop  }
0x75: {  	[tilespmem:s6], [sflag:$0x8] =	stream.indirect.gather [hbm4b:s2+s22], $0x40, s7, s22, $0xb8;
	[tilespmem:$0x17160] =	vst v63  }
0x76: {  	_ = 	snop  }
0x77: {  	[tilespmem:s16], [sflag:$0x8] =	stream.indirect.gather [hbm4b:s2+s22], $0x40, s15, s22, $0xb8;
	[tilespmem:$0x17160] =	vst v63  }
0x78: {  	_ = 	snop  }
0x79: {  	[tilespmem:s5], [sflag:$0x8] =	stream.indirect.gather [hbm4b:s2+s22], $0x40, s1, s22, $0xb8;
	[tilespmem:$0x17160] =	vst v63  }
0x7a: {  	_ =	swait.ge [sflag:s8], $0x1400  }
0x7b: {  	[sflag:s8] =	ssyncset.done $0x0  }
0x7c: {  	[sflag:s8] =	ssyncadd.s32 $0xFFFFEC00  }
0x7d: {  	_ =	swait.ge [sflag:s8], $0x1400  }
0x7e: {  	[sflag:s8] =	ssyncset.done $0x0  }
0x7f: {  	[sflag:s8] =	ssyncadd.s32 $0xFFFFEC00  }
0x80: {  	_ =	swait.ge [sflag:s8], $0x1400  }
0x81: {  	[sflag:s8] =	ssyncset.done $0x0  }
0x82: {  	[sflag:s8] =	ssyncadd.s32 $0xFFFFEC00  }
0x83: {  	_ =	swait.ge [sflag:s8], $0x1400  }
0x84: {  	[sflag:s8] =	ssyncset.done $0x0  }
0x85: {  	[sflag:s8] =	ssyncadd.s32 $0xFFFFEC00  }
0x86: {  	_ =	swait.ge [sflag:s8], $0x1400  }
0x87: {  	p0 =	sgt.u32 s9, $0x2F;
	[sflag:s8] =	ssyncset.done $0x0  }
0x88: {  	s13 =	simm.s32 @!p0 $0x0;
	s17 =	simm.s32 @!p0 $0x190;
	[sflag:s8] =	ssyncadd.s32 $0xFFFFEC00  }
0x89: {  	[tilespmem:s17], [sflag:$0x2] =	stream.linear.gather @!p0 [hbm4b:s28+s13], $0x190, $0x38;
	[tilespmem:$0x17160] =	vst v63  }
0x8a: {  	s17 =	simm.s32 @!p0 $0x4B0  }
0x8b: {  	[tilespmem:s17], [sflag:$0x4] =	stream.linear.gather @!p0 [hbm4b:s30+s13], $0x190, $0x38;
	[tilespmem:$0x17160] =	vst v63  }
0x8c: {  	s17 =	simm.s32 $0x7D0  }
0x8d: {  	[spmem:s3] =	stream.indirect.scatter.add.f32 [tilespmem:s12], [sflag:$0xC], $0x40, s17, s22, $0xb8;
	[tilespmem:$0x17160] =	vst v63  }
0x8e: {  	s17 =	simm.s32 $0x820  }
0x8f: {  	[spmem:s3] =	stream.indirect.scatter.add.f32 [tilespmem:s14], [sflag:$0xC], $0x40, s17, s22, $0xb8;
	[tilespmem:$0x17160] =	vst v63  }
0x90: {  	s17 =	simm.s32 $0x870  }
0x91: {  	[spmem:s3] =	stream.indirect.scatter.add.f32 [tilespmem:s6], [sflag:$0xC], $0x40, s17, s22, $0xb8;
	[tilespmem:$0x17160] =	vst v63  }
0x92: {  	s17 =	simm.s32 $0x8C0  }
0x93: {  	[spmem:s3] =	stream.indirect.scatter.add.f32 [tilespmem:s16], [sflag:$0xC], $0x40, s17, s22, $0xb8;
	[tilespmem:$0x17160] =	vst v63  }
0x94: {  	s17 =	simm.s32 $0x910  }
0x95: {  	[spmem:s3] =	stream.indirect.scatter.add.f32 [tilespmem:s5], [sflag:$0xC], $0x40, s17, s22, $0xb8;
	[tilespmem:$0x17160] =	vst v63  }
.LBB2_9:
0x96: {  	s9 =	sadd.s32 $0x1, s9  }
0x97: {  	p0 =	sne.s32 s9, $0x32  }
.Ltmp3:
0x98: {  	_ = 	snop;
	(pc) =	sbr.rel @!p0 .LBB2_10-.Ltmp3, $2  }
0x99: {  	_ =	sdelay $0x2  }
0x9a: {  	s30 =	sadd.s32 $0x32, s30;
	s28 =	sadd.s32 $0x32, s28  }
.LBB2_2:
0x9b: {  	s17 =	sand.u32 $0x3, s9  }
0x9c: {  	p0 =	sgt.s32 s17, $0x1  }
.Ltmp4:
0x9d: {  	_ = 	snop;
	(pc) =	sbr.rel @p0 .LBB2_7-.Ltmp4, $1  }
0x9e: {  	_ =	sdelay $0x3  }
0x9f: {  	p0 =	seq.s32 s17, $0x0  }
.Ltmp5:
0xa0: {  	_ = 	snop;
	(pc) =	sbr.rel @!p0 .LBB2_5-.Ltmp5, $1  }
0xa1: {  	_ =	sdelay $0x3  }
0xa2: {  	p0 =	slt.u32 s9, $0x2  }
0xa3: {  	s17 =	simm.s32 @!p0 $0xB  }
0xa4: {  	_ =	swait.ge @!p0 [sflag:s17], $0x1400  }
0xa5: {  	[sflag:s17] =	ssyncset.done @!p0 $0x0  }
0xa6: {  	[sflag:s17] =	ssyncadd.s32 @!p0 $0xFFFFEC00  }
0xa7: {  	_ =	swait.ge @!p0 [sflag:s17], $0x1400  }
0xa8: {  	[sflag:s17] =	ssyncset.done @!p0 $0x0  }
0xa9: {  	[sflag:s17] =	ssyncadd.s32 @!p0 $0xFFFFEC00  }
0xaa: {  	_ =	swait.ge @!p0 [sflag:s17], $0x1400  }
0xab: {  	[sflag:s17] =	ssyncset.done @!p0 $0x0  }
0xac: {  	[sflag:s17] =	ssyncadd.s32 @!p0 $0xFFFFEC00  }
0xad: {  	_ =	swait.ge @!p0 [sflag:s17], $0x1400  }
0xae: {  	[sflag:s17] =	ssyncset.done @!p0 $0x0  }
0xaf: {  	[sflag:s17] =	ssyncadd.s32 @!p0 $0xFFFFEC00  }
0xb0: {  	_ =	swait.ge @!p0 [sflag:s17], $0x1400  }
0xb1: {  	[sflag:s17] =	ssyncset.done @!p0 $0x0  }
0xb2: {  	[sflag:s17] =	ssyncadd.s32 @!p0 $0xFFFFEC00  }
0xb3: {  	_ =	swait.ge [sflag:s20], $0x190  }
0xb4: {  	[sflag:s20] =	ssyncset.done $0x0  }
0xb5: {  	[sflag:s20] =	ssyncadd.s32 $0xFFFFFE70  }
0xb6: {  	_ =	swait.ge [sflag:s21], $0x190  }
0xb7: {  	[sflag:s21] =	ssyncset.done $0x0  }
0xb8: {  	[sflag:s21] =	ssyncadd.s32 $0xFFFFFE70  }
0xb9: {  	[tilespmem:s23], [sflag:$0x7] =	stream.indirect.gather [hbm4b:s2+s22], $0x40, s4, s22, $0xb8;
	[tilespmem:$0x17160] =	vst v63  }
0xba: {  	_ = 	snop  }
0xbb: {  	[tilespmem:s24], [sflag:$0x7] =	stream.indirect.gather [hbm4b:s2+s22], $0x40, s22, s22, $0xb8;
	[tilespmem:$0x17160] =	vst v63  }
0xbc: {  	s13 =	simm.s32 $0xA0  }
0xbd: {  	[tilespmem:s26], [sflag:$0x7] =	stream.indirect.gather [hbm4b:s2+s22], $0x40, s13, s22, $0xb8;
	[tilespmem:$0x17160] =	vst v63  }
0xbe: {  	s17 =	simm.s32 $0xF0  }
0xbf: {  	[tilespmem:s29], [sflag:$0x7] =	stream.indirect.gather [hbm4b:s2+s22], $0x40, s17, s22, $0xb8;
	[tilespmem:$0x17160] =	vst v63  }
0xc0: {  	s17 =	simm.s32 $0x140  }
0xc1: {  	[tilespmem:s31], [sflag:$0x7] =	stream.indirect.gather [hbm4b:s2+s22], $0x40, s17, s22, $0xb8;
	[tilespmem:$0x17160] =	vst v63  }
0xc2: {  	_ =	swait.ge [sflag:s0], $0x1400  }
0xc3: {  	[sflag:s0] =	ssyncset.done $0x0  }
0xc4: {  	[sflag:s0] =	ssyncadd.s32 $0xFFFFEC00  }
0xc5: {  	_ =	swait.ge [sflag:s0], $0x1400  }
0xc6: {  	[sflag:s0] =	ssyncset.done $0x0  }
0xc7: {  	[sflag:s0] =	ssyncadd.s32 $0xFFFFEC00  }
0xc8: {  	_ =	swait.ge [sflag:s0], $0x1400  }
0xc9: {  	[sflag:s0] =	ssyncset.done $0x0  }
0xca: {  	[sflag:s0] =	ssyncadd.s32 $0xFFFFEC00  }
0xcb: {  	_ =	swait.ge [sflag:s0], $0x1400  }
0xcc: {  	[sflag:s0] =	ssyncset.done $0x0  }
0xcd: {  	[sflag:s0] =	ssyncadd.s32 $0xFFFFEC00  }
0xce: {  	_ =	swait.ge [sflag:s0], $0x1400  }
0xcf: {  	p0 =	sgt.u32 s9, $0x2F;
	[sflag:s0] =	ssyncset.done $0x0  }
0xd0: {  	s17 =	simm.s32 @!p0 $0x0;
	[sflag:s0] =	ssyncadd.s32 $0xFFFFEC00  }
0xd1: {  	[tilespmem:s17], [sflag:$0x1] =	stream.linear.gather @!p0 [hbm4b:s28+s17], $0x190, $0x38;
	[tilespmem:$0x17160] =	vst v63  }
0xd2: {  	s13 =	simm.s32 @!p0 $0x640  }
0xd3: {  	[tilespmem:s13], [sflag:$0x5] =	stream.linear.gather @!p0 [hbm4b:s30+s17], $0x190, $0x38;
	[tilespmem:$0x17160] =	vst v63  }
0xd4: {  	s17 =	simm.s32 $0x320  }
0xd5: {  	[spmem:s3] =	stream.indirect.scatter.add.f32 [tilespmem:s23], [sflag:$0x9], $0x40, s17, s22, $0xb8;
	[tilespmem:$0x17160] =	vst v63  }
0xd6: {  	s17 =	simm.s32 $0x370  }
0xd7: {  	[spmem:s3] =	stream.indirect.scatter.add.f32 [tilespmem:s24], [sflag:$0x9], $0x40, s17, s22, $0xb8;
	[tilespmem:$0x17160] =	vst v63  }
0xd8: {  	s17 =	simm.s32 $0x3C0  }
0xd9: {  	[spmem:s3] =	stream.indirect.scatter.add.f32 [tilespmem:s26], [sflag:$0x9], $0x40, s17, s22, $0xb8;
	[tilespmem:$0x17160] =	vst v63  }
.Ltmp6:
0xda: {  	_ = 	snop;
	(pc) =	sbr.rel .LBB2_9-.Ltmp6, $4  }
0xdb: {  	s17 =	simm.s32 $0x410  }
0xdc: {  	[spmem:s3] =	stream.indirect.scatter.add.f32 [tilespmem:s29], [sflag:$0x9], $0x40, s17, s22, $0xb8;
	[tilespmem:$0x17160] =	vst v63  }
0xdd: {  	s17 =	simm.s32 $0x460  }
0xde: {  	[spmem:s3] =	stream.indirect.scatter.add.f32 [tilespmem:s31], [sflag:$0x9], $0x40, s17, s22, $0xb8;
	[tilespmem:$0x17160] =	vst v63  }
.LBB2_7:
0xdf: {  	p1 =	seq.s32 s17, $0x2  }
.Ltmp7:
0xe0: {  	_ = 	snop;
	(pc) =	sbr.rel @!p1 .LBB2_8-.Ltmp7, $2  }
0xe1: {  	_ =	sdelay $0x2  }
0xe2: {  	p0 =	slt.u32 s9, $0x2  }
0xe3: {  	s13 =	simm.s32 @!p0 $0x9  }
0xe4: {  	_ =	swait.ge @!p0 [sflag:s13], $0x1400  }
0xe5: {  	[sflag:s13] =	ssyncset.done @!p0 $0x0  }
0xe6: {  	[sflag:s13] =	ssyncadd.s32 @!p0 $0xFFFFEC00  }
0xe7: {  	_ =	swait.ge @!p0 [sflag:s13], $0x1400  }
0xe8: {  	[sflag:s13] =	ssyncset.done @!p0 $0x0  }
0xe9: {  	[sflag:s13] =	ssyncadd.s32 @!p0 $0xFFFFEC00  }
0xea: {  	_ =	swait.ge @!p0 [sflag:s13], $0x1400  }
0xeb: {  	[sflag:s13] =	ssyncset.done @!p0 $0x0  }
0xec: {  	[sflag:s13] =	ssyncadd.s32 @!p0 $0xFFFFEC00  }
0xed: {  	_ =	swait.ge @!p0 [sflag:s13], $0x1400  }
0xee: {  	[sflag:s13] =	ssyncset.done @!p0 $0x0  }
0xef: {  	[sflag:s13] =	ssyncadd.s32 @!p0 $0xFFFFEC00  }
0xf0: {  	_ =	swait.ge @!p0 [sflag:s13], $0x1400  }
0xf1: {  	[sflag:s13] =	ssyncset.done @!p0 $0x0  }
0xf2: {  	[sflag:s13] =	ssyncadd.s32 @!p0 $0xFFFFEC00  }
0xf3: {  	_ =	swait.ge [sflag:s20], $0x190  }
0xf4: {  	[sflag:s20] =	ssyncset.done $0x0  }
0xf5: {  	[sflag:s20] =	ssyncadd.s32 $0xFFFFFE70  }
0xf6: {  	_ =	swait.ge [sflag:s19], $0x190  }
0xf7: {  	[sflag:s19] =	ssyncset.done $0x0  }
0xf8: {  	[sflag:s19] =	ssyncadd.s32 $0xFFFFFE70  }
0xf9: {  	[tilespmem:s23], [sflag:$0x7] =	stream.indirect.gather [hbm4b:s2+s22], $0x40, s4, s22, $0xb8;
	[tilespmem:$0x17160] =	vst v63  }
0xfa: {  	_ = 	snop  }
0xfb: {  	[tilespmem:s24], [sflag:$0x7] =	stream.indirect.gather [hbm4b:s2+s22], $0x40, s22, s22, $0xb8;
	[tilespmem:$0x17160] =	vst v63  }
0xfc: {  	s17 =	simm.s32 $0xA0  }
0xfd: {  	[tilespmem:s26], [sflag:$0x7] =	stream.indirect.gather [hbm4b:s2+s22], $0x40, s17, s22, $0xb8;
	[tilespmem:$0x17160] =	vst v63  }
0xfe: {  	s17 =	simm.s32 $0xF0  }
0xff: {  	[tilespmem:s29], [sflag:$0x7] =	stream.indirect.gather [hbm4b:s2+s22], $0x40, s17, s22, $0xb8;
	[tilespmem:$0x17160] =	vst v63  }
0x100: {  	s17 =	simm.s32 $0x140  }
0x101: {  	[tilespmem:s31], [sflag:$0x7] =	stream.indirect.gather [hbm4b:s2+s22], $0x40, s17, s22, $0xb8;
	[tilespmem:$0x17160] =	vst v63  }
0x102: {  	_ =	swait.ge [sflag:s0], $0x1400  }
0x103: {  	[sflag:s0] =	ssyncset.done $0x0  }
0x104: {  	[sflag:s0] =	ssyncadd.s32 $0xFFFFEC00  }
0x105: {  	_ =	swait.ge [sflag:s0], $0x1400  }
0x106: {  	[sflag:s0] =	ssyncset.done $0x0  }
0x107: {  	[sflag:s0] =	ssyncadd.s32 $0xFFFFEC00  }
0x108: {  	_ =	swait.ge [sflag:s0], $0x1400  }
0x109: {  	[sflag:s0] =	ssyncset.done $0x0  }
0x10a: {  	[sflag:s0] =	ssyncadd.s32 $0xFFFFEC00  }
0x10b: {  	_ =	swait.ge [sflag:s0], $0x1400  }
0x10c: {  	[sflag:s0] =	ssyncset.done $0x0  }
0x10d: {  	[sflag:s0] =	ssyncadd.s32 $0xFFFFEC00  }
0x10e: {  	_ =	swait.ge [sflag:s0], $0x1400  }
0x10f: {  	p0 =	sgt.u32 s9, $0x2F;
	[sflag:s0] =	ssyncset.done $0x0  }
0x110: {  	s13 =	simm.s32 @!p0 $0x0;
	[sflag:s0] =	ssyncadd.s32 $0xFFFFEC00  }
0x111: {  	[tilespmem:s13], [sflag:$0x1] =	stream.linear.gather @!p0 [hbm4b:s28+s13], $0x190, $0x38;
	[tilespmem:$0x17160] =	vst v63  }
0x112: {  	s17 =	simm.s32 @!p0 $0x320  }
0x113: {  	[tilespmem:s17], [sflag:$0x3] =	stream.linear.gather @!p0 [hbm4b:s30+s13], $0x190, $0x38;
	[tilespmem:$0x17160] =	vst v63  }
0x114: {  	s17 =	simm.s32 $0x640  }
0x115: {  	[spmem:s3] =	stream.indirect.scatter.add.f32 [tilespmem:s23], [sflag:$0xB], $0x40, s17, s22, $0xb8;
	[tilespmem:$0x17160] =	vst v63  }
0x116: {  	s17 =	simm.s32 $0x690  }
0x117: {  	[spmem:s3] =	stream.indirect.scatter.add.f32 [tilespmem:s24], [sflag:$0xB], $0x40, s17, s22, $0xb8;
	[tilespmem:$0x17160] =	vst v63  }
0x118: {  	s17 =	simm.s32 $0x6E0  }
0x119: {  	[spmem:s3] =	stream.indirect.scatter.add.f32 [tilespmem:s26], [sflag:$0xB], $0x40, s17, s22, $0xb8;
	[tilespmem:$0x17160] =	vst v63  }
.Ltmp8:
0x11a: {  	_ = 	snop;
	(pc) =	sbr.rel .LBB2_9-.Ltmp8, $4  }
0x11b: {  	s17 =	simm.s32 $0x730  }
0x11c: {  	[spmem:s3] =	stream.indirect.scatter.add.f32 [tilespmem:s29], [sflag:$0xB], $0x40, s17, s22, $0xb8;
	[tilespmem:$0x17160] =	vst v63  }
0x11d: {  	s17 =	simm.s32 $0x780  }
0x11e: {  	[spmem:s3] =	stream.indirect.scatter.add.f32 [tilespmem:s31], [sflag:$0xB], $0x40, s17, s22, $0xb8;
	[tilespmem:$0x17160] =	vst v63  }
.LBB2_5:
0x11f: {  	p0 =	slt.u32 s9, $0x2  }
0x120: {  	s13 =	simm.s32 @!p0 $0xC  }
0x121: {  	_ =	swait.ge @!p0 [sflag:s13], $0x1400  }
0x122: {  	[sflag:s13] =	ssyncset.done @!p0 $0x0  }
0x123: {  	[sflag:s13] =	ssyncadd.s32 @!p0 $0xFFFFEC00  }
0x124: {  	_ =	swait.ge @!p0 [sflag:s13], $0x1400  }
0x125: {  	[sflag:s13] =	ssyncset.done @!p0 $0x0  }
0x126: {  	[sflag:s13] =	ssyncadd.s32 @!p0 $0xFFFFEC00  }
0x127: {  	_ =	swait.ge @!p0 [sflag:s13], $0x1400  }
0x128: {  	[sflag:s13] =	ssyncset.done @!p0 $0x0  }
0x129: {  	[sflag:s13] =	ssyncadd.s32 @!p0 $0xFFFFEC00  }
0x12a: {  	_ =	swait.ge @!p0 [sflag:s13], $0x1400  }
0x12b: {  	[sflag:s13] =	ssyncset.done @!p0 $0x0  }
0x12c: {  	[sflag:s13] =	ssyncadd.s32 @!p0 $0xFFFFEC00  }
0x12d: {  	_ =	swait.ge @!p0 [sflag:s13], $0x1400  }
0x12e: {  	[sflag:s13] =	ssyncset.done @!p0 $0x0  }
0x12f: {  	[sflag:s13] =	ssyncadd.s32 @!p0 $0xFFFFEC00  }
0x130: {  	_ =	swait.ge [sflag:s10], $0x190  }
0x131: {  	[sflag:s10] =	ssyncset.done $0x0  }
0x132: {  	[sflag:s10] =	ssyncadd.s32 $0xFFFFFE70  }
0x133: {  	_ =	swait.ge [sflag:s11], $0x190  }
0x134: {  	[sflag:s11] =	ssyncset.done $0x0  }
0x135: {  	[sflag:s11] =	ssyncadd.s32 $0xFFFFFE70  }
0x136: {  	[tilespmem:s12], [sflag:$0x8] =	stream.indirect.gather [hbm4b:s2+s22], $0x40, s18, s22, $0xb8;
	[tilespmem:$0x17160] =	vst v63  }
0x137: {  	s17 =	simm.s32 $0x1E0  }
0x138: {  	[tilespmem:s14], [sflag:$0x8] =	stream.indirect.gather [hbm4b:s2+s22], $0x40, s17, s22, $0xb8;
	[tilespmem:$0x17160] =	vst v63  }
0x139: {  	_ = 	snop  }
0x13a: {  	[tilespmem:s6], [sflag:$0x8] =	stream.indirect.gather [hbm4b:s2+s22], $0x40, s7, s22, $0xb8;
	[tilespmem:$0x17160] =	vst v63  }
0x13b: {  	_ = 	snop  }
0x13c: {  	[tilespmem:s16], [sflag:$0x8] =	stream.indirect.gather [hbm4b:s2+s22], $0x40, s15, s22, $0xb8;
	[tilespmem:$0x17160] =	vst v63  }
0x13d: {  	_ = 	snop  }
0x13e: {  	[tilespmem:s5], [sflag:$0x8] =	stream.indirect.gather [hbm4b:s2+s22], $0x40, s1, s22, $0xb8;
	[tilespmem:$0x17160] =	vst v63  }
0x13f: {  	_ =	swait.ge [sflag:s8], $0x1400  }
0x140: {  	[sflag:s8] =	ssyncset.done $0x0  }
0x141: {  	[sflag:s8] =	ssyncadd.s32 $0xFFFFEC00  }
0x142: {  	_ =	swait.ge [sflag:s8], $0x1400  }
0x143: {  	[sflag:s8] =	ssyncset.done $0x0  }
0x144: {  	[sflag:s8] =	ssyncadd.s32 $0xFFFFEC00  }
0x145: {  	_ =	swait.ge [sflag:s8], $0x1400  }
0x146: {  	[sflag:s8] =	ssyncset.done $0x0  }
0x147: {  	[sflag:s8] =	ssyncadd.s32 $0xFFFFEC00  }
0x148: {  	_ =	swait.ge [sflag:s8], $0x1400  }
0x149: {  	[sflag:s8] =	ssyncset.done $0x0  }
0x14a: {  	[sflag:s8] =	ssyncadd.s32 $0xFFFFEC00  }
0x14b: {  	_ =	swait.ge [sflag:s8], $0x1400  }
0x14c: {  	p0 =	sgt.u32 s9, $0x2F;
	[sflag:s8] =	ssyncset.done $0x0  }
0x14d: {  	s13 =	simm.s32 @!p0 $0x0;
	s17 =	simm.s32 @!p0 $0x190;
	[sflag:s8] =	ssyncadd.s32 $0xFFFFEC00  }
0x14e: {  	[tilespmem:s17], [sflag:$0x2] =	stream.linear.gather @!p0 [hbm4b:s28+s13], $0x190, $0x38;
	[tilespmem:$0x17160] =	vst v63  }
0x14f: {  	s17 =	simm.s32 @!p0 $0x7D0  }
0x150: {  	[tilespmem:s17], [sflag:$0x6] =	stream.linear.gather @!p0 [hbm4b:s30+s13], $0x190, $0x38;
	[tilespmem:$0x17160] =	vst v63  }
0x151: {  	s17 =	simm.s32 $0x4B0  }
0x152: {  	[spmem:s3] =	stream.indirect.scatter.add.f32 [tilespmem:s12], [sflag:$0xA], $0x40, s17, s22, $0xb8;
	[tilespmem:$0x17160] =	vst v63  }
0x153: {  	s17 =	simm.s32 $0x500  }
0x154: {  	[spmem:s3] =	stream.indirect.scatter.add.f32 [tilespmem:s14], [sflag:$0xA], $0x40, s17, s22, $0xb8;
	[tilespmem:$0x17160] =	vst v63  }
0x155: {  	s17 =	simm.s32 $0x550  }
0x156: {  	[spmem:s3] =	stream.indirect.scatter.add.f32 [tilespmem:s6], [sflag:$0xA], $0x40, s17, s22, $0xb8;
	[tilespmem:$0x17160] =	vst v63  }
.Ltmp9:
0x157: {  	_ = 	snop;
	(pc) =	sbr.rel .LBB2_9-.Ltmp9, $4  }
0x158: {  	s17 =	simm.s32 $0x5A0  }
0x159: {  	[spmem:s3] =	stream.indirect.scatter.add.f32 [tilespmem:s16], [sflag:$0xA], $0x40, s17, s22, $0xb8;
	[tilespmem:$0x17160] =	vst v63  }
0x15a: {  	s17 =	simm.s32 $0x5F0  }
0x15b: {  	[spmem:s3] =	stream.indirect.scatter.add.f32 [tilespmem:s5], [sflag:$0xA], $0x40, s17, s22, $0xb8;
	[tilespmem:$0x17160] =	vst v63  }
.LBB2_11:
0x15c: {  	_ =	sfence.sel $0x180000  }
0x15d: {  	[bflag:$0x0] =	sbarrier.arrive $0xFFFF  }
0x15e: {  	_ =	strace $0x9000004A  }
0x15f: {  	s0 =	stileid.u32;
	[bflag:$0x2] =	sbarrier.arrive $0xFFFF  }
0x160: {  	p0 =	sne.s32 s0, $0x0;
	s0 =	rddreg [dreg:$0x3]  }
0x161: {  	s0 =	sadd.s32 @!p0 $0x100000, s0  }
0x162: {  	[sflag:s0] =	ssyncadd.tile.s32 @!p0 $0x1;
	_ =	shalt  }
.Lfunc_end2:
_tile_overlayer_lowered:
.L_overlay_start_2:
0x163: {  	(tag) =	ssettag $0x2  }
0x164: {  	s0 =	rddreg [dreg:$0x0];
	s2 =	stileid.u32  }
0x165: {  	s1 =	rddreg [dreg:$0x1];
	p0 =	sne.s32 s2, $0x0  }
0x166: {  	s3 =	rddreg [dreg:$0x2];
	[bflag:$0x3] =	sbarrier.arrive $0xFFFF;
	s2 =	simm.s32 @!p0 $0x1C0D  }
0x167: {  	[timem:s3], [sflag:s2] =	dma.local @!p0 [hbm:s0], s1  }
0x168: {  	s0 =	simm.s32 @!p0 $0xD  }
0x169: {  	_ =	swait.ge @!p0 [sflag:s0], s1  }
0x16a: {  	s1 =	ssub.s32 @!p0 $0x0, s1;
	[sflag:s0] =	ssyncset.done @!p0 $0x0  }
0x16b: {  	[sflag:s0] =	ssyncadd.s32 @!p0 s1  }
0x16c: {  	[bflag:$0x3] =	sbarrier.arrive $0xFFFF  }
0x16d: {  	_ =	shalt  }

</sc_bundles>
